<compile_context>
chip_gen: v7x
topology: tpu7x:2x2x1
jax: 0.10.2.dev20260603
libtpu: 0.0.44.dev20260713+nightly
codegen_flags: <defaults>
</compile_context>

<pallas_src>
import functools

import jax
import jax.numpy as jnp
from jax import lax
from jax.experimental import pallas as pl
from jax.experimental.pallas import tpu as pltpu
from jax.experimental.pallas import tpu_sc as plsc

N = 10000
E = 160000
D_IN = 256
HID = 32
NUM_CLASSES = 4

NPAD = 10240
NW, NC, L = 32, 2, 16
BLK = 256
GRID = NPAD // BLK


def _seg_kernel(F, TW, NS, NPB, P, K, G, with_cnt, probe=False):
    assert E % K == 0 and K % L == 0 and G == L and F % L == 0
    assert NW * NPB * P == NPAD
    NCH = E // K
    assert NCH % 2 == 0
    KP = K + L
    NF = F // L
    TWS = TW // NS
    NFS = TWS // L
    mesh = plsc.VectorSubcoreMesh(core_axis_name="c", subcore_axis_name="s",
                                  num_cores=NC, num_subcores=NW // NC)
    out_type = [jax.ShapeDtypeStruct((NPAD, F), jnp.float32) for _ in range(4)]
    if with_cnt:
        out_type.append(jax.ShapeDtypeStruct((NPAD, L), jnp.float32))
    scratch = [
        pltpu.VMEM((2, K), jnp.int32),
        pltpu.VMEM((2, K), jnp.int32),
        pltpu.VMEM((2, K), jnp.float32),
        pltpu.VMEM((2, K), jnp.float32),
        pltpu.VMEM((KP,), jnp.int32),
        pltpu.VMEM((KP,), jnp.int32),
        pltpu.VMEM((KP,), jnp.float32),
        pltpu.VMEM((KP,), jnp.float32),
    ]
    scratch += [pltpu.VMEM((4 * G, TWS), jnp.float32)
                for _ in range(NS)]
    scratch += [
        pltpu.VMEM((8, TW), jnp.float32),
        pltpu.VMEM((NPB + 1, F), jnp.float32),
        pltpu.VMEM((NPB + 1, F), jnp.float32),
        pltpu.VMEM((NPB + 1, F), jnp.float32),
        pltpu.VMEM((NPB + 1, F), jnp.float32),
    ]
    if with_cnt:
        scratch.append(pltpu.VMEM((NPB + 1, L), jnp.float32))
    scratch += [pltpu.SemaphoreType.DMA] * 6

    def body(dst_h, src_h, a_h, b_h, *args):
        T_hs = args[:NS]
        C_h = args[NS]
        refs = args[NS + 1:]
        if with_cnt:
            sum_h, ssq_h, mn_h, mx_h, cnt_h = refs[:5]
            refs = refs[5:]
            (dst_v, src_v, a_v, b_v, selL, selS, selA, selB, *rows_l, C_v,
             acc_s, acc_q, acc_n, acc_x, acc_c,
             se0, se1, sg0, sg1, sg2, sg3) = refs
        else:
            sum_h, ssq_h, mn_h, mx_h = refs[:4]
            cnt_h = None
            refs = refs[4:]
            (dst_v, src_v, a_v, b_v, selL, selS, selA, selB, *rows_l, C_v,
             acc_s, acc_q, acc_n, acc_x,
             se0, se1, sg0, sg1, sg2, sg3) = refs
            acc_c = None
        sems_e = (se0, se1)
        sems_g = (sg0, sg1, sg2, sg3)
        edge_hv = ((dst_h, dst_v), (src_h, src_v), (a_h, a_v), (b_h, b_v))
        wid = lax.axis_index("s") * NC + lax.axis_index("c")
        pltpu.sync_copy(C_h, C_v)
        zero = jnp.zeros((L,), jnp.float32)
        lane = lax.broadcasted_iota(jnp.int32, (L,), 0)
        one0 = jnp.where(lane == 0, 1.0, 0.0).astype(jnp.float32)

        def _initsel(i, _):
            selS[pl.ds(i * L, L)] = jnp.zeros((L,), jnp.int32)
            return 0
        lax.fori_loop(0, KP // L, _initsel, 0)

        def _issue_edges(c, buf):
            for hb, vb in edge_hv:
                pltpu.async_copy(hb.at[pl.ds(c * K, K)], vb.at[buf],
                                 sems_e[buf])

        def _wait_edges(c, buf):
            for hb, vb in edge_hv:
                pltpu.make_async_copy(hb.at[pl.ds(c * K, K)], vb.at[buf],
                                      sems_e[buf]).wait()

        class _GatherSet:
            def __init__(self, copies):
                self.copies = copies

            def start(self):
                for cp in self.copies:
                    cp.start()

            def wait(self):
                for cp in self.copies:
                    cp.wait()

        def _gather(base, buf):
            return _GatherSet([
                pltpu.make_async_copy(
                    T_hs[t].at[selS.at[pl.ds(base, G)]],
                    rows_l[t].at[pl.ds(buf * G, G)], sems_g[buf])
                for t in range(NS)])

        def run_pass(p, _):
            lo = (p * NW + wid) * NPB
            _issue_edges(0, 0)

            def _initacc(i, _):
                for f in range(NF):
                    s = pl.ds(f * L, L)
                    acc_s[i, s] = zero
                    acc_q[i, s] = zero
                    acc_n[i, s] = jnp.full((L,), jnp.inf, jnp.float32)
                    acc_x[i, s] = jnp.full((L,), -jnp.inf, jnp.float32)
                if with_cnt:
                    acc_c[i, pl.ds(0, L)] = zero
                return 0
            lax.fori_loop(0, NPB, _initacc, 0)

            def chunk_fn(c, _):
                par = c & 1

                @pl.when(par == 0)
                def _():
                    _wait_edges(c, 0)

                @pl.when(par == 1)
                def _():
                    _wait_edges(c, 1)

                @pl.when(c + 1 < NCH)
                def _():
                    @pl.when(par == 0)
                    def _():
                        _issue_edges(c + 1, 1)

                    @pl.when(par == 1)
                    def _():
                        _issue_edges(c + 1, 0)

                def scan(j, count):
                    s = pl.ds(j * L, L)
                    locv = dst_v[par, s] - lo
                    msk = (locv >= 0) & (locv < NPB)
                    w = pl.ds(count, L)
                    plsc.store_compressed(selL.at[w], locv, mask=msk)
                    plsc.store_compressed(selS.at[w], src_v[par, s], mask=msk)
                    plsc.store_compressed(selA.at[w], a_v[par, s], mask=msk)
                    plsc.store_compressed(selB.at[w], b_v[par, s], mask=msk)
                    return count + plsc.all_reduce_population_count(msk)[0]
                count = lax.fori_loop(0, K // L, scan, jnp.int32(0))
                w = pl.ds(count, L)
                selL[w] = jnp.full((L,), NPB, jnp.int32)
                selS[w] = jnp.zeros((L,), jnp.int32)
                selA[w] = zero
                selB[w] = zero
                nb = (count + G - 1) // G

                for q in range(3):
                    @pl.when(q < nb)
                    def _(q=q):
                        _gather(q * G, q).start()

                def batch(gb, _):
                    p2 = gb & 3
                    base = gb * G
                    for q in range(4):
                        @pl.when(p2 == q)
                        def _(q=q):
                            _gather(base, q).wait()

                    @pl.when(gb + 3 < nb)
                    def _():
                        pn = (gb + 3) & 3
                        for q in range(4):
                            @pl.when(pn == q)
                            def _(q=q):
                                _gather(base + 3 * G, q).start()

                    rbase = p2 * G
                    locv = selL[pl.ds(base, L)]
                    av = selA[pl.ds(base, L)]
                    bv = selB[pl.ds(base, L)]

                    @functools.partial(plsc.parallel_loop, 0, NF)
                    def _(f):
                        s = pl.ds(f * L, L)
                        for j in (() if probe else range(L)):
                            loc = locv[j]
                            g = (rows_l[0][rbase + j, s] + av[j] * C_v[0, s]
                                 + bv[j] * C_v[1, s])
                            plsc.addupdate(acc_s.at[loc, s], g)
                            plsc.addupdate(acc_q.at[loc, s], g * g)
                            acc_n[loc, s] = jnp.minimum(acc_n[loc, s], g)
                            acc_x[loc, s] = jnp.maximum(acc_x[loc, s], g)
                    if with_cnt and not probe:
                        for j in range(L):
                            plsc.addupdate(acc_c.at[locv[j], pl.ds(0, L)],
                                           one0)
                    return 0
                lax.fori_loop(0, nb, batch, 0)
                return 0
            lax.fori_loop(0, NCH, chunk_fn, 0)
            r = pl.ds(lo, NPB)
            pltpu.sync_copy(acc_s.at[pl.ds(0, NPB)], sum_h.at[r])
            pltpu.sync_copy(acc_q.at[pl.ds(0, NPB)], ssq_h.at[r])
            pltpu.sync_copy(acc_n.at[pl.ds(0, NPB)], mn_h.at[r])
            pltpu.sync_copy(acc_x.at[pl.ds(0, NPB)], mx_h.at[r])
            if with_cnt:
                pltpu.sync_copy(acc_c.at[pl.ds(0, NPB)], cnt_h.at[r])
            return 0
        lax.fori_loop(0, P, run_pass, 0)

    return pl.kernel(body, out_type=out_type, mesh=mesh, scratch_types=scratch,
                     compiler_params=pltpu.CompilerParams(
                         needs_layout_passes=False,
                         use_tc_tiling_on_sc=False))


_seg1 = _seg_kernel(F=D_IN, TW=D_IN, NS=1, NPB=80, P=4, K=2000, G=16, with_cnt=True)
_seg2 = _seg_kernel(F=HID, TW=128, NS=1, NPB=320, P=1, K=2000, G=16, with_cnt=False)



def _mm_body(x_ref, w_ref, b_ref, o_ref):
    o_ref[...] = (jnp.dot(x_ref[...], w_ref[...],
                          preferred_element_type=jnp.float32) + b_ref[...])


def _project(x, W, b):
    Fin, Fout = W.shape
    return pl.pallas_call(
        _mm_body,
        grid=(GRID,),
        in_specs=[
            pl.BlockSpec((BLK, Fin), lambda i: (i, 0)),
            pl.BlockSpec((Fin, Fout), lambda i: (0, 0)),
            pl.BlockSpec((1, Fout), lambda i: (0, 0)),
        ],
        out_specs=pl.BlockSpec((BLK, Fout), lambda i: (i, 0)),
        out_shape=jax.ShapeDtypeStruct((NPAD, Fout), jnp.float32),
    )(x, W, b.reshape(1, Fout))


def _avg_log_body(cnt_ref, o_ref):
    i = pl.program_id(0)
    c = cnt_ref[:, 0:1]
    rid = jax.lax.broadcasted_iota(jnp.int32, (BLK, 1), 0) + i * BLK
    val = jnp.where(rid < N, jnp.log(c + 1.0), 0.0)
    s = jnp.sum(val)

    @pl.when(i == 0)
    def _():
        o_ref[0, 0] = 0.0
    o_ref[0, 0] += s


def _avg_log(cnt):
    out = pl.pallas_call(
        _avg_log_body,
        grid=(GRID,),
        in_specs=[pl.BlockSpec((BLK, L), lambda i: (i, 0))],
        out_specs=pl.BlockSpec(memory_space=pltpu.SMEM),
        out_shape=jax.ShapeDtypeStruct((1, 1), jnp.float32),
    )(cnt)
    return out / N


def _combine_body(F, sum_ref, ssq_ref, mn_ref, mx_ref, cnt_ref, a_ref, x_ref,
                  avl_ref, qx_ref, qa_ref, qb_ref, qc_ref, qbias_ref,
                  lw_ref, lb_ref, o_ref):
    cnt = cnt_ref[:, 0:1]
    cntc = jnp.maximum(cnt, 1.0)
    A = a_ref[...]
    sg = sum_ref[...]
    sum_h = sg + cnt * A
    mean = sum_h / cntc
    msq = (ssq_ref[...] + 2.0 * A * sg + cnt * A * A) / cntc
    std = jnp.sqrt(jax.nn.relu(msq - mean * mean) + 1e-5)
    mask = cnt > 0.0
    mn = jnp.where(mask, mn_ref[...] + A, 0.0)
    mx = jnp.where(mask, mx_ref[...] + A, 0.0)
    agg = jnp.concatenate([mean, mn, mx, std], axis=1)
    avl = avl_ref[0, 0]
    lg = jnp.log(cntc + 1.0)
    amp = lg / avl
    att = avl / lg
    out = (jnp.dot(x_ref[...], qx_ref[...], preferred_element_type=jnp.float32)
           + jnp.dot(agg, qa_ref[...], preferred_element_type=jnp.float32)
           + jnp.dot(agg * amp, qb_ref[...], preferred_element_type=jnp.float32)
           + jnp.dot(agg * att, qc_ref[...], preferred_element_type=jnp.float32)
           + qbias_ref[...])
    o_ref[...] = (jnp.dot(out, lw_ref[...], preferred_element_type=jnp.float32)
                  + lb_ref[...])


def _combine(F, Fout, SUM, SSQ, MN, MX, CNT, A, Xin, avl, Qx, Qa, Qb, Qc, qb,
             lW, lb):
    Fx = Xin.shape[1]
    Fmid = Qx.shape[1]
    return pl.pallas_call(
        functools.partial(_combine_body, F),
        grid=(GRID,),
        in_specs=[
            pl.BlockSpec((BLK, F), lambda i: (i, 0)),
            pl.BlockSpec((BLK, F), lambda i: (i, 0)),
            pl.BlockSpec((BLK, F), lambda i: (i, 0)),
            pl.BlockSpec((BLK, F), lambda i: (i, 0)),
            pl.BlockSpec((BLK, L), lambda i: (i, 0)),
            pl.BlockSpec((BLK, F), lambda i: (i, 0)),
            pl.BlockSpec((BLK, Fx), lambda i: (i, 0)),
            pl.BlockSpec(memory_space=pltpu.SMEM),
            pl.BlockSpec((Fx, Fmid), lambda i: (0, 0)),
            pl.BlockSpec((4 * F, Fmid), lambda i: (0, 0)),
            pl.BlockSpec((4 * F, Fmid), lambda i: (0, 0)),
            pl.BlockSpec((4 * F, Fmid), lambda i: (0, 0)),
            pl.BlockSpec((1, Fmid), lambda i: (0, 0)),
            pl.BlockSpec((Fmid, Fout), lambda i: (0, 0)),
            pl.BlockSpec((1, Fout), lambda i: (0, 0)),
        ],
        out_specs=pl.BlockSpec((BLK, Fout), lambda i: (i, 0)),
        out_shape=jax.ShapeDtypeStruct((NPAD, Fout), jnp.float32),
    )(SUM, SSQ, MN, MX, CNT, A, Xin, avl, Qx, Qa, Qb, Qc,
      qb.reshape(1, Fmid), lW, lb.reshape(1, Fout))


def _bn_stats_body(h_ref, o_ref):
    i = pl.program_id(0)
    h = h_ref[...]
    rid = jax.lax.broadcasted_iota(jnp.int32, (BLK, 1), 0) + i * BLK
    hm = jnp.where(rid < N, h, 0.0)
    s = jnp.sum(hm, axis=0, keepdims=True)
    q = jnp.sum(hm * hm, axis=0, keepdims=True)

    @pl.when(i == 0)
    def _():
        o_ref[...] = jnp.zeros_like(o_ref)
    o_ref[0:1, :] += s
    o_ref[1:2, :] += q


def _bn_stats(h):
    return pl.pallas_call(
        _bn_stats_body,
        grid=(GRID,),
        in_specs=[pl.BlockSpec((BLK, HID), lambda i: (i, 0))],
        out_specs=pl.BlockSpec((2, HID), lambda i: (0, 0)),
        out_shape=jax.ShapeDtypeStruct((2, HID), jnp.float32),
    )(h)


def _bn_act_body(h_ref, st_ref, g_ref, b_ref, w_ref, c_ref, act_ref, ab_ref):
    h = h_ref[...]
    m = st_ref[0:1, :] / N
    v = st_ref[1:2, :] / N - m * m
    hn = g_ref[...] * (h - m) / jnp.sqrt(v + 1e-5) + b_ref[...]
    act = jnp.where(hn > 0.0, hn, jnp.exp(hn) - 1.0)
    act_ref[...] = act
    ab_ref[...] = (jnp.dot(act, w_ref[...], preferred_element_type=jnp.float32)
                   + c_ref[...])


def _bn_act(h, stats, bn_g, bn_b, W2, c2):
    return pl.pallas_call(
        _bn_act_body,
        grid=(GRID,),
        in_specs=[
            pl.BlockSpec((BLK, HID), lambda i: (i, 0)),
            pl.BlockSpec((2, HID), lambda i: (0, 0)),
            pl.BlockSpec((1, HID), lambda i: (0, 0)),
            pl.BlockSpec((1, HID), lambda i: (0, 0)),
            pl.BlockSpec((HID, HID + 128), lambda i: (0, 0)),
            pl.BlockSpec((1, HID + 128), lambda i: (0, 0)),
        ],
        out_specs=[
            pl.BlockSpec((BLK, HID), lambda i: (i, 0)),
            pl.BlockSpec((BLK, HID + 128), lambda i: (i, 0)),
        ],
        out_shape=[
            jax.ShapeDtypeStruct((NPAD, HID), jnp.float32),
            jax.ShapeDtypeStruct((NPAD, HID + 128), jnp.float32),
        ],
    )(h, stats, bn_g.reshape(1, HID), bn_b.reshape(1, HID), W2,
      c2.reshape(1, HID + 128))


def _logsm_body(z_ref, o_ref):
    z = z_ref[...]
    zmax = jnp.max(z, axis=1, keepdims=True)
    ez = jnp.exp(z - zmax)
    lse = jnp.log(jnp.sum(ez, axis=1, keepdims=True))
    o_ref[...] = z - zmax - lse


def _logsm(z):
    return pl.pallas_call(
        _logsm_body,
        grid=(GRID,),
        in_specs=[pl.BlockSpec((BLK, NUM_CLASSES), lambda i: (i, 0))],
        out_specs=pl.BlockSpec((BLK, NUM_CLASSES), lambda i: (i, 0)),
        out_shape=jax.ShapeDtypeStruct((NPAD, NUM_CLASSES), jnp.float32),
    )(z)


def kernel(x, edge_index, edge_attr, eW1, eb1, pW1, pb1, qW1, qb1, lW1, lb1,
           bn_g, bn_b, eW2, eb2, pW2, pb2, qW2, qb2, lW2, lb2):
    f32 = jnp.float32
    src = edge_index[0].astype(jnp.int32)
    dst = edge_index[1].astype(jnp.int32)
    ea = edge_attr[:, 0].astype(f32)
    eb = edge_attr[:, 1].astype(f32)

    Wd1, Ws1, We1 = pW1[:D_IN], pW1[D_IN:2 * D_IN], pW1[2 * D_IN:]
    C1 = jnp.concatenate([eW1 @ We1, jnp.zeros((6, D_IN), f32)])
    c01 = eb1 @ We1 + pb1
    W1 = jnp.concatenate([Wd1, Ws1], axis=1)
    bias1 = jnp.concatenate([c01, jnp.zeros((D_IN,), f32)])
    Wd2, Ws2, We2 = pW2[:HID], pW2[HID:2 * HID], pW2[2 * HID:]
    C2 = jnp.concatenate([eW2 @ We2, jnp.zeros((6, HID), f32)],
                         axis=0)
    C2 = jnp.concatenate([C2, jnp.zeros((8, 128 - HID), f32)], axis=1)
    c02 = eb2 @ We2 + pb2
    Ws2p = jnp.concatenate([Ws2, jnp.zeros((HID, 128 - HID), f32)], axis=1)
    W2 = jnp.concatenate([Wd2, Ws2p], axis=1)
    bias2 = jnp.concatenate([c02, jnp.zeros((128,), f32)])
    Qx1, Qa1 = qW1[:D_IN], qW1[D_IN:5 * D_IN]
    Qb1, Qc1 = qW1[5 * D_IN:9 * D_IN], qW1[9 * D_IN:]
    Qx2, Qa2 = qW2[:HID], qW2[HID:5 * HID]
    Qb2, Qc2 = qW2[5 * HID:9 * HID], qW2[9 * HID:]

    x_pad = jnp.zeros((NPAD, D_IN), f32).at[:N].set(x)

    AB1 = _project(x_pad, W1, bias1)
    A1, B1 = AB1[:, :D_IN], AB1[:, D_IN:]
    S1, Q1s, MN1, MX1, CNT = _seg1(dst, src, ea, eb, B1, C1)
    avl = _avg_log(CNT)
    h = _combine(D_IN, HID, S1, Q1s, MN1, MX1, CNT, A1, x_pad, avl,
                 Qx1, Qa1, Qb1, Qc1, qb1, lW1, lb1)
    stats = _bn_stats(h)
    act, AB2 = _bn_act(h, stats, bn_g, bn_b, W2, bias2)
    A2, B2 = AB2[:, :HID], AB2[:, HID:]
    S2, Q2s, MN2, MX2 = _seg2(dst, src, ea, eb, B2, C2)
    z = _combine(HID, NUM_CLASSES, S2, Q2s, MN2, MX2, CNT, A2, act, avl,
                 Qx2, Qa2, Qb2, Qc2, qb2, lW2, lb2)
    out = _logsm(z)
    return out[:N]

# --- scband reference (transcript-rebuilt; emitter-appended) ---
"""Pipeline reference for scband-net-29738353557647 (READ-ONLY COPY).

The authoritative reference and input builder live on the scoring server;
editing this copy changes nothing except your own understanding.
"""

import jax, jax.numpy as jnp
import numpy as np

N = 10000
E = 160000
D_IN = 256
HID = 32
NUM_CLASSES = 4
EDGE_DIM = 2


def _lin_init(key, fan_in, fan_out):
    k1, k2 = jax.random.split(key)
    bound = 1.0 / np.sqrt(fan_in)
    W = jax.random.uniform(k1, (fan_in, fan_out), minval=-bound, maxval=bound, dtype=jnp.float32)
    b = jax.random.uniform(k2, (fan_out,), minval=-bound, maxval=bound, dtype=jnp.float32)
    return W, b


def setup_inputs(seed: int = 0) -> dict:
    key = jax.random.key(seed)
    ks = jax.random.split(key, 12)
    x = jax.random.normal(ks[0], (N, D_IN), dtype=jnp.float32)
    edge_index = jax.random.randint(ks[1], (2, E), 0, N, dtype=jnp.int32)
    edge_attr = jax.random.normal(ks[2], (E, EDGE_DIM), dtype=jnp.float32)
    eW1, eb1 = _lin_init(ks[3], EDGE_DIM, D_IN)
    pW1, pb1 = _lin_init(ks[4], 3 * D_IN, D_IN)
    qW1, qb1 = _lin_init(ks[5], 13 * D_IN, HID)
    lW1, lb1 = _lin_init(ks[6], HID, HID)
    bn_g = jnp.ones((HID,), dtype=jnp.float32)
    bn_b = jnp.zeros((HID,), dtype=jnp.float32)
    eW2, eb2 = _lin_init(ks[7], EDGE_DIM, HID)
    pW2, pb2 = _lin_init(ks[8], 3 * HID, HID)
    qW2, qb2 = _lin_init(ks[9], 13 * HID, NUM_CLASSES)
    lW2, lb2 = _lin_init(ks[10], NUM_CLASSES, NUM_CLASSES)
    return {"x": x, "edge_index": edge_index, "edge_attr": edge_attr,
            "eW1": eW1, "eb1": eb1, "pW1": pW1, "pb1": pb1, "qW1": qW1, "qb1": qb1, "lW1": lW1, "lb1": lb1,
            "bn_g": bn_g, "bn_b": bn_b,
            "eW2": eW2, "eb2": eb2, "pW2": pW2, "pb2": pb2, "qW2": qW2, "qb2": qb2, "lW2": lW2, "lb2": lb2}


def _pna(x, src, dst, edge_attr, eW, eb, pW, pb, qW, qb, lW, lb, avg_log):
    # edge encoder (Linear(edge_dim, F_in))
    e = edge_attr @ eW + eb
    # message: pre_nn(cat[x_i, x_j, e]); x_i = dst node, x_j = src node (source_to_target flow)
    h = jnp.concatenate([x[dst], x[src], e], axis=-1) @ pW + pb
    n = x.shape[0]
    ones = jnp.ones((src.shape[0],), dtype=x.dtype)
    cnt = jax.ops.segment_sum(ones, dst, num_segments=n)
    cnt_c = jnp.clip(cnt, 1.0, None)
    s = jax.ops.segment_sum(h, dst, num_segments=n)
    mean = s / cnt_c[:, None]
    msq = jax.ops.segment_sum(h * h, dst, num_segments=n) / cnt_c[:, None]
    std = jnp.sqrt(jax.nn.relu(msq - mean * mean) + 1e-5)
    mn = jax.ops.segment_min(h, dst, num_segments=n)
    mx = jax.ops.segment_max(h, dst, num_segments=n)
    mask = (cnt > 0)[:, None]
    mn = jnp.where(mask, mn, 0.0)
    mx = jnp.where(mask, mx, 0.0)
    agg = jnp.concatenate([mean, mn, mx, std], axis=-1)  # [N, 4*F]
    deg = jnp.clip(cnt, 1.0, None)
    amp = (jnp.log(deg + 1.0) / avg_log)[:, None]
    att = (avg_log / jnp.log(deg + 1.0))[:, None]
    out = jnp.concatenate([agg, agg * amp, agg * att], axis=-1)  # [N, 12*F]
    out = jnp.concatenate([x, out], axis=-1)  # [N, 13*F]
    out = out @ qW + qb  # post_nn
    return out @ lW + lb  # final lin


def _forward(x, edge_index, edge_attr,
             eW1, eb1, pW1, pb1, qW1, qb1, lW1, lb1,
             bn_g, bn_b,
             eW2, eb2, pW2, pb2, qW2, qb2, lW2, lb2):
    src = edge_index[0]
    dst = edge_index[1]
    d = jax.ops.segment_sum(jnp.ones((dst.shape[0],), dtype=jnp.float32), dst, num_segments=x.shape[0])
    avg_log = jnp.mean(jnp.log(d + 1.0))  # avg_deg['log'] from degree histogram
    h = _pna(x, src, dst, edge_attr, eW1, eb1, pW1, pb1, qW1, qb1, lW1, lb1, avg_log)
    # BatchNorm (training-mode batch stats)
    m = jnp.mean(h, axis=0)
    v = jnp.mean((h - m) ** 2, axis=0)
    h = bn_g * (h - m) / jnp.sqrt(v + 1e-5) + bn_b
    h = jax.nn.elu(h)
    h = _pna(h, src, dst, edge_attr, eW2, eb2, pW2, pb2, qW2, qb2, lW2, lb2, avg_log)
    return jax.nn.log_softmax(h, axis=1)


def reference(x, edge_index, edge_attr,
              eW1, eb1, pW1, pb1, qW1, qb1, lW1, lb1,
              bn_g, bn_b,
              eW2, eb2, pW2, pb2, qW2, qb2, lW2, lb2):
    return _forward(x, edge_index, edge_attr,
                    eW1, eb1, pW1, pb1, qW1, qb1, lW1, lb1,
                    bn_g, bn_b,
                    eW2, eb2, pW2, pb2, qW2, qb2, lW2, lb2)

if __name__ == "__main__":
    import jax
    _d = setup_inputs()
    print(jax.jit(kernel)(*tuple(_d.values())))

</pallas_src>

<mosaic_0001>
#map = affine_map<(d0, d1) -> (0)>
#map1 = affine_map<(d0, d1) -> (0, 0)>
module attributes {stable_mosaic.version = 14 : i64} {
  func.func @body(%arg0: i32, %arg1: i32, %arg2: memref<160000xi32, #tpu.memory_space<hbm>>, %arg3: memref<160000xi32, #tpu.memory_space<hbm>>, %arg4: memref<160000xf32, #tpu.memory_space<hbm>>, %arg5: memref<160000xf32, #tpu.memory_space<hbm>>, %arg6: memref<10240x128xf32, #tpu.memory_space<hbm>>, %arg7: memref<8x128xf32, #tpu.memory_space<hbm>>, %arg8: memref<10240x32xf32, #tpu.memory_space<hbm>>, %arg9: memref<10240x32xf32, #tpu.memory_space<hbm>>, %arg10: memref<10240x32xf32, #tpu.memory_space<hbm>>, %arg11: memref<10240x32xf32, #tpu.memory_space<hbm>>, %arg12: memref<2x2000xi32, #tpu.memory_space<vmem>>, %arg13: memref<2x2000xi32, #tpu.memory_space<vmem>>, %arg14: memref<2x2000xf32, #tpu.memory_space<vmem>>, %arg15: memref<2x2000xf32, #tpu.memory_space<vmem>>, %arg16: memref<2016xi32, #tpu.memory_space<vmem>>, %arg17: memref<2016xi32, #tpu.memory_space<vmem>>, %arg18: memref<2016xf32, #tpu.memory_space<vmem>>, %arg19: memref<2016xf32, #tpu.memory_space<vmem>>, %arg20: memref<64x128xf32, #tpu.memory_space<vmem>>, %arg21: memref<8x128xf32, #tpu.memory_space<vmem>>, %arg22: memref<321x32xf32, #tpu.memory_space<vmem>>, %arg23: memref<321x32xf32, #tpu.memory_space<vmem>>, %arg24: memref<321x32xf32, #tpu.memory_space<vmem>>, %arg25: memref<321x32xf32, #tpu.memory_space<vmem>>, %arg26: memref<!tpu.dma_semaphore, #tpu.memory_space<semaphore_mem>>, %arg27: memref<!tpu.dma_semaphore, #tpu.memory_space<semaphore_mem>>, %arg28: memref<!tpu.dma_semaphore, #tpu.memory_space<semaphore_mem>>, %arg29: memref<!tpu.dma_semaphore, #tpu.memory_space<semaphore_mem>>, %arg30: memref<!tpu.dma_semaphore, #tpu.memory_space<semaphore_mem>>, %arg31: memref<!tpu.dma_semaphore, #tpu.memory_space<semaphore_mem>>) attributes {dimension_semantics = [#tpu.dimension_semantics<core_parallel>, #tpu.dimension_semantics<subcore_parallel>], iteration_bounds = array<i64: 2, 16>, scalar_prefetch = 0 : i64, scratch_operands = 20 : i64, tpu.core_type = #tpu.core_type<sc_vector_subcore>, window_params = [{transform_indices = #map}, {transform_indices = #map}, {transform_indices = #map}, {transform_indices = #map}, {transform_indices = #map1}, {transform_indices = #map1}, {transform_indices = #map1}, {transform_indices = #map1}, {transform_indices = #map1}, {transform_indices = #map1}]} {
    %mul3A = arith.constant 2 : i32
    %mul3A_0 = arith.muli %arg1, %mul3A : i32
    %add3A = arith.addi %mul3A_0, %arg0 : i32
    "tpu.region"() ({
      %run_scoped3A = tpu.sem_alloc : memref<!tpu.dma_semaphore, #tpu.memory_space<semaphore_mem>>
      tpu.enqueue_dma source(%arg7 : memref<8x128xf32, #tpu.memory_space<hbm>>) target(%arg21 : memref<8x128xf32, #tpu.memory_space<vmem>>) target_semaphore(%run_scoped3A : memref<!tpu.dma_semaphore, #tpu.memory_space<semaphore_mem>>)
      tpu.wait_dma2 semaphore(%run_scoped3A : memref<!tpu.dma_semaphore, #tpu.memory_space<semaphore_mem>>) src(%arg7 : memref<8x128xf32, #tpu.memory_space<hbm>>) dst(%arg21 : memref<8x128xf32, #tpu.memory_space<vmem>>)
      tpu.yield
    }) : () -> ()
    %broadcast_in_dim3A = arith.constant 0.000000e+00 : f32
    %broadcast_in_dim3A_1 = vector.broadcast %broadcast_in_dim3A : f32 to vector<16xf32>
    %iota3A = tpu.iota {dimensions = array<i32: 0>} : vector<16xi32>
    %eq3A = arith.constant 0 : i32
    %eq3A_2 = vector.broadcast %eq3A : i32 to vector<16xi32>
    %eq3A_3 = arith.cmpi eq, %iota3A, %eq3A_2 : vector<16xi32>
    %jit3A = arith.constant 1.000000e+00 : f32
    %jit3A_4 = arith.constant 0.000000e+00 : f32
    %broadcast_in_dim3A_5 = vector.broadcast %jit3A : f32 to vector<16xf32>
    %broadcast_in_dim3A_6 = vector.broadcast %jit3A_4 : f32 to vector<16xf32>
    %select_n3A = arith.select %eq3A_3, %broadcast_in_dim3A_5, %broadcast_in_dim3A_6 : vector<16xi1>, vector<16xf32>
    %scan3A = arith.constant 0 : i32
    %scan3A_7 = arith.constant 0 : i32
    %scan3A_8 = arith.constant 126 : i32
    %scan3A_9 = arith.addi %scan3A_7, %scan3A_8 : i32
    %scan3A_10 = arith.constant 1 : i32
    %scan3A_11 = scf.for %scan3A_79 = %scan3A_7 to %scan3A_9 step %scan3A_10 iter_args(%scan3A_80 = %scan3A) -> (i32)  : i32 {
      %broadcast_in_dim3A_81 = arith.constant 0 : i32
      %broadcast_in_dim3A_82 = vector.broadcast %broadcast_in_dim3A_81 : i32 to vector<16xi32>
      %mul3A_83 = arith.constant 16 : i32
      %mul3A_84 = arith.muli %scan3A_79, %mul3A_83 : i32
      %swap3A = arith.index_cast %mul3A_84 : i32 to index
      %swap3A_85 = tpu.vector_load %arg17[%swap3A] {strides = array<i32>} : memref<2016xi32, #tpu.memory_space<vmem>>, vector<16xi32>,
      tpu.vector_store %arg17[%swap3A], %broadcast_in_dim3A_82 {strides = array<i32>} : memref<2016xi32, #tpu.memory_space<vmem>>, vector<16xi32>,
      %scan3A_86 = arith.constant 0 : i32
      scf.yield %scan3A_86 : i32
    }
    %scan3A_12 = arith.constant 126 : i32
    %scan3A_13 = arith.constant 0 : i32
    %scan3A_14 = arith.constant 0 : i32
    %mul3A_15 = arith.constant 32 : i32
    %mul3A_16 = arith.muli %scan3A_14, %mul3A_15 : i32
    %add3A_17 = arith.addi %mul3A_16, %add3A : i32
    %mul3A_18 = arith.constant 320 : i32
    %mul3A_19 = arith.muli %add3A_17, %mul3A_18 : i32
    %dma_start3A = arith.constant 0 : i32
    %dma_start3A_20 = arith.constant 0 : i32
    %dma_start3A_21 = tpu.memref_slice %arg12[%dma_start3A, %dma_start3A_20] : memref<2x2000xi32, #tpu.memory_space<vmem>> -> memref<1x2000xi32, #tpu.memory_space<vmem>>
    %dma_start3A_22 = tpu.memref_squeeze %dma_start3A_21 : memref<1x2000xi32, #tpu.memory_space<vmem>> -> memref<2000xi32, #tpu.memory_space<vmem>>
    %dma_start3A_23 = arith.constant 0 : i32
    %dma_start3A_24 = tpu.memref_slice %arg2[%dma_start3A_23] : memref<160000xi32, #tpu.memory_space<hbm>> -> memref<2000xi32, #tpu.memory_space<hbm>>
    %dma_start3A_25 = arith.constant 0 : i32
    %dma_start3A_26 = tpu.memref_slice %arg12[%dma_start3A, %dma_start3A_25] : memref<2x2000xi32, #tpu.memory_space<vmem>> -> memref<1x2000xi32, #tpu.memory_space<vmem>>
    %dma_start3A_27 = tpu.memref_squeeze %dma_start3A_26 : memref<1x2000xi32, #tpu.memory_space<vmem>> -> memref<2000xi32, #tpu.memory_space<vmem>>
    %dma_start3A_28 = arith.constant 0 : i32
    %dma_start3A_29 = tpu.memref_slice %arg2[%dma_start3A_28] : memref<160000xi32, #tpu.memory_space<hbm>> -> memref<2000xi32, #tpu.memory_space<hbm>>
    tpu.enqueue_dma source(%dma_start3A_29 : memref<2000xi32, #tpu.memory_space<hbm>>) target(%dma_start3A_27 : memref<2000xi32, #tpu.memory_space<vmem>>) target_semaphore(%arg26 : memref<!tpu.dma_semaphore, #tpu.memory_space<semaphore_mem>>)
    %dma_start3A_30 = arith.constant 0 : i32
    %dma_start3A_31 = arith.constant 0 : i32
    %dma_start3A_32 = tpu.memref_slice %arg13[%dma_start3A_30, %dma_start3A_31] : memref<2x2000xi32, #tpu.memory_space<vmem>> -> memref<1x2000xi32, #tpu.memory_space<vmem>>
    %dma_start3A_33 = tpu.memref_squeeze %dma_start3A_32 : memref<1x2000xi32, #tpu.memory_space<vmem>> -> memref<2000xi32, #tpu.memory_space<vmem>>
    %dma_start3A_34 = arith.constant 0 : i32
    %dma_start3A_35 = tpu.memref_slice %arg3[%dma_start3A_34] : memref<160000xi32, #tpu.memory_space<hbm>> -> memref<2000xi32, #tpu.memory_space<hbm>>
    %dma_start3A_36 = arith.constant 0 : i32
    %dma_start3A_37 = tpu.memref_slice %arg13[%dma_start3A_30, %dma_start3A_36] : memref<2x2000xi32, #tpu.memory_space<vmem>> -> memref<1x2000xi32, #tpu.memory_space<vmem>>
    %dma_start3A_38 = tpu.memref_squeeze %dma_start3A_37 : memref<1x2000xi32, #tpu.memory_space<vmem>> -> memref<2000xi32, #tpu.memory_space<vmem>>
    %dma_start3A_39 = arith.constant 0 : i32
    %dma_start3A_40 = tpu.memref_slice %arg3[%dma_start3A_39] : memref<160000xi32, #tpu.memory_space<hbm>> -> memref<2000xi32, #tpu.memory_space<hbm>>
    tpu.enqueue_dma source(%dma_start3A_40 : memref<2000xi32, #tpu.memory_space<hbm>>) target(%dma_start3A_38 : memref<2000xi32, #tpu.memory_space<vmem>>) target_semaphore(%arg26 : memref<!tpu.dma_semaphore, #tpu.memory_space<semaphore_mem>>)
    %dma_start3A_41 = arith.constant 0 : i32
    %dma_start3A_42 = arith.constant 0 : i32
    %dma_start3A_43 = tpu.memref_slice %arg14[%dma_start3A_41, %dma_start3A_42] : memref<2x2000xf32, #tpu.memory_space<vmem>> -> memref<1x2000xf32, #tpu.memory_space<vmem>>
    %dma_start3A_44 = tpu.memref_squeeze %dma_start3A_43 : memref<1x2000xf32, #tpu.memory_space<vmem>> -> memref<2000xf32, #tpu.memory_space<vmem>>
    %dma_start3A_45 = arith.constant 0 : i32
    %dma_start3A_46 = tpu.memref_slice %arg4[%dma_start3A_45] : memref<160000xf32, #tpu.memory_space<hbm>> -> memref<2000xf32, #tpu.memory_space<hbm>>
    %dma_start3A_47 = arith.constant 0 : i32
    %dma_start3A_48 = tpu.memref_slice %arg14[%dma_start3A_41, %dma_start3A_47] : memref<2x2000xf32, #tpu.memory_space<vmem>> -> memref<1x2000xf32, #tpu.memory_space<vmem>>
    %dma_start3A_49 = tpu.memref_squeeze %dma_start3A_48 : memref<1x2000xf32, #tpu.memory_space<vmem>> -> memref<2000xf32, #tpu.memory_space<vmem>>
    %dma_start3A_50 = arith.constant 0 : i32
    %dma_start3A_51 = tpu.memref_slice %arg4[%dma_start3A_50] : memref<160000xf32, #tpu.memory_space<hbm>> -> memref<2000xf32, #tpu.memory_space<hbm>>
    tpu.enqueue_dma source(%dma_start3A_51 : memref<2000xf32, #tpu.memory_space<hbm>>) target(%dma_start3A_49 : memref<2000xf32, #tpu.memory_space<vmem>>) target_semaphore(%arg26 : memref<!tpu.dma_semaphore, #tpu.memory_space<semaphore_mem>>)
    %dma_start3A_52 = arith.constant 0 : i32
    %dma_start3A_53 = arith.constant 0 : i32
    %dma_start3A_54 = tpu.memref_slice %arg15[%dma_start3A_52, %dma_start3A_53] : memref<2x2000xf32, #tpu.memory_space<vmem>> -> memref<1x2000xf32, #tpu.memory_space<vmem>>
    %dma_start3A_55 = tpu.memref_squeeze %dma_start3A_54 : memref<1x2000xf32, #tpu.memory_space<vmem>> -> memref<2000xf32, #tpu.memory_space<vmem>>
    %dma_start3A_56 = arith.constant 0 : i32
    %dma_start3A_57 = tpu.memref_slice %arg5[%dma_start3A_56] : memref<160000xf32, #tpu.memory_space<hbm>> -> memref<2000xf32, #tpu.memory_space<hbm>>
    %dma_start3A_58 = arith.constant 0 : i32
    %dma_start3A_59 = tpu.memref_slice %arg15[%dma_start3A_52, %dma_start3A_58] : memref<2x2000xf32, #tpu.memory_space<vmem>> -> memref<1x2000xf32, #tpu.memory_space<vmem>>
    %dma_start3A_60 = tpu.memref_squeeze %dma_start3A_59 : memref<1x2000xf32, #tpu.memory_space<vmem>> -> memref<2000xf32, #tpu.memory_space<vmem>>
    %dma_start3A_61 = arith.constant 0 : i32
    %dma_start3A_62 = tpu.memref_slice %arg5[%dma_start3A_61] : memref<160000xf32, #tpu.memory_space<hbm>> -> memref<2000xf32, #tpu.memory_space<hbm>>
    tpu.enqueue_dma source(%dma_start3A_62 : memref<2000xf32, #tpu.memory_space<hbm>>) target(%dma_start3A_60 : memref<2000xf32, #tpu.memory_space<vmem>>) target_semaphore(%arg26 : memref<!tpu.dma_semaphore, #tpu.memory_space<semaphore_mem>>)
    %scan3A_63 = arith.constant 0 : i32
    %scan3A_64 = arith.constant 0 : i32
    %scan3A_65 = arith.constant 320 : i32
    %scan3A_66 = arith.addi %scan3A_64, %scan3A_65 : i32
    %scan3A_67 = arith.constant 1 : i32
    %scan3A_68 = scf.for %scan3A_79 = %scan3A_64 to %scan3A_66 step %scan3A_67 iter_args(%scan3A_80 = %scan3A_63) -> (i32)  : i32 {
      %swap3A = arith.index_cast %scan3A_79 : i32 to index
      %swap3A_81 = arith.constant 0 : index
      %swap3A_82 = tpu.vector_load %arg22[%swap3A, %swap3A_81] {strides = array<i32>} : memref<321x32xf32, #tpu.memory_space<vmem>>, vector<16xf32>,
      tpu.vector_store %arg22[%swap3A, %swap3A_81], %broadcast_in_dim3A_1 {strides = array<i32>} : memref<321x32xf32, #tpu.memory_space<vmem>>, vector<16xf32>,
      %swap3A_83 = arith.index_cast %scan3A_79 : i32 to index
      %swap3A_84 = arith.constant 0 : index
      %swap3A_85 = tpu.vector_load %arg23[%swap3A_83, %swap3A_84] {strides = array<i32>} : memref<321x32xf32, #tpu.memory_space<vmem>>, vector<16xf32>,
      tpu.vector_store %arg23[%swap3A_83, %swap3A_84], %broadcast_in_dim3A_1 {strides = array<i32>} : memref<321x32xf32, #tpu.memory_space<vmem>>, vector<16xf32>,
      %broadcast_in_dim3A_86 = arith.constant 0x7F800000 : f32
      %broadcast_in_dim3A_87 = vector.broadcast %broadcast_in_dim3A_86 : f32 to vector<16xf32>
      %swap3A_88 = arith.index_cast %scan3A_79 : i32 to index
      %swap3A_89 = arith.constant 0 : index
      %swap3A_90 = tpu.vector_load %arg24[%swap3A_88, %swap3A_89] {strides = array<i32>} : memref<321x32xf32, #tpu.memory_space<vmem>>, vector<16xf32>,
      tpu.vector_store %arg24[%swap3A_88, %swap3A_89], %broadcast_in_dim3A_87 {strides = array<i32>} : memref<321x32xf32, #tpu.memory_space<vmem>>, vector<16xf32>,
      %broadcast_in_dim3A_91 = arith.constant 0xFF800000 : f32
      %broadcast_in_dim3A_92 = vector.broadcast %broadcast_in_dim3A_91 : f32 to vector<16xf32>
      %swap3A_93 = arith.index_cast %scan3A_79 : i32 to index
      %swap3A_94 = arith.constant 0 : index
      %swap3A_95 = tpu.vector_load %arg25[%swap3A_93, %swap3A_94] {strides = array<i32>} : memref<321x32xf32, #tpu.memory_space<vmem>>, vector<16xf32>,
      tpu.vector_store %arg25[%swap3A_93, %swap3A_94], %broadcast_in_dim3A_92 {strides = array<i32>} : memref<321x32xf32, #tpu.memory_space<vmem>>, vector<16xf32>,
      %swap3A_96 = arith.index_cast %scan3A_79 : i32 to index
      %swap3A_97 = arith.constant 16 : index
      %swap3A_98 = tpu.vector_load %arg22[%swap3A_96, %swap3A_97] {strides = array<i32>} : memref<321x32xf32, #tpu.memory_space<vmem>>, vector<16xf32>,
      tpu.vector_store %arg22[%swap3A_96, %swap3A_97], %broadcast_in_dim3A_1 {strides = array<i32>} : memref<321x32xf32, #tpu.memory_space<vmem>>, vector<16xf32>,
      %swap3A_99 = arith.index_cast %scan3A_79 : i32 to index
      %swap3A_100 = arith.constant 16 : index
      %swap3A_101 = tpu.vector_load %arg23[%swap3A_99, %swap3A_100] {strides = array<i32>} : memref<321x32xf32, #tpu.memory_space<vmem>>, vector<16xf32>,
      tpu.vector_store %arg23[%swap3A_99, %swap3A_100], %broadcast_in_dim3A_1 {strides = array<i32>} : memref<321x32xf32, #tpu.memory_space<vmem>>, vector<16xf32>,
      %broadcast_in_dim3A_102 = arith.constant 0x7F800000 : f32
      %broadcast_in_dim3A_103 = vector.broadcast %broadcast_in_dim3A_102 : f32 to vector<16xf32>
      %swap3A_104 = arith.index_cast %scan3A_79 : i32 to index
      %swap3A_105 = arith.constant 16 : index
      %swap3A_106 = tpu.vector_load %arg24[%swap3A_104, %swap3A_105] {strides = array<i32>} : memref<321x32xf32, #tpu.memory_space<vmem>>, vector<16xf32>,
      tpu.vector_store %arg24[%swap3A_104, %swap3A_105], %broadcast_in_dim3A_103 {strides = array<i32>} : memref<321x32xf32, #tpu.memory_space<vmem>>, vector<16xf32>,
      %broadcast_in_dim3A_107 = arith.constant 0xFF800000 : f32
      %broadcast_in_dim3A_108 = vector.broadcast %broadcast_in_dim3A_107 : f32 to vector<16xf32>
      %swap3A_109 = arith.index_cast %scan3A_79 : i32 to index
      %swap3A_110 = arith.constant 16 : index
      %swap3A_111 = tpu.vector_load %arg25[%swap3A_109, %swap3A_110] {strides = array<i32>} : memref<321x32xf32, #tpu.memory_space<vmem>>, vector<16xf32>,
      tpu.vector_store %arg25[%swap3A_109, %swap3A_110], %broadcast_in_dim3A_108 {strides = array<i32>} : memref<321x32xf32, #tpu.memory_space<vmem>>, vector<16xf32>,
      %scan3A_112 = arith.constant 0 : i32
      scf.yield %scan3A_112 : i32
    }
    %scan3A_69 = arith.constant 320 : i32
    %scan3A_70 = arith.constant 0 : i32
    %scan3A_71 = arith.constant 0 : i32
    %scan3A_72 = arith.constant 80 : i32
    %scan3A_73 = arith.addi %scan3A_71, %scan3A_72 : i32
    %scan3A_74 = arith.constant 1 : i32
    %scan3A_75 = scf.for %scan3A_79 = %scan3A_71 to %scan3A_73 step %scan3A_74 iter_args(%scan3A_80 = %scan3A_70) -> (i32)  : i32 {
      %and3A = arith.constant 1 : i32
      %and3A_81 = arith.andi %scan3A_79, %and3A : i32
      %eq3A_82 = arith.constant 0 : i32
      %eq3A_83 = arith.cmpi eq, %and3A_81, %eq3A_82 : i32
      %convert_element_type3A = arith.extui %eq3A_83 : i1 to i32
      %cond3A = arith.constant 0 : i32
      %cond3A_84 = arith.cmpi ne, %convert_element_type3A, %cond3A : i32
      scf.if %cond3A_84 {
        %mul3A_163 = arith.constant 2000 : i32
        %mul3A_164 = arith.muli %scan3A_79, %mul3A_163 : i32
        %dma_wait3A = arith.constant 0 : i32
        %dma_wait3A_165 = arith.constant 0 : i32
        %dma_wait3A_166 = tpu.memref_slice %arg12[%dma_wait3A, %dma_wait3A_165] : memref<2x2000xi32, #tpu.memory_space<vmem>> -> memref<1x2000xi32, #tpu.memory_space<vmem>>
        %dma_wait3A_167 = tpu.memref_squeeze %dma_wait3A_166 : memref<1x2000xi32, #tpu.memory_space<vmem>> -> memref<2000xi32, #tpu.memory_space<vmem>>
        %dma_wait3A_168 = tpu.memref_slice %arg2[%mul3A_164] : memref<160000xi32, #tpu.memory_space<hbm>> -> memref<2000xi32, #tpu.memory_space<hbm>>
        %dma_wait3A_169 = arith.constant 0 : i32
        %dma_wait3A_170 = tpu.memref_slice %arg12[%dma_wait3A, %dma_wait3A_169] : memref<2x2000xi32, #tpu.memory_space<vmem>> -> memref<1x2000xi32, #tpu.memory_space<vmem>>
        %dma_wait3A_171 = tpu.memref_squeeze %dma_wait3A_170 : memref<1x2000xi32, #tpu.memory_space<vmem>> -> memref<2000xi32, #tpu.memory_space<vmem>>
        %dma_wait3A_172 = tpu.memref_slice %arg2[%mul3A_164] : memref<160000xi32, #tpu.memory_space<hbm>> -> memref<2000xi32, #tpu.memory_space<hbm>>
        tpu.wait_dma2 semaphore(%arg26 : memref<!tpu.dma_semaphore, #tpu.memory_space<semaphore_mem>>) src(%dma_wait3A_172 : memref<2000xi32, #tpu.memory_space<hbm>>) dst(%dma_wait3A_171 : memref<2000xi32, #tpu.memory_space<vmem>>)
        %mul3A_173 = arith.constant 2000 : i32
        %mul3A_174 = arith.muli %scan3A_79, %mul3A_173 : i32
        %dma_wait3A_175 = arith.constant 0 : i32
        %dma_wait3A_176 = arith.constant 0 : i32
        %dma_wait3A_177 = tpu.memref_slice %arg13[%dma_wait3A_175, %dma_wait3A_176] : memref<2x2000xi32, #tpu.memory_space<vmem>> -> memref<1x2000xi32, #tpu.memory_space<vmem>>
        %dma_wait3A_178 = tpu.memref_squeeze %dma_wait3A_177 : memref<1x2000xi32, #tpu.memory_space<vmem>> -> memref<2000xi32, #tpu.memory_space<vmem>>
        %dma_wait3A_179 = tpu.memref_slice %arg3[%mul3A_174] : memref<160000xi32, #tpu.memory_space<hbm>> -> memref<2000xi32, #tpu.memory_space<hbm>>
        %dma_wait3A_180 = arith.constant 0 : i32
        %dma_wait3A_181 = tpu.memref_slice %arg13[%dma_wait3A_175, %dma_wait3A_180] : memref<2x2000xi32, #tpu.memory_space<vmem>> -> memref<1x2000xi32, #tpu.memory_space<vmem>>
        %dma_wait3A_182 = tpu.memref_squeeze %dma_wait3A_181 : memref<1x2000xi32, #tpu.memory_space<vmem>> -> memref<2000xi32, #tpu.memory_space<vmem>>
        %dma_wait3A_183 = tpu.memref_slice %arg3[%mul3A_174] : memref<160000xi32, #tpu.memory_space<hbm>> -> memref<2000xi32, #tpu.memory_space<hbm>>
        tpu.wait_dma2 semaphore(%arg26 : memref<!tpu.dma_semaphore, #tpu.memory_space<semaphore_mem>>) src(%dma_wait3A_183 : memref<2000xi32, #tpu.memory_space<hbm>>) dst(%dma_wait3A_182 : memref<2000xi32, #tpu.memory_space<vmem>>)
        %mul3A_184 = arith.constant 2000 : i32
        %mul3A_185 = arith.muli %scan3A_79, %mul3A_184 : i32
        %dma_wait3A_186 = arith.constant 0 : i32
        %dma_wait3A_187 = arith.constant 0 : i32
        %dma_wait3A_188 = tpu.memref_slice %arg14[%dma_wait3A_186, %dma_wait3A_187] : memref<2x2000xf32, #tpu.memory_space<vmem>> -> memref<1x2000xf32, #tpu.memory_space<vmem>>
        %dma_wait3A_189 = tpu.memref_squeeze %dma_wait3A_188 : memref<1x2000xf32, #tpu.memory_space<vmem>> -> memref<2000xf32, #tpu.memory_space<vmem>>
        %dma_wait3A_190 = tpu.memref_slice %arg4[%mul3A_185] : memref<160000xf32, #tpu.memory_space<hbm>> -> memref<2000xf32, #tpu.memory_space<hbm>>
        %dma_wait3A_191 = arith.constant 0 : i32
        %dma_wait3A_192 = tpu.memref_slice %arg14[%dma_wait3A_186, %dma_wait3A_191] : memref<2x2000xf32, #tpu.memory_space<vmem>> -> memref<1x2000xf32, #tpu.memory_space<vmem>>
        %dma_wait3A_193 = tpu.memref_squeeze %dma_wait3A_192 : memref<1x2000xf32, #tpu.memory_space<vmem>> -> memref<2000xf32, #tpu.memory_space<vmem>>
        %dma_wait3A_194 = tpu.memref_slice %arg4[%mul3A_185] : memref<160000xf32, #tpu.memory_space<hbm>> -> memref<2000xf32, #tpu.memory_space<hbm>>
        tpu.wait_dma2 semaphore(%arg26 : memref<!tpu.dma_semaphore, #tpu.memory_space<semaphore_mem>>) src(%dma_wait3A_194 : memref<2000xf32, #tpu.memory_space<hbm>>) dst(%dma_wait3A_193 : memref<2000xf32, #tpu.memory_space<vmem>>)
        %mul3A_195 = arith.constant 2000 : i32
        %mul3A_196 = arith.muli %scan3A_79, %mul3A_195 : i32
        %dma_wait3A_197 = arith.constant 0 : i32
        %dma_wait3A_198 = arith.constant 0 : i32
        %dma_wait3A_199 = tpu.memref_slice %arg15[%dma_wait3A_197, %dma_wait3A_198] : memref<2x2000xf32, #tpu.memory_space<vmem>> -> memref<1x2000xf32, #tpu.memory_space<vmem>>
        %dma_wait3A_200 = tpu.memref_squeeze %dma_wait3A_199 : memref<1x2000xf32, #tpu.memory_space<vmem>> -> memref<2000xf32, #tpu.memory_space<vmem>>
        %dma_wait3A_201 = tpu.memref_slice %arg5[%mul3A_196] : memref<160000xf32, #tpu.memory_space<hbm>> -> memref<2000xf32, #tpu.memory_space<hbm>>
        %dma_wait3A_202 = arith.constant 0 : i32
        %dma_wait3A_203 = tpu.memref_slice %arg15[%dma_wait3A_197, %dma_wait3A_202] : memref<2x2000xf32, #tpu.memory_space<vmem>> -> memref<1x2000xf32, #tpu.memory_space<vmem>>
        %dma_wait3A_204 = tpu.memref_squeeze %dma_wait3A_203 : memref<1x2000xf32, #tpu.memory_space<vmem>> -> memref<2000xf32, #tpu.memory_space<vmem>>
        %dma_wait3A_205 = tpu.memref_slice %arg5[%mul3A_196] : memref<160000xf32, #tpu.memory_space<hbm>> -> memref<2000xf32, #tpu.memory_space<hbm>>
        tpu.wait_dma2 semaphore(%arg26 : memref<!tpu.dma_semaphore, #tpu.memory_space<semaphore_mem>>) src(%dma_wait3A_205 : memref<2000xf32, #tpu.memory_space<hbm>>) dst(%dma_wait3A_204 : memref<2000xf32, #tpu.memory_space<vmem>>)
      } else {
      }
      %eq3A_85 = arith.constant 1 : i32
      %eq3A_86 = arith.cmpi eq, %and3A_81, %eq3A_85 : i32
      %convert_element_type3A_87 = arith.extui %eq3A_86 : i1 to i32
      %cond3A_88 = arith.constant 0 : i32
      %cond3A_89 = arith.cmpi ne, %convert_element_type3A_87, %cond3A_88 : i32
      scf.if %cond3A_89 {
        %mul3A_163 = arith.constant 2000 : i32
        %mul3A_164 = arith.muli %scan3A_79, %mul3A_163 : i32
        %dma_wait3A = arith.constant 1 : i32
        %dma_wait3A_165 = arith.constant 0 : i32
        %dma_wait3A_166 = tpu.memref_slice %arg12[%dma_wait3A, %dma_wait3A_165] : memref<2x2000xi32, #tpu.memory_space<vmem>> -> memref<1x2000xi32, #tpu.memory_space<vmem>>
        %dma_wait3A_167 = tpu.memref_squeeze %dma_wait3A_166 : memref<1x2000xi32, #tpu.memory_space<vmem>> -> memref<2000xi32, #tpu.memory_space<vmem>>
        %dma_wait3A_168 = tpu.memref_slice %arg2[%mul3A_164] : memref<160000xi32, #tpu.memory_space<hbm>> -> memref<2000xi32, #tpu.memory_space<hbm>>
        %dma_wait3A_169 = arith.constant 0 : i32
        %dma_wait3A_170 = tpu.memref_slice %arg12[%dma_wait3A, %dma_wait3A_169] : memref<2x2000xi32, #tpu.memory_space<vmem>> -> memref<1x2000xi32, #tpu.memory_space<vmem>>
        %dma_wait3A_171 = tpu.memref_squeeze %dma_wait3A_170 : memref<1x2000xi32, #tpu.memory_space<vmem>> -> memref<2000xi32, #tpu.memory_space<vmem>>
        %dma_wait3A_172 = tpu.memref_slice %arg2[%mul3A_164] : memref<160000xi32, #tpu.memory_space<hbm>> -> memref<2000xi32, #tpu.memory_space<hbm>>
        tpu.wait_dma2 semaphore(%arg27 : memref<!tpu.dma_semaphore, #tpu.memory_space<semaphore_mem>>) src(%dma_wait3A_172 : memref<2000xi32, #tpu.memory_space<hbm>>) dst(%dma_wait3A_171 : memref<2000xi32, #tpu.memory_space<vmem>>)
        %mul3A_173 = arith.constant 2000 : i32
        %mul3A_174 = arith.muli %scan3A_79, %mul3A_173 : i32
        %dma_wait3A_175 = arith.constant 1 : i32
        %dma_wait3A_176 = arith.constant 0 : i32
        %dma_wait3A_177 = tpu.memref_slice %arg13[%dma_wait3A_175, %dma_wait3A_176] : memref<2x2000xi32, #tpu.memory_space<vmem>> -> memref<1x2000xi32, #tpu.memory_space<vmem>>
        %dma_wait3A_178 = tpu.memref_squeeze %dma_wait3A_177 : memref<1x2000xi32, #tpu.memory_space<vmem>> -> memref<2000xi32, #tpu.memory_space<vmem>>
        %dma_wait3A_179 = tpu.memref_slice %arg3[%mul3A_174] : memref<160000xi32, #tpu.memory_space<hbm>> -> memref<2000xi32, #tpu.memory_space<hbm>>
        %dma_wait3A_180 = arith.constant 0 : i32
        %dma_wait3A_181 = tpu.memref_slice %arg13[%dma_wait3A_175, %dma_wait3A_180] : memref<2x2000xi32, #tpu.memory_space<vmem>> -> memref<1x2000xi32, #tpu.memory_space<vmem>>
        %dma_wait3A_182 = tpu.memref_squeeze %dma_wait3A_181 : memref<1x2000xi32, #tpu.memory_space<vmem>> -> memref<2000xi32, #tpu.memory_space<vmem>>
        %dma_wait3A_183 = tpu.memref_slice %arg3[%mul3A_174] : memref<160000xi32, #tpu.memory_space<hbm>> -> memref<2000xi32, #tpu.memory_space<hbm>>
        tpu.wait_dma2 semaphore(%arg27 : memref<!tpu.dma_semaphore, #tpu.memory_space<semaphore_mem>>) src(%dma_wait3A_183 : memref<2000xi32, #tpu.memory_space<hbm>>) dst(%dma_wait3A_182 : memref<2000xi32, #tpu.memory_space<vmem>>)
        %mul3A_184 = arith.constant 2000 : i32
        %mul3A_185 = arith.muli %scan3A_79, %mul3A_184 : i32
        %dma_wait3A_186 = arith.constant 1 : i32
        %dma_wait3A_187 = arith.constant 0 : i32
        %dma_wait3A_188 = tpu.memref_slice %arg14[%dma_wait3A_186, %dma_wait3A_187] : memref<2x2000xf32, #tpu.memory_space<vmem>> -> memref<1x2000xf32, #tpu.memory_space<vmem>>
        %dma_wait3A_189 = tpu.memref_squeeze %dma_wait3A_188 : memref<1x2000xf32, #tpu.memory_space<vmem>> -> memref<2000xf32, #tpu.memory_space<vmem>>
        %dma_wait3A_190 = tpu.memref_slice %arg4[%mul3A_185] : memref<160000xf32, #tpu.memory_space<hbm>> -> memref<2000xf32, #tpu.memory_space<hbm>>
        %dma_wait3A_191 = arith.constant 0 : i32
        %dma_wait3A_192 = tpu.memref_slice %arg14[%dma_wait3A_186, %dma_wait3A_191] : memref<2x2000xf32, #tpu.memory_space<vmem>> -> memref<1x2000xf32, #tpu.memory_space<vmem>>
        %dma_wait3A_193 = tpu.memref_squeeze %dma_wait3A_192 : memref<1x2000xf32, #tpu.memory_space<vmem>> -> memref<2000xf32, #tpu.memory_space<vmem>>
        %dma_wait3A_194 = tpu.memref_slice %arg4[%mul3A_185] : memref<160000xf32, #tpu.memory_space<hbm>> -> memref<2000xf32, #tpu.memory_space<hbm>>
        tpu.wait_dma2 semaphore(%arg27 : memref<!tpu.dma_semaphore, #tpu.memory_space<semaphore_mem>>) src(%dma_wait3A_194 : memref<2000xf32, #tpu.memory_space<hbm>>) dst(%dma_wait3A_193 : memref<2000xf32, #tpu.memory_space<vmem>>)
        %mul3A_195 = arith.constant 2000 : i32
        %mul3A_196 = arith.muli %scan3A_79, %mul3A_195 : i32
        %dma_wait3A_197 = arith.constant 1 : i32
        %dma_wait3A_198 = arith.constant 0 : i32
        %dma_wait3A_199 = tpu.memref_slice %arg15[%dma_wait3A_197, %dma_wait3A_198] : memref<2x2000xf32, #tpu.memory_space<vmem>> -> memref<1x2000xf32, #tpu.memory_space<vmem>>
        %dma_wait3A_200 = tpu.memref_squeeze %dma_wait3A_199 : memref<1x2000xf32, #tpu.memory_space<vmem>> -> memref<2000xf32, #tpu.memory_space<vmem>>
        %dma_wait3A_201 = tpu.memref_slice %arg5[%mul3A_196] : memref<160000xf32, #tpu.memory_space<hbm>> -> memref<2000xf32, #tpu.memory_space<hbm>>
        %dma_wait3A_202 = arith.constant 0 : i32
        %dma_wait3A_203 = tpu.memref_slice %arg15[%dma_wait3A_197, %dma_wait3A_202] : memref<2x2000xf32, #tpu.memory_space<vmem>> -> memref<1x2000xf32, #tpu.memory_space<vmem>>
        %dma_wait3A_204 = tpu.memref_squeeze %dma_wait3A_203 : memref<1x2000xf32, #tpu.memory_space<vmem>> -> memref<2000xf32, #tpu.memory_space<vmem>>
        %dma_wait3A_205 = tpu.memref_slice %arg5[%mul3A_196] : memref<160000xf32, #tpu.memory_space<hbm>> -> memref<2000xf32, #tpu.memory_space<hbm>>
        tpu.wait_dma2 semaphore(%arg27 : memref<!tpu.dma_semaphore, #tpu.memory_space<semaphore_mem>>) src(%dma_wait3A_205 : memref<2000xf32, #tpu.memory_space<hbm>>) dst(%dma_wait3A_204 : memref<2000xf32, #tpu.memory_space<vmem>>)
      } else {
      }
      %add3A_90 = arith.constant 1 : i32
      %add3A_91 = arith.addi %scan3A_79, %add3A_90 : i32
      %lt3A = arith.constant 80 : i32
      %lt3A_92 = arith.cmpi slt, %add3A_91, %lt3A : i32
      %convert_element_type3A_93 = arith.extui %lt3A_92 : i1 to i32
      %cond3A_94 = arith.constant 0 : i32
      %cond3A_95 = arith.cmpi ne, %convert_element_type3A_93, %cond3A_94 : i32
      scf.if %cond3A_95 {
        %eq3A_163 = arith.constant 0 : i32
        %eq3A_164 = arith.cmpi eq, %and3A_81, %eq3A_163 : i32
        %convert_element_type3A_165 = arith.extui %eq3A_164 : i1 to i32
        %cond3A_166 = arith.constant 0 : i32
        %cond3A_167 = arith.cmpi ne, %convert_element_type3A_165, %cond3A_166 : i32
        scf.if %cond3A_167 {
          %add3A_173 = arith.constant 1 : i32
          %add3A_174 = arith.addi %scan3A_79, %add3A_173 : i32
          %mul3A_175 = arith.constant 2000 : i32
          %mul3A_176 = arith.muli %add3A_174, %mul3A_175 : i32
          %dma_start3A_177 = arith.constant 1 : i32
          %dma_start3A_178 = arith.constant 0 : i32
          %dma_start3A_179 = tpu.memref_slice %arg12[%dma_start3A_177, %dma_start3A_178] : memref<2x2000xi32, #tpu.memory_space<vmem>> -> memref<1x2000xi32, #tpu.memory_space<vmem>>
          %dma_start3A_180 = tpu.memref_squeeze %dma_start3A_179 : memref<1x2000xi32, #tpu.memory_space<vmem>> -> memref<2000xi32, #tpu.memory_space<vmem>>
          %dma_start3A_181 = tpu.memref_slice %arg2[%mul3A_176] : memref<160000xi32, #tpu.memory_space<hbm>> -> memref<2000xi32, #tpu.memory_space<hbm>>
          %dma_start3A_182 = arith.constant 0 : i32
          %dma_start3A_183 = tpu.memref_slice %arg12[%dma_start3A_177, %dma_start3A_182] : memref<2x2000xi32, #tpu.memory_space<vmem>> -> memref<1x2000xi32, #tpu.memory_space<vmem>>
          %dma_start3A_184 = tpu.memref_squeeze %dma_start3A_183 : memref<1x2000xi32, #tpu.memory_space<vmem>> -> memref<2000xi32, #tpu.memory_space<vmem>>
          %dma_start3A_185 = tpu.memref_slice %arg2[%mul3A_176] : memref<160000xi32, #tpu.memory_space<hbm>> -> memref<2000xi32, #tpu.memory_space<hbm>>
          tpu.enqueue_dma source(%dma_start3A_185 : memref<2000xi32, #tpu.memory_space<hbm>>) target(%dma_start3A_184 : memref<2000xi32, #tpu.memory_space<vmem>>) target_semaphore(%arg27 : memref<!tpu.dma_semaphore, #tpu.memory_space<semaphore_mem>>)
          %mul3A_186 = arith.constant 2000 : i32
          %mul3A_187 = arith.muli %add3A_174, %mul3A_186 : i32
          %dma_start3A_188 = arith.constant 1 : i32
          %dma_start3A_189 = arith.constant 0 : i32
          %dma_start3A_190 = tpu.memref_slice %arg13[%dma_start3A_188, %dma_start3A_189] : memref<2x2000xi32, #tpu.memory_space<vmem>> -> memref<1x2000xi32, #tpu.memory_space<vmem>>
          %dma_start3A_191 = tpu.memref_squeeze %dma_start3A_190 : memref<1x2000xi32, #tpu.memory_space<vmem>> -> memref<2000xi32, #tpu.memory_space<vmem>>
          %dma_start3A_192 = tpu.memref_slice %arg3[%mul3A_187] : memref<160000xi32, #tpu.memory_space<hbm>> -> memref<2000xi32, #tpu.memory_space<hbm>>
          %dma_start3A_193 = arith.constant 0 : i32
          %dma_start3A_194 = tpu.memref_slice %arg13[%dma_start3A_188, %dma_start3A_193] : memref<2x2000xi32, #tpu.memory_space<vmem>> -> memref<1x2000xi32, #tpu.memory_space<vmem>>
          %dma_start3A_195 = tpu.memref_squeeze %dma_start3A_194 : memref<1x2000xi32, #tpu.memory_space<vmem>> -> memref<2000xi32, #tpu.memory_space<vmem>>
          %dma_start3A_196 = tpu.memref_slice %arg3[%mul3A_187] : memref<160000xi32, #tpu.memory_space<hbm>> -> memref<2000xi32, #tpu.memory_space<hbm>>
          tpu.enqueue_dma source(%dma_start3A_196 : memref<2000xi32, #tpu.memory_space<hbm>>) target(%dma_start3A_195 : memref<2000xi32, #tpu.memory_space<vmem>>) target_semaphore(%arg27 : memref<!tpu.dma_semaphore, #tpu.memory_space<semaphore_mem>>)
          %mul3A_197 = arith.constant 2000 : i32
          %mul3A_198 = arith.muli %add3A_174, %mul3A_197 : i32
          %dma_start3A_199 = arith.constant 1 : i32
          %dma_start3A_200 = arith.constant 0 : i32
          %dma_start3A_201 = tpu.memref_slice %arg14[%dma_start3A_199, %dma_start3A_200] : memref<2x2000xf32, #tpu.memory_space<vmem>> -> memref<1x2000xf32, #tpu.memory_space<vmem>>
          %dma_start3A_202 = tpu.memref_squeeze %dma_start3A_201 : memref<1x2000xf32, #tpu.memory_space<vmem>> -> memref<2000xf32, #tpu.memory_space<vmem>>
          %dma_start3A_203 = tpu.memref_slice %arg4[%mul3A_198] : memref<160000xf32, #tpu.memory_space<hbm>> -> memref<2000xf32, #tpu.memory_space<hbm>>
          %dma_start3A_204 = arith.constant 0 : i32
          %dma_start3A_205 = tpu.memref_slice %arg14[%dma_start3A_199, %dma_start3A_204] : memref<2x2000xf32, #tpu.memory_space<vmem>> -> memref<1x2000xf32, #tpu.memory_space<vmem>>
          %dma_start3A_206 = tpu.memref_squeeze %dma_start3A_205 : memref<1x2000xf32, #tpu.memory_space<vmem>> -> memref<2000xf32, #tpu.memory_space<vmem>>
          %dma_start3A_207 = tpu.memref_slice %arg4[%mul3A_198] : memref<160000xf32, #tpu.memory_space<hbm>> -> memref<2000xf32, #tpu.memory_space<hbm>>
          tpu.enqueue_dma source(%dma_start3A_207 : memref<2000xf32, #tpu.memory_space<hbm>>) target(%dma_start3A_206 : memref<2000xf32, #tpu.memory_space<vmem>>) target_semaphore(%arg27 : memref<!tpu.dma_semaphore, #tpu.memory_space<semaphore_mem>>)
          %mul3A_208 = arith.constant 2000 : i32
          %mul3A_209 = arith.muli %add3A_174, %mul3A_208 : i32
          %dma_start3A_210 = arith.constant 1 : i32
          %dma_start3A_211 = arith.constant 0 : i32
          %dma_start3A_212 = tpu.memref_slice %arg15[%dma_start3A_210, %dma_start3A_211] : memref<2x2000xf32, #tpu.memory_space<vmem>> -> memref<1x2000xf32, #tpu.memory_space<vmem>>
          %dma_start3A_213 = tpu.memref_squeeze %dma_start3A_212 : memref<1x2000xf32, #tpu.memory_space<vmem>> -> memref<2000xf32, #tpu.memory_space<vmem>>
          %dma_start3A_214 = tpu.memref_slice %arg5[%mul3A_209] : memref<160000xf32, #tpu.memory_space<hbm>> -> memref<2000xf32, #tpu.memory_space<hbm>>
          %dma_start3A_215 = arith.constant 0 : i32
          %dma_start3A_216 = tpu.memref_slice %arg15[%dma_start3A_210, %dma_start3A_215] : memref<2x2000xf32, #tpu.memory_space<vmem>> -> memref<1x2000xf32, #tpu.memory_space<vmem>>
          %dma_start3A_217 = tpu.memref_squeeze %dma_start3A_216 : memref<1x2000xf32, #tpu.memory_space<vmem>> -> memref<2000xf32, #tpu.memory_space<vmem>>
          %dma_start3A_218 = tpu.memref_slice %arg5[%mul3A_209] : memref<160000xf32, #tpu.memory_space<hbm>> -> memref<2000xf32, #tpu.memory_space<hbm>>
          tpu.enqueue_dma source(%dma_start3A_218 : memref<2000xf32, #tpu.memory_space<hbm>>) target(%dma_start3A_217 : memref<2000xf32, #tpu.memory_space<vmem>>) target_semaphore(%arg27 : memref<!tpu.dma_semaphore, #tpu.memory_space<semaphore_mem>>)
        } else {
        }
        %eq3A_168 = arith.constant 1 : i32
        %eq3A_169 = arith.cmpi eq, %and3A_81, %eq3A_168 : i32
        %convert_element_type3A_170 = arith.extui %eq3A_169 : i1 to i32
        %cond3A_171 = arith.constant 0 : i32
        %cond3A_172 = arith.cmpi ne, %convert_element_type3A_170, %cond3A_171 : i32
        scf.if %cond3A_172 {
          %add3A_173 = arith.constant 1 : i32
          %add3A_174 = arith.addi %scan3A_79, %add3A_173 : i32
          %mul3A_175 = arith.constant 2000 : i32
          %mul3A_176 = arith.muli %add3A_174, %mul3A_175 : i32
          %dma_start3A_177 = arith.constant 0 : i32
          %dma_start3A_178 = arith.constant 0 : i32
          %dma_start3A_179 = tpu.memref_slice %arg12[%dma_start3A_177, %dma_start3A_178] : memref<2x2000xi32, #tpu.memory_space<vmem>> -> memref<1x2000xi32, #tpu.memory_space<vmem>>
          %dma_start3A_180 = tpu.memref_squeeze %dma_start3A_179 : memref<1x2000xi32, #tpu.memory_space<vmem>> -> memref<2000xi32, #tpu.memory_space<vmem>>
          %dma_start3A_181 = tpu.memref_slice %arg2[%mul3A_176] : memref<160000xi32, #tpu.memory_space<hbm>> -> memref<2000xi32, #tpu.memory_space<hbm>>
          %dma_start3A_182 = arith.constant 0 : i32
          %dma_start3A_183 = tpu.memref_slice %arg12[%dma_start3A_177, %dma_start3A_182] : memref<2x2000xi32, #tpu.memory_space<vmem>> -> memref<1x2000xi32, #tpu.memory_space<vmem>>
          %dma_start3A_184 = tpu.memref_squeeze %dma_start3A_183 : memref<1x2000xi32, #tpu.memory_space<vmem>> -> memref<2000xi32, #tpu.memory_space<vmem>>
          %dma_start3A_185 = tpu.memref_slice %arg2[%mul3A_176] : memref<160000xi32, #tpu.memory_space<hbm>> -> memref<2000xi32, #tpu.memory_space<hbm>>
          tpu.enqueue_dma source(%dma_start3A_185 : memref<2000xi32, #tpu.memory_space<hbm>>) target(%dma_start3A_184 : memref<2000xi32, #tpu.memory_space<vmem>>) target_semaphore(%arg26 : memref<!tpu.dma_semaphore, #tpu.memory_space<semaphore_mem>>)
          %mul3A_186 = arith.constant 2000 : i32
          %mul3A_187 = arith.muli %add3A_174, %mul3A_186 : i32
          %dma_start3A_188 = arith.constant 0 : i32
          %dma_start3A_189 = arith.constant 0 : i32
          %dma_start3A_190 = tpu.memref_slice %arg13[%dma_start3A_188, %dma_start3A_189] : memref<2x2000xi32, #tpu.memory_space<vmem>> -> memref<1x2000xi32, #tpu.memory_space<vmem>>
          %dma_start3A_191 = tpu.memref_squeeze %dma_start3A_190 : memref<1x2000xi32, #tpu.memory_space<vmem>> -> memref<2000xi32, #tpu.memory_space<vmem>>
          %dma_start3A_192 = tpu.memref_slice %arg3[%mul3A_187] : memref<160000xi32, #tpu.memory_space<hbm>> -> memref<2000xi32, #tpu.memory_space<hbm>>
          %dma_start3A_193 = arith.constant 0 : i32
          %dma_start3A_194 = tpu.memref_slice %arg13[%dma_start3A_188, %dma_start3A_193] : memref<2x2000xi32, #tpu.memory_space<vmem>> -> memref<1x2000xi32, #tpu.memory_space<vmem>>
          %dma_start3A_195 = tpu.memref_squeeze %dma_start3A_194 : memref<1x2000xi32, #tpu.memory_space<vmem>> -> memref<2000xi32, #tpu.memory_space<vmem>>
          %dma_start3A_196 = tpu.memref_slice %arg3[%mul3A_187] : memref<160000xi32, #tpu.memory_space<hbm>> -> memref<2000xi32, #tpu.memory_space<hbm>>
          tpu.enqueue_dma source(%dma_start3A_196 : memref<2000xi32, #tpu.memory_space<hbm>>) target(%dma_start3A_195 : memref<2000xi32, #tpu.memory_space<vmem>>) target_semaphore(%arg26 : memref<!tpu.dma_semaphore, #tpu.memory_space<semaphore_mem>>)
          %mul3A_197 = arith.constant 2000 : i32
          %mul3A_198 = arith.muli %add3A_174, %mul3A_197 : i32
          %dma_start3A_199 = arith.constant 0 : i32
          %dma_start3A_200 = arith.constant 0 : i32
          %dma_start3A_201 = tpu.memref_slice %arg14[%dma_start3A_199, %dma_start3A_200] : memref<2x2000xf32, #tpu.memory_space<vmem>> -> memref<1x2000xf32, #tpu.memory_space<vmem>>
          %dma_start3A_202 = tpu.memref_squeeze %dma_start3A_201 : memref<1x2000xf32, #tpu.memory_space<vmem>> -> memref<2000xf32, #tpu.memory_space<vmem>>
          %dma_start3A_203 = tpu.memref_slice %arg4[%mul3A_198] : memref<160000xf32, #tpu.memory_space<hbm>> -> memref<2000xf32, #tpu.memory_space<hbm>>
          %dma_start3A_204 = arith.constant 0 : i32
          %dma_start3A_205 = tpu.memref_slice %arg14[%dma_start3A_199, %dma_start3A_204] : memref<2x2000xf32, #tpu.memory_space<vmem>> -> memref<1x2000xf32, #tpu.memory_space<vmem>>
          %dma_start3A_206 = tpu.memref_squeeze %dma_start3A_205 : memref<1x2000xf32, #tpu.memory_space<vmem>> -> memref<2000xf32, #tpu.memory_space<vmem>>
          %dma_start3A_207 = tpu.memref_slice %arg4[%mul3A_198] : memref<160000xf32, #tpu.memory_space<hbm>> -> memref<2000xf32, #tpu.memory_space<hbm>>
          tpu.enqueue_dma source(%dma_start3A_207 : memref<2000xf32, #tpu.memory_space<hbm>>) target(%dma_start3A_206 : memref<2000xf32, #tpu.memory_space<vmem>>) target_semaphore(%arg26 : memref<!tpu.dma_semaphore, #tpu.memory_space<semaphore_mem>>)
          %mul3A_208 = arith.constant 2000 : i32
          %mul3A_209 = arith.muli %add3A_174, %mul3A_208 : i32
          %dma_start3A_210 = arith.constant 0 : i32
          %dma_start3A_211 = arith.constant 0 : i32
          %dma_start3A_212 = tpu.memref_slice %arg15[%dma_start3A_210, %dma_start3A_211] : memref<2x2000xf32, #tpu.memory_space<vmem>> -> memref<1x2000xf32, #tpu.memory_space<vmem>>
          %dma_start3A_213 = tpu.memref_squeeze %dma_start3A_212 : memref<1x2000xf32, #tpu.memory_space<vmem>> -> memref<2000xf32, #tpu.memory_space<vmem>>
          %dma_start3A_214 = tpu.memref_slice %arg5[%mul3A_209] : memref<160000xf32, #tpu.memory_space<hbm>> -> memref<2000xf32, #tpu.memory_space<hbm>>
          %dma_start3A_215 = arith.constant 0 : i32
          %dma_start3A_216 = tpu.memref_slice %arg15[%dma_start3A_210, %dma_start3A_215] : memref<2x2000xf32, #tpu.memory_space<vmem>> -> memref<1x2000xf32, #tpu.memory_space<vmem>>
          %dma_start3A_217 = tpu.memref_squeeze %dma_start3A_216 : memref<1x2000xf32, #tpu.memory_space<vmem>> -> memref<2000xf32, #tpu.memory_space<vmem>>
          %dma_start3A_218 = tpu.memref_slice %arg5[%mul3A_209] : memref<160000xf32, #tpu.memory_space<hbm>> -> memref<2000xf32, #tpu.memory_space<hbm>>
          tpu.enqueue_dma source(%dma_start3A_218 : memref<2000xf32, #tpu.memory_space<hbm>>) target(%dma_start3A_217 : memref<2000xf32, #tpu.memory_space<vmem>>) target_semaphore(%arg26 : memref<!tpu.dma_semaphore, #tpu.memory_space<semaphore_mem>>)
        } else {
        }
      } else {
      }
      %scan3A_96 = arith.constant 0 : i32
      %scan3A_97 = arith.constant 0 : i32
      %scan3A_98 = arith.constant 125 : i32
      %scan3A_99 = arith.addi %scan3A_97, %scan3A_98 : i32
      %scan3A_100 = arith.constant 1 : i32
      %scan3A_101 = scf.for %scan3A_163 = %scan3A_97 to %scan3A_99 step %scan3A_100 iter_args(%scan3A_164 = %scan3A_96) -> (i32)  : i32 {
        %mul3A_165 = arith.constant 16 : i32
        %mul3A_166 = arith.muli %scan3A_163, %mul3A_165 : i32
        %get3A = arith.index_cast %and3A_81 : i32 to index
        %get3A_167 = arith.index_cast %mul3A_166 : i32 to index
        %get3A_168 = tpu.vector_load %arg12[%get3A, %get3A_167] {strides = array<i32>} : memref<2x2000xi32, #tpu.memory_space<vmem>>, vector<16xi32>,
        %sub3A_169 = vector.broadcast %mul3A_19 : i32 to vector<16xi32>
        %sub3A_170 = arith.subi %get3A_168, %sub3A_169 : vector<16xi32>
        %ge3A = arith.constant 0 : i32
        %ge3A_171 = vector.broadcast %ge3A : i32 to vector<16xi32>
        %ge3A_172 = arith.cmpi sge, %sub3A_170, %ge3A_171 : vector<16xi32>
        %lt3A_173 = arith.constant 320 : i32
        %lt3A_174 = vector.broadcast %lt3A_173 : i32 to vector<16xi32>
        %lt3A_175 = arith.cmpi slt, %sub3A_170, %lt3A_174 : vector<16xi32>
        %and3A_176 = arith.andi %ge3A_172, %lt3A_175 : vector<16xi1>
        %swap3A_177 = arith.index_cast %scan3A_164 : i32 to index
        %swap3A_178 = tpu.vector_load %arg16[%swap3A_177] masked %and3A_176 {strides = array<i32>} : memref<2016xi32, #tpu.memory_space<vmem>>, vector<16xi32>, vector<16xi1>
        tpu.vector_store %arg16[%swap3A_177], %sub3A_170 masked %and3A_176 {strides = array<i32>} : memref<2016xi32, #tpu.memory_space<vmem>>, vector<16xi32>, vector<16xi1>
        %get3A_179 = arith.index_cast %and3A_81 : i32 to index
        %get3A_180 = arith.index_cast %mul3A_166 : i32 to index
        %get3A_181 = tpu.vector_load %arg13[%get3A_179, %get3A_180] {strides = array<i32>} : memref<2x2000xi32, #tpu.memory_space<vmem>>, vector<16xi32>,
        %swap3A_182 = arith.index_cast %scan3A_164 : i32 to index
        %swap3A_183 = tpu.vector_load %arg17[%swap3A_182] masked %and3A_176 {strides = array<i32>} : memref<2016xi32, #tpu.memory_space<vmem>>, vector<16xi32>, vector<16xi1>
        tpu.vector_store %arg17[%swap3A_182], %get3A_181 masked %and3A_176 {strides = array<i32>} : memref<2016xi32, #tpu.memory_space<vmem>>, vector<16xi32>, vector<16xi1>
        %get3A_184 = arith.index_cast %and3A_81 : i32 to index
        %get3A_185 = arith.index_cast %mul3A_166 : i32 to index
        %get3A_186 = tpu.vector_load %arg14[%get3A_184, %get3A_185] {strides = array<i32>} : memref<2x2000xf32, #tpu.memory_space<vmem>>, vector<16xf32>,
        %swap3A_187 = arith.index_cast %scan3A_164 : i32 to index
        %swap3A_188 = tpu.vector_load %arg18[%swap3A_187] masked %and3A_176 {strides = array<i32>} : memref<2016xf32, #tpu.memory_space<vmem>>, vector<16xf32>, vector<16xi1>
        tpu.vector_store %arg18[%swap3A_187], %get3A_186 masked %and3A_176 {strides = array<i32>} : memref<2016xf32, #tpu.memory_space<vmem>>, vector<16xf32>, vector<16xi1>
        %get3A_189 = arith.index_cast %and3A_81 : i32 to index
        %get3A_190 = arith.index_cast %mul3A_166 : i32 to index
        %get3A_191 = tpu.vector_load %arg15[%get3A_189, %get3A_190] {strides = array<i32>} : memref<2x2000xf32, #tpu.memory_space<vmem>>, vector<16xf32>,
        %swap3A_192 = arith.index_cast %scan3A_164 : i32 to index
        %swap3A_193 = tpu.vector_load %arg19[%swap3A_192] masked %and3A_176 {strides = array<i32>} : memref<2016xf32, #tpu.memory_space<vmem>>, vector<16xf32>, vector<16xi1>
        tpu.vector_store %arg19[%swap3A_192], %get3A_191 masked %and3A_176 {strides = array<i32>} : memref<2016xf32, #tpu.memory_space<vmem>>, vector<16xf32>, vector<16xi1>
        %all_reduce_population_count3A = tpu.all_reduce %and3A_176 {dim = 0 : i64, kind = #tpu.reduction_kind<sum>} : vector<16xi1> -> vector<16xi32>
        %slice3A = vector.extract_strided_slice %all_reduce_population_count3A {offsets = [0], sizes = [1], strides = [1]} : vector<16xi32> to vector<1xi32>
        %squeeze3A = vector.extract %slice3A[0] : i32 from vector<1xi32>
        %add3A_194 = arith.addi %scan3A_164, %squeeze3A : i32
        scf.yield %add3A_194 : i32
      }
      %scan3A_102 = arith.constant 125 : i32
      %broadcast_in_dim3A_103 = arith.constant 320 : i32
      %broadcast_in_dim3A_104 = vector.broadcast %broadcast_in_dim3A_103 : i32 to vector<16xi32>
      %swap3A = arith.index_cast %scan3A_101 : i32 to index
      %swap3A_105 = tpu.vector_load %arg16[%swap3A] {strides = array<i32>} : memref<2016xi32, #tpu.memory_space<vmem>>, vector<16xi32>,
      tpu.vector_store %arg16[%swap3A], %broadcast_in_dim3A_104 {strides = array<i32>} : memref<2016xi32, #tpu.memory_space<vmem>>, vector<16xi32>,
      %broadcast_in_dim3A_106 = arith.constant 0 : i32
      %broadcast_in_dim3A_107 = vector.broadcast %broadcast_in_dim3A_106 : i32 to vector<16xi32>
      %swap3A_108 = arith.index_cast %scan3A_101 : i32 to index
      %swap3A_109 = tpu.vector_load %arg17[%swap3A_108] {strides = array<i32>} : memref<2016xi32, #tpu.memory_space<vmem>>, vector<16xi32>,
      tpu.vector_store %arg17[%swap3A_108], %broadcast_in_dim3A_107 {strides = array<i32>} : memref<2016xi32, #tpu.memory_space<vmem>>, vector<16xi32>,
      %swap3A_110 = arith.index_cast %scan3A_101 : i32 to index
      %swap3A_111 = tpu.vector_load %arg18[%swap3A_110] {strides = array<i32>} : memref<2016xf32, #tpu.memory_space<vmem>>, vector<16xf32>,
      tpu.vector_store %arg18[%swap3A_110], %broadcast_in_dim3A_1 {strides = array<i32>} : memref<2016xf32, #tpu.memory_space<vmem>>, vector<16xf32>,
      %swap3A_112 = arith.index_cast %scan3A_101 : i32 to index
      %swap3A_113 = tpu.vector_load %arg19[%swap3A_112] {strides = array<i32>} : memref<2016xf32, #tpu.memory_space<vmem>>, vector<16xf32>,
      tpu.vector_store %arg19[%swap3A_112], %broadcast_in_dim3A_1 {strides = array<i32>} : memref<2016xf32, #tpu.memory_space<vmem>>, vector<16xf32>,
      %add3A_114 = arith.constant 16 : i32
      %add3A_115 = arith.addi %scan3A_101, %add3A_114 : i32
      %sub3A = arith.constant 1 : i32
      %sub3A_116 = arith.subi %add3A_115, %sub3A : i32
      %jit3A_117 = arith.constant 16 : i32
      %div3A = arith.divsi %sub3A_116, %jit3A_117 : i32
      %sign3A = arith.constant 0 : i32
      %sign3A_118 = arith.cmpi sgt, %sub3A_116, %sign3A : i32
      %sign3A_119 = arith.extui %sign3A_118 : i1 to i32
      %sign3A_120 = arith.constant 0 : i32
      %sign3A_121 = arith.cmpi slt, %sub3A_116, %sign3A_120 : i32
      %sign3A_122 = arith.extui %sign3A_121 : i1 to i32
      %sign3A_123 = arith.subi %sign3A_119, %sign3A_122 : i32
      %sign3A_124 = arith.constant 0 : i32
      %sign3A_125 = arith.cmpi sgt, %jit3A_117, %sign3A_124 : i32
      %sign3A_126 = arith.extui %sign3A_125 : i1 to i32
      %sign3A_127 = arith.constant 0 : i32
      %sign3A_128 = arith.cmpi slt, %jit3A_117, %sign3A_127 : i32
      %sign3A_129 = arith.extui %sign3A_128 : i1 to i32
      %sign3A_130 = arith.subi %sign3A_126, %sign3A_129 : i32
      %ne3A = arith.cmpi ne, %sign3A_123, %sign3A_130 : i32
      %rem3A = arith.remsi %sub3A_116, %jit3A_117 : i32
      %ne3A_131 = arith.constant 0 : i32
      %ne3A_132 = arith.cmpi ne, %rem3A, %ne3A_131 : i32
      %and3A_133 = arith.andi %ne3A, %ne3A_132 : i1
      %sub3A_134 = arith.constant 1 : i32
      %sub3A_135 = arith.subi %div3A, %sub3A_134 : i32
      %select_n3A_136 = arith.select %and3A_133, %sub3A_135, %div3A : i32
      %gt3A = arith.constant 0 : i32
      %gt3A_137 = arith.cmpi sgt, %select_n3A_136, %gt3A : i32
      %convert_element_type3A_138 = arith.extui %gt3A_137 : i1 to i32
      %cond3A_139 = arith.constant 0 : i32
      %cond3A_140 = arith.cmpi ne, %convert_element_type3A_138, %cond3A_139 : i32
      scf.if %cond3A_140 {
        %dma_start3A_163 = arith.constant 0 : i32
        %dma_start3A_164 = arith.constant 0 : i32
        %dma_start3A_165 = tpu.memref_slice %arg20[%dma_start3A_163, %dma_start3A_164] : memref<64x128xf32, #tpu.memory_space<vmem>> -> memref<16x128xf32, #tpu.memory_space<vmem>>
        %dma_start3A_166 = arith.constant 0 : i32
        %dma_start3A_167 = tpu.memref_slice %arg17[%dma_start3A_166] : memref<2016xi32, #tpu.memory_space<vmem>> -> memref<16xi32, #tpu.memory_space<vmem>>
        %dma_start3A_168 = arith.constant 0 : i32
        %dma_start3A_169 = arith.constant 0 : i32
        %dma_start3A_170 = tpu.memref_slice %arg6[%dma_start3A_168, %dma_start3A_169] : memref<10240x128xf32, #tpu.memory_space<hbm>> -> memref<10240x128xf32, #tpu.memory_space<hbm>>
        tpu.enqueue_indirect_dma source(%dma_start3A_170 : memref<10240x128xf32, #tpu.memory_space<hbm>>) target(%dma_start3A_165 : memref<16x128xf32, #tpu.memory_space<vmem>>) offsets(%dma_start3A_167 : memref<16xi32, #tpu.memory_space<vmem>>) semaphore(%arg28 : memref<!tpu.dma_semaphore, #tpu.memory_space<semaphore_mem>>)
      } else {
      }
      %gt3A_141 = arith.constant 1 : i32
      %gt3A_142 = arith.cmpi sgt, %select_n3A_136, %gt3A_141 : i32
      %convert_element_type3A_143 = arith.extui %gt3A_142 : i1 to i32
      %cond3A_144 = arith.constant 0 : i32
      %cond3A_145 = arith.cmpi ne, %convert_element_type3A_143, %cond3A_144 : i32
      scf.if %cond3A_145 {
        %dma_start3A_163 = arith.constant 16 : i32
        %dma_start3A_164 = arith.constant 0 : i32
        %dma_start3A_165 = tpu.memref_slice %arg20[%dma_start3A_163, %dma_start3A_164] : memref<64x128xf32, #tpu.memory_space<vmem>> -> memref<16x128xf32, #tpu.memory_space<vmem>>
        %dma_start3A_166 = arith.constant 16 : i32
        %dma_start3A_167 = tpu.memref_slice %arg17[%dma_start3A_166] : memref<2016xi32, #tpu.memory_space<vmem>> -> memref<16xi32, #tpu.memory_space<vmem>>
        %dma_start3A_168 = arith.constant 0 : i32
        %dma_start3A_169 = arith.constant 0 : i32
        %dma_start3A_170 = tpu.memref_slice %arg6[%dma_start3A_168, %dma_start3A_169] : memref<10240x128xf32, #tpu.memory_space<hbm>> -> memref<10240x128xf32, #tpu.memory_space<hbm>>
        tpu.enqueue_indirect_dma source(%dma_start3A_170 : memref<10240x128xf32, #tpu.memory_space<hbm>>) target(%dma_start3A_165 : memref<16x128xf32, #tpu.memory_space<vmem>>) offsets(%dma_start3A_167 : memref<16xi32, #tpu.memory_space<vmem>>) semaphore(%arg29 : memref<!tpu.dma_semaphore, #tpu.memory_space<semaphore_mem>>)
      } else {
      }
      %gt3A_146 = arith.constant 2 : i32
      %gt3A_147 = arith.cmpi sgt, %select_n3A_136, %gt3A_146 : i32
      %convert_element_type3A_148 = arith.extui %gt3A_147 : i1 to i32
      %cond3A_149 = arith.constant 0 : i32
      %cond3A_150 = arith.cmpi ne, %convert_element_type3A_148, %cond3A_149 : i32
      scf.if %cond3A_150 {
        %dma_start3A_163 = arith.constant 32 : i32
        %dma_start3A_164 = arith.constant 0 : i32
        %dma_start3A_165 = tpu.memref_slice %arg20[%dma_start3A_163, %dma_start3A_164] : memref<64x128xf32, #tpu.memory_space<vmem>> -> memref<16x128xf32, #tpu.memory_space<vmem>>
        %dma_start3A_166 = arith.constant 32 : i32
        %dma_start3A_167 = tpu.memref_slice %arg17[%dma_start3A_166] : memref<2016xi32, #tpu.memory_space<vmem>> -> memref<16xi32, #tpu.memory_space<vmem>>
        %dma_start3A_168 = arith.constant 0 : i32
        %dma_start3A_169 = arith.constant 0 : i32
        %dma_start3A_170 = tpu.memref_slice %arg6[%dma_start3A_168, %dma_start3A_169] : memref<10240x128xf32, #tpu.memory_space<hbm>> -> memref<10240x128xf32, #tpu.memory_space<hbm>>
        tpu.enqueue_indirect_dma source(%dma_start3A_170 : memref<10240x128xf32, #tpu.memory_space<hbm>>) target(%dma_start3A_165 : memref<16x128xf32, #tpu.memory_space<vmem>>) offsets(%dma_start3A_167 : memref<16xi32, #tpu.memory_space<vmem>>) semaphore(%arg30 : memref<!tpu.dma_semaphore, #tpu.memory_space<semaphore_mem>>)
      } else {
      }
      %while3A = arith.constant 0 : i32
      %while3A_151 = arith.constant 0 : i32
      %while3A_152 = arith.subi %select_n3A_136, %while3A : i32
      %while3A_153 = arith.addi %while3A, %while3A_152 : i32
      %while3A_154 = arith.constant 1 : i32
      %while3A_155 = arith.divsi %while3A_152, %while3A_154 : i32
      %while3A_156 = arith.muli %while3A_155, %while3A_154 : i32
      %while3A_157 = arith.addi %while3A, %while3A_156 : i32
      %while3A_158 = arith.constant 1 : i32
      %while3A_159 = scf.for %while3A_163 = %while3A to %while3A_157 step %while3A_158 iter_args(%while3A_164 = %while3A_151) -> (i32)  : i32 {
        %and3A_165 = arith.constant 3 : i32
        %and3A_166 = arith.andi %while3A_163, %and3A_165 : i32
        %mul3A_167 = arith.constant 16 : i32
        %mul3A_168 = arith.muli %while3A_163, %mul3A_167 : i32
        %eq3A_169 = arith.constant 0 : i32
        %eq3A_170 = arith.cmpi eq, %and3A_166, %eq3A_169 : i32
        %convert_element_type3A_171 = arith.extui %eq3A_170 : i1 to i32
        %cond3A_172 = arith.constant 0 : i32
        %cond3A_173 = arith.cmpi ne, %convert_element_type3A_171, %cond3A_172 : i32
        scf.if %cond3A_173 {
          %dma_wait3A = arith.constant 0 : i32
          %dma_wait3A_203 = arith.constant 0 : i32
          %dma_wait3A_204 = tpu.memref_slice %arg20[%dma_wait3A, %dma_wait3A_203] : memref<64x128xf32, #tpu.memory_space<vmem>> -> memref<16x128xf32, #tpu.memory_space<vmem>>
          %dma_wait3A_205 = tpu.memref_slice %arg17[%mul3A_168] : memref<2016xi32, #tpu.memory_space<vmem>> -> memref<16xi32, #tpu.memory_space<vmem>>
          %dma_wait3A_206 = arith.constant 0 : i32
          %dma_wait3A_207 = arith.constant 0 : i32
          %dma_wait3A_208 = tpu.memref_slice %arg6[%dma_wait3A_206, %dma_wait3A_207] : memref<10240x128xf32, #tpu.memory_space<hbm>> -> memref<10240x128xf32, #tpu.memory_space<hbm>>
          tpu.wait_indirect_dma semaphore(%arg28 : memref<!tpu.dma_semaphore, #tpu.memory_space<semaphore_mem>>) src(%dma_wait3A_208 : memref<10240x128xf32, #tpu.memory_space<hbm>>) dst(%dma_wait3A_204 : memref<16x128xf32, #tpu.memory_space<vmem>>)
        } else {
        }
        %eq3A_174 = arith.constant 1 : i32
        %eq3A_175 = arith.cmpi eq, %and3A_166, %eq3A_174 : i32
        %convert_element_type3A_176 = arith.extui %eq3A_175 : i1 to i32
        %cond3A_177 = arith.constant 0 : i32
        %cond3A_178 = arith.cmpi ne, %convert_element_type3A_176, %cond3A_177 : i32
        scf.if %cond3A_178 {
          %dma_wait3A = arith.constant 16 : i32
          %dma_wait3A_203 = arith.constant 0 : i32
          %dma_wait3A_204 = tpu.memref_slice %arg20[%dma_wait3A, %dma_wait3A_203] : memref<64x128xf32, #tpu.memory_space<vmem>> -> memref<16x128xf32, #tpu.memory_space<vmem>>
          %dma_wait3A_205 = tpu.memref_slice %arg17[%mul3A_168] : memref<2016xi32, #tpu.memory_space<vmem>> -> memref<16xi32, #tpu.memory_space<vmem>>
          %dma_wait3A_206 = arith.constant 0 : i32
          %dma_wait3A_207 = arith.constant 0 : i32
          %dma_wait3A_208 = tpu.memref_slice %arg6[%dma_wait3A_206, %dma_wait3A_207] : memref<10240x128xf32, #tpu.memory_space<hbm>> -> memref<10240x128xf32, #tpu.memory_space<hbm>>
          tpu.wait_indirect_dma semaphore(%arg29 : memref<!tpu.dma_semaphore, #tpu.memory_space<semaphore_mem>>) src(%dma_wait3A_208 : memref<10240x128xf32, #tpu.memory_space<hbm>>) dst(%dma_wait3A_204 : memref<16x128xf32, #tpu.memory_space<vmem>>)
        } else {
        }
        %eq3A_179 = arith.constant 2 : i32
        %eq3A_180 = arith.cmpi eq, %and3A_166, %eq3A_179 : i32
        %convert_element_type3A_181 = arith.extui %eq3A_180 : i1 to i32
        %cond3A_182 = arith.constant 0 : i32
        %cond3A_183 = arith.cmpi ne, %convert_element_type3A_181, %cond3A_182 : i32
        scf.if %cond3A_183 {
          %dma_wait3A = arith.constant 32 : i32
          %dma_wait3A_203 = arith.constant 0 : i32
          %dma_wait3A_204 = tpu.memref_slice %arg20[%dma_wait3A, %dma_wait3A_203] : memref<64x128xf32, #tpu.memory_space<vmem>> -> memref<16x128xf32, #tpu.memory_space<vmem>>
          %dma_wait3A_205 = tpu.memref_slice %arg17[%mul3A_168] : memref<2016xi32, #tpu.memory_space<vmem>> -> memref<16xi32, #tpu.memory_space<vmem>>
          %dma_wait3A_206 = arith.constant 0 : i32
          %dma_wait3A_207 = arith.constant 0 : i32
          %dma_wait3A_208 = tpu.memref_slice %arg6[%dma_wait3A_206, %dma_wait3A_207] : memref<10240x128xf32, #tpu.memory_space<hbm>> -> memref<10240x128xf32, #tpu.memory_space<hbm>>
          tpu.wait_indirect_dma semaphore(%arg30 : memref<!tpu.dma_semaphore, #tpu.memory_space<semaphore_mem>>) src(%dma_wait3A_208 : memref<10240x128xf32, #tpu.memory_space<hbm>>) dst(%dma_wait3A_204 : memref<16x128xf32, #tpu.memory_space<vmem>>)
        } else {
        }
        %eq3A_184 = arith.constant 3 : i32
        %eq3A_185 = arith.cmpi eq, %and3A_166, %eq3A_184 : i32
        %convert_element_type3A_186 = arith.extui %eq3A_185 : i1 to i32
        %cond3A_187 = arith.constant 0 : i32
        %cond3A_188 = arith.cmpi ne, %convert_element_type3A_186, %cond3A_187 : i32
        scf.if %cond3A_188 {
          %dma_wait3A = arith.constant 48 : i32
          %dma_wait3A_203 = arith.constant 0 : i32
          %dma_wait3A_204 = tpu.memref_slice %arg20[%dma_wait3A, %dma_wait3A_203] : memref<64x128xf32, #tpu.memory_space<vmem>> -> memref<16x128xf32, #tpu.memory_space<vmem>>
          %dma_wait3A_205 = tpu.memref_slice %arg17[%mul3A_168] : memref<2016xi32, #tpu.memory_space<vmem>> -> memref<16xi32, #tpu.memory_space<vmem>>
          %dma_wait3A_206 = arith.constant 0 : i32
          %dma_wait3A_207 = arith.constant 0 : i32
          %dma_wait3A_208 = tpu.memref_slice %arg6[%dma_wait3A_206, %dma_wait3A_207] : memref<10240x128xf32, #tpu.memory_space<hbm>> -> memref<10240x128xf32, #tpu.memory_space<hbm>>
          tpu.wait_indirect_dma semaphore(%arg31 : memref<!tpu.dma_semaphore, #tpu.memory_space<semaphore_mem>>) src(%dma_wait3A_208 : memref<10240x128xf32, #tpu.memory_space<hbm>>) dst(%dma_wait3A_204 : memref<16x128xf32, #tpu.memory_space<vmem>>)
        } else {
        }
        %add3A_189 = arith.constant 3 : i32
        %add3A_190 = arith.addi %while3A_163, %add3A_189 : i32
        %lt3A_191 = arith.cmpi slt, %add3A_190, %select_n3A_136 : i32
        %convert_element_type3A_192 = arith.extui %lt3A_191 : i1 to i32
        %cond3A_193 = arith.constant 0 : i32
        %cond3A_194 = arith.cmpi ne, %convert_element_type3A_192, %cond3A_193 : i32
        scf.if %cond3A_194 {
          %add3A_203 = arith.constant 3 : i32
          %add3A_204 = arith.addi %while3A_163, %add3A_203 : i32
          %and3A_205 = arith.constant 3 : i32
          %and3A_206 = arith.andi %add3A_204, %and3A_205 : i32
          %eq3A_207 = arith.constant 0 : i32
          %eq3A_208 = arith.cmpi eq, %and3A_206, %eq3A_207 : i32
          %convert_element_type3A_209 = arith.extui %eq3A_208 : i1 to i32
          %cond3A_210 = arith.constant 0 : i32
          %cond3A_211 = arith.cmpi ne, %convert_element_type3A_209, %cond3A_210 : i32
          scf.if %cond3A_211 {
            %add3A_227 = arith.constant 48 : i32
            %add3A_228 = arith.addi %mul3A_168, %add3A_227 : i32
            %dma_start3A_229 = arith.constant 0 : i32
            %dma_start3A_230 = arith.constant 0 : i32
            %dma_start3A_231 = tpu.memref_slice %arg20[%dma_start3A_229, %dma_start3A_230] : memref<64x128xf32, #tpu.memory_space<vmem>> -> memref<16x128xf32, #tpu.memory_space<vmem>>
            %dma_start3A_232 = tpu.memref_slice %arg17[%add3A_228] : memref<2016xi32, #tpu.memory_space<vmem>> -> memref<16xi32, #tpu.memory_space<vmem>>
            %dma_start3A_233 = arith.constant 0 : i32
            %dma_start3A_234 = arith.constant 0 : i32
            %dma_start3A_235 = tpu.memref_slice %arg6[%dma_start3A_233, %dma_start3A_234] : memref<10240x128xf32, #tpu.memory_space<hbm>> -> memref<10240x128xf32, #tpu.memory_space<hbm>>
            tpu.enqueue_indirect_dma source(%dma_start3A_235 : memref<10240x128xf32, #tpu.memory_space<hbm>>) target(%dma_start3A_231 : memref<16x128xf32, #tpu.memory_space<vmem>>) offsets(%dma_start3A_232 : memref<16xi32, #tpu.memory_space<vmem>>) semaphore(%arg28 : memref<!tpu.dma_semaphore, #tpu.memory_space<semaphore_mem>>)
          } else {
          }
          %eq3A_212 = arith.constant 1 : i32
          %eq3A_213 = arith.cmpi eq, %and3A_206, %eq3A_212 : i32
          %convert_element_type3A_214 = arith.extui %eq3A_213 : i1 to i32
          %cond3A_215 = arith.constant 0 : i32
          %cond3A_216 = arith.cmpi ne, %convert_element_type3A_214, %cond3A_215 : i32
          scf.if %cond3A_216 {
            %add3A_227 = arith.constant 48 : i32
            %add3A_228 = arith.addi %mul3A_168, %add3A_227 : i32
            %dma_start3A_229 = arith.constant 16 : i32
            %dma_start3A_230 = arith.constant 0 : i32
            %dma_start3A_231 = tpu.memref_slice %arg20[%dma_start3A_229, %dma_start3A_230] : memref<64x128xf32, #tpu.memory_space<vmem>> -> memref<16x128xf32, #tpu.memory_space<vmem>>
            %dma_start3A_232 = tpu.memref_slice %arg17[%add3A_228] : memref<2016xi32, #tpu.memory_space<vmem>> -> memref<16xi32, #tpu.memory_space<vmem>>
            %dma_start3A_233 = arith.constant 0 : i32
            %dma_start3A_234 = arith.constant 0 : i32
            %dma_start3A_235 = tpu.memref_slice %arg6[%dma_start3A_233, %dma_start3A_234] : memref<10240x128xf32, #tpu.memory_space<hbm>> -> memref<10240x128xf32, #tpu.memory_space<hbm>>
            tpu.enqueue_indirect_dma source(%dma_start3A_235 : memref<10240x128xf32, #tpu.memory_space<hbm>>) target(%dma_start3A_231 : memref<16x128xf32, #tpu.memory_space<vmem>>) offsets(%dma_start3A_232 : memref<16xi32, #tpu.memory_space<vmem>>) semaphore(%arg29 : memref<!tpu.dma_semaphore, #tpu.memory_space<semaphore_mem>>)
          } else {
          }
          %eq3A_217 = arith.constant 2 : i32
          %eq3A_218 = arith.cmpi eq, %and3A_206, %eq3A_217 : i32
          %convert_element_type3A_219 = arith.extui %eq3A_218 : i1 to i32
          %cond3A_220 = arith.constant 0 : i32
          %cond3A_221 = arith.cmpi ne, %convert_element_type3A_219, %cond3A_220 : i32
          scf.if %cond3A_221 {
            %add3A_227 = arith.constant 48 : i32
            %add3A_228 = arith.addi %mul3A_168, %add3A_227 : i32
            %dma_start3A_229 = arith.constant 32 : i32
            %dma_start3A_230 = arith.constant 0 : i32
            %dma_start3A_231 = tpu.memref_slice %arg20[%dma_start3A_229, %dma_start3A_230] : memref<64x128xf32, #tpu.memory_space<vmem>> -> memref<16x128xf32, #tpu.memory_space<vmem>>
            %dma_start3A_232 = tpu.memref_slice %arg17[%add3A_228] : memref<2016xi32, #tpu.memory_space<vmem>> -> memref<16xi32, #tpu.memory_space<vmem>>
            %dma_start3A_233 = arith.constant 0 : i32
            %dma_start3A_234 = arith.constant 0 : i32
            %dma_start3A_235 = tpu.memref_slice %arg6[%dma_start3A_233, %dma_start3A_234] : memref<10240x128xf32, #tpu.memory_space<hbm>> -> memref<10240x128xf32, #tpu.memory_space<hbm>>
            tpu.enqueue_indirect_dma source(%dma_start3A_235 : memref<10240x128xf32, #tpu.memory_space<hbm>>) target(%dma_start3A_231 : memref<16x128xf32, #tpu.memory_space<vmem>>) offsets(%dma_start3A_232 : memref<16xi32, #tpu.memory_space<vmem>>) semaphore(%arg30 : memref<!tpu.dma_semaphore, #tpu.memory_space<semaphore_mem>>)
          } else {
          }
          %eq3A_222 = arith.constant 3 : i32
          %eq3A_223 = arith.cmpi eq, %and3A_206, %eq3A_222 : i32
          %convert_element_type3A_224 = arith.extui %eq3A_223 : i1 to i32
          %cond3A_225 = arith.constant 0 : i32
          %cond3A_226 = arith.cmpi ne, %convert_element_type3A_224, %cond3A_225 : i32
          scf.if %cond3A_226 {
            %add3A_227 = arith.constant 48 : i32
            %add3A_228 = arith.addi %mul3A_168, %add3A_227 : i32
            %dma_start3A_229 = arith.constant 48 : i32
            %dma_start3A_230 = arith.constant 0 : i32
            %dma_start3A_231 = tpu.memref_slice %arg20[%dma_start3A_229, %dma_start3A_230] : memref<64x128xf32, #tpu.memory_space<vmem>> -> memref<16x128xf32, #tpu.memory_space<vmem>>
            %dma_start3A_232 = tpu.memref_slice %arg17[%add3A_228] : memref<2016xi32, #tpu.memory_space<vmem>> -> memref<16xi32, #tpu.memory_space<vmem>>
            %dma_start3A_233 = arith.constant 0 : i32
            %dma_start3A_234 = arith.constant 0 : i32
            %dma_start3A_235 = tpu.memref_slice %arg6[%dma_start3A_233, %dma_start3A_234] : memref<10240x128xf32, #tpu.memory_space<hbm>> -> memref<10240x128xf32, #tpu.memory_space<hbm>>
            tpu.enqueue_indirect_dma source(%dma_start3A_235 : memref<10240x128xf32, #tpu.memory_space<hbm>>) target(%dma_start3A_231 : memref<16x128xf32, #tpu.memory_space<vmem>>) offsets(%dma_start3A_232 : memref<16xi32, #tpu.memory_space<vmem>>) semaphore(%arg31 : memref<!tpu.dma_semaphore, #tpu.memory_space<semaphore_mem>>)
          } else {
          }
        } else {
        }
        %mul3A_195 = arith.constant 16 : i32
        %mul3A_196 = arith.muli %and3A_166, %mul3A_195 : i32
        %get3A = arith.index_cast %mul3A_168 : i32 to index
        %get3A_197 = tpu.vector_load %arg16[%get3A] {strides = array<i32>} : memref<2016xi32, #tpu.memory_space<vmem>>, vector<16xi32>,
        %get3A_198 = arith.index_cast %mul3A_168 : i32 to index
        %get3A_199 = tpu.vector_load %arg18[%get3A_198] {strides = array<i32>} : memref<2016xf32, #tpu.memory_space<vmem>>, vector<16xf32>,
        %get3A_200 = arith.index_cast %mul3A_168 : i32 to index
        %get3A_201 = tpu.vector_load %arg19[%get3A_200] {strides = array<i32>} : memref<2016xf32, #tpu.memory_space<vmem>>, vector<16xf32>,
        %while3A_202 = arith.constant 0 : i32
        scf.yield %while3A_202 : i32
      }
      %while3A_160 = arith.constant 1 : i32
      %while3A_161 = scf.for %while3A_163 = %while3A_157 to %while3A_153 step %while3A_160 iter_args(%while3A_164 = %while3A_159) -> (i32)  : i32 {
        %and3A_165 = arith.constant 3 : i32
        %and3A_166 = arith.andi %while3A_163, %and3A_165 : i32
        %mul3A_167 = arith.constant 16 : i32
        %mul3A_168 = arith.muli %while3A_163, %mul3A_167 : i32
        %eq3A_169 = arith.constant 0 : i32
        %eq3A_170 = arith.cmpi eq, %and3A_166, %eq3A_169 : i32
        %convert_element_type3A_171 = arith.extui %eq3A_170 : i1 to i32
        %cond3A_172 = arith.constant 0 : i32
        %cond3A_173 = arith.cmpi ne, %convert_element_type3A_171, %cond3A_172 : i32
        scf.if %cond3A_173 {
          %dma_wait3A = arith.constant 0 : i32
          %dma_wait3A_203 = arith.constant 0 : i32
          %dma_wait3A_204 = tpu.memref_slice %arg20[%dma_wait3A, %dma_wait3A_203] : memref<64x128xf32, #tpu.memory_space<vmem>> -> memref<16x128xf32, #tpu.memory_space<vmem>>
          %dma_wait3A_205 = tpu.memref_slice %arg17[%mul3A_168] : memref<2016xi32, #tpu.memory_space<vmem>> -> memref<16xi32, #tpu.memory_space<vmem>>
          %dma_wait3A_206 = arith.constant 0 : i32
          %dma_wait3A_207 = arith.constant 0 : i32
          %dma_wait3A_208 = tpu.memref_slice %arg6[%dma_wait3A_206, %dma_wait3A_207] : memref<10240x128xf32, #tpu.memory_space<hbm>> -> memref<10240x128xf32, #tpu.memory_space<hbm>>
          tpu.wait_indirect_dma semaphore(%arg28 : memref<!tpu.dma_semaphore, #tpu.memory_space<semaphore_mem>>) src(%dma_wait3A_208 : memref<10240x128xf32, #tpu.memory_space<hbm>>) dst(%dma_wait3A_204 : memref<16x128xf32, #tpu.memory_space<vmem>>)
        } else {
        }
        %eq3A_174 = arith.constant 1 : i32
        %eq3A_175 = arith.cmpi eq, %and3A_166, %eq3A_174 : i32
        %convert_element_type3A_176 = arith.extui %eq3A_175 : i1 to i32
        %cond3A_177 = arith.constant 0 : i32
        %cond3A_178 = arith.cmpi ne, %convert_element_type3A_176, %cond3A_177 : i32
        scf.if %cond3A_178 {
          %dma_wait3A = arith.constant 16 : i32
          %dma_wait3A_203 = arith.constant 0 : i32
          %dma_wait3A_204 = tpu.memref_slice %arg20[%dma_wait3A, %dma_wait3A_203] : memref<64x128xf32, #tpu.memory_space<vmem>> -> memref<16x128xf32, #tpu.memory_space<vmem>>
          %dma_wait3A_205 = tpu.memref_slice %arg17[%mul3A_168] : memref<2016xi32, #tpu.memory_space<vmem>> -> memref<16xi32, #tpu.memory_space<vmem>>
          %dma_wait3A_206 = arith.constant 0 : i32
          %dma_wait3A_207 = arith.constant 0 : i32
          %dma_wait3A_208 = tpu.memref_slice %arg6[%dma_wait3A_206, %dma_wait3A_207] : memref<10240x128xf32, #tpu.memory_space<hbm>> -> memref<10240x128xf32, #tpu.memory_space<hbm>>
          tpu.wait_indirect_dma semaphore(%arg29 : memref<!tpu.dma_semaphore, #tpu.memory_space<semaphore_mem>>) src(%dma_wait3A_208 : memref<10240x128xf32, #tpu.memory_space<hbm>>) dst(%dma_wait3A_204 : memref<16x128xf32, #tpu.memory_space<vmem>>)
        } else {
        }
        %eq3A_179 = arith.constant 2 : i32
        %eq3A_180 = arith.cmpi eq, %and3A_166, %eq3A_179 : i32
        %convert_element_type3A_181 = arith.extui %eq3A_180 : i1 to i32
        %cond3A_182 = arith.constant 0 : i32
        %cond3A_183 = arith.cmpi ne, %convert_element_type3A_181, %cond3A_182 : i32
        scf.if %cond3A_183 {
          %dma_wait3A = arith.constant 32 : i32
          %dma_wait3A_203 = arith.constant 0 : i32
          %dma_wait3A_204 = tpu.memref_slice %arg20[%dma_wait3A, %dma_wait3A_203] : memref<64x128xf32, #tpu.memory_space<vmem>> -> memref<16x128xf32, #tpu.memory_space<vmem>>
          %dma_wait3A_205 = tpu.memref_slice %arg17[%mul3A_168] : memref<2016xi32, #tpu.memory_space<vmem>> -> memref<16xi32, #tpu.memory_space<vmem>>
          %dma_wait3A_206 = arith.constant 0 : i32
          %dma_wait3A_207 = arith.constant 0 : i32
          %dma_wait3A_208 = tpu.memref_slice %arg6[%dma_wait3A_206, %dma_wait3A_207] : memref<10240x128xf32, #tpu.memory_space<hbm>> -> memref<10240x128xf32, #tpu.memory_space<hbm>>
          tpu.wait_indirect_dma semaphore(%arg30 : memref<!tpu.dma_semaphore, #tpu.memory_space<semaphore_mem>>) src(%dma_wait3A_208 : memref<10240x128xf32, #tpu.memory_space<hbm>>) dst(%dma_wait3A_204 : memref<16x128xf32, #tpu.memory_space<vmem>>)
        } else {
        }
        %eq3A_184 = arith.constant 3 : i32
        %eq3A_185 = arith.cmpi eq, %and3A_166, %eq3A_184 : i32
        %convert_element_type3A_186 = arith.extui %eq3A_185 : i1 to i32
        %cond3A_187 = arith.constant 0 : i32
        %cond3A_188 = arith.cmpi ne, %convert_element_type3A_186, %cond3A_187 : i32
        scf.if %cond3A_188 {
          %dma_wait3A = arith.constant 48 : i32
          %dma_wait3A_203 = arith.constant 0 : i32
          %dma_wait3A_204 = tpu.memref_slice %arg20[%dma_wait3A, %dma_wait3A_203] : memref<64x128xf32, #tpu.memory_space<vmem>> -> memref<16x128xf32, #tpu.memory_space<vmem>>
          %dma_wait3A_205 = tpu.memref_slice %arg17[%mul3A_168] : memref<2016xi32, #tpu.memory_space<vmem>> -> memref<16xi32, #tpu.memory_space<vmem>>
          %dma_wait3A_206 = arith.constant 0 : i32
          %dma_wait3A_207 = arith.constant 0 : i32
          %dma_wait3A_208 = tpu.memref_slice %arg6[%dma_wait3A_206, %dma_wait3A_207] : memref<10240x128xf32, #tpu.memory_space<hbm>> -> memref<10240x128xf32, #tpu.memory_space<hbm>>
          tpu.wait_indirect_dma semaphore(%arg31 : memref<!tpu.dma_semaphore, #tpu.memory_space<semaphore_mem>>) src(%dma_wait3A_208 : memref<10240x128xf32, #tpu.memory_space<hbm>>) dst(%dma_wait3A_204 : memref<16x128xf32, #tpu.memory_space<vmem>>)
        } else {
        }
        %add3A_189 = arith.constant 3 : i32
        %add3A_190 = arith.addi %while3A_163, %add3A_189 : i32
        %lt3A_191 = arith.cmpi slt, %add3A_190, %select_n3A_136 : i32
        %convert_element_type3A_192 = arith.extui %lt3A_191 : i1 to i32
        %cond3A_193 = arith.constant 0 : i32
        %cond3A_194 = arith.cmpi ne, %convert_element_type3A_192, %cond3A_193 : i32
        scf.if %cond3A_194 {
          %add3A_203 = arith.constant 3 : i32
          %add3A_204 = arith.addi %while3A_163, %add3A_203 : i32
          %and3A_205 = arith.constant 3 : i32
          %and3A_206 = arith.andi %add3A_204, %and3A_205 : i32
          %eq3A_207 = arith.constant 0 : i32
          %eq3A_208 = arith.cmpi eq, %and3A_206, %eq3A_207 : i32
          %convert_element_type3A_209 = arith.extui %eq3A_208 : i1 to i32
          %cond3A_210 = arith.constant 0 : i32
          %cond3A_211 = arith.cmpi ne, %convert_element_type3A_209, %cond3A_210 : i32
          scf.if %cond3A_211 {
            %add3A_227 = arith.constant 48 : i32
            %add3A_228 = arith.addi %mul3A_168, %add3A_227 : i32
            %dma_start3A_229 = arith.constant 0 : i32
            %dma_start3A_230 = arith.constant 0 : i32
            %dma_start3A_231 = tpu.memref_slice %arg20[%dma_start3A_229, %dma_start3A_230] : memref<64x128xf32, #tpu.memory_space<vmem>> -> memref<16x128xf32, #tpu.memory_space<vmem>>
            %dma_start3A_232 = tpu.memref_slice %arg17[%add3A_228] : memref<2016xi32, #tpu.memory_space<vmem>> -> memref<16xi32, #tpu.memory_space<vmem>>
            %dma_start3A_233 = arith.constant 0 : i32
            %dma_start3A_234 = arith.constant 0 : i32
            %dma_start3A_235 = tpu.memref_slice %arg6[%dma_start3A_233, %dma_start3A_234] : memref<10240x128xf32, #tpu.memory_space<hbm>> -> memref<10240x128xf32, #tpu.memory_space<hbm>>
            tpu.enqueue_indirect_dma source(%dma_start3A_235 : memref<10240x128xf32, #tpu.memory_space<hbm>>) target(%dma_start3A_231 : memref<16x128xf32, #tpu.memory_space<vmem>>) offsets(%dma_start3A_232 : memref<16xi32, #tpu.memory_space<vmem>>) semaphore(%arg28 : memref<!tpu.dma_semaphore, #tpu.memory_space<semaphore_mem>>)
          } else {
          }
          %eq3A_212 = arith.constant 1 : i32
          %eq3A_213 = arith.cmpi eq, %and3A_206, %eq3A_212 : i32
          %convert_element_type3A_214 = arith.extui %eq3A_213 : i1 to i32
          %cond3A_215 = arith.constant 0 : i32
          %cond3A_216 = arith.cmpi ne, %convert_element_type3A_214, %cond3A_215 : i32
          scf.if %cond3A_216 {
            %add3A_227 = arith.constant 48 : i32
            %add3A_228 = arith.addi %mul3A_168, %add3A_227 : i32
            %dma_start3A_229 = arith.constant 16 : i32
            %dma_start3A_230 = arith.constant 0 : i32
            %dma_start3A_231 = tpu.memref_slice %arg20[%dma_start3A_229, %dma_start3A_230] : memref<64x128xf32, #tpu.memory_space<vmem>> -> memref<16x128xf32, #tpu.memory_space<vmem>>
            %dma_start3A_232 = tpu.memref_slice %arg17[%add3A_228] : memref<2016xi32, #tpu.memory_space<vmem>> -> memref<16xi32, #tpu.memory_space<vmem>>
            %dma_start3A_233 = arith.constant 0 : i32
            %dma_start3A_234 = arith.constant 0 : i32
            %dma_start3A_235 = tpu.memref_slice %arg6[%dma_start3A_233, %dma_start3A_234] : memref<10240x128xf32, #tpu.memory_space<hbm>> -> memref<10240x128xf32, #tpu.memory_space<hbm>>
            tpu.enqueue_indirect_dma source(%dma_start3A_235 : memref<10240x128xf32, #tpu.memory_space<hbm>>) target(%dma_start3A_231 : memref<16x128xf32, #tpu.memory_space<vmem>>) offsets(%dma_start3A_232 : memref<16xi32, #tpu.memory_space<vmem>>) semaphore(%arg29 : memref<!tpu.dma_semaphore, #tpu.memory_space<semaphore_mem>>)
          } else {
          }
          %eq3A_217 = arith.constant 2 : i32
          %eq3A_218 = arith.cmpi eq, %and3A_206, %eq3A_217 : i32
          %convert_element_type3A_219 = arith.extui %eq3A_218 : i1 to i32
          %cond3A_220 = arith.constant 0 : i32
          %cond3A_221 = arith.cmpi ne, %convert_element_type3A_219, %cond3A_220 : i32
          scf.if %cond3A_221 {
            %add3A_227 = arith.constant 48 : i32
            %add3A_228 = arith.addi %mul3A_168, %add3A_227 : i32
            %dma_start3A_229 = arith.constant 32 : i32
            %dma_start3A_230 = arith.constant 0 : i32
            %dma_start3A_231 = tpu.memref_slice %arg20[%dma_start3A_229, %dma_start3A_230] : memref<64x128xf32, #tpu.memory_space<vmem>> -> memref<16x128xf32, #tpu.memory_space<vmem>>
            %dma_start3A_232 = tpu.memref_slice %arg17[%add3A_228] : memref<2016xi32, #tpu.memory_space<vmem>> -> memref<16xi32, #tpu.memory_space<vmem>>
            %dma_start3A_233 = arith.constant 0 : i32
            %dma_start3A_234 = arith.constant 0 : i32
            %dma_start3A_235 = tpu.memref_slice %arg6[%dma_start3A_233, %dma_start3A_234] : memref<10240x128xf32, #tpu.memory_space<hbm>> -> memref<10240x128xf32, #tpu.memory_space<hbm>>
            tpu.enqueue_indirect_dma source(%dma_start3A_235 : memref<10240x128xf32, #tpu.memory_space<hbm>>) target(%dma_start3A_231 : memref<16x128xf32, #tpu.memory_space<vmem>>) offsets(%dma_start3A_232 : memref<16xi32, #tpu.memory_space<vmem>>) semaphore(%arg30 : memref<!tpu.dma_semaphore, #tpu.memory_space<semaphore_mem>>)
          } else {
          }
          %eq3A_222 = arith.constant 3 : i32
          %eq3A_223 = arith.cmpi eq, %and3A_206, %eq3A_222 : i32
          %convert_element_type3A_224 = arith.extui %eq3A_223 : i1 to i32
          %cond3A_225 = arith.constant 0 : i32
          %cond3A_226 = arith.cmpi ne, %convert_element_type3A_224, %cond3A_225 : i32
          scf.if %cond3A_226 {
            %add3A_227 = arith.constant 48 : i32
            %add3A_228 = arith.addi %mul3A_168, %add3A_227 : i32
            %dma_start3A_229 = arith.constant 48 : i32
            %dma_start3A_230 = arith.constant 0 : i32
            %dma_start3A_231 = tpu.memref_slice %arg20[%dma_start3A_229, %dma_start3A_230] : memref<64x128xf32, #tpu.memory_space<vmem>> -> memref<16x128xf32, #tpu.memory_space<vmem>>
            %dma_start3A_232 = tpu.memref_slice %arg17[%add3A_228] : memref<2016xi32, #tpu.memory_space<vmem>> -> memref<16xi32, #tpu.memory_space<vmem>>
            %dma_start3A_233 = arith.constant 0 : i32
            %dma_start3A_234 = arith.constant 0 : i32
            %dma_start3A_235 = tpu.memref_slice %arg6[%dma_start3A_233, %dma_start3A_234] : memref<10240x128xf32, #tpu.memory_space<hbm>> -> memref<10240x128xf32, #tpu.memory_space<hbm>>
            tpu.enqueue_indirect_dma source(%dma_start3A_235 : memref<10240x128xf32, #tpu.memory_space<hbm>>) target(%dma_start3A_231 : memref<16x128xf32, #tpu.memory_space<vmem>>) offsets(%dma_start3A_232 : memref<16xi32, #tpu.memory_space<vmem>>) semaphore(%arg31 : memref<!tpu.dma_semaphore, #tpu.memory_space<semaphore_mem>>)
          } else {
          }
        } else {
        }
        %mul3A_195 = arith.constant 16 : i32
        %mul3A_196 = arith.muli %and3A_166, %mul3A_195 : i32
        %get3A = arith.index_cast %mul3A_168 : i32 to index
        %get3A_197 = tpu.vector_load %arg16[%get3A] {strides = array<i32>} : memref<2016xi32, #tpu.memory_space<vmem>>, vector<16xi32>,
        %get3A_198 = arith.index_cast %mul3A_168 : i32 to index
        %get3A_199 = tpu.vector_load %arg18[%get3A_198] {strides = array<i32>} : memref<2016xf32, #tpu.memory_space<vmem>>, vector<16xf32>,
        %get3A_200 = arith.index_cast %mul3A_168 : i32 to index
        %get3A_201 = tpu.vector_load %arg19[%get3A_200] {strides = array<i32>} : memref<2016xf32, #tpu.memory_space<vmem>>, vector<16xf32>,
        %while3A_202 = arith.constant 0 : i32
        scf.yield %while3A_202 : i32
      }
      %scan3A_162 = arith.constant 0 : i32
      scf.yield %scan3A_162 : i32
    }
    %scan3A_76 = arith.constant 80 : i32
    "tpu.region"() ({
      %run_scoped3A = tpu.sem_alloc : memref<!tpu.dma_semaphore, #tpu.memory_space<semaphore_mem>>
      %dma_start3A_79 = arith.constant 0 : i32
      %dma_start3A_80 = arith.constant 0 : i32
      %dma_start3A_81 = tpu.memref_slice %arg22[%dma_start3A_79, %dma_start3A_80] : memref<321x32xf32, #tpu.memory_space<vmem>> -> memref<320x32xf32, #tpu.memory_space<vmem>>
      %dma_start3A_82 = arith.constant 0 : i32
      %dma_start3A_83 = tpu.memref_slice %arg8[%mul3A_19, %dma_start3A_82] : memref<10240x32xf32, #tpu.memory_space<hbm>> -> memref<320x32xf32, #tpu.memory_space<hbm>>
      %dma_start3A_84 = arith.constant 0 : i32
      %dma_start3A_85 = tpu.memref_slice %arg8[%mul3A_19, %dma_start3A_84] : memref<10240x32xf32, #tpu.memory_space<hbm>> -> memref<320x32xf32, #tpu.memory_space<hbm>>
      %dma_start3A_86 = arith.constant 0 : i32
      %dma_start3A_87 = arith.constant 0 : i32
      %dma_start3A_88 = tpu.memref_slice %arg22[%dma_start3A_86, %dma_start3A_87] : memref<321x32xf32, #tpu.memory_space<vmem>> -> memref<320x32xf32, #tpu.memory_space<vmem>>
      tpu.enqueue_dma source(%dma_start3A_88 : memref<320x32xf32, #tpu.memory_space<vmem>>) target(%dma_start3A_85 : memref<320x32xf32, #tpu.memory_space<hbm>>) target_semaphore(%run_scoped3A : memref<!tpu.dma_semaphore, #tpu.memory_space<semaphore_mem>>)
      %dma_wait3A = arith.constant 0 : i32
      %dma_wait3A_89 = arith.constant 0 : i32
      %dma_wait3A_90 = tpu.memref_slice %arg22[%dma_wait3A, %dma_wait3A_89] : memref<321x32xf32, #tpu.memory_space<vmem>> -> memref<320x32xf32, #tpu.memory_space<vmem>>
      %dma_wait3A_91 = arith.constant 0 : i32
      %dma_wait3A_92 = tpu.memref_slice %arg8[%mul3A_19, %dma_wait3A_91] : memref<10240x32xf32, #tpu.memory_space<hbm>> -> memref<320x32xf32, #tpu.memory_space<hbm>>
      %dma_wait3A_93 = arith.constant 0 : i32
      %dma_wait3A_94 = tpu.memref_slice %arg8[%mul3A_19, %dma_wait3A_93] : memref<10240x32xf32, #tpu.memory_space<hbm>> -> memref<320x32xf32, #tpu.memory_space<hbm>>
      %dma_wait3A_95 = arith.constant 0 : i32
      %dma_wait3A_96 = arith.constant 0 : i32
      %dma_wait3A_97 = tpu.memref_slice %arg22[%dma_wait3A_95, %dma_wait3A_96] : memref<321x32xf32, #tpu.memory_space<vmem>> -> memref<320x32xf32, #tpu.memory_space<vmem>>
      tpu.wait_dma2 semaphore(%run_scoped3A : memref<!tpu.dma_semaphore, #tpu.memory_space<semaphore_mem>>) src(%dma_wait3A_97 : memref<320x32xf32, #tpu.memory_space<vmem>>) dst(%dma_wait3A_94 : memref<320x32xf32, #tpu.memory_space<hbm>>)
      tpu.yield
    }) : () -> ()
    "tpu.region"() ({
      %run_scoped3A = tpu.sem_alloc : memref<!tpu.dma_semaphore, #tpu.memory_space<semaphore_mem>>
      %dma_start3A_79 = arith.constant 0 : i32
      %dma_start3A_80 = arith.constant 0 : i32
      %dma_start3A_81 = tpu.memref_slice %arg23[%dma_start3A_79, %dma_start3A_80] : memref<321x32xf32, #tpu.memory_space<vmem>> -> memref<320x32xf32, #tpu.memory_space<vmem>>
      %dma_start3A_82 = arith.constant 0 : i32
      %dma_start3A_83 = tpu.memref_slice %arg9[%mul3A_19, %dma_start3A_82] : memref<10240x32xf32, #tpu.memory_space<hbm>> -> memref<320x32xf32, #tpu.memory_space<hbm>>
      %dma_start3A_84 = arith.constant 0 : i32
      %dma_start3A_85 = tpu.memref_slice %arg9[%mul3A_19, %dma_start3A_84] : memref<10240x32xf32, #tpu.memory_space<hbm>> -> memref<320x32xf32, #tpu.memory_space<hbm>>
      %dma_start3A_86 = arith.constant 0 : i32
      %dma_start3A_87 = arith.constant 0 : i32
      %dma_start3A_88 = tpu.memref_slice %arg23[%dma_start3A_86, %dma_start3A_87] : memref<321x32xf32, #tpu.memory_space<vmem>> -> memref<320x32xf32, #tpu.memory_space<vmem>>
      tpu.enqueue_dma source(%dma_start3A_88 : memref<320x32xf32, #tpu.memory_space<vmem>>) target(%dma_start3A_85 : memref<320x32xf32, #tpu.memory_space<hbm>>) target_semaphore(%run_scoped3A : memref<!tpu.dma_semaphore, #tpu.memory_space<semaphore_mem>>)
      %dma_wait3A = arith.constant 0 : i32
      %dma_wait3A_89 = arith.constant 0 : i32
      %dma_wait3A_90 = tpu.memref_slice %arg23[%dma_wait3A, %dma_wait3A_89] : memref<321x32xf32, #tpu.memory_space<vmem>> -> memref<320x32xf32, #tpu.memory_space<vmem>>
      %dma_wait3A_91 = arith.constant 0 : i32
      %dma_wait3A_92 = tpu.memref_slice %arg9[%mul3A_19, %dma_wait3A_91] : memref<10240x32xf32, #tpu.memory_space<hbm>> -> memref<320x32xf32, #tpu.memory_space<hbm>>
      %dma_wait3A_93 = arith.constant 0 : i32
      %dma_wait3A_94 = tpu.memref_slice %arg9[%mul3A_19, %dma_wait3A_93] : memref<10240x32xf32, #tpu.memory_space<hbm>> -> memref<320x32xf32, #tpu.memory_space<hbm>>
      %dma_wait3A_95 = arith.constant 0 : i32
      %dma_wait3A_96 = arith.constant 0 : i32
      %dma_wait3A_97 = tpu.memref_slice %arg23[%dma_wait3A_95, %dma_wait3A_96] : memref<321x32xf32, #tpu.memory_space<vmem>> -> memref<320x32xf32, #tpu.memory_space<vmem>>
      tpu.wait_dma2 semaphore(%run_scoped3A : memref<!tpu.dma_semaphore, #tpu.memory_space<semaphore_mem>>) src(%dma_wait3A_97 : memref<320x32xf32, #tpu.memory_space<vmem>>) dst(%dma_wait3A_94 : memref<320x32xf32, #tpu.memory_space<hbm>>)
      tpu.yield
    }) : () -> ()
    "tpu.region"() ({
      %run_scoped3A = tpu.sem_alloc : memref<!tpu.dma_semaphore, #tpu.memory_space<semaphore_mem>>
      %dma_start3A_79 = arith.constant 0 : i32
      %dma_start3A_80 = arith.constant 0 : i32
      %dma_start3A_81 = tpu.memref_slice %arg24[%dma_start3A_79, %dma_start3A_80] : memref<321x32xf32, #tpu.memory_space<vmem>> -> memref<320x32xf32, #tpu.memory_space<vmem>>
      %dma_start3A_82 = arith.constant 0 : i32
      %dma_start3A_83 = tpu.memref_slice %arg10[%mul3A_19, %dma_start3A_82] : memref<10240x32xf32, #tpu.memory_space<hbm>> -> memref<320x32xf32, #tpu.memory_space<hbm>>
      %dma_start3A_84 = arith.constant 0 : i32
      %dma_start3A_85 = tpu.memref_slice %arg10[%mul3A_19, %dma_start3A_84] : memref<10240x32xf32, #tpu.memory_space<hbm>> -> memref<320x32xf32, #tpu.memory_space<hbm>>
      %dma_start3A_86 = arith.constant 0 : i32
      %dma_start3A_87 = arith.constant 0 : i32
      %dma_start3A_88 = tpu.memref_slice %arg24[%dma_start3A_86, %dma_start3A_87] : memref<321x32xf32, #tpu.memory_space<vmem>> -> memref<320x32xf32, #tpu.memory_space<vmem>>
      tpu.enqueue_dma source(%dma_start3A_88 : memref<320x32xf32, #tpu.memory_space<vmem>>) target(%dma_start3A_85 : memref<320x32xf32, #tpu.memory_space<hbm>>) target_semaphore(%run_scoped3A : memref<!tpu.dma_semaphore, #tpu.memory_space<semaphore_mem>>)
      %dma_wait3A = arith.constant 0 : i32
      %dma_wait3A_89 = arith.constant 0 : i32
      %dma_wait3A_90 = tpu.memref_slice %arg24[%dma_wait3A, %dma_wait3A_89] : memref<321x32xf32, #tpu.memory_space<vmem>> -> memref<320x32xf32, #tpu.memory_space<vmem>>
      %dma_wait3A_91 = arith.constant 0 : i32
      %dma_wait3A_92 = tpu.memref_slice %arg10[%mul3A_19, %dma_wait3A_91] : memref<10240x32xf32, #tpu.memory_space<hbm>> -> memref<320x32xf32, #tpu.memory_space<hbm>>
      %dma_wait3A_93 = arith.constant 0 : i32
      %dma_wait3A_94 = tpu.memref_slice %arg10[%mul3A_19, %dma_wait3A_93] : memref<10240x32xf32, #tpu.memory_space<hbm>> -> memref<320x32xf32, #tpu.memory_space<hbm>>
      %dma_wait3A_95 = arith.constant 0 : i32
      %dma_wait3A_96 = arith.constant 0 : i32
      %dma_wait3A_97 = tpu.memref_slice %arg24[%dma_wait3A_95, %dma_wait3A_96] : memref<321x32xf32, #tpu.memory_space<vmem>> -> memref<320x32xf32, #tpu.memory_space<vmem>>
      tpu.wait_dma2 semaphore(%run_scoped3A : memref<!tpu.dma_semaphore, #tpu.memory_space<semaphore_mem>>) src(%dma_wait3A_97 : memref<320x32xf32, #tpu.memory_space<vmem>>) dst(%dma_wait3A_94 : memref<320x32xf32, #tpu.memory_space<hbm>>)
      tpu.yield
    }) : () -> ()
    "tpu.region"() ({
      %run_scoped3A = tpu.sem_alloc : memref<!tpu.dma_semaphore, #tpu.memory_space<semaphore_mem>>
      %dma_start3A_79 = arith.constant 0 : i32
      %dma_start3A_80 = arith.constant 0 : i32
      %dma_start3A_81 = tpu.memref_slice %arg25[%dma_start3A_79, %dma_start3A_80] : memref<321x32xf32, #tpu.memory_space<vmem>> -> memref<320x32xf32, #tpu.memory_space<vmem>>
      %dma_start3A_82 = arith.constant 0 : i32
      %dma_start3A_83 = tpu.memref_slice %arg11[%mul3A_19, %dma_start3A_82] : memref<10240x32xf32, #tpu.memory_space<hbm>> -> memref<320x32xf32, #tpu.memory_space<hbm>>
      %dma_start3A_84 = arith.constant 0 : i32
      %dma_start3A_85 = tpu.memref_slice %arg11[%mul3A_19, %dma_start3A_84] : memref<10240x32xf32, #tpu.memory_space<hbm>> -> memref<320x32xf32, #tpu.memory_space<hbm>>
      %dma_start3A_86 = arith.constant 0 : i32
      %dma_start3A_87 = arith.constant 0 : i32
      %dma_start3A_88 = tpu.memref_slice %arg25[%dma_start3A_86, %dma_start3A_87] : memref<321x32xf32, #tpu.memory_space<vmem>> -> memref<320x32xf32, #tpu.memory_space<vmem>>
      tpu.enqueue_dma source(%dma_start3A_88 : memref<320x32xf32, #tpu.memory_space<vmem>>) target(%dma_start3A_85 : memref<320x32xf32, #tpu.memory_space<hbm>>) target_semaphore(%run_scoped3A : memref<!tpu.dma_semaphore, #tpu.memory_space<semaphore_mem>>)
      %dma_wait3A = arith.constant 0 : i32
      %dma_wait3A_89 = arith.constant 0 : i32
      %dma_wait3A_90 = tpu.memref_slice %arg25[%dma_wait3A, %dma_wait3A_89] : memref<321x32xf32, #tpu.memory_space<vmem>> -> memref<320x32xf32, #tpu.memory_space<vmem>>
      %dma_wait3A_91 = arith.constant 0 : i32
      %dma_wait3A_92 = tpu.memref_slice %arg11[%mul3A_19, %dma_wait3A_91] : memref<10240x32xf32, #tpu.memory_space<hbm>> -> memref<320x32xf32, #tpu.memory_space<hbm>>
      %dma_wait3A_93 = arith.constant 0 : i32
      %dma_wait3A_94 = tpu.memref_slice %arg11[%mul3A_19, %dma_wait3A_93] : memref<10240x32xf32, #tpu.memory_space<hbm>> -> memref<320x32xf32, #tpu.memory_space<hbm>>
      %dma_wait3A_95 = arith.constant 0 : i32
      %dma_wait3A_96 = arith.constant 0 : i32
      %dma_wait3A_97 = tpu.memref_slice %arg25[%dma_wait3A_95, %dma_wait3A_96] : memref<321x32xf32, #tpu.memory_space<vmem>> -> memref<320x32xf32, #tpu.memory_space<vmem>>
      tpu.wait_dma2 semaphore(%run_scoped3A : memref<!tpu.dma_semaphore, #tpu.memory_space<semaphore_mem>>) src(%dma_wait3A_97 : memref<320x32xf32, #tpu.memory_space<vmem>>) dst(%dma_wait3A_94 : memref<320x32xf32, #tpu.memory_space<hbm>>)
      tpu.yield
    }) : () -> ()
    %scan3A_77 = arith.constant 0 : i32
    %scan3A_78 = arith.constant 1 : i32
    return
  }
}

#map = affine_map<(d0, d1) -> (0)>
#map1 = affine_map<(d0, d1) -> (0, 0)>
module attributes {stable_mosaic.version = 14 : i64} {
  func.func @body(%arg0: i32, %arg1: i32, %arg2: memref<160000xi32, #tpu.memory_space<hbm>>, %arg3: memref<160000xi32, #tpu.memory_space<hbm>>, %arg4: memref<160000xf32, #tpu.memory_space<hbm>>, %arg5: memref<160000xf32, #tpu.memory_space<hbm>>, %arg6: memref<10240x256xf32, #tpu.memory_space<hbm>>, %arg7: memref<8x256xf32, #tpu.memory_space<hbm>>, %arg8: memref<10240x256xf32, #tpu.memory_space<hbm>>, %arg9: memref<10240x256xf32, #tpu.memory_space<hbm>>, %arg10: memref<10240x256xf32, #tpu.memory_space<hbm>>, %arg11: memref<10240x256xf32, #tpu.memory_space<hbm>>, %arg12: memref<10240x16xf32, #tpu.memory_space<hbm>>, %arg13: memref<2x2000xi32, #tpu.memory_space<vmem>>, %arg14: memref<2x2000xi32, #tpu.memory_space<vmem>>, %arg15: memref<2x2000xf32, #tpu.memory_space<vmem>>, %arg16: memref<2x2000xf32, #tpu.memory_space<vmem>>, %arg17: memref<2016xi32, #tpu.memory_space<vmem>>, %arg18: memref<2016xi32, #tpu.memory_space<vmem>>, %arg19: memref<2016xf32, #tpu.memory_space<vmem>>, %arg20: memref<2016xf32, #tpu.memory_space<vmem>>, %arg21: memref<64x256xf32, #tpu.memory_space<vmem>>, %arg22: memref<8x256xf32, #tpu.memory_space<vmem>>, %arg23: memref<81x256xf32, #tpu.memory_space<vmem>>, %arg24: memref<81x256xf32, #tpu.memory_space<vmem>>, %arg25: memref<81x256xf32, #tpu.memory_space<vmem>>, %arg26: memref<81x256xf32, #tpu.memory_space<vmem>>, %arg27: memref<81x16xf32, #tpu.memory_space<vmem>>, %arg28: memref<!tpu.dma_semaphore, #tpu.memory_space<semaphore_mem>>, %arg29: memref<!tpu.dma_semaphore, #tpu.memory_space<semaphore_mem>>, %arg30: memref<!tpu.dma_semaphore, #tpu.memory_space<semaphore_mem>>, %arg31: memref<!tpu.dma_semaphore, #tpu.memory_space<semaphore_mem>>, %arg32: memref<!tpu.dma_semaphore, #tpu.memory_space<semaphore_mem>>, %arg33: memref<!tpu.dma_semaphore, #tpu.memory_space<semaphore_mem>>) attributes {dimension_semantics = [#tpu.dimension_semantics<core_parallel>, #tpu.dimension_semantics<subcore_parallel>], iteration_bounds = array<i64: 2, 16>, scalar_prefetch = 0 : i64, scratch_operands = 21 : i64, tpu.core_type = #tpu.core_type<sc_vector_subcore>, window_params = [{transform_indices = #map}, {transform_indices = #map}, {transform_indices = #map}, {transform_indices = #map}, {transform_indices = #map1}, {transform_indices = #map1}, {transform_indices = #map1}, {transform_indices = #map1}, {transform_indices = #map1}, {transform_indices = #map1}, {transform_indices = #map1}]} {
    %mul3A = arith.constant 2 : i32
    %mul3A_0 = arith.muli %arg1, %mul3A : i32
    %add3A = arith.addi %mul3A_0, %arg0 : i32
    "tpu.region"() ({
      %run_scoped3A = tpu.sem_alloc : memref<!tpu.dma_semaphore, #tpu.memory_space<semaphore_mem>>
      tpu.enqueue_dma source(%arg7 : memref<8x256xf32, #tpu.memory_space<hbm>>) target(%arg22 : memref<8x256xf32, #tpu.memory_space<vmem>>) target_semaphore(%run_scoped3A : memref<!tpu.dma_semaphore, #tpu.memory_space<semaphore_mem>>)
      tpu.wait_dma2 semaphore(%run_scoped3A : memref<!tpu.dma_semaphore, #tpu.memory_space<semaphore_mem>>) src(%arg7 : memref<8x256xf32, #tpu.memory_space<hbm>>) dst(%arg22 : memref<8x256xf32, #tpu.memory_space<vmem>>)
      tpu.yield
    }) : () -> ()
    %broadcast_in_dim3A = arith.constant 0.000000e+00 : f32
    %broadcast_in_dim3A_1 = vector.broadcast %broadcast_in_dim3A : f32 to vector<16xf32>
    %iota3A = tpu.iota {dimensions = array<i32: 0>} : vector<16xi32>
    %eq3A = arith.constant 0 : i32
    %eq3A_2 = vector.broadcast %eq3A : i32 to vector<16xi32>
    %eq3A_3 = arith.cmpi eq, %iota3A, %eq3A_2 : vector<16xi32>
    %jit3A = arith.constant 1.000000e+00 : f32
    %jit3A_4 = arith.constant 0.000000e+00 : f32
    %broadcast_in_dim3A_5 = vector.broadcast %jit3A : f32 to vector<16xf32>
    %broadcast_in_dim3A_6 = vector.broadcast %jit3A_4 : f32 to vector<16xf32>
    %select_n3A = arith.select %eq3A_3, %broadcast_in_dim3A_5, %broadcast_in_dim3A_6 : vector<16xi1>, vector<16xf32>
    %scan3A = arith.constant 0 : i32
    %scan3A_7 = arith.constant 0 : i32
    %scan3A_8 = arith.constant 126 : i32
    %scan3A_9 = arith.addi %scan3A_7, %scan3A_8 : i32
    %scan3A_10 = arith.constant 1 : i32
    %scan3A_11 = scf.for %scan3A_20 = %scan3A_7 to %scan3A_9 step %scan3A_10 iter_args(%scan3A_21 = %scan3A) -> (i32)  : i32 {
      %broadcast_in_dim3A_22 = arith.constant 0 : i32
      %broadcast_in_dim3A_23 = vector.broadcast %broadcast_in_dim3A_22 : i32 to vector<16xi32>
      %mul3A_24 = arith.constant 16 : i32
      %mul3A_25 = arith.muli %scan3A_20, %mul3A_24 : i32
      %swap3A = arith.index_cast %mul3A_25 : i32 to index
      %swap3A_26 = tpu.vector_load %arg18[%swap3A] {strides = array<i32>} : memref<2016xi32, #tpu.memory_space<vmem>>, vector<16xi32>,
      tpu.vector_store %arg18[%swap3A], %broadcast_in_dim3A_23 {strides = array<i32>} : memref<2016xi32, #tpu.memory_space<vmem>>, vector<16xi32>,
      %scan3A_27 = arith.constant 0 : i32
      scf.yield %scan3A_27 : i32
    }
    %scan3A_12 = arith.constant 126 : i32
    %scan3A_13 = arith.constant 0 : i32
    %scan3A_14 = arith.constant 0 : i32
    %scan3A_15 = arith.constant 4 : i32
    %scan3A_16 = arith.addi %scan3A_14, %scan3A_15 : i32
    %scan3A_17 = arith.constant 1 : i32
    %scan3A_18 = scf.for %scan3A_20 = %scan3A_14 to %scan3A_16 step %scan3A_17 iter_args(%scan3A_21 = %scan3A_13) -> (i32)  : i32 {
      %mul3A_22 = arith.constant 32 : i32
      %mul3A_23 = arith.muli %scan3A_20, %mul3A_22 : i32
      %add3A_24 = arith.addi %mul3A_23, %add3A : i32
      %mul3A_25 = arith.constant 80 : i32
      %mul3A_26 = arith.muli %add3A_24, %mul3A_25 : i32
      %dma_start3A = arith.constant 0 : i32
      %dma_start3A_27 = arith.constant 0 : i32
      %dma_start3A_28 = tpu.memref_slice %arg13[%dma_start3A, %dma_start3A_27] : memref<2x2000xi32, #tpu.memory_space<vmem>> -> memref<1x2000xi32, #tpu.memory_space<vmem>>
      %dma_start3A_29 = tpu.memref_squeeze %dma_start3A_28 : memref<1x2000xi32, #tpu.memory_space<vmem>> -> memref<2000xi32, #tpu.memory_space<vmem>>
      %dma_start3A_30 = arith.constant 0 : i32
      %dma_start3A_31 = tpu.memref_slice %arg2[%dma_start3A_30] : memref<160000xi32, #tpu.memory_space<hbm>> -> memref<2000xi32, #tpu.memory_space<hbm>>
      %dma_start3A_32 = arith.constant 0 : i32
      %dma_start3A_33 = tpu.memref_slice %arg13[%dma_start3A, %dma_start3A_32] : memref<2x2000xi32, #tpu.memory_space<vmem>> -> memref<1x2000xi32, #tpu.memory_space<vmem>>
      %dma_start3A_34 = tpu.memref_squeeze %dma_start3A_33 : memref<1x2000xi32, #tpu.memory_space<vmem>> -> memref<2000xi32, #tpu.memory_space<vmem>>
      %dma_start3A_35 = arith.constant 0 : i32
      %dma_start3A_36 = tpu.memref_slice %arg2[%dma_start3A_35] : memref<160000xi32, #tpu.memory_space<hbm>> -> memref<2000xi32, #tpu.memory_space<hbm>>
      tpu.enqueue_dma source(%dma_start3A_36 : memref<2000xi32, #tpu.memory_space<hbm>>) target(%dma_start3A_34 : memref<2000xi32, #tpu.memory_space<vmem>>) target_semaphore(%arg28 : memref<!tpu.dma_semaphore, #tpu.memory_space<semaphore_mem>>)
      %dma_start3A_37 = arith.constant 0 : i32
      %dma_start3A_38 = arith.constant 0 : i32
      %dma_start3A_39 = tpu.memref_slice %arg14[%dma_start3A_37, %dma_start3A_38] : memref<2x2000xi32, #tpu.memory_space<vmem>> -> memref<1x2000xi32, #tpu.memory_space<vmem>>
      %dma_start3A_40 = tpu.memref_squeeze %dma_start3A_39 : memref<1x2000xi32, #tpu.memory_space<vmem>> -> memref<2000xi32, #tpu.memory_space<vmem>>
      %dma_start3A_41 = arith.constant 0 : i32
      %dma_start3A_42 = tpu.memref_slice %arg3[%dma_start3A_41] : memref<160000xi32, #tpu.memory_space<hbm>> -> memref<2000xi32, #tpu.memory_space<hbm>>
      %dma_start3A_43 = arith.constant 0 : i32
      %dma_start3A_44 = tpu.memref_slice %arg14[%dma_start3A_37, %dma_start3A_43] : memref<2x2000xi32, #tpu.memory_space<vmem>> -> memref<1x2000xi32, #tpu.memory_space<vmem>>
      %dma_start3A_45 = tpu.memref_squeeze %dma_start3A_44 : memref<1x2000xi32, #tpu.memory_space<vmem>> -> memref<2000xi32, #tpu.memory_space<vmem>>
      %dma_start3A_46 = arith.constant 0 : i32
      %dma_start3A_47 = tpu.memref_slice %arg3[%dma_start3A_46] : memref<160000xi32, #tpu.memory_space<hbm>> -> memref<2000xi32, #tpu.memory_space<hbm>>
      tpu.enqueue_dma source(%dma_start3A_47 : memref<2000xi32, #tpu.memory_space<hbm>>) target(%dma_start3A_45 : memref<2000xi32, #tpu.memory_space<vmem>>) target_semaphore(%arg28 : memref<!tpu.dma_semaphore, #tpu.memory_space<semaphore_mem>>)
      %dma_start3A_48 = arith.constant 0 : i32
      %dma_start3A_49 = arith.constant 0 : i32
      %dma_start3A_50 = tpu.memref_slice %arg15[%dma_start3A_48, %dma_start3A_49] : memref<2x2000xf32, #tpu.memory_space<vmem>> -> memref<1x2000xf32, #tpu.memory_space<vmem>>
      %dma_start3A_51 = tpu.memref_squeeze %dma_start3A_50 : memref<1x2000xf32, #tpu.memory_space<vmem>> -> memref<2000xf32, #tpu.memory_space<vmem>>
      %dma_start3A_52 = arith.constant 0 : i32
      %dma_start3A_53 = tpu.memref_slice %arg4[%dma_start3A_52] : memref<160000xf32, #tpu.memory_space<hbm>> -> memref<2000xf32, #tpu.memory_space<hbm>>
      %dma_start3A_54 = arith.constant 0 : i32
      %dma_start3A_55 = tpu.memref_slice %arg15[%dma_start3A_48, %dma_start3A_54] : memref<2x2000xf32, #tpu.memory_space<vmem>> -> memref<1x2000xf32, #tpu.memory_space<vmem>>
      %dma_start3A_56 = tpu.memref_squeeze %dma_start3A_55 : memref<1x2000xf32, #tpu.memory_space<vmem>> -> memref<2000xf32, #tpu.memory_space<vmem>>
      %dma_start3A_57 = arith.constant 0 : i32
      %dma_start3A_58 = tpu.memref_slice %arg4[%dma_start3A_57] : memref<160000xf32, #tpu.memory_space<hbm>> -> memref<2000xf32, #tpu.memory_space<hbm>>
      tpu.enqueue_dma source(%dma_start3A_58 : memref<2000xf32, #tpu.memory_space<hbm>>) target(%dma_start3A_56 : memref<2000xf32, #tpu.memory_space<vmem>>) target_semaphore(%arg28 : memref<!tpu.dma_semaphore, #tpu.memory_space<semaphore_mem>>)
      %dma_start3A_59 = arith.constant 0 : i32
      %dma_start3A_60 = arith.constant 0 : i32
      %dma_start3A_61 = tpu.memref_slice %arg16[%dma_start3A_59, %dma_start3A_60] : memref<2x2000xf32, #tpu.memory_space<vmem>> -> memref<1x2000xf32, #tpu.memory_space<vmem>>
      %dma_start3A_62 = tpu.memref_squeeze %dma_start3A_61 : memref<1x2000xf32, #tpu.memory_space<vmem>> -> memref<2000xf32, #tpu.memory_space<vmem>>
      %dma_start3A_63 = arith.constant 0 : i32
      %dma_start3A_64 = tpu.memref_slice %arg5[%dma_start3A_63] : memref<160000xf32, #tpu.memory_space<hbm>> -> memref<2000xf32, #tpu.memory_space<hbm>>
      %dma_start3A_65 = arith.constant 0 : i32
      %dma_start3A_66 = tpu.memref_slice %arg16[%dma_start3A_59, %dma_start3A_65] : memref<2x2000xf32, #tpu.memory_space<vmem>> -> memref<1x2000xf32, #tpu.memory_space<vmem>>
      %dma_start3A_67 = tpu.memref_squeeze %dma_start3A_66 : memref<1x2000xf32, #tpu.memory_space<vmem>> -> memref<2000xf32, #tpu.memory_space<vmem>>
      %dma_start3A_68 = arith.constant 0 : i32
      %dma_start3A_69 = tpu.memref_slice %arg5[%dma_start3A_68] : memref<160000xf32, #tpu.memory_space<hbm>> -> memref<2000xf32, #tpu.memory_space<hbm>>
      tpu.enqueue_dma source(%dma_start3A_69 : memref<2000xf32, #tpu.memory_space<hbm>>) target(%dma_start3A_67 : memref<2000xf32, #tpu.memory_space<vmem>>) target_semaphore(%arg28 : memref<!tpu.dma_semaphore, #tpu.memory_space<semaphore_mem>>)
      %scan3A_70 = arith.constant 0 : i32
      %scan3A_71 = arith.constant 0 : i32
      %scan3A_72 = arith.constant 80 : i32
      %scan3A_73 = arith.addi %scan3A_71, %scan3A_72 : i32
      %scan3A_74 = arith.constant 1 : i32
      %scan3A_75 = scf.for %scan3A_85 = %scan3A_71 to %scan3A_73 step %scan3A_74 iter_args(%scan3A_86 = %scan3A_70) -> (i32)  : i32 {
        %swap3A = arith.index_cast %scan3A_85 : i32 to index
        %swap3A_87 = arith.constant 0 : index
        %swap3A_88 = tpu.vector_load %arg23[%swap3A, %swap3A_87] {strides = array<i32>} : memref<81x256xf32, #tpu.memory_space<vmem>>, vector<16xf32>,
        tpu.vector_store %arg23[%swap3A, %swap3A_87], %broadcast_in_dim3A_1 {strides = array<i32>} : memref<81x256xf32, #tpu.memory_space<vmem>>, vector<16xf32>,
        %swap3A_89 = arith.index_cast %scan3A_85 : i32 to index
        %swap3A_90 = arith.constant 0 : index
        %swap3A_91 = tpu.vector_load %arg24[%swap3A_89, %swap3A_90] {strides = array<i32>} : memref<81x256xf32, #tpu.memory_space<vmem>>, vector<16xf32>,
        tpu.vector_store %arg24[%swap3A_89, %swap3A_90], %broadcast_in_dim3A_1 {strides = array<i32>} : memref<81x256xf32, #tpu.memory_space<vmem>>, vector<16xf32>,
        %broadcast_in_dim3A_92 = arith.constant 0x7F800000 : f32
        %broadcast_in_dim3A_93 = vector.broadcast %broadcast_in_dim3A_92 : f32 to vector<16xf32>
        %swap3A_94 = arith.index_cast %scan3A_85 : i32 to index
        %swap3A_95 = arith.constant 0 : index
        %swap3A_96 = tpu.vector_load %arg25[%swap3A_94, %swap3A_95] {strides = array<i32>} : memref<81x256xf32, #tpu.memory_space<vmem>>, vector<16xf32>,
        tpu.vector_store %arg25[%swap3A_94, %swap3A_95], %broadcast_in_dim3A_93 {strides = array<i32>} : memref<81x256xf32, #tpu.memory_space<vmem>>, vector<16xf32>,
        %broadcast_in_dim3A_97 = arith.constant 0xFF800000 : f32
        %broadcast_in_dim3A_98 = vector.broadcast %broadcast_in_dim3A_97 : f32 to vector<16xf32>
        %swap3A_99 = arith.index_cast %scan3A_85 : i32 to index
        %swap3A_100 = arith.constant 0 : index
        %swap3A_101 = tpu.vector_load %arg26[%swap3A_99, %swap3A_100] {strides = array<i32>} : memref<81x256xf32, #tpu.memory_space<vmem>>, vector<16xf32>,
        tpu.vector_store %arg26[%swap3A_99, %swap3A_100], %broadcast_in_dim3A_98 {strides = array<i32>} : memref<81x256xf32, #tpu.memory_space<vmem>>, vector<16xf32>,
        %swap3A_102 = arith.index_cast %scan3A_85 : i32 to index
        %swap3A_103 = arith.constant 16 : index
        %swap3A_104 = tpu.vector_load %arg23[%swap3A_102, %swap3A_103] {strides = array<i32>} : memref<81x256xf32, #tpu.memory_space<vmem>>, vector<16xf32>,
        tpu.vector_store %arg23[%swap3A_102, %swap3A_103], %broadcast_in_dim3A_1 {strides = array<i32>} : memref<81x256xf32, #tpu.memory_space<vmem>>, vector<16xf32>,
        %swap3A_105 = arith.index_cast %scan3A_85 : i32 to index
        %swap3A_106 = arith.constant 16 : index
        %swap3A_107 = tpu.vector_load %arg24[%swap3A_105, %swap3A_106] {strides = array<i32>} : memref<81x256xf32, #tpu.memory_space<vmem>>, vector<16xf32>,
        tpu.vector_store %arg24[%swap3A_105, %swap3A_106], %broadcast_in_dim3A_1 {strides = array<i32>} : memref<81x256xf32, #tpu.memory_space<vmem>>, vector<16xf32>,
        %broadcast_in_dim3A_108 = arith.constant 0x7F800000 : f32
        %broadcast_in_dim3A_109 = vector.broadcast %broadcast_in_dim3A_108 : f32 to vector<16xf32>
        %swap3A_110 = arith.index_cast %scan3A_85 : i32 to index
        %swap3A_111 = arith.constant 16 : index
        %swap3A_112 = tpu.vector_load %arg25[%swap3A_110, %swap3A_111] {strides = array<i32>} : memref<81x256xf32, #tpu.memory_space<vmem>>, vector<16xf32>,
        tpu.vector_store %arg25[%swap3A_110, %swap3A_111], %broadcast_in_dim3A_109 {strides = array<i32>} : memref<81x256xf32, #tpu.memory_space<vmem>>, vector<16xf32>,
        %broadcast_in_dim3A_113 = arith.constant 0xFF800000 : f32
        %broadcast_in_dim3A_114 = vector.broadcast %broadcast_in_dim3A_113 : f32 to vector<16xf32>
        %swap3A_115 = arith.index_cast %scan3A_85 : i32 to index
        %swap3A_116 = arith.constant 16 : index
        %swap3A_117 = tpu.vector_load %arg26[%swap3A_115, %swap3A_116] {strides = array<i32>} : memref<81x256xf32, #tpu.memory_space<vmem>>, vector<16xf32>,
        tpu.vector_store %arg26[%swap3A_115, %swap3A_116], %broadcast_in_dim3A_114 {strides = array<i32>} : memref<81x256xf32, #tpu.memory_space<vmem>>, vector<16xf32>,
        %swap3A_118 = arith.index_cast %scan3A_85 : i32 to index
        %swap3A_119 = arith.constant 32 : index
        %swap3A_120 = tpu.vector_load %arg23[%swap3A_118, %swap3A_119] {strides = array<i32>} : memref<81x256xf32, #tpu.memory_space<vmem>>, vector<16xf32>,
        tpu.vector_store %arg23[%swap3A_118, %swap3A_119], %broadcast_in_dim3A_1 {strides = array<i32>} : memref<81x256xf32, #tpu.memory_space<vmem>>, vector<16xf32>,
        %swap3A_121 = arith.index_cast %scan3A_85 : i32 to index
        %swap3A_122 = arith.constant 32 : index
        %swap3A_123 = tpu.vector_load %arg24[%swap3A_121, %swap3A_122] {strides = array<i32>} : memref<81x256xf32, #tpu.memory_space<vmem>>, vector<16xf32>,
        tpu.vector_store %arg24[%swap3A_121, %swap3A_122], %broadcast_in_dim3A_1 {strides = array<i32>} : memref<81x256xf32, #tpu.memory_space<vmem>>, vector<16xf32>,
        %broadcast_in_dim3A_124 = arith.constant 0x7F800000 : f32
        %broadcast_in_dim3A_125 = vector.broadcast %broadcast_in_dim3A_124 : f32 to vector<16xf32>
        %swap3A_126 = arith.index_cast %scan3A_85 : i32 to index
        %swap3A_127 = arith.constant 32 : index
        %swap3A_128 = tpu.vector_load %arg25[%swap3A_126, %swap3A_127] {strides = array<i32>} : memref<81x256xf32, #tpu.memory_space<vmem>>, vector<16xf32>,
        tpu.vector_store %arg25[%swap3A_126, %swap3A_127], %broadcast_in_dim3A_125 {strides = array<i32>} : memref<81x256xf32, #tpu.memory_space<vmem>>, vector<16xf32>,
        %broadcast_in_dim3A_129 = arith.constant 0xFF800000 : f32
        %broadcast_in_dim3A_130 = vector.broadcast %broadcast_in_dim3A_129 : f32 to vector<16xf32>
        %swap3A_131 = arith.index_cast %scan3A_85 : i32 to index
        %swap3A_132 = arith.constant 32 : index
        %swap3A_133 = tpu.vector_load %arg26[%swap3A_131, %swap3A_132] {strides = array<i32>} : memref<81x256xf32, #tpu.memory_space<vmem>>, vector<16xf32>,
        tpu.vector_store %arg26[%swap3A_131, %swap3A_132], %broadcast_in_dim3A_130 {strides = array<i32>} : memref<81x256xf32, #tpu.memory_space<vmem>>, vector<16xf32>,
        %swap3A_134 = arith.index_cast %scan3A_85 : i32 to index
        %swap3A_135 = arith.constant 48 : index
        %swap3A_136 = tpu.vector_load %arg23[%swap3A_134, %swap3A_135] {strides = array<i32>} : memref<81x256xf32, #tpu.memory_space<vmem>>, vector<16xf32>,
        tpu.vector_store %arg23[%swap3A_134, %swap3A_135], %broadcast_in_dim3A_1 {strides = array<i32>} : memref<81x256xf32, #tpu.memory_space<vmem>>, vector<16xf32>,
        %swap3A_137 = arith.index_cast %scan3A_85 : i32 to index
        %swap3A_138 = arith.constant 48 : index
        %swap3A_139 = tpu.vector_load %arg24[%swap3A_137, %swap3A_138] {strides = array<i32>} : memref<81x256xf32, #tpu.memory_space<vmem>>, vector<16xf32>,
        tpu.vector_store %arg24[%swap3A_137, %swap3A_138], %broadcast_in_dim3A_1 {strides = array<i32>} : memref<81x256xf32, #tpu.memory_space<vmem>>, vector<16xf32>,
        %broadcast_in_dim3A_140 = arith.constant 0x7F800000 : f32
        %broadcast_in_dim3A_141 = vector.broadcast %broadcast_in_dim3A_140 : f32 to vector<16xf32>
        %swap3A_142 = arith.index_cast %scan3A_85 : i32 to index
        %swap3A_143 = arith.constant 48 : index
        %swap3A_144 = tpu.vector_load %arg25[%swap3A_142, %swap3A_143] {strides = array<i32>} : memref<81x256xf32, #tpu.memory_space<vmem>>, vector<16xf32>,
        tpu.vector_store %arg25[%swap3A_142, %swap3A_143], %broadcast_in_dim3A_141 {strides = array<i32>} : memref<81x256xf32, #tpu.memory_space<vmem>>, vector<16xf32>,
        %broadcast_in_dim3A_145 = arith.constant 0xFF800000 : f32
        %broadcast_in_dim3A_146 = vector.broadcast %broadcast_in_dim3A_145 : f32 to vector<16xf32>
        %swap3A_147 = arith.index_cast %scan3A_85 : i32 to index
        %swap3A_148 = arith.constant 48 : index
        %swap3A_149 = tpu.vector_load %arg26[%swap3A_147, %swap3A_148] {strides = array<i32>} : memref<81x256xf32, #tpu.memory_space<vmem>>, vector<16xf32>,
        tpu.vector_store %arg26[%swap3A_147, %swap3A_148], %broadcast_in_dim3A_146 {strides = array<i32>} : memref<81x256xf32, #tpu.memory_space<vmem>>, vector<16xf32>,
        %swap3A_150 = arith.index_cast %scan3A_85 : i32 to index
        %swap3A_151 = arith.constant 64 : index
        %swap3A_152 = tpu.vector_load %arg23[%swap3A_150, %swap3A_151] {strides = array<i32>} : memref<81x256xf32, #tpu.memory_space<vmem>>, vector<16xf32>,
        tpu.vector_store %arg23[%swap3A_150, %swap3A_151], %broadcast_in_dim3A_1 {strides = array<i32>} : memref<81x256xf32, #tpu.memory_space<vmem>>, vector<16xf32>,
        %swap3A_153 = arith.index_cast %scan3A_85 : i32 to index
        %swap3A_154 = arith.constant 64 : index
        %swap3A_155 = tpu.vector_load %arg24[%swap3A_153, %swap3A_154] {strides = array<i32>} : memref<81x256xf32, #tpu.memory_space<vmem>>, vector<16xf32>,
        tpu.vector_store %arg24[%swap3A_153, %swap3A_154], %broadcast_in_dim3A_1 {strides = array<i32>} : memref<81x256xf32, #tpu.memory_space<vmem>>, vector<16xf32>,
        %broadcast_in_dim3A_156 = arith.constant 0x7F800000 : f32
        %broadcast_in_dim3A_157 = vector.broadcast %broadcast_in_dim3A_156 : f32 to vector<16xf32>
        %swap3A_158 = arith.index_cast %scan3A_85 : i32 to index
        %swap3A_159 = arith.constant 64 : index
        %swap3A_160 = tpu.vector_load %arg25[%swap3A_158, %swap3A_159] {strides = array<i32>} : memref<81x256xf32, #tpu.memory_space<vmem>>, vector<16xf32>,
        tpu.vector_store %arg25[%swap3A_158, %swap3A_159], %broadcast_in_dim3A_157 {strides = array<i32>} : memref<81x256xf32, #tpu.memory_space<vmem>>, vector<16xf32>,
        %broadcast_in_dim3A_161 = arith.constant 0xFF800000 : f32
        %broadcast_in_dim3A_162 = vector.broadcast %broadcast_in_dim3A_161 : f32 to vector<16xf32>
        %swap3A_163 = arith.index_cast %scan3A_85 : i32 to index
        %swap3A_164 = arith.constant 64 : index
        %swap3A_165 = tpu.vector_load %arg26[%swap3A_163, %swap3A_164] {strides = array<i32>} : memref<81x256xf32, #tpu.memory_space<vmem>>, vector<16xf32>,
        tpu.vector_store %arg26[%swap3A_163, %swap3A_164], %broadcast_in_dim3A_162 {strides = array<i32>} : memref<81x256xf32, #tpu.memory_space<vmem>>, vector<16xf32>,
        %swap3A_166 = arith.index_cast %scan3A_85 : i32 to index
        %swap3A_167 = arith.constant 80 : index
        %swap3A_168 = tpu.vector_load %arg23[%swap3A_166, %swap3A_167] {strides = array<i32>} : memref<81x256xf32, #tpu.memory_space<vmem>>, vector<16xf32>,
        tpu.vector_store %arg23[%swap3A_166, %swap3A_167], %broadcast_in_dim3A_1 {strides = array<i32>} : memref<81x256xf32, #tpu.memory_space<vmem>>, vector<16xf32>,
        %swap3A_169 = arith.index_cast %scan3A_85 : i32 to index
        %swap3A_170 = arith.constant 80 : index
        %swap3A_171 = tpu.vector_load %arg24[%swap3A_169, %swap3A_170] {strides = array<i32>} : memref<81x256xf32, #tpu.memory_space<vmem>>, vector<16xf32>,
        tpu.vector_store %arg24[%swap3A_169, %swap3A_170], %broadcast_in_dim3A_1 {strides = array<i32>} : memref<81x256xf32, #tpu.memory_space<vmem>>, vector<16xf32>,
        %broadcast_in_dim3A_172 = arith.constant 0x7F800000 : f32
        %broadcast_in_dim3A_173 = vector.broadcast %broadcast_in_dim3A_172 : f32 to vector<16xf32>
        %swap3A_174 = arith.index_cast %scan3A_85 : i32 to index
        %swap3A_175 = arith.constant 80 : index
        %swap3A_176 = tpu.vector_load %arg25[%swap3A_174, %swap3A_175] {strides = array<i32>} : memref<81x256xf32, #tpu.memory_space<vmem>>, vector<16xf32>,
        tpu.vector_store %arg25[%swap3A_174, %swap3A_175], %broadcast_in_dim3A_173 {strides = array<i32>} : memref<81x256xf32, #tpu.memory_space<vmem>>, vector<16xf32>,
        %broadcast_in_dim3A_177 = arith.constant 0xFF800000 : f32
        %broadcast_in_dim3A_178 = vector.broadcast %broadcast_in_dim3A_177 : f32 to vector<16xf32>
        %swap3A_179 = arith.index_cast %scan3A_85 : i32 to index
        %swap3A_180 = arith.constant 80 : index
        %swap3A_181 = tpu.vector_load %arg26[%swap3A_179, %swap3A_180] {strides = array<i32>} : memref<81x256xf32, #tpu.memory_space<vmem>>, vector<16xf32>,
        tpu.vector_store %arg26[%swap3A_179, %swap3A_180], %broadcast_in_dim3A_178 {strides = array<i32>} : memref<81x256xf32, #tpu.memory_space<vmem>>, vector<16xf32>,
        %swap3A_182 = arith.index_cast %scan3A_85 : i32 to index
        %swap3A_183 = arith.constant 96 : index
        %swap3A_184 = tpu.vector_load %arg23[%swap3A_182, %swap3A_183] {strides = array<i32>} : memref<81x256xf32, #tpu.memory_space<vmem>>, vector<16xf32>,
        tpu.vector_store %arg23[%swap3A_182, %swap3A_183], %broadcast_in_dim3A_1 {strides = array<i32>} : memref<81x256xf32, #tpu.memory_space<vmem>>, vector<16xf32>,
        %swap3A_185 = arith.index_cast %scan3A_85 : i32 to index
        %swap3A_186 = arith.constant 96 : index
        %swap3A_187 = tpu.vector_load %arg24[%swap3A_185, %swap3A_186] {strides = array<i32>} : memref<81x256xf32, #tpu.memory_space<vmem>>, vector<16xf32>,
        tpu.vector_store %arg24[%swap3A_185, %swap3A_186], %broadcast_in_dim3A_1 {strides = array<i32>} : memref<81x256xf32, #tpu.memory_space<vmem>>, vector<16xf32>,
        %broadcast_in_dim3A_188 = arith.constant 0x7F800000 : f32
        %broadcast_in_dim3A_189 = vector.broadcast %broadcast_in_dim3A_188 : f32 to vector<16xf32>
        %swap3A_190 = arith.index_cast %scan3A_85 : i32 to index
        %swap3A_191 = arith.constant 96 : index
        %swap3A_192 = tpu.vector_load %arg25[%swap3A_190, %swap3A_191] {strides = array<i32>} : memref<81x256xf32, #tpu.memory_space<vmem>>, vector<16xf32>,
        tpu.vector_store %arg25[%swap3A_190, %swap3A_191], %broadcast_in_dim3A_189 {strides = array<i32>} : memref<81x256xf32, #tpu.memory_space<vmem>>, vector<16xf32>,
        %broadcast_in_dim3A_193 = arith.constant 0xFF800000 : f32
        %broadcast_in_dim3A_194 = vector.broadcast %broadcast_in_dim3A_193 : f32 to vector<16xf32>
        %swap3A_195 = arith.index_cast %scan3A_85 : i32 to index
        %swap3A_196 = arith.constant 96 : index
        %swap3A_197 = tpu.vector_load %arg26[%swap3A_195, %swap3A_196] {strides = array<i32>} : memref<81x256xf32, #tpu.memory_space<vmem>>, vector<16xf32>,
        tpu.vector_store %arg26[%swap3A_195, %swap3A_196], %broadcast_in_dim3A_194 {strides = array<i32>} : memref<81x256xf32, #tpu.memory_space<vmem>>, vector<16xf32>,
        %swap3A_198 = arith.index_cast %scan3A_85 : i32 to index
        %swap3A_199 = arith.constant 112 : index
        %swap3A_200 = tpu.vector_load %arg23[%swap3A_198, %swap3A_199] {strides = array<i32>} : memref<81x256xf32, #tpu.memory_space<vmem>>, vector<16xf32>,
        tpu.vector_store %arg23[%swap3A_198, %swap3A_199], %broadcast_in_dim3A_1 {strides = array<i32>} : memref<81x256xf32, #tpu.memory_space<vmem>>, vector<16xf32>,
        %swap3A_201 = arith.index_cast %scan3A_85 : i32 to index
        %swap3A_202 = arith.constant 112 : index
        %swap3A_203 = tpu.vector_load %arg24[%swap3A_201, %swap3A_202] {strides = array<i32>} : memref<81x256xf32, #tpu.memory_space<vmem>>, vector<16xf32>,
        tpu.vector_store %arg24[%swap3A_201, %swap3A_202], %broadcast_in_dim3A_1 {strides = array<i32>} : memref<81x256xf32, #tpu.memory_space<vmem>>, vector<16xf32>,
        %broadcast_in_dim3A_204 = arith.constant 0x7F800000 : f32
        %broadcast_in_dim3A_205 = vector.broadcast %broadcast_in_dim3A_204 : f32 to vector<16xf32>
        %swap3A_206 = arith.index_cast %scan3A_85 : i32 to index
        %swap3A_207 = arith.constant 112 : index
        %swap3A_208 = tpu.vector_load %arg25[%swap3A_206, %swap3A_207] {strides = array<i32>} : memref<81x256xf32, #tpu.memory_space<vmem>>, vector<16xf32>,
        tpu.vector_store %arg25[%swap3A_206, %swap3A_207], %broadcast_in_dim3A_205 {strides = array<i32>} : memref<81x256xf32, #tpu.memory_space<vmem>>, vector<16xf32>,
        %broadcast_in_dim3A_209 = arith.constant 0xFF800000 : f32
        %broadcast_in_dim3A_210 = vector.broadcast %broadcast_in_dim3A_209 : f32 to vector<16xf32>
        %swap3A_211 = arith.index_cast %scan3A_85 : i32 to index
        %swap3A_212 = arith.constant 112 : index
        %swap3A_213 = tpu.vector_load %arg26[%swap3A_211, %swap3A_212] {strides = array<i32>} : memref<81x256xf32, #tpu.memory_space<vmem>>, vector<16xf32>,
        tpu.vector_store %arg26[%swap3A_211, %swap3A_212], %broadcast_in_dim3A_210 {strides = array<i32>} : memref<81x256xf32, #tpu.memory_space<vmem>>, vector<16xf32>,
        %swap3A_214 = arith.index_cast %scan3A_85 : i32 to index
        %swap3A_215 = arith.constant 128 : index
        %swap3A_216 = tpu.vector_load %arg23[%swap3A_214, %swap3A_215] {strides = array<i32>} : memref<81x256xf32, #tpu.memory_space<vmem>>, vector<16xf32>,
        tpu.vector_store %arg23[%swap3A_214, %swap3A_215], %broadcast_in_dim3A_1 {strides = array<i32>} : memref<81x256xf32, #tpu.memory_space<vmem>>, vector<16xf32>,
        %swap3A_217 = arith.index_cast %scan3A_85 : i32 to index
        %swap3A_218 = arith.constant 128 : index
        %swap3A_219 = tpu.vector_load %arg24[%swap3A_217, %swap3A_218] {strides = array<i32>} : memref<81x256xf32, #tpu.memory_space<vmem>>, vector<16xf32>,
        tpu.vector_store %arg24[%swap3A_217, %swap3A_218], %broadcast_in_dim3A_1 {strides = array<i32>} : memref<81x256xf32, #tpu.memory_space<vmem>>, vector<16xf32>,
        %broadcast_in_dim3A_220 = arith.constant 0x7F800000 : f32
        %broadcast_in_dim3A_221 = vector.broadcast %broadcast_in_dim3A_220 : f32 to vector<16xf32>
        %swap3A_222 = arith.index_cast %scan3A_85 : i32 to index
        %swap3A_223 = arith.constant 128 : index
        %swap3A_224 = tpu.vector_load %arg25[%swap3A_222, %swap3A_223] {strides = array<i32>} : memref<81x256xf32, #tpu.memory_space<vmem>>, vector<16xf32>,
        tpu.vector_store %arg25[%swap3A_222, %swap3A_223], %broadcast_in_dim3A_221 {strides = array<i32>} : memref<81x256xf32, #tpu.memory_space<vmem>>, vector<16xf32>,
        %broadcast_in_dim3A_225 = arith.constant 0xFF800000 : f32
        %broadcast_in_dim3A_226 = vector.broadcast %broadcast_in_dim3A_225 : f32 to vector<16xf32>
        %swap3A_227 = arith.index_cast %scan3A_85 : i32 to index
        %swap3A_228 = arith.constant 128 : index
        %swap3A_229 = tpu.vector_load %arg26[%swap3A_227, %swap3A_228] {strides = array<i32>} : memref<81x256xf32, #tpu.memory_space<vmem>>, vector<16xf32>,
        tpu.vector_store %arg26[%swap3A_227, %swap3A_228], %broadcast_in_dim3A_226 {strides = array<i32>} : memref<81x256xf32, #tpu.memory_space<vmem>>, vector<16xf32>,
        %swap3A_230 = arith.index_cast %scan3A_85 : i32 to index
        %swap3A_231 = arith.constant 144 : index
        %swap3A_232 = tpu.vector_load %arg23[%swap3A_230, %swap3A_231] {strides = array<i32>} : memref<81x256xf32, #tpu.memory_space<vmem>>, vector<16xf32>,
        tpu.vector_store %arg23[%swap3A_230, %swap3A_231], %broadcast_in_dim3A_1 {strides = array<i32>} : memref<81x256xf32, #tpu.memory_space<vmem>>, vector<16xf32>,
        %swap3A_233 = arith.index_cast %scan3A_85 : i32 to index
        %swap3A_234 = arith.constant 144 : index
        %swap3A_235 = tpu.vector_load %arg24[%swap3A_233, %swap3A_234] {strides = array<i32>} : memref<81x256xf32, #tpu.memory_space<vmem>>, vector<16xf32>,
        tpu.vector_store %arg24[%swap3A_233, %swap3A_234], %broadcast_in_dim3A_1 {strides = array<i32>} : memref<81x256xf32, #tpu.memory_space<vmem>>, vector<16xf32>,
        %broadcast_in_dim3A_236 = arith.constant 0x7F800000 : f32
        %broadcast_in_dim3A_237 = vector.broadcast %broadcast_in_dim3A_236 : f32 to vector<16xf32>
        %swap3A_238 = arith.index_cast %scan3A_85 : i32 to index
        %swap3A_239 = arith.constant 144 : index
        %swap3A_240 = tpu.vector_load %arg25[%swap3A_238, %swap3A_239] {strides = array<i32>} : memref<81x256xf32, #tpu.memory_space<vmem>>, vector<16xf32>,
        tpu.vector_store %arg25[%swap3A_238, %swap3A_239], %broadcast_in_dim3A_237 {strides = array<i32>} : memref<81x256xf32, #tpu.memory_space<vmem>>, vector<16xf32>,
        %broadcast_in_dim3A_241 = arith.constant 0xFF800000 : f32
        %broadcast_in_dim3A_242 = vector.broadcast %broadcast_in_dim3A_241 : f32 to vector<16xf32>
        %swap3A_243 = arith.index_cast %scan3A_85 : i32 to index
        %swap3A_244 = arith.constant 144 : index
        %swap3A_245 = tpu.vector_load %arg26[%swap3A_243, %swap3A_244] {strides = array<i32>} : memref<81x256xf32, #tpu.memory_space<vmem>>, vector<16xf32>,
        tpu.vector_store %arg26[%swap3A_243, %swap3A_244], %broadcast_in_dim3A_242 {strides = array<i32>} : memref<81x256xf32, #tpu.memory_space<vmem>>, vector<16xf32>,
        %swap3A_246 = arith.index_cast %scan3A_85 : i32 to index
        %swap3A_247 = arith.constant 160 : index
        %swap3A_248 = tpu.vector_load %arg23[%swap3A_246, %swap3A_247] {strides = array<i32>} : memref<81x256xf32, #tpu.memory_space<vmem>>, vector<16xf32>,
        tpu.vector_store %arg23[%swap3A_246, %swap3A_247], %broadcast_in_dim3A_1 {strides = array<i32>} : memref<81x256xf32, #tpu.memory_space<vmem>>, vector<16xf32>,
        %swap3A_249 = arith.index_cast %scan3A_85 : i32 to index
        %swap3A_250 = arith.constant 160 : index
        %swap3A_251 = tpu.vector_load %arg24[%swap3A_249, %swap3A_250] {strides = array<i32>} : memref<81x256xf32, #tpu.memory_space<vmem>>, vector<16xf32>,
        tpu.vector_store %arg24[%swap3A_249, %swap3A_250], %broadcast_in_dim3A_1 {strides = array<i32>} : memref<81x256xf32, #tpu.memory_space<vmem>>, vector<16xf32>,
        %broadcast_in_dim3A_252 = arith.constant 0x7F800000 : f32
        %broadcast_in_dim3A_253 = vector.broadcast %broadcast_in_dim3A_252 : f32 to vector<16xf32>
        %swap3A_254 = arith.index_cast %scan3A_85 : i32 to index
        %swap3A_255 = arith.constant 160 : index
        %swap3A_256 = tpu.vector_load %arg25[%swap3A_254, %swap3A_255] {strides = array<i32>} : memref<81x256xf32, #tpu.memory_space<vmem>>, vector<16xf32>,
        tpu.vector_store %arg25[%swap3A_254, %swap3A_255], %broadcast_in_dim3A_253 {strides = array<i32>} : memref<81x256xf32, #tpu.memory_space<vmem>>, vector<16xf32>,
        %broadcast_in_dim3A_257 = arith.constant 0xFF800000 : f32
        %broadcast_in_dim3A_258 = vector.broadcast %broadcast_in_dim3A_257 : f32 to vector<16xf32>
        %swap3A_259 = arith.index_cast %scan3A_85 : i32 to index
        %swap3A_260 = arith.constant 160 : index
        %swap3A_261 = tpu.vector_load %arg26[%swap3A_259, %swap3A_260] {strides = array<i32>} : memref<81x256xf32, #tpu.memory_space<vmem>>, vector<16xf32>,
        tpu.vector_store %arg26[%swap3A_259, %swap3A_260], %broadcast_in_dim3A_258 {strides = array<i32>} : memref<81x256xf32, #tpu.memory_space<vmem>>, vector<16xf32>,
        %swap3A_262 = arith.index_cast %scan3A_85 : i32 to index
        %swap3A_263 = arith.constant 176 : index
        %swap3A_264 = tpu.vector_load %arg23[%swap3A_262, %swap3A_263] {strides = array<i32>} : memref<81x256xf32, #tpu.memory_space<vmem>>, vector<16xf32>,
        tpu.vector_store %arg23[%swap3A_262, %swap3A_263], %broadcast_in_dim3A_1 {strides = array<i32>} : memref<81x256xf32, #tpu.memory_space<vmem>>, vector<16xf32>,
        %swap3A_265 = arith.index_cast %scan3A_85 : i32 to index
        %swap3A_266 = arith.constant 176 : index
        %swap3A_267 = tpu.vector_load %arg24[%swap3A_265, %swap3A_266] {strides = array<i32>} : memref<81x256xf32, #tpu.memory_space<vmem>>, vector<16xf32>,
        tpu.vector_store %arg24[%swap3A_265, %swap3A_266], %broadcast_in_dim3A_1 {strides = array<i32>} : memref<81x256xf32, #tpu.memory_space<vmem>>, vector<16xf32>,
        %broadcast_in_dim3A_268 = arith.constant 0x7F800000 : f32
        %broadcast_in_dim3A_269 = vector.broadcast %broadcast_in_dim3A_268 : f32 to vector<16xf32>
        %swap3A_270 = arith.index_cast %scan3A_85 : i32 to index
        %swap3A_271 = arith.constant 176 : index
        %swap3A_272 = tpu.vector_load %arg25[%swap3A_270, %swap3A_271] {strides = array<i32>} : memref<81x256xf32, #tpu.memory_space<vmem>>, vector<16xf32>,
        tpu.vector_store %arg25[%swap3A_270, %swap3A_271], %broadcast_in_dim3A_269 {strides = array<i32>} : memref<81x256xf32, #tpu.memory_space<vmem>>, vector<16xf32>,
        %broadcast_in_dim3A_273 = arith.constant 0xFF800000 : f32
        %broadcast_in_dim3A_274 = vector.broadcast %broadcast_in_dim3A_273 : f32 to vector<16xf32>
        %swap3A_275 = arith.index_cast %scan3A_85 : i32 to index
        %swap3A_276 = arith.constant 176 : index
        %swap3A_277 = tpu.vector_load %arg26[%swap3A_275, %swap3A_276] {strides = array<i32>} : memref<81x256xf32, #tpu.memory_space<vmem>>, vector<16xf32>,
        tpu.vector_store %arg26[%swap3A_275, %swap3A_276], %broadcast_in_dim3A_274 {strides = array<i32>} : memref<81x256xf32, #tpu.memory_space<vmem>>, vector<16xf32>,
        %swap3A_278 = arith.index_cast %scan3A_85 : i32 to index
        %swap3A_279 = arith.constant 192 : index
        %swap3A_280 = tpu.vector_load %arg23[%swap3A_278, %swap3A_279] {strides = array<i32>} : memref<81x256xf32, #tpu.memory_space<vmem>>, vector<16xf32>,
        tpu.vector_store %arg23[%swap3A_278, %swap3A_279], %broadcast_in_dim3A_1 {strides = array<i32>} : memref<81x256xf32, #tpu.memory_space<vmem>>, vector<16xf32>,
        %swap3A_281 = arith.index_cast %scan3A_85 : i32 to index
        %swap3A_282 = arith.constant 192 : index
        %swap3A_283 = tpu.vector_load %arg24[%swap3A_281, %swap3A_282] {strides = array<i32>} : memref<81x256xf32, #tpu.memory_space<vmem>>, vector<16xf32>,
        tpu.vector_store %arg24[%swap3A_281, %swap3A_282], %broadcast_in_dim3A_1 {strides = array<i32>} : memref<81x256xf32, #tpu.memory_space<vmem>>, vector<16xf32>,
        %broadcast_in_dim3A_284 = arith.constant 0x7F800000 : f32
        %broadcast_in_dim3A_285 = vector.broadcast %broadcast_in_dim3A_284 : f32 to vector<16xf32>
        %swap3A_286 = arith.index_cast %scan3A_85 : i32 to index
        %swap3A_287 = arith.constant 192 : index
        %swap3A_288 = tpu.vector_load %arg25[%swap3A_286, %swap3A_287] {strides = array<i32>} : memref<81x256xf32, #tpu.memory_space<vmem>>, vector<16xf32>,
        tpu.vector_store %arg25[%swap3A_286, %swap3A_287], %broadcast_in_dim3A_285 {strides = array<i32>} : memref<81x256xf32, #tpu.memory_space<vmem>>, vector<16xf32>,
        %broadcast_in_dim3A_289 = arith.constant 0xFF800000 : f32
        %broadcast_in_dim3A_290 = vector.broadcast %broadcast_in_dim3A_289 : f32 to vector<16xf32>
        %swap3A_291 = arith.index_cast %scan3A_85 : i32 to index
        %swap3A_292 = arith.constant 192 : index
        %swap3A_293 = tpu.vector_load %arg26[%swap3A_291, %swap3A_292] {strides = array<i32>} : memref<81x256xf32, #tpu.memory_space<vmem>>, vector<16xf32>,
        tpu.vector_store %arg26[%swap3A_291, %swap3A_292], %broadcast_in_dim3A_290 {strides = array<i32>} : memref<81x256xf32, #tpu.memory_space<vmem>>, vector<16xf32>,
        %swap3A_294 = arith.index_cast %scan3A_85 : i32 to index
        %swap3A_295 = arith.constant 208 : index
        %swap3A_296 = tpu.vector_load %arg23[%swap3A_294, %swap3A_295] {strides = array<i32>} : memref<81x256xf32, #tpu.memory_space<vmem>>, vector<16xf32>,
        tpu.vector_store %arg23[%swap3A_294, %swap3A_295], %broadcast_in_dim3A_1 {strides = array<i32>} : memref<81x256xf32, #tpu.memory_space<vmem>>, vector<16xf32>,
        %swap3A_297 = arith.index_cast %scan3A_85 : i32 to index
        %swap3A_298 = arith.constant 208 : index
        %swap3A_299 = tpu.vector_load %arg24[%swap3A_297, %swap3A_298] {strides = array<i32>} : memref<81x256xf32, #tpu.memory_space<vmem>>, vector<16xf32>,
        tpu.vector_store %arg24[%swap3A_297, %swap3A_298], %broadcast_in_dim3A_1 {strides = array<i32>} : memref<81x256xf32, #tpu.memory_space<vmem>>, vector<16xf32>,
        %broadcast_in_dim3A_300 = arith.constant 0x7F800000 : f32
        %broadcast_in_dim3A_301 = vector.broadcast %broadcast_in_dim3A_300 : f32 to vector<16xf32>
        %swap3A_302 = arith.index_cast %scan3A_85 : i32 to index
        %swap3A_303 = arith.constant 208 : index
        %swap3A_304 = tpu.vector_load %arg25[%swap3A_302, %swap3A_303] {strides = array<i32>} : memref<81x256xf32, #tpu.memory_space<vmem>>, vector<16xf32>,
        tpu.vector_store %arg25[%swap3A_302, %swap3A_303], %broadcast_in_dim3A_301 {strides = array<i32>} : memref<81x256xf32, #tpu.memory_space<vmem>>, vector<16xf32>,
        %broadcast_in_dim3A_305 = arith.constant 0xFF800000 : f32
        %broadcast_in_dim3A_306 = vector.broadcast %broadcast_in_dim3A_305 : f32 to vector<16xf32>
        %swap3A_307 = arith.index_cast %scan3A_85 : i32 to index
        %swap3A_308 = arith.constant 208 : index
        %swap3A_309 = tpu.vector_load %arg26[%swap3A_307, %swap3A_308] {strides = array<i32>} : memref<81x256xf32, #tpu.memory_space<vmem>>, vector<16xf32>,
        tpu.vector_store %arg26[%swap3A_307, %swap3A_308], %broadcast_in_dim3A_306 {strides = array<i32>} : memref<81x256xf32, #tpu.memory_space<vmem>>, vector<16xf32>,
        %swap3A_310 = arith.index_cast %scan3A_85 : i32 to index
        %swap3A_311 = arith.constant 224 : index
        %swap3A_312 = tpu.vector_load %arg23[%swap3A_310, %swap3A_311] {strides = array<i32>} : memref<81x256xf32, #tpu.memory_space<vmem>>, vector<16xf32>,
        tpu.vector_store %arg23[%swap3A_310, %swap3A_311], %broadcast_in_dim3A_1 {strides = array<i32>} : memref<81x256xf32, #tpu.memory_space<vmem>>, vector<16xf32>,
        %swap3A_313 = arith.index_cast %scan3A_85 : i32 to index
        %swap3A_314 = arith.constant 224 : index
        %swap3A_315 = tpu.vector_load %arg24[%swap3A_313, %swap3A_314] {strides = array<i32>} : memref<81x256xf32, #tpu.memory_space<vmem>>, vector<16xf32>,
        tpu.vector_store %arg24[%swap3A_313, %swap3A_314], %broadcast_in_dim3A_1 {strides = array<i32>} : memref<81x256xf32, #tpu.memory_space<vmem>>, vector<16xf32>,
        %broadcast_in_dim3A_316 = arith.constant 0x7F800000 : f32
        %broadcast_in_dim3A_317 = vector.broadcast %broadcast_in_dim3A_316 : f32 to vector<16xf32>
        %swap3A_318 = arith.index_cast %scan3A_85 : i32 to index
        %swap3A_319 = arith.constant 224 : index
        %swap3A_320 = tpu.vector_load %arg25[%swap3A_318, %swap3A_319] {strides = array<i32>} : memref<81x256xf32, #tpu.memory_space<vmem>>, vector<16xf32>,
        tpu.vector_store %arg25[%swap3A_318, %swap3A_319], %broadcast_in_dim3A_317 {strides = array<i32>} : memref<81x256xf32, #tpu.memory_space<vmem>>, vector<16xf32>,
        %broadcast_in_dim3A_321 = arith.constant 0xFF800000 : f32
        %broadcast_in_dim3A_322 = vector.broadcast %broadcast_in_dim3A_321 : f32 to vector<16xf32>
        %swap3A_323 = arith.index_cast %scan3A_85 : i32 to index
        %swap3A_324 = arith.constant 224 : index
        %swap3A_325 = tpu.vector_load %arg26[%swap3A_323, %swap3A_324] {strides = array<i32>} : memref<81x256xf32, #tpu.memory_space<vmem>>, vector<16xf32>,
        tpu.vector_store %arg26[%swap3A_323, %swap3A_324], %broadcast_in_dim3A_322 {strides = array<i32>} : memref<81x256xf32, #tpu.memory_space<vmem>>, vector<16xf32>,
        %swap3A_326 = arith.index_cast %scan3A_85 : i32 to index
        %swap3A_327 = arith.constant 240 : index
        %swap3A_328 = tpu.vector_load %arg23[%swap3A_326, %swap3A_327] {strides = array<i32>} : memref<81x256xf32, #tpu.memory_space<vmem>>, vector<16xf32>,
        tpu.vector_store %arg23[%swap3A_326, %swap3A_327], %broadcast_in_dim3A_1 {strides = array<i32>} : memref<81x256xf32, #tpu.memory_space<vmem>>, vector<16xf32>,
        %swap3A_329 = arith.index_cast %scan3A_85 : i32 to index
        %swap3A_330 = arith.constant 240 : index
        %swap3A_331 = tpu.vector_load %arg24[%swap3A_329, %swap3A_330] {strides = array<i32>} : memref<81x256xf32, #tpu.memory_space<vmem>>, vector<16xf32>,
        tpu.vector_store %arg24[%swap3A_329, %swap3A_330], %broadcast_in_dim3A_1 {strides = array<i32>} : memref<81x256xf32, #tpu.memory_space<vmem>>, vector<16xf32>,
        %broadcast_in_dim3A_332 = arith.constant 0x7F800000 : f32
        %broadcast_in_dim3A_333 = vector.broadcast %broadcast_in_dim3A_332 : f32 to vector<16xf32>
        %swap3A_334 = arith.index_cast %scan3A_85 : i32 to index
        %swap3A_335 = arith.constant 240 : index
        %swap3A_336 = tpu.vector_load %arg25[%swap3A_334, %swap3A_335] {strides = array<i32>} : memref<81x256xf32, #tpu.memory_space<vmem>>, vector<16xf32>,
        tpu.vector_store %arg25[%swap3A_334, %swap3A_335], %broadcast_in_dim3A_333 {strides = array<i32>} : memref<81x256xf32, #tpu.memory_space<vmem>>, vector<16xf32>,
        %broadcast_in_dim3A_337 = arith.constant 0xFF800000 : f32
        %broadcast_in_dim3A_338 = vector.broadcast %broadcast_in_dim3A_337 : f32 to vector<16xf32>
        %swap3A_339 = arith.index_cast %scan3A_85 : i32 to index
        %swap3A_340 = arith.constant 240 : index
        %swap3A_341 = tpu.vector_load %arg26[%swap3A_339, %swap3A_340] {strides = array<i32>} : memref<81x256xf32, #tpu.memory_space<vmem>>, vector<16xf32>,
        tpu.vector_store %arg26[%swap3A_339, %swap3A_340], %broadcast_in_dim3A_338 {strides = array<i32>} : memref<81x256xf32, #tpu.memory_space<vmem>>, vector<16xf32>,
        %swap3A_342 = arith.index_cast %scan3A_85 : i32 to index
        %swap3A_343 = arith.constant 0 : index
        %swap3A_344 = tpu.vector_load %arg27[%swap3A_342, %swap3A_343] {strides = array<i32>} : memref<81x16xf32, #tpu.memory_space<vmem>>, vector<16xf32>,
        tpu.vector_store %arg27[%swap3A_342, %swap3A_343], %broadcast_in_dim3A_1 {strides = array<i32>} : memref<81x16xf32, #tpu.memory_space<vmem>>, vector<16xf32>,
        %scan3A_345 = arith.constant 0 : i32
        scf.yield %scan3A_345 : i32
      }
      %scan3A_76 = arith.constant 80 : i32
      %scan3A_77 = arith.constant 0 : i32
      %scan3A_78 = arith.constant 0 : i32
      %scan3A_79 = arith.constant 80 : i32
      %scan3A_80 = arith.addi %scan3A_78, %scan3A_79 : i32
      %scan3A_81 = arith.constant 1 : i32
      %scan3A_82 = scf.for %scan3A_85 = %scan3A_78 to %scan3A_80 step %scan3A_81 iter_args(%scan3A_86 = %scan3A_77) -> (i32)  : i32 {
        %and3A = arith.constant 1 : i32
        %and3A_87 = arith.andi %scan3A_85, %and3A : i32
        %eq3A_88 = arith.constant 0 : i32
        %eq3A_89 = arith.cmpi eq, %and3A_87, %eq3A_88 : i32
        %convert_element_type3A = arith.extui %eq3A_89 : i1 to i32
        %cond3A = arith.constant 0 : i32
        %cond3A_90 = arith.cmpi ne, %convert_element_type3A, %cond3A : i32
        scf.if %cond3A_90 {
          %mul3A_169 = arith.constant 2000 : i32
          %mul3A_170 = arith.muli %scan3A_85, %mul3A_169 : i32
          %dma_wait3A = arith.constant 0 : i32
          %dma_wait3A_171 = arith.constant 0 : i32
          %dma_wait3A_172 = tpu.memref_slice %arg13[%dma_wait3A, %dma_wait3A_171] : memref<2x2000xi32, #tpu.memory_space<vmem>> -> memref<1x2000xi32, #tpu.memory_space<vmem>>
          %dma_wait3A_173 = tpu.memref_squeeze %dma_wait3A_172 : memref<1x2000xi32, #tpu.memory_space<vmem>> -> memref<2000xi32, #tpu.memory_space<vmem>>
          %dma_wait3A_174 = tpu.memref_slice %arg2[%mul3A_170] : memref<160000xi32, #tpu.memory_space<hbm>> -> memref<2000xi32, #tpu.memory_space<hbm>>
          %dma_wait3A_175 = arith.constant 0 : i32
          %dma_wait3A_176 = tpu.memref_slice %arg13[%dma_wait3A, %dma_wait3A_175] : memref<2x2000xi32, #tpu.memory_space<vmem>> -> memref<1x2000xi32, #tpu.memory_space<vmem>>
          %dma_wait3A_177 = tpu.memref_squeeze %dma_wait3A_176 : memref<1x2000xi32, #tpu.memory_space<vmem>> -> memref<2000xi32, #tpu.memory_space<vmem>>
          %dma_wait3A_178 = tpu.memref_slice %arg2[%mul3A_170] : memref<160000xi32, #tpu.memory_space<hbm>> -> memref<2000xi32, #tpu.memory_space<hbm>>
          tpu.wait_dma2 semaphore(%arg28 : memref<!tpu.dma_semaphore, #tpu.memory_space<semaphore_mem>>) src(%dma_wait3A_178 : memref<2000xi32, #tpu.memory_space<hbm>>) dst(%dma_wait3A_177 : memref<2000xi32, #tpu.memory_space<vmem>>)
          %mul3A_179 = arith.constant 2000 : i32
          %mul3A_180 = arith.muli %scan3A_85, %mul3A_179 : i32
          %dma_wait3A_181 = arith.constant 0 : i32
          %dma_wait3A_182 = arith.constant 0 : i32
          %dma_wait3A_183 = tpu.memref_slice %arg14[%dma_wait3A_181, %dma_wait3A_182] : memref<2x2000xi32, #tpu.memory_space<vmem>> -> memref<1x2000xi32, #tpu.memory_space<vmem>>
          %dma_wait3A_184 = tpu.memref_squeeze %dma_wait3A_183 : memref<1x2000xi32, #tpu.memory_space<vmem>> -> memref<2000xi32, #tpu.memory_space<vmem>>
          %dma_wait3A_185 = tpu.memref_slice %arg3[%mul3A_180] : memref<160000xi32, #tpu.memory_space<hbm>> -> memref<2000xi32, #tpu.memory_space<hbm>>
          %dma_wait3A_186 = arith.constant 0 : i32
          %dma_wait3A_187 = tpu.memref_slice %arg14[%dma_wait3A_181, %dma_wait3A_186] : memref<2x2000xi32, #tpu.memory_space<vmem>> -> memref<1x2000xi32, #tpu.memory_space<vmem>>
          %dma_wait3A_188 = tpu.memref_squeeze %dma_wait3A_187 : memref<1x2000xi32, #tpu.memory_space<vmem>> -> memref<2000xi32, #tpu.memory_space<vmem>>
          %dma_wait3A_189 = tpu.memref_slice %arg3[%mul3A_180] : memref<160000xi32, #tpu.memory_space<hbm>> -> memref<2000xi32, #tpu.memory_space<hbm>>
          tpu.wait_dma2 semaphore(%arg28 : memref<!tpu.dma_semaphore, #tpu.memory_space<semaphore_mem>>) src(%dma_wait3A_189 : memref<2000xi32, #tpu.memory_space<hbm>>) dst(%dma_wait3A_188 : memref<2000xi32, #tpu.memory_space<vmem>>)
          %mul3A_190 = arith.constant 2000 : i32
          %mul3A_191 = arith.muli %scan3A_85, %mul3A_190 : i32
          %dma_wait3A_192 = arith.constant 0 : i32
          %dma_wait3A_193 = arith.constant 0 : i32
          %dma_wait3A_194 = tpu.memref_slice %arg15[%dma_wait3A_192, %dma_wait3A_193] : memref<2x2000xf32, #tpu.memory_space<vmem>> -> memref<1x2000xf32, #tpu.memory_space<vmem>>
          %dma_wait3A_195 = tpu.memref_squeeze %dma_wait3A_194 : memref<1x2000xf32, #tpu.memory_space<vmem>> -> memref<2000xf32, #tpu.memory_space<vmem>>
          %dma_wait3A_196 = tpu.memref_slice %arg4[%mul3A_191] : memref<160000xf32, #tpu.memory_space<hbm>> -> memref<2000xf32, #tpu.memory_space<hbm>>
          %dma_wait3A_197 = arith.constant 0 : i32
          %dma_wait3A_198 = tpu.memref_slice %arg15[%dma_wait3A_192, %dma_wait3A_197] : memref<2x2000xf32, #tpu.memory_space<vmem>> -> memref<1x2000xf32, #tpu.memory_space<vmem>>
          %dma_wait3A_199 = tpu.memref_squeeze %dma_wait3A_198 : memref<1x2000xf32, #tpu.memory_space<vmem>> -> memref<2000xf32, #tpu.memory_space<vmem>>
          %dma_wait3A_200 = tpu.memref_slice %arg4[%mul3A_191] : memref<160000xf32, #tpu.memory_space<hbm>> -> memref<2000xf32, #tpu.memory_space<hbm>>
          tpu.wait_dma2 semaphore(%arg28 : memref<!tpu.dma_semaphore, #tpu.memory_space<semaphore_mem>>) src(%dma_wait3A_200 : memref<2000xf32, #tpu.memory_space<hbm>>) dst(%dma_wait3A_199 : memref<2000xf32, #tpu.memory_space<vmem>>)
          %mul3A_201 = arith.constant 2000 : i32
          %mul3A_202 = arith.muli %scan3A_85, %mul3A_201 : i32
          %dma_wait3A_203 = arith.constant 0 : i32
          %dma_wait3A_204 = arith.constant 0 : i32
          %dma_wait3A_205 = tpu.memref_slice %arg16[%dma_wait3A_203, %dma_wait3A_204] : memref<2x2000xf32, #tpu.memory_space<vmem>> -> memref<1x2000xf32, #tpu.memory_space<vmem>>
          %dma_wait3A_206 = tpu.memref_squeeze %dma_wait3A_205 : memref<1x2000xf32, #tpu.memory_space<vmem>> -> memref<2000xf32, #tpu.memory_space<vmem>>
          %dma_wait3A_207 = tpu.memref_slice %arg5[%mul3A_202] : memref<160000xf32, #tpu.memory_space<hbm>> -> memref<2000xf32, #tpu.memory_space<hbm>>
          %dma_wait3A_208 = arith.constant 0 : i32
          %dma_wait3A_209 = tpu.memref_slice %arg16[%dma_wait3A_203, %dma_wait3A_208] : memref<2x2000xf32, #tpu.memory_space<vmem>> -> memref<1x2000xf32, #tpu.memory_space<vmem>>
          %dma_wait3A_210 = tpu.memref_squeeze %dma_wait3A_209 : memref<1x2000xf32, #tpu.memory_space<vmem>> -> memref<2000xf32, #tpu.memory_space<vmem>>
          %dma_wait3A_211 = tpu.memref_slice %arg5[%mul3A_202] : memref<160000xf32, #tpu.memory_space<hbm>> -> memref<2000xf32, #tpu.memory_space<hbm>>
          tpu.wait_dma2 semaphore(%arg28 : memref<!tpu.dma_semaphore, #tpu.memory_space<semaphore_mem>>) src(%dma_wait3A_211 : memref<2000xf32, #tpu.memory_space<hbm>>) dst(%dma_wait3A_210 : memref<2000xf32, #tpu.memory_space<vmem>>)
        } else {
        }
        %eq3A_91 = arith.constant 1 : i32
        %eq3A_92 = arith.cmpi eq, %and3A_87, %eq3A_91 : i32
        %convert_element_type3A_93 = arith.extui %eq3A_92 : i1 to i32
        %cond3A_94 = arith.constant 0 : i32
        %cond3A_95 = arith.cmpi ne, %convert_element_type3A_93, %cond3A_94 : i32
        scf.if %cond3A_95 {
          %mul3A_169 = arith.constant 2000 : i32
          %mul3A_170 = arith.muli %scan3A_85, %mul3A_169 : i32
          %dma_wait3A = arith.constant 1 : i32
          %dma_wait3A_171 = arith.constant 0 : i32
          %dma_wait3A_172 = tpu.memref_slice %arg13[%dma_wait3A, %dma_wait3A_171] : memref<2x2000xi32, #tpu.memory_space<vmem>> -> memref<1x2000xi32, #tpu.memory_space<vmem>>
          %dma_wait3A_173 = tpu.memref_squeeze %dma_wait3A_172 : memref<1x2000xi32, #tpu.memory_space<vmem>> -> memref<2000xi32, #tpu.memory_space<vmem>>
          %dma_wait3A_174 = tpu.memref_slice %arg2[%mul3A_170] : memref<160000xi32, #tpu.memory_space<hbm>> -> memref<2000xi32, #tpu.memory_space<hbm>>
          %dma_wait3A_175 = arith.constant 0 : i32
          %dma_wait3A_176 = tpu.memref_slice %arg13[%dma_wait3A, %dma_wait3A_175] : memref<2x2000xi32, #tpu.memory_space<vmem>> -> memref<1x2000xi32, #tpu.memory_space<vmem>>
          %dma_wait3A_177 = tpu.memref_squeeze %dma_wait3A_176 : memref<1x2000xi32, #tpu.memory_space<vmem>> -> memref<2000xi32, #tpu.memory_space<vmem>>
          %dma_wait3A_178 = tpu.memref_slice %arg2[%mul3A_170] : memref<160000xi32, #tpu.memory_space<hbm>> -> memref<2000xi32, #tpu.memory_space<hbm>>
          tpu.wait_dma2 semaphore(%arg29 : memref<!tpu.dma_semaphore, #tpu.memory_space<semaphore_mem>>) src(%dma_wait3A_178 : memref<2000xi32, #tpu.memory_space<hbm>>) dst(%dma_wait3A_177 : memref<2000xi32, #tpu.memory_space<vmem>>)
          %mul3A_179 = arith.constant 2000 : i32
          %mul3A_180 = arith.muli %scan3A_85, %mul3A_179 : i32
          %dma_wait3A_181 = arith.constant 1 : i32
          %dma_wait3A_182 = arith.constant 0 : i32
          %dma_wait3A_183 = tpu.memref_slice %arg14[%dma_wait3A_181, %dma_wait3A_182] : memref<2x2000xi32, #tpu.memory_space<vmem>> -> memref<1x2000xi32, #tpu.memory_space<vmem>>
          %dma_wait3A_184 = tpu.memref_squeeze %dma_wait3A_183 : memref<1x2000xi32, #tpu.memory_space<vmem>> -> memref<2000xi32, #tpu.memory_space<vmem>>
          %dma_wait3A_185 = tpu.memref_slice %arg3[%mul3A_180] : memref<160000xi32, #tpu.memory_space<hbm>> -> memref<2000xi32, #tpu.memory_space<hbm>>
          %dma_wait3A_186 = arith.constant 0 : i32
          %dma_wait3A_187 = tpu.memref_slice %arg14[%dma_wait3A_181, %dma_wait3A_186] : memref<2x2000xi32, #tpu.memory_space<vmem>> -> memref<1x2000xi32, #tpu.memory_space<vmem>>
          %dma_wait3A_188 = tpu.memref_squeeze %dma_wait3A_187 : memref<1x2000xi32, #tpu.memory_space<vmem>> -> memref<2000xi32, #tpu.memory_space<vmem>>
          %dma_wait3A_189 = tpu.memref_slice %arg3[%mul3A_180] : memref<160000xi32, #tpu.memory_space<hbm>> -> memref<2000xi32, #tpu.memory_space<hbm>>
          tpu.wait_dma2 semaphore(%arg29 : memref<!tpu.dma_semaphore, #tpu.memory_space<semaphore_mem>>) src(%dma_wait3A_189 : memref<2000xi32, #tpu.memory_space<hbm>>) dst(%dma_wait3A_188 : memref<2000xi32, #tpu.memory_space<vmem>>)
          %mul3A_190 = arith.constant 2000 : i32
          %mul3A_191 = arith.muli %scan3A_85, %mul3A_190 : i32
          %dma_wait3A_192 = arith.constant 1 : i32
          %dma_wait3A_193 = arith.constant 0 : i32
          %dma_wait3A_194 = tpu.memref_slice %arg15[%dma_wait3A_192, %dma_wait3A_193] : memref<2x2000xf32, #tpu.memory_space<vmem>> -> memref<1x2000xf32, #tpu.memory_space<vmem>>
          %dma_wait3A_195 = tpu.memref_squeeze %dma_wait3A_194 : memref<1x2000xf32, #tpu.memory_space<vmem>> -> memref<2000xf32, #tpu.memory_space<vmem>>
          %dma_wait3A_196 = tpu.memref_slice %arg4[%mul3A_191] : memref<160000xf32, #tpu.memory_space<hbm>> -> memref<2000xf32, #tpu.memory_space<hbm>>
          %dma_wait3A_197 = arith.constant 0 : i32
          %dma_wait3A_198 = tpu.memref_slice %arg15[%dma_wait3A_192, %dma_wait3A_197] : memref<2x2000xf32, #tpu.memory_space<vmem>> -> memref<1x2000xf32, #tpu.memory_space<vmem>>
          %dma_wait3A_199 = tpu.memref_squeeze %dma_wait3A_198 : memref<1x2000xf32, #tpu.memory_space<vmem>> -> memref<2000xf32, #tpu.memory_space<vmem>>
          %dma_wait3A_200 = tpu.memref_slice %arg4[%mul3A_191] : memref<160000xf32, #tpu.memory_space<hbm>> -> memref<2000xf32, #tpu.memory_space<hbm>>
          tpu.wait_dma2 semaphore(%arg29 : memref<!tpu.dma_semaphore, #tpu.memory_space<semaphore_mem>>) src(%dma_wait3A_200 : memref<2000xf32, #tpu.memory_space<hbm>>) dst(%dma_wait3A_199 : memref<2000xf32, #tpu.memory_space<vmem>>)
          %mul3A_201 = arith.constant 2000 : i32
          %mul3A_202 = arith.muli %scan3A_85, %mul3A_201 : i32
          %dma_wait3A_203 = arith.constant 1 : i32
          %dma_wait3A_204 = arith.constant 0 : i32
          %dma_wait3A_205 = tpu.memref_slice %arg16[%dma_wait3A_203, %dma_wait3A_204] : memref<2x2000xf32, #tpu.memory_space<vmem>> -> memref<1x2000xf32, #tpu.memory_space<vmem>>
          %dma_wait3A_206 = tpu.memref_squeeze %dma_wait3A_205 : memref<1x2000xf32, #tpu.memory_space<vmem>> -> memref<2000xf32, #tpu.memory_space<vmem>>
          %dma_wait3A_207 = tpu.memref_slice %arg5[%mul3A_202] : memref<160000xf32, #tpu.memory_space<hbm>> -> memref<2000xf32, #tpu.memory_space<hbm>>
          %dma_wait3A_208 = arith.constant 0 : i32
          %dma_wait3A_209 = tpu.memref_slice %arg16[%dma_wait3A_203, %dma_wait3A_208] : memref<2x2000xf32, #tpu.memory_space<vmem>> -> memref<1x2000xf32, #tpu.memory_space<vmem>>
          %dma_wait3A_210 = tpu.memref_squeeze %dma_wait3A_209 : memref<1x2000xf32, #tpu.memory_space<vmem>> -> memref<2000xf32, #tpu.memory_space<vmem>>
          %dma_wait3A_211 = tpu.memref_slice %arg5[%mul3A_202] : memref<160000xf32, #tpu.memory_space<hbm>> -> memref<2000xf32, #tpu.memory_space<hbm>>
          tpu.wait_dma2 semaphore(%arg29 : memref<!tpu.dma_semaphore, #tpu.memory_space<semaphore_mem>>) src(%dma_wait3A_211 : memref<2000xf32, #tpu.memory_space<hbm>>) dst(%dma_wait3A_210 : memref<2000xf32, #tpu.memory_space<vmem>>)
        } else {
        }
        %add3A_96 = arith.constant 1 : i32
        %add3A_97 = arith.addi %scan3A_85, %add3A_96 : i32
        %lt3A = arith.constant 80 : i32
        %lt3A_98 = arith.cmpi slt, %add3A_97, %lt3A : i32
        %convert_element_type3A_99 = arith.extui %lt3A_98 : i1 to i32
        %cond3A_100 = arith.constant 0 : i32
        %cond3A_101 = arith.cmpi ne, %convert_element_type3A_99, %cond3A_100 : i32
        scf.if %cond3A_101 {
          %eq3A_169 = arith.constant 0 : i32
          %eq3A_170 = arith.cmpi eq, %and3A_87, %eq3A_169 : i32
          %convert_element_type3A_171 = arith.extui %eq3A_170 : i1 to i32
          %cond3A_172 = arith.constant 0 : i32
          %cond3A_173 = arith.cmpi ne, %convert_element_type3A_171, %cond3A_172 : i32
          scf.if %cond3A_173 {
            %add3A_179 = arith.constant 1 : i32
            %add3A_180 = arith.addi %scan3A_85, %add3A_179 : i32
            %mul3A_181 = arith.constant 2000 : i32
            %mul3A_182 = arith.muli %add3A_180, %mul3A_181 : i32
            %dma_start3A_183 = arith.constant 1 : i32
            %dma_start3A_184 = arith.constant 0 : i32
            %dma_start3A_185 = tpu.memref_slice %arg13[%dma_start3A_183, %dma_start3A_184] : memref<2x2000xi32, #tpu.memory_space<vmem>> -> memref<1x2000xi32, #tpu.memory_space<vmem>>
            %dma_start3A_186 = tpu.memref_squeeze %dma_start3A_185 : memref<1x2000xi32, #tpu.memory_space<vmem>> -> memref<2000xi32, #tpu.memory_space<vmem>>
            %dma_start3A_187 = tpu.memref_slice %arg2[%mul3A_182] : memref<160000xi32, #tpu.memory_space<hbm>> -> memref<2000xi32, #tpu.memory_space<hbm>>
            %dma_start3A_188 = arith.constant 0 : i32
            %dma_start3A_189 = tpu.memref_slice %arg13[%dma_start3A_183, %dma_start3A_188] : memref<2x2000xi32, #tpu.memory_space<vmem>> -> memref<1x2000xi32, #tpu.memory_space<vmem>>
            %dma_start3A_190 = tpu.memref_squeeze %dma_start3A_189 : memref<1x2000xi32, #tpu.memory_space<vmem>> -> memref<2000xi32, #tpu.memory_space<vmem>>
            %dma_start3A_191 = tpu.memref_slice %arg2[%mul3A_182] : memref<160000xi32, #tpu.memory_space<hbm>> -> memref<2000xi32, #tpu.memory_space<hbm>>
            tpu.enqueue_dma source(%dma_start3A_191 : memref<2000xi32, #tpu.memory_space<hbm>>) target(%dma_start3A_190 : memref<2000xi32, #tpu.memory_space<vmem>>) target_semaphore(%arg29 : memref<!tpu.dma_semaphore, #tpu.memory_space<semaphore_mem>>)
            %mul3A_192 = arith.constant 2000 : i32
            %mul3A_193 = arith.muli %add3A_180, %mul3A_192 : i32
            %dma_start3A_194 = arith.constant 1 : i32
            %dma_start3A_195 = arith.constant 0 : i32
            %dma_start3A_196 = tpu.memref_slice %arg14[%dma_start3A_194, %dma_start3A_195] : memref<2x2000xi32, #tpu.memory_space<vmem>> -> memref<1x2000xi32, #tpu.memory_space<vmem>>
            %dma_start3A_197 = tpu.memref_squeeze %dma_start3A_196 : memref<1x2000xi32, #tpu.memory_space<vmem>> -> memref<2000xi32, #tpu.memory_space<vmem>>
            %dma_start3A_198 = tpu.memref_slice %arg3[%mul3A_193] : memref<160000xi32, #tpu.memory_space<hbm>> -> memref<2000xi32, #tpu.memory_space<hbm>>
            %dma_start3A_199 = arith.constant 0 : i32
            %dma_start3A_200 = tpu.memref_slice %arg14[%dma_start3A_194, %dma_start3A_199] : memref<2x2000xi32, #tpu.memory_space<vmem>> -> memref<1x2000xi32, #tpu.memory_space<vmem>>
            %dma_start3A_201 = tpu.memref_squeeze %dma_start3A_200 : memref<1x2000xi32, #tpu.memory_space<vmem>> -> memref<2000xi32, #tpu.memory_space<vmem>>
            %dma_start3A_202 = tpu.memref_slice %arg3[%mul3A_193] : memref<160000xi32, #tpu.memory_space<hbm>> -> memref<2000xi32, #tpu.memory_space<hbm>>
            tpu.enqueue_dma source(%dma_start3A_202 : memref<2000xi32, #tpu.memory_space<hbm>>) target(%dma_start3A_201 : memref<2000xi32, #tpu.memory_space<vmem>>) target_semaphore(%arg29 : memref<!tpu.dma_semaphore, #tpu.memory_space<semaphore_mem>>)
            %mul3A_203 = arith.constant 2000 : i32
            %mul3A_204 = arith.muli %add3A_180, %mul3A_203 : i32
            %dma_start3A_205 = arith.constant 1 : i32
            %dma_start3A_206 = arith.constant 0 : i32
            %dma_start3A_207 = tpu.memref_slice %arg15[%dma_start3A_205, %dma_start3A_206] : memref<2x2000xf32, #tpu.memory_space<vmem>> -> memref<1x2000xf32, #tpu.memory_space<vmem>>
            %dma_start3A_208 = tpu.memref_squeeze %dma_start3A_207 : memref<1x2000xf32, #tpu.memory_space<vmem>> -> memref<2000xf32, #tpu.memory_space<vmem>>
            %dma_start3A_209 = tpu.memref_slice %arg4[%mul3A_204] : memref<160000xf32, #tpu.memory_space<hbm>> -> memref<2000xf32, #tpu.memory_space<hbm>>
            %dma_start3A_210 = arith.constant 0 : i32
            %dma_start3A_211 = tpu.memref_slice %arg15[%dma_start3A_205, %dma_start3A_210] : memref<2x2000xf32, #tpu.memory_space<vmem>> -> memref<1x2000xf32, #tpu.memory_space<vmem>>
            %dma_start3A_212 = tpu.memref_squeeze %dma_start3A_211 : memref<1x2000xf32, #tpu.memory_space<vmem>> -> memref<2000xf32, #tpu.memory_space<vmem>>
            %dma_start3A_213 = tpu.memref_slice %arg4[%mul3A_204] : memref<160000xf32, #tpu.memory_space<hbm>> -> memref<2000xf32, #tpu.memory_space<hbm>>
            tpu.enqueue_dma source(%dma_start3A_213 : memref<2000xf32, #tpu.memory_space<hbm>>) target(%dma_start3A_212 : memref<2000xf32, #tpu.memory_space<vmem>>) target_semaphore(%arg29 : memref<!tpu.dma_semaphore, #tpu.memory_space<semaphore_mem>>)
            %mul3A_214 = arith.constant 2000 : i32
            %mul3A_215 = arith.muli %add3A_180, %mul3A_214 : i32
            %dma_start3A_216 = arith.constant 1 : i32
            %dma_start3A_217 = arith.constant 0 : i32
            %dma_start3A_218 = tpu.memref_slice %arg16[%dma_start3A_216, %dma_start3A_217] : memref<2x2000xf32, #tpu.memory_space<vmem>> -> memref<1x2000xf32, #tpu.memory_space<vmem>>
            %dma_start3A_219 = tpu.memref_squeeze %dma_start3A_218 : memref<1x2000xf32, #tpu.memory_space<vmem>> -> memref<2000xf32, #tpu.memory_space<vmem>>
            %dma_start3A_220 = tpu.memref_slice %arg5[%mul3A_215] : memref<160000xf32, #tpu.memory_space<hbm>> -> memref<2000xf32, #tpu.memory_space<hbm>>
            %dma_start3A_221 = arith.constant 0 : i32
            %dma_start3A_222 = tpu.memref_slice %arg16[%dma_start3A_216, %dma_start3A_221] : memref<2x2000xf32, #tpu.memory_space<vmem>> -> memref<1x2000xf32, #tpu.memory_space<vmem>>
            %dma_start3A_223 = tpu.memref_squeeze %dma_start3A_222 : memref<1x2000xf32, #tpu.memory_space<vmem>> -> memref<2000xf32, #tpu.memory_space<vmem>>
            %dma_start3A_224 = tpu.memref_slice %arg5[%mul3A_215] : memref<160000xf32, #tpu.memory_space<hbm>> -> memref<2000xf32, #tpu.memory_space<hbm>>
            tpu.enqueue_dma source(%dma_start3A_224 : memref<2000xf32, #tpu.memory_space<hbm>>) target(%dma_start3A_223 : memref<2000xf32, #tpu.memory_space<vmem>>) target_semaphore(%arg29 : memref<!tpu.dma_semaphore, #tpu.memory_space<semaphore_mem>>)
          } else {
          }
          %eq3A_174 = arith.constant 1 : i32
          %eq3A_175 = arith.cmpi eq, %and3A_87, %eq3A_174 : i32
          %convert_element_type3A_176 = arith.extui %eq3A_175 : i1 to i32
          %cond3A_177 = arith.constant 0 : i32
          %cond3A_178 = arith.cmpi ne, %convert_element_type3A_176, %cond3A_177 : i32
          scf.if %cond3A_178 {
            %add3A_179 = arith.constant 1 : i32
            %add3A_180 = arith.addi %scan3A_85, %add3A_179 : i32
            %mul3A_181 = arith.constant 2000 : i32
            %mul3A_182 = arith.muli %add3A_180, %mul3A_181 : i32
            %dma_start3A_183 = arith.constant 0 : i32
            %dma_start3A_184 = arith.constant 0 : i32
            %dma_start3A_185 = tpu.memref_slice %arg13[%dma_start3A_183, %dma_start3A_184] : memref<2x2000xi32, #tpu.memory_space<vmem>> -> memref<1x2000xi32, #tpu.memory_space<vmem>>
            %dma_start3A_186 = tpu.memref_squeeze %dma_start3A_185 : memref<1x2000xi32, #tpu.memory_space<vmem>> -> memref<2000xi32, #tpu.memory_space<vmem>>
            %dma_start3A_187 = tpu.memref_slice %arg2[%mul3A_182] : memref<160000xi32, #tpu.memory_space<hbm>> -> memref<2000xi32, #tpu.memory_space<hbm>>
            %dma_start3A_188 = arith.constant 0 : i32
            %dma_start3A_189 = tpu.memref_slice %arg13[%dma_start3A_183, %dma_start3A_188] : memref<2x2000xi32, #tpu.memory_space<vmem>> -> memref<1x2000xi32, #tpu.memory_space<vmem>>
            %dma_start3A_190 = tpu.memref_squeeze %dma_start3A_189 : memref<1x2000xi32, #tpu.memory_space<vmem>> -> memref<2000xi32, #tpu.memory_space<vmem>>
            %dma_start3A_191 = tpu.memref_slice %arg2[%mul3A_182] : memref<160000xi32, #tpu.memory_space<hbm>> -> memref<2000xi32, #tpu.memory_space<hbm>>
            tpu.enqueue_dma source(%dma_start3A_191 : memref<2000xi32, #tpu.memory_space<hbm>>) target(%dma_start3A_190 : memref<2000xi32, #tpu.memory_space<vmem>>) target_semaphore(%arg28 : memref<!tpu.dma_semaphore, #tpu.memory_space<semaphore_mem>>)
            %mul3A_192 = arith.constant 2000 : i32
            %mul3A_193 = arith.muli %add3A_180, %mul3A_192 : i32
            %dma_start3A_194 = arith.constant 0 : i32
            %dma_start3A_195 = arith.constant 0 : i32
            %dma_start3A_196 = tpu.memref_slice %arg14[%dma_start3A_194, %dma_start3A_195] : memref<2x2000xi32, #tpu.memory_space<vmem>> -> memref<1x2000xi32, #tpu.memory_space<vmem>>
            %dma_start3A_197 = tpu.memref_squeeze %dma_start3A_196 : memref<1x2000xi32, #tpu.memory_space<vmem>> -> memref<2000xi32, #tpu.memory_space<vmem>>
            %dma_start3A_198 = tpu.memref_slice %arg3[%mul3A_193] : memref<160000xi32, #tpu.memory_space<hbm>> -> memref<2000xi32, #tpu.memory_space<hbm>>
            %dma_start3A_199 = arith.constant 0 : i32
            %dma_start3A_200 = tpu.memref_slice %arg14[%dma_start3A_194, %dma_start3A_199] : memref<2x2000xi32, #tpu.memory_space<vmem>> -> memref<1x2000xi32, #tpu.memory_space<vmem>>
            %dma_start3A_201 = tpu.memref_squeeze %dma_start3A_200 : memref<1x2000xi32, #tpu.memory_space<vmem>> -> memref<2000xi32, #tpu.memory_space<vmem>>
            %dma_start3A_202 = tpu.memref_slice %arg3[%mul3A_193] : memref<160000xi32, #tpu.memory_space<hbm>> -> memref<2000xi32, #tpu.memory_space<hbm>>
            tpu.enqueue_dma source(%dma_start3A_202 : memref<2000xi32, #tpu.memory_space<hbm>>) target(%dma_start3A_201 : memref<2000xi32, #tpu.memory_space<vmem>>) target_semaphore(%arg28 : memref<!tpu.dma_semaphore, #tpu.memory_space<semaphore_mem>>)
            %mul3A_203 = arith.constant 2000 : i32
            %mul3A_204 = arith.muli %add3A_180, %mul3A_203 : i32
            %dma_start3A_205 = arith.constant 0 : i32
            %dma_start3A_206 = arith.constant 0 : i32
            %dma_start3A_207 = tpu.memref_slice %arg15[%dma_start3A_205, %dma_start3A_206] : memref<2x2000xf32, #tpu.memory_space<vmem>> -> memref<1x2000xf32, #tpu.memory_space<vmem>>
            %dma_start3A_208 = tpu.memref_squeeze %dma_start3A_207 : memref<1x2000xf32, #tpu.memory_space<vmem>> -> memref<2000xf32, #tpu.memory_space<vmem>>
            %dma_start3A_209 = tpu.memref_slice %arg4[%mul3A_204] : memref<160000xf32, #tpu.memory_space<hbm>> -> memref<2000xf32, #tpu.memory_space<hbm>>
            %dma_start3A_210 = arith.constant 0 : i32
            %dma_start3A_211 = tpu.memref_slice %arg15[%dma_start3A_205, %dma_start3A_210] : memref<2x2000xf32, #tpu.memory_space<vmem>> -> memref<1x2000xf32, #tpu.memory_space<vmem>>
            %dma_start3A_212 = tpu.memref_squeeze %dma_start3A_211 : memref<1x2000xf32, #tpu.memory_space<vmem>> -> memref<2000xf32, #tpu.memory_space<vmem>>
            %dma_start3A_213 = tpu.memref_slice %arg4[%mul3A_204] : memref<160000xf32, #tpu.memory_space<hbm>> -> memref<2000xf32, #tpu.memory_space<hbm>>
            tpu.enqueue_dma source(%dma_start3A_213 : memref<2000xf32, #tpu.memory_space<hbm>>) target(%dma_start3A_212 : memref<2000xf32, #tpu.memory_space<vmem>>) target_semaphore(%arg28 : memref<!tpu.dma_semaphore, #tpu.memory_space<semaphore_mem>>)
            %mul3A_214 = arith.constant 2000 : i32
            %mul3A_215 = arith.muli %add3A_180, %mul3A_214 : i32
            %dma_start3A_216 = arith.constant 0 : i32
            %dma_start3A_217 = arith.constant 0 : i32
            %dma_start3A_218 = tpu.memref_slice %arg16[%dma_start3A_216, %dma_start3A_217] : memref<2x2000xf32, #tpu.memory_space<vmem>> -> memref<1x2000xf32, #tpu.memory_space<vmem>>
            %dma_start3A_219 = tpu.memref_squeeze %dma_start3A_218 : memref<1x2000xf32, #tpu.memory_space<vmem>> -> memref<2000xf32, #tpu.memory_space<vmem>>
            %dma_start3A_220 = tpu.memref_slice %arg5[%mul3A_215] : memref<160000xf32, #tpu.memory_space<hbm>> -> memref<2000xf32, #tpu.memory_space<hbm>>
            %dma_start3A_221 = arith.constant 0 : i32
            %dma_start3A_222 = tpu.memref_slice %arg16[%dma_start3A_216, %dma_start3A_221] : memref<2x2000xf32, #tpu.memory_space<vmem>> -> memref<1x2000xf32, #tpu.memory_space<vmem>>
            %dma_start3A_223 = tpu.memref_squeeze %dma_start3A_222 : memref<1x2000xf32, #tpu.memory_space<vmem>> -> memref<2000xf32, #tpu.memory_space<vmem>>
            %dma_start3A_224 = tpu.memref_slice %arg5[%mul3A_215] : memref<160000xf32, #tpu.memory_space<hbm>> -> memref<2000xf32, #tpu.memory_space<hbm>>
            tpu.enqueue_dma source(%dma_start3A_224 : memref<2000xf32, #tpu.memory_space<hbm>>) target(%dma_start3A_223 : memref<2000xf32, #tpu.memory_space<vmem>>) target_semaphore(%arg28 : memref<!tpu.dma_semaphore, #tpu.memory_space<semaphore_mem>>)
          } else {
          }
        } else {
        }
        %scan3A_102 = arith.constant 0 : i32
        %scan3A_103 = arith.constant 0 : i32
        %scan3A_104 = arith.constant 125 : i32
        %scan3A_105 = arith.addi %scan3A_103, %scan3A_104 : i32
        %scan3A_106 = arith.constant 1 : i32
        %scan3A_107 = scf.for %scan3A_169 = %scan3A_103 to %scan3A_105 step %scan3A_106 iter_args(%scan3A_170 = %scan3A_102) -> (i32)  : i32 {
          %mul3A_171 = arith.constant 16 : i32
          %mul3A_172 = arith.muli %scan3A_169, %mul3A_171 : i32
          %get3A = arith.index_cast %and3A_87 : i32 to index
          %get3A_173 = arith.index_cast %mul3A_172 : i32 to index
          %get3A_174 = tpu.vector_load %arg13[%get3A, %get3A_173] {strides = array<i32>} : memref<2x2000xi32, #tpu.memory_space<vmem>>, vector<16xi32>,
          %sub3A_175 = vector.broadcast %mul3A_26 : i32 to vector<16xi32>
          %sub3A_176 = arith.subi %get3A_174, %sub3A_175 : vector<16xi32>
          %ge3A = arith.constant 0 : i32
          %ge3A_177 = vector.broadcast %ge3A : i32 to vector<16xi32>
          %ge3A_178 = arith.cmpi sge, %sub3A_176, %ge3A_177 : vector<16xi32>
          %lt3A_179 = arith.constant 80 : i32
          %lt3A_180 = vector.broadcast %lt3A_179 : i32 to vector<16xi32>
          %lt3A_181 = arith.cmpi slt, %sub3A_176, %lt3A_180 : vector<16xi32>
          %and3A_182 = arith.andi %ge3A_178, %lt3A_181 : vector<16xi1>
          %swap3A_183 = arith.index_cast %scan3A_170 : i32 to index
          %swap3A_184 = tpu.vector_load %arg17[%swap3A_183] masked %and3A_182 {strides = array<i32>} : memref<2016xi32, #tpu.memory_space<vmem>>, vector<16xi32>, vector<16xi1>
          tpu.vector_store %arg17[%swap3A_183], %sub3A_176 masked %and3A_182 {strides = array<i32>} : memref<2016xi32, #tpu.memory_space<vmem>>, vector<16xi32>, vector<16xi1>
          %get3A_185 = arith.index_cast %and3A_87 : i32 to index
          %get3A_186 = arith.index_cast %mul3A_172 : i32 to index
          %get3A_187 = tpu.vector_load %arg14[%get3A_185, %get3A_186] {strides = array<i32>} : memref<2x2000xi32, #tpu.memory_space<vmem>>, vector<16xi32>,
          %swap3A_188 = arith.index_cast %scan3A_170 : i32 to index
          %swap3A_189 = tpu.vector_load %arg18[%swap3A_188] masked %and3A_182 {strides = array<i32>} : memref<2016xi32, #tpu.memory_space<vmem>>, vector<16xi32>, vector<16xi1>
          tpu.vector_store %arg18[%swap3A_188], %get3A_187 masked %and3A_182 {strides = array<i32>} : memref<2016xi32, #tpu.memory_space<vmem>>, vector<16xi32>, vector<16xi1>
          %get3A_190 = arith.index_cast %and3A_87 : i32 to index
          %get3A_191 = arith.index_cast %mul3A_172 : i32 to index
          %get3A_192 = tpu.vector_load %arg15[%get3A_190, %get3A_191] {strides = array<i32>} : memref<2x2000xf32, #tpu.memory_space<vmem>>, vector<16xf32>,
          %swap3A_193 = arith.index_cast %scan3A_170 : i32 to index
          %swap3A_194 = tpu.vector_load %arg19[%swap3A_193] masked %and3A_182 {strides = array<i32>} : memref<2016xf32, #tpu.memory_space<vmem>>, vector<16xf32>, vector<16xi1>
          tpu.vector_store %arg19[%swap3A_193], %get3A_192 masked %and3A_182 {strides = array<i32>} : memref<2016xf32, #tpu.memory_space<vmem>>, vector<16xf32>, vector<16xi1>
          %get3A_195 = arith.index_cast %and3A_87 : i32 to index
          %get3A_196 = arith.index_cast %mul3A_172 : i32 to index
          %get3A_197 = tpu.vector_load %arg16[%get3A_195, %get3A_196] {strides = array<i32>} : memref<2x2000xf32, #tpu.memory_space<vmem>>, vector<16xf32>,
          %swap3A_198 = arith.index_cast %scan3A_170 : i32 to index
          %swap3A_199 = tpu.vector_load %arg20[%swap3A_198] masked %and3A_182 {strides = array<i32>} : memref<2016xf32, #tpu.memory_space<vmem>>, vector<16xf32>, vector<16xi1>
          tpu.vector_store %arg20[%swap3A_198], %get3A_197 masked %and3A_182 {strides = array<i32>} : memref<2016xf32, #tpu.memory_space<vmem>>, vector<16xf32>, vector<16xi1>
          %all_reduce_population_count3A = tpu.all_reduce %and3A_182 {dim = 0 : i64, kind = #tpu.reduction_kind<sum>} : vector<16xi1> -> vector<16xi32>
          %slice3A = vector.extract_strided_slice %all_reduce_population_count3A {offsets = [0], sizes = [1], strides = [1]} : vector<16xi32> to vector<1xi32>
          %squeeze3A = vector.extract %slice3A[0] : i32 from vector<1xi32>
          %add3A_200 = arith.addi %scan3A_170, %squeeze3A : i32
          scf.yield %add3A_200 : i32
        }
        %scan3A_108 = arith.constant 125 : i32
        %broadcast_in_dim3A_109 = arith.constant 80 : i32
        %broadcast_in_dim3A_110 = vector.broadcast %broadcast_in_dim3A_109 : i32 to vector<16xi32>
        %swap3A = arith.index_cast %scan3A_107 : i32 to index
        %swap3A_111 = tpu.vector_load %arg17[%swap3A] {strides = array<i32>} : memref<2016xi32, #tpu.memory_space<vmem>>, vector<16xi32>,
        tpu.vector_store %arg17[%swap3A], %broadcast_in_dim3A_110 {strides = array<i32>} : memref<2016xi32, #tpu.memory_space<vmem>>, vector<16xi32>,
        %broadcast_in_dim3A_112 = arith.constant 0 : i32
        %broadcast_in_dim3A_113 = vector.broadcast %broadcast_in_dim3A_112 : i32 to vector<16xi32>
        %swap3A_114 = arith.index_cast %scan3A_107 : i32 to index
        %swap3A_115 = tpu.vector_load %arg18[%swap3A_114] {strides = array<i32>} : memref<2016xi32, #tpu.memory_space<vmem>>, vector<16xi32>,
        tpu.vector_store %arg18[%swap3A_114], %broadcast_in_dim3A_113 {strides = array<i32>} : memref<2016xi32, #tpu.memory_space<vmem>>, vector<16xi32>,
        %swap3A_116 = arith.index_cast %scan3A_107 : i32 to index
        %swap3A_117 = tpu.vector_load %arg19[%swap3A_116] {strides = array<i32>} : memref<2016xf32, #tpu.memory_space<vmem>>, vector<16xf32>,
        tpu.vector_store %arg19[%swap3A_116], %broadcast_in_dim3A_1 {strides = array<i32>} : memref<2016xf32, #tpu.memory_space<vmem>>, vector<16xf32>,
        %swap3A_118 = arith.index_cast %scan3A_107 : i32 to index
        %swap3A_119 = tpu.vector_load %arg20[%swap3A_118] {strides = array<i32>} : memref<2016xf32, #tpu.memory_space<vmem>>, vector<16xf32>,
        tpu.vector_store %arg20[%swap3A_118], %broadcast_in_dim3A_1 {strides = array<i32>} : memref<2016xf32, #tpu.memory_space<vmem>>, vector<16xf32>,
        %add3A_120 = arith.constant 16 : i32
        %add3A_121 = arith.addi %scan3A_107, %add3A_120 : i32
        %sub3A = arith.constant 1 : i32
        %sub3A_122 = arith.subi %add3A_121, %sub3A : i32
        %jit3A_123 = arith.constant 16 : i32
        %div3A = arith.divsi %sub3A_122, %jit3A_123 : i32
        %sign3A = arith.constant 0 : i32
        %sign3A_124 = arith.cmpi sgt, %sub3A_122, %sign3A : i32
        %sign3A_125 = arith.extui %sign3A_124 : i1 to i32
        %sign3A_126 = arith.constant 0 : i32
        %sign3A_127 = arith.cmpi slt, %sub3A_122, %sign3A_126 : i32
        %sign3A_128 = arith.extui %sign3A_127 : i1 to i32
        %sign3A_129 = arith.subi %sign3A_125, %sign3A_128 : i32
        %sign3A_130 = arith.constant 0 : i32
        %sign3A_131 = arith.cmpi sgt, %jit3A_123, %sign3A_130 : i32
        %sign3A_132 = arith.extui %sign3A_131 : i1 to i32
        %sign3A_133 = arith.constant 0 : i32
        %sign3A_134 = arith.cmpi slt, %jit3A_123, %sign3A_133 : i32
        %sign3A_135 = arith.extui %sign3A_134 : i1 to i32
        %sign3A_136 = arith.subi %sign3A_132, %sign3A_135 : i32
        %ne3A = arith.cmpi ne, %sign3A_129, %sign3A_136 : i32
        %rem3A = arith.remsi %sub3A_122, %jit3A_123 : i32
        %ne3A_137 = arith.constant 0 : i32
        %ne3A_138 = arith.cmpi ne, %rem3A, %ne3A_137 : i32
        %and3A_139 = arith.andi %ne3A, %ne3A_138 : i1
        %sub3A_140 = arith.constant 1 : i32
        %sub3A_141 = arith.subi %div3A, %sub3A_140 : i32
        %select_n3A_142 = arith.select %and3A_139, %sub3A_141, %div3A : i32
        %gt3A = arith.constant 0 : i32
        %gt3A_143 = arith.cmpi sgt, %select_n3A_142, %gt3A : i32
        %convert_element_type3A_144 = arith.extui %gt3A_143 : i1 to i32
        %cond3A_145 = arith.constant 0 : i32
        %cond3A_146 = arith.cmpi ne, %convert_element_type3A_144, %cond3A_145 : i32
        scf.if %cond3A_146 {
          %dma_start3A_169 = arith.constant 0 : i32
          %dma_start3A_170 = arith.constant 0 : i32
          %dma_start3A_171 = tpu.memref_slice %arg21[%dma_start3A_169, %dma_start3A_170] : memref<64x256xf32, #tpu.memory_space<vmem>> -> memref<16x256xf32, #tpu.memory_space<vmem>>
          %dma_start3A_172 = arith.constant 0 : i32
          %dma_start3A_173 = tpu.memref_slice %arg18[%dma_start3A_172] : memref<2016xi32, #tpu.memory_space<vmem>> -> memref<16xi32, #tpu.memory_space<vmem>>
          %dma_start3A_174 = arith.constant 0 : i32
          %dma_start3A_175 = arith.constant 0 : i32
          %dma_start3A_176 = tpu.memref_slice %arg6[%dma_start3A_174, %dma_start3A_175] : memref<10240x256xf32, #tpu.memory_space<hbm>> -> memref<10240x256xf32, #tpu.memory_space<hbm>>
          tpu.enqueue_indirect_dma source(%dma_start3A_176 : memref<10240x256xf32, #tpu.memory_space<hbm>>) target(%dma_start3A_171 : memref<16x256xf32, #tpu.memory_space<vmem>>) offsets(%dma_start3A_173 : memref<16xi32, #tpu.memory_space<vmem>>) semaphore(%arg30 : memref<!tpu.dma_semaphore, #tpu.memory_space<semaphore_mem>>)
        } else {
        }
        %gt3A_147 = arith.constant 1 : i32
        %gt3A_148 = arith.cmpi sgt, %select_n3A_142, %gt3A_147 : i32
        %convert_element_type3A_149 = arith.extui %gt3A_148 : i1 to i32
        %cond3A_150 = arith.constant 0 : i32
        %cond3A_151 = arith.cmpi ne, %convert_element_type3A_149, %cond3A_150 : i32
        scf.if %cond3A_151 {
          %dma_start3A_169 = arith.constant 16 : i32
          %dma_start3A_170 = arith.constant 0 : i32
          %dma_start3A_171 = tpu.memref_slice %arg21[%dma_start3A_169, %dma_start3A_170] : memref<64x256xf32, #tpu.memory_space<vmem>> -> memref<16x256xf32, #tpu.memory_space<vmem>>
          %dma_start3A_172 = arith.constant 16 : i32
          %dma_start3A_173 = tpu.memref_slice %arg18[%dma_start3A_172] : memref<2016xi32, #tpu.memory_space<vmem>> -> memref<16xi32, #tpu.memory_space<vmem>>
          %dma_start3A_174 = arith.constant 0 : i32
          %dma_start3A_175 = arith.constant 0 : i32
          %dma_start3A_176 = tpu.memref_slice %arg6[%dma_start3A_174, %dma_start3A_175] : memref<10240x256xf32, #tpu.memory_space<hbm>> -> memref<10240x256xf32, #tpu.memory_space<hbm>>
          tpu.enqueue_indirect_dma source(%dma_start3A_176 : memref<10240x256xf32, #tpu.memory_space<hbm>>) target(%dma_start3A_171 : memref<16x256xf32, #tpu.memory_space<vmem>>) offsets(%dma_start3A_173 : memref<16xi32, #tpu.memory_space<vmem>>) semaphore(%arg31 : memref<!tpu.dma_semaphore, #tpu.memory_space<semaphore_mem>>)
        } else {
        }
        %gt3A_152 = arith.constant 2 : i32
        %gt3A_153 = arith.cmpi sgt, %select_n3A_142, %gt3A_152 : i32
        %convert_element_type3A_154 = arith.extui %gt3A_153 : i1 to i32
        %cond3A_155 = arith.constant 0 : i32
        %cond3A_156 = arith.cmpi ne, %convert_element_type3A_154, %cond3A_155 : i32
        scf.if %cond3A_156 {
          %dma_start3A_169 = arith.constant 32 : i32
          %dma_start3A_170 = arith.constant 0 : i32
          %dma_start3A_171 = tpu.memref_slice %arg21[%dma_start3A_169, %dma_start3A_170] : memref<64x256xf32, #tpu.memory_space<vmem>> -> memref<16x256xf32, #tpu.memory_space<vmem>>
          %dma_start3A_172 = arith.constant 32 : i32
          %dma_start3A_173 = tpu.memref_slice %arg18[%dma_start3A_172] : memref<2016xi32, #tpu.memory_space<vmem>> -> memref<16xi32, #tpu.memory_space<vmem>>
          %dma_start3A_174 = arith.constant 0 : i32
          %dma_start3A_175 = arith.constant 0 : i32
          %dma_start3A_176 = tpu.memref_slice %arg6[%dma_start3A_174, %dma_start3A_175] : memref<10240x256xf32, #tpu.memory_space<hbm>> -> memref<10240x256xf32, #tpu.memory_space<hbm>>
          tpu.enqueue_indirect_dma source(%dma_start3A_176 : memref<10240x256xf32, #tpu.memory_space<hbm>>) target(%dma_start3A_171 : memref<16x256xf32, #tpu.memory_space<vmem>>) offsets(%dma_start3A_173 : memref<16xi32, #tpu.memory_space<vmem>>) semaphore(%arg32 : memref<!tpu.dma_semaphore, #tpu.memory_space<semaphore_mem>>)
        } else {
        }
        %while3A = arith.constant 0 : i32
        %while3A_157 = arith.constant 0 : i32
        %while3A_158 = arith.subi %select_n3A_142, %while3A : i32
        %while3A_159 = arith.addi %while3A, %while3A_158 : i32
        %while3A_160 = arith.constant 1 : i32
        %while3A_161 = arith.divsi %while3A_158, %while3A_160 : i32
        %while3A_162 = arith.muli %while3A_161, %while3A_160 : i32
        %while3A_163 = arith.addi %while3A, %while3A_162 : i32
        %while3A_164 = arith.constant 1 : i32
        %while3A_165 = scf.for %while3A_169 = %while3A to %while3A_163 step %while3A_164 iter_args(%while3A_170 = %while3A_157) -> (i32)  : i32 {
          %and3A_171 = arith.constant 3 : i32
          %and3A_172 = arith.andi %while3A_169, %and3A_171 : i32
          %mul3A_173 = arith.constant 16 : i32
          %mul3A_174 = arith.muli %while3A_169, %mul3A_173 : i32
          %eq3A_175 = arith.constant 0 : i32
          %eq3A_176 = arith.cmpi eq, %and3A_172, %eq3A_175 : i32
          %convert_element_type3A_177 = arith.extui %eq3A_176 : i1 to i32
          %cond3A_178 = arith.constant 0 : i32
          %cond3A_179 = arith.cmpi ne, %convert_element_type3A_177, %cond3A_178 : i32
          scf.if %cond3A_179 {
            %dma_wait3A = arith.constant 0 : i32
            %dma_wait3A_287 = arith.constant 0 : i32
            %dma_wait3A_288 = tpu.memref_slice %arg21[%dma_wait3A, %dma_wait3A_287] : memref<64x256xf32, #tpu.memory_space<vmem>> -> memref<16x256xf32, #tpu.memory_space<vmem>>
            %dma_wait3A_289 = tpu.memref_slice %arg18[%mul3A_174] : memref<2016xi32, #tpu.memory_space<vmem>> -> memref<16xi32, #tpu.memory_space<vmem>>
            %dma_wait3A_290 = arith.constant 0 : i32
            %dma_wait3A_291 = arith.constant 0 : i32
            %dma_wait3A_292 = tpu.memref_slice %arg6[%dma_wait3A_290, %dma_wait3A_291] : memref<10240x256xf32, #tpu.memory_space<hbm>> -> memref<10240x256xf32, #tpu.memory_space<hbm>>
            tpu.wait_indirect_dma semaphore(%arg30 : memref<!tpu.dma_semaphore, #tpu.memory_space<semaphore_mem>>) src(%dma_wait3A_292 : memref<10240x256xf32, #tpu.memory_space<hbm>>) dst(%dma_wait3A_288 : memref<16x256xf32, #tpu.memory_space<vmem>>)
          } else {
          }
          %eq3A_180 = arith.constant 1 : i32
          %eq3A_181 = arith.cmpi eq, %and3A_172, %eq3A_180 : i32
          %convert_element_type3A_182 = arith.extui %eq3A_181 : i1 to i32
          %cond3A_183 = arith.constant 0 : i32
          %cond3A_184 = arith.cmpi ne, %convert_element_type3A_182, %cond3A_183 : i32
          scf.if %cond3A_184 {
            %dma_wait3A = arith.constant 16 : i32
            %dma_wait3A_287 = arith.constant 0 : i32
            %dma_wait3A_288 = tpu.memref_slice %arg21[%dma_wait3A, %dma_wait3A_287] : memref<64x256xf32, #tpu.memory_space<vmem>> -> memref<16x256xf32, #tpu.memory_space<vmem>>
            %dma_wait3A_289 = tpu.memref_slice %arg18[%mul3A_174] : memref<2016xi32, #tpu.memory_space<vmem>> -> memref<16xi32, #tpu.memory_space<vmem>>
            %dma_wait3A_290 = arith.constant 0 : i32
            %dma_wait3A_291 = arith.constant 0 : i32
            %dma_wait3A_292 = tpu.memref_slice %arg6[%dma_wait3A_290, %dma_wait3A_291] : memref<10240x256xf32, #tpu.memory_space<hbm>> -> memref<10240x256xf32, #tpu.memory_space<hbm>>
            tpu.wait_indirect_dma semaphore(%arg31 : memref<!tpu.dma_semaphore, #tpu.memory_space<semaphore_mem>>) src(%dma_wait3A_292 : memref<10240x256xf32, #tpu.memory_space<hbm>>) dst(%dma_wait3A_288 : memref<16x256xf32, #tpu.memory_space<vmem>>)
          } else {
          }
          %eq3A_185 = arith.constant 2 : i32
          %eq3A_186 = arith.cmpi eq, %and3A_172, %eq3A_185 : i32
          %convert_element_type3A_187 = arith.extui %eq3A_186 : i1 to i32
          %cond3A_188 = arith.constant 0 : i32
          %cond3A_189 = arith.cmpi ne, %convert_element_type3A_187, %cond3A_188 : i32
          scf.if %cond3A_189 {
            %dma_wait3A = arith.constant 32 : i32
            %dma_wait3A_287 = arith.constant 0 : i32
            %dma_wait3A_288 = tpu.memref_slice %arg21[%dma_wait3A, %dma_wait3A_287] : memref<64x256xf32, #tpu.memory_space<vmem>> -> memref<16x256xf32, #tpu.memory_space<vmem>>
            %dma_wait3A_289 = tpu.memref_slice %arg18[%mul3A_174] : memref<2016xi32, #tpu.memory_space<vmem>> -> memref<16xi32, #tpu.memory_space<vmem>>
            %dma_wait3A_290 = arith.constant 0 : i32
            %dma_wait3A_291 = arith.constant 0 : i32
            %dma_wait3A_292 = tpu.memref_slice %arg6[%dma_wait3A_290, %dma_wait3A_291] : memref<10240x256xf32, #tpu.memory_space<hbm>> -> memref<10240x256xf32, #tpu.memory_space<hbm>>
            tpu.wait_indirect_dma semaphore(%arg32 : memref<!tpu.dma_semaphore, #tpu.memory_space<semaphore_mem>>) src(%dma_wait3A_292 : memref<10240x256xf32, #tpu.memory_space<hbm>>) dst(%dma_wait3A_288 : memref<16x256xf32, #tpu.memory_space<vmem>>)
          } else {
          }
          %eq3A_190 = arith.constant 3 : i32
          %eq3A_191 = arith.cmpi eq, %and3A_172, %eq3A_190 : i32
          %convert_element_type3A_192 = arith.extui %eq3A_191 : i1 to i32
          %cond3A_193 = arith.constant 0 : i32
          %cond3A_194 = arith.cmpi ne, %convert_element_type3A_192, %cond3A_193 : i32
          scf.if %cond3A_194 {
            %dma_wait3A = arith.constant 48 : i32
            %dma_wait3A_287 = arith.constant 0 : i32
            %dma_wait3A_288 = tpu.memref_slice %arg21[%dma_wait3A, %dma_wait3A_287] : memref<64x256xf32, #tpu.memory_space<vmem>> -> memref<16x256xf32, #tpu.memory_space<vmem>>
            %dma_wait3A_289 = tpu.memref_slice %arg18[%mul3A_174] : memref<2016xi32, #tpu.memory_space<vmem>> -> memref<16xi32, #tpu.memory_space<vmem>>
            %dma_wait3A_290 = arith.constant 0 : i32
            %dma_wait3A_291 = arith.constant 0 : i32
            %dma_wait3A_292 = tpu.memref_slice %arg6[%dma_wait3A_290, %dma_wait3A_291] : memref<10240x256xf32, #tpu.memory_space<hbm>> -> memref<10240x256xf32, #tpu.memory_space<hbm>>
            tpu.wait_indirect_dma semaphore(%arg33 : memref<!tpu.dma_semaphore, #tpu.memory_space<semaphore_mem>>) src(%dma_wait3A_292 : memref<10240x256xf32, #tpu.memory_space<hbm>>) dst(%dma_wait3A_288 : memref<16x256xf32, #tpu.memory_space<vmem>>)
          } else {
          }
          %add3A_195 = arith.constant 3 : i32
          %add3A_196 = arith.addi %while3A_169, %add3A_195 : i32
          %lt3A_197 = arith.cmpi slt, %add3A_196, %select_n3A_142 : i32
          %convert_element_type3A_198 = arith.extui %lt3A_197 : i1 to i32
          %cond3A_199 = arith.constant 0 : i32
          %cond3A_200 = arith.cmpi ne, %convert_element_type3A_198, %cond3A_199 : i32
          scf.if %cond3A_200 {
            %add3A_287 = arith.constant 3 : i32
            %add3A_288 = arith.addi %while3A_169, %add3A_287 : i32
            %and3A_289 = arith.constant 3 : i32
            %and3A_290 = arith.andi %add3A_288, %and3A_289 : i32
            %eq3A_291 = arith.constant 0 : i32
            %eq3A_292 = arith.cmpi eq, %and3A_290, %eq3A_291 : i32
            %convert_element_type3A_293 = arith.extui %eq3A_292 : i1 to i32
            %cond3A_294 = arith.constant 0 : i32
            %cond3A_295 = arith.cmpi ne, %convert_element_type3A_293, %cond3A_294 : i32
            scf.if %cond3A_295 {
              %add3A_311 = arith.constant 48 : i32
              %add3A_312 = arith.addi %mul3A_174, %add3A_311 : i32
              %dma_start3A_313 = arith.constant 0 : i32
              %dma_start3A_314 = arith.constant 0 : i32
              %dma_start3A_315 = tpu.memref_slice %arg21[%dma_start3A_313, %dma_start3A_314] : memref<64x256xf32, #tpu.memory_space<vmem>> -> memref<16x256xf32, #tpu.memory_space<vmem>>
              %dma_start3A_316 = tpu.memref_slice %arg18[%add3A_312] : memref<2016xi32, #tpu.memory_space<vmem>> -> memref<16xi32, #tpu.memory_space<vmem>>
              %dma_start3A_317 = arith.constant 0 : i32
              %dma_start3A_318 = arith.constant 0 : i32
              %dma_start3A_319 = tpu.memref_slice %arg6[%dma_start3A_317, %dma_start3A_318] : memref<10240x256xf32, #tpu.memory_space<hbm>> -> memref<10240x256xf32, #tpu.memory_space<hbm>>
              tpu.enqueue_indirect_dma source(%dma_start3A_319 : memref<10240x256xf32, #tpu.memory_space<hbm>>) target(%dma_start3A_315 : memref<16x256xf32, #tpu.memory_space<vmem>>) offsets(%dma_start3A_316 : memref<16xi32, #tpu.memory_space<vmem>>) semaphore(%arg30 : memref<!tpu.dma_semaphore, #tpu.memory_space<semaphore_mem>>)
            } else {
            }
            %eq3A_296 = arith.constant 1 : i32
            %eq3A_297 = arith.cmpi eq, %and3A_290, %eq3A_296 : i32
            %convert_element_type3A_298 = arith.extui %eq3A_297 : i1 to i32
            %cond3A_299 = arith.constant 0 : i32
            %cond3A_300 = arith.cmpi ne, %convert_element_type3A_298, %cond3A_299 : i32
            scf.if %cond3A_300 {
              %add3A_311 = arith.constant 48 : i32
              %add3A_312 = arith.addi %mul3A_174, %add3A_311 : i32
              %dma_start3A_313 = arith.constant 16 : i32
              %dma_start3A_314 = arith.constant 0 : i32
              %dma_start3A_315 = tpu.memref_slice %arg21[%dma_start3A_313, %dma_start3A_314] : memref<64x256xf32, #tpu.memory_space<vmem>> -> memref<16x256xf32, #tpu.memory_space<vmem>>
              %dma_start3A_316 = tpu.memref_slice %arg18[%add3A_312] : memref<2016xi32, #tpu.memory_space<vmem>> -> memref<16xi32, #tpu.memory_space<vmem>>
              %dma_start3A_317 = arith.constant 0 : i32
              %dma_start3A_318 = arith.constant 0 : i32
              %dma_start3A_319 = tpu.memref_slice %arg6[%dma_start3A_317, %dma_start3A_318] : memref<10240x256xf32, #tpu.memory_space<hbm>> -> memref<10240x256xf32, #tpu.memory_space<hbm>>
              tpu.enqueue_indirect_dma source(%dma_start3A_319 : memref<10240x256xf32, #tpu.memory_space<hbm>>) target(%dma_start3A_315 : memref<16x256xf32, #tpu.memory_space<vmem>>) offsets(%dma_start3A_316 : memref<16xi32, #tpu.memory_space<vmem>>) semaphore(%arg31 : memref<!tpu.dma_semaphore, #tpu.memory_space<semaphore_mem>>)
            } else {
            }
            %eq3A_301 = arith.constant 2 : i32
            %eq3A_302 = arith.cmpi eq, %and3A_290, %eq3A_301 : i32
            %convert_element_type3A_303 = arith.extui %eq3A_302 : i1 to i32
            %cond3A_304 = arith.constant 0 : i32
            %cond3A_305 = arith.cmpi ne, %convert_element_type3A_303, %cond3A_304 : i32
            scf.if %cond3A_305 {
              %add3A_311 = arith.constant 48 : i32
              %add3A_312 = arith.addi %mul3A_174, %add3A_311 : i32
              %dma_start3A_313 = arith.constant 32 : i32
              %dma_start3A_314 = arith.constant 0 : i32
              %dma_start3A_315 = tpu.memref_slice %arg21[%dma_start3A_313, %dma_start3A_314] : memref<64x256xf32, #tpu.memory_space<vmem>> -> memref<16x256xf32, #tpu.memory_space<vmem>>
              %dma_start3A_316 = tpu.memref_slice %arg18[%add3A_312] : memref<2016xi32, #tpu.memory_space<vmem>> -> memref<16xi32, #tpu.memory_space<vmem>>
              %dma_start3A_317 = arith.constant 0 : i32
              %dma_start3A_318 = arith.constant 0 : i32
              %dma_start3A_319 = tpu.memref_slice %arg6[%dma_start3A_317, %dma_start3A_318] : memref<10240x256xf32, #tpu.memory_space<hbm>> -> memref<10240x256xf32, #tpu.memory_space<hbm>>
              tpu.enqueue_indirect_dma source(%dma_start3A_319 : memref<10240x256xf32, #tpu.memory_space<hbm>>) target(%dma_start3A_315 : memref<16x256xf32, #tpu.memory_space<vmem>>) offsets(%dma_start3A_316 : memref<16xi32, #tpu.memory_space<vmem>>) semaphore(%arg32 : memref<!tpu.dma_semaphore, #tpu.memory_space<semaphore_mem>>)
            } else {
            }
            %eq3A_306 = arith.constant 3 : i32
            %eq3A_307 = arith.cmpi eq, %and3A_290, %eq3A_306 : i32
            %convert_element_type3A_308 = arith.extui %eq3A_307 : i1 to i32
            %cond3A_309 = arith.constant 0 : i32
            %cond3A_310 = arith.cmpi ne, %convert_element_type3A_308, %cond3A_309 : i32
            scf.if %cond3A_310 {
              %add3A_311 = arith.constant 48 : i32
              %add3A_312 = arith.addi %mul3A_174, %add3A_311 : i32
              %dma_start3A_313 = arith.constant 48 : i32
              %dma_start3A_314 = arith.constant 0 : i32
              %dma_start3A_315 = tpu.memref_slice %arg21[%dma_start3A_313, %dma_start3A_314] : memref<64x256xf32, #tpu.memory_space<vmem>> -> memref<16x256xf32, #tpu.memory_space<vmem>>
              %dma_start3A_316 = tpu.memref_slice %arg18[%add3A_312] : memref<2016xi32, #tpu.memory_space<vmem>> -> memref<16xi32, #tpu.memory_space<vmem>>
              %dma_start3A_317 = arith.constant 0 : i32
              %dma_start3A_318 = arith.constant 0 : i32
              %dma_start3A_319 = tpu.memref_slice %arg6[%dma_start3A_317, %dma_start3A_318] : memref<10240x256xf32, #tpu.memory_space<hbm>> -> memref<10240x256xf32, #tpu.memory_space<hbm>>
              tpu.enqueue_indirect_dma source(%dma_start3A_319 : memref<10240x256xf32, #tpu.memory_space<hbm>>) target(%dma_start3A_315 : memref<16x256xf32, #tpu.memory_space<vmem>>) offsets(%dma_start3A_316 : memref<16xi32, #tpu.memory_space<vmem>>) semaphore(%arg33 : memref<!tpu.dma_semaphore, #tpu.memory_space<semaphore_mem>>)
            } else {
            }
          } else {
          }
          %mul3A_201 = arith.constant 16 : i32
          %mul3A_202 = arith.muli %and3A_172, %mul3A_201 : i32
          %get3A = arith.index_cast %mul3A_174 : i32 to index
          %get3A_203 = tpu.vector_load %arg17[%get3A] {strides = array<i32>} : memref<2016xi32, #tpu.memory_space<vmem>>, vector<16xi32>,
          %get3A_204 = arith.index_cast %mul3A_174 : i32 to index
          %get3A_205 = tpu.vector_load %arg19[%get3A_204] {strides = array<i32>} : memref<2016xf32, #tpu.memory_space<vmem>>, vector<16xf32>,
          %get3A_206 = arith.index_cast %mul3A_174 : i32 to index
          %get3A_207 = tpu.vector_load %arg20[%get3A_206] {strides = array<i32>} : memref<2016xf32, #tpu.memory_space<vmem>>, vector<16xf32>,
          %slice3A = vector.extract_strided_slice %get3A_203 {offsets = [0], sizes = [1], strides = [1]} : vector<16xi32> to vector<1xi32>
          %squeeze3A = vector.extract %slice3A[0] : i32 from vector<1xi32>
          %swap3A_208 = arith.index_cast %squeeze3A : i32 to index
          %swap3A_209 = arith.constant 0 : index
          %swap3A_210 = tpu.vector_load %arg27[%swap3A_208, %swap3A_209] {strides = array<i32>} : memref<81x16xf32, #tpu.memory_space<vmem>>, vector<16xf32>,
          tpu.vector_store %arg27[%swap3A_208, %swap3A_209], %select_n3A {add = true, strides = array<i32>} : memref<81x16xf32, #tpu.memory_space<vmem>>, vector<16xf32>,
          %slice3A_211 = vector.extract_strided_slice %get3A_203 {offsets = [1], sizes = [1], strides = [1]} : vector<16xi32> to vector<1xi32>
          %squeeze3A_212 = vector.extract %slice3A_211[0] : i32 from vector<1xi32>
          %swap3A_213 = arith.index_cast %squeeze3A_212 : i32 to index
          %swap3A_214 = arith.constant 0 : index
          %swap3A_215 = tpu.vector_load %arg27[%swap3A_213, %swap3A_214] {strides = array<i32>} : memref<81x16xf32, #tpu.memory_space<vmem>>, vector<16xf32>,
          tpu.vector_store %arg27[%swap3A_213, %swap3A_214], %select_n3A {add = true, strides = array<i32>} : memref<81x16xf32, #tpu.memory_space<vmem>>, vector<16xf32>,
          %slice3A_216 = vector.extract_strided_slice %get3A_203 {offsets = [2], sizes = [1], strides = [1]} : vector<16xi32> to vector<1xi32>
          %squeeze3A_217 = vector.extract %slice3A_216[0] : i32 from vector<1xi32>
          %swap3A_218 = arith.index_cast %squeeze3A_217 : i32 to index
          %swap3A_219 = arith.constant 0 : index
          %swap3A_220 = tpu.vector_load %arg27[%swap3A_218, %swap3A_219] {strides = array<i32>} : memref<81x16xf32, #tpu.memory_space<vmem>>, vector<16xf32>,
          tpu.vector_store %arg27[%swap3A_218, %swap3A_219], %select_n3A {add = true, strides = array<i32>} : memref<81x16xf32, #tpu.memory_space<vmem>>, vector<16xf32>,
          %slice3A_221 = vector.extract_strided_slice %get3A_203 {offsets = [3], sizes = [1], strides = [1]} : vector<16xi32> to vector<1xi32>
          %squeeze3A_222 = vector.extract %slice3A_221[0] : i32 from vector<1xi32>
          %swap3A_223 = arith.index_cast %squeeze3A_222 : i32 to index
          %swap3A_224 = arith.constant 0 : index
          %swap3A_225 = tpu.vector_load %arg27[%swap3A_223, %swap3A_224] {strides = array<i32>} : memref<81x16xf32, #tpu.memory_space<vmem>>, vector<16xf32>,
          tpu.vector_store %arg27[%swap3A_223, %swap3A_224], %select_n3A {add = true, strides = array<i32>} : memref<81x16xf32, #tpu.memory_space<vmem>>, vector<16xf32>,
          %slice3A_226 = vector.extract_strided_slice %get3A_203 {offsets = [4], sizes = [1], strides = [1]} : vector<16xi32> to vector<1xi32>
          %squeeze3A_227 = vector.extract %slice3A_226[0] : i32 from vector<1xi32>
          %swap3A_228 = arith.index_cast %squeeze3A_227 : i32 to index
          %swap3A_229 = arith.constant 0 : index
          %swap3A_230 = tpu.vector_load %arg27[%swap3A_228, %swap3A_229] {strides = array<i32>} : memref<81x16xf32, #tpu.memory_space<vmem>>, vector<16xf32>,
          tpu.vector_store %arg27[%swap3A_228, %swap3A_229], %select_n3A {add = true, strides = array<i32>} : memref<81x16xf32, #tpu.memory_space<vmem>>, vector<16xf32>,
          %slice3A_231 = vector.extract_strided_slice %get3A_203 {offsets = [5], sizes = [1], strides = [1]} : vector<16xi32> to vector<1xi32>
          %squeeze3A_232 = vector.extract %slice3A_231[0] : i32 from vector<1xi32>
          %swap3A_233 = arith.index_cast %squeeze3A_232 : i32 to index
          %swap3A_234 = arith.constant 0 : index
          %swap3A_235 = tpu.vector_load %arg27[%swap3A_233, %swap3A_234] {strides = array<i32>} : memref<81x16xf32, #tpu.memory_space<vmem>>, vector<16xf32>,
          tpu.vector_store %arg27[%swap3A_233, %swap3A_234], %select_n3A {add = true, strides = array<i32>} : memref<81x16xf32, #tpu.memory_space<vmem>>, vector<16xf32>,
          %slice3A_236 = vector.extract_strided_slice %get3A_203 {offsets = [6], sizes = [1], strides = [1]} : vector<16xi32> to vector<1xi32>
          %squeeze3A_237 = vector.extract %slice3A_236[0] : i32 from vector<1xi32>
          %swap3A_238 = arith.index_cast %squeeze3A_237 : i32 to index
          %swap3A_239 = arith.constant 0 : index
          %swap3A_240 = tpu.vector_load %arg27[%swap3A_238, %swap3A_239] {strides = array<i32>} : memref<81x16xf32, #tpu.memory_space<vmem>>, vector<16xf32>,
          tpu.vector_store %arg27[%swap3A_238, %swap3A_239], %select_n3A {add = true, strides = array<i32>} : memref<81x16xf32, #tpu.memory_space<vmem>>, vector<16xf32>,
          %slice3A_241 = vector.extract_strided_slice %get3A_203 {offsets = [7], sizes = [1], strides = [1]} : vector<16xi32> to vector<1xi32>
          %squeeze3A_242 = vector.extract %slice3A_241[0] : i32 from vector<1xi32>
          %swap3A_243 = arith.index_cast %squeeze3A_242 : i32 to index
          %swap3A_244 = arith.constant 0 : index
          %swap3A_245 = tpu.vector_load %arg27[%swap3A_243, %swap3A_244] {strides = array<i32>} : memref<81x16xf32, #tpu.memory_space<vmem>>, vector<16xf32>,
          tpu.vector_store %arg27[%swap3A_243, %swap3A_244], %select_n3A {add = true, strides = array<i32>} : memref<81x16xf32, #tpu.memory_space<vmem>>, vector<16xf32>,
          %slice3A_246 = vector.extract_strided_slice %get3A_203 {offsets = [8], sizes = [1], strides = [1]} : vector<16xi32> to vector<1xi32>
          %squeeze3A_247 = vector.extract %slice3A_246[0] : i32 from vector<1xi32>
          %swap3A_248 = arith.index_cast %squeeze3A_247 : i32 to index
          %swap3A_249 = arith.constant 0 : index
          %swap3A_250 = tpu.vector_load %arg27[%swap3A_248, %swap3A_249] {strides = array<i32>} : memref<81x16xf32, #tpu.memory_space<vmem>>, vector<16xf32>,
          tpu.vector_store %arg27[%swap3A_248, %swap3A_249], %select_n3A {add = true, strides = array<i32>} : memref<81x16xf32, #tpu.memory_space<vmem>>, vector<16xf32>,
          %slice3A_251 = vector.extract_strided_slice %get3A_203 {offsets = [9], sizes = [1], strides = [1]} : vector<16xi32> to vector<1xi32>
          %squeeze3A_252 = vector.extract %slice3A_251[0] : i32 from vector<1xi32>
          %swap3A_253 = arith.index_cast %squeeze3A_252 : i32 to index
          %swap3A_254 = arith.constant 0 : index
          %swap3A_255 = tpu.vector_load %arg27[%swap3A_253, %swap3A_254] {strides = array<i32>} : memref<81x16xf32, #tpu.memory_space<vmem>>, vector<16xf32>,
          tpu.vector_store %arg27[%swap3A_253, %swap3A_254], %select_n3A {add = true, strides = array<i32>} : memref<81x16xf32, #tpu.memory_space<vmem>>, vector<16xf32>,
          %slice3A_256 = vector.extract_strided_slice %get3A_203 {offsets = [10], sizes = [1], strides = [1]} : vector<16xi32> to vector<1xi32>
          %squeeze3A_257 = vector.extract %slice3A_256[0] : i32 from vector<1xi32>
          %swap3A_258 = arith.index_cast %squeeze3A_257 : i32 to index
          %swap3A_259 = arith.constant 0 : index
          %swap3A_260 = tpu.vector_load %arg27[%swap3A_258, %swap3A_259] {strides = array<i32>} : memref<81x16xf32, #tpu.memory_space<vmem>>, vector<16xf32>,
          tpu.vector_store %arg27[%swap3A_258, %swap3A_259], %select_n3A {add = true, strides = array<i32>} : memref<81x16xf32, #tpu.memory_space<vmem>>, vector<16xf32>,
          %slice3A_261 = vector.extract_strided_slice %get3A_203 {offsets = [11], sizes = [1], strides = [1]} : vector<16xi32> to vector<1xi32>
          %squeeze3A_262 = vector.extract %slice3A_261[0] : i32 from vector<1xi32>
          %swap3A_263 = arith.index_cast %squeeze3A_262 : i32 to index
          %swap3A_264 = arith.constant 0 : index
          %swap3A_265 = tpu.vector_load %arg27[%swap3A_263, %swap3A_264] {strides = array<i32>} : memref<81x16xf32, #tpu.memory_space<vmem>>, vector<16xf32>,
          tpu.vector_store %arg27[%swap3A_263, %swap3A_264], %select_n3A {add = true, strides = array<i32>} : memref<81x16xf32, #tpu.memory_space<vmem>>, vector<16xf32>,
          %slice3A_266 = vector.extract_strided_slice %get3A_203 {offsets = [12], sizes = [1], strides = [1]} : vector<16xi32> to vector<1xi32>
          %squeeze3A_267 = vector.extract %slice3A_266[0] : i32 from vector<1xi32>
          %swap3A_268 = arith.index_cast %squeeze3A_267 : i32 to index
          %swap3A_269 = arith.constant 0 : index
          %swap3A_270 = tpu.vector_load %arg27[%swap3A_268, %swap3A_269] {strides = array<i32>} : memref<81x16xf32, #tpu.memory_space<vmem>>, vector<16xf32>,
          tpu.vector_store %arg27[%swap3A_268, %swap3A_269], %select_n3A {add = true, strides = array<i32>} : memref<81x16xf32, #tpu.memory_space<vmem>>, vector<16xf32>,
          %slice3A_271 = vector.extract_strided_slice %get3A_203 {offsets = [13], sizes = [1], strides = [1]} : vector<16xi32> to vector<1xi32>
          %squeeze3A_272 = vector.extract %slice3A_271[0] : i32 from vector<1xi32>
          %swap3A_273 = arith.index_cast %squeeze3A_272 : i32 to index
          %swap3A_274 = arith.constant 0 : index
          %swap3A_275 = tpu.vector_load %arg27[%swap3A_273, %swap3A_274] {strides = array<i32>} : memref<81x16xf32, #tpu.memory_space<vmem>>, vector<16xf32>,
          tpu.vector_store %arg27[%swap3A_273, %swap3A_274], %select_n3A {add = true, strides = array<i32>} : memref<81x16xf32, #tpu.memory_space<vmem>>, vector<16xf32>,
          %slice3A_276 = vector.extract_strided_slice %get3A_203 {offsets = [14], sizes = [1], strides = [1]} : vector<16xi32> to vector<1xi32>
          %squeeze3A_277 = vector.extract %slice3A_276[0] : i32 from vector<1xi32>
          %swap3A_278 = arith.index_cast %squeeze3A_277 : i32 to index
          %swap3A_279 = arith.constant 0 : index
          %swap3A_280 = tpu.vector_load %arg27[%swap3A_278, %swap3A_279] {strides = array<i32>} : memref<81x16xf32, #tpu.memory_space<vmem>>, vector<16xf32>,
          tpu.vector_store %arg27[%swap3A_278, %swap3A_279], %select_n3A {add = true, strides = array<i32>} : memref<81x16xf32, #tpu.memory_space<vmem>>, vector<16xf32>,
          %slice3A_281 = vector.extract_strided_slice %get3A_203 {offsets = [15], sizes = [1], strides = [1]} : vector<16xi32> to vector<1xi32>
          %squeeze3A_282 = vector.extract %slice3A_281[0] : i32 from vector<1xi32>
          %swap3A_283 = arith.index_cast %squeeze3A_282 : i32 to index
          %swap3A_284 = arith.constant 0 : index
          %swap3A_285 = tpu.vector_load %arg27[%swap3A_283, %swap3A_284] {strides = array<i32>} : memref<81x16xf32, #tpu.memory_space<vmem>>, vector<16xf32>,
          tpu.vector_store %arg27[%swap3A_283, %swap3A_284], %select_n3A {add = true, strides = array<i32>} : memref<81x16xf32, #tpu.memory_space<vmem>>, vector<16xf32>,
          %while3A_286 = arith.constant 0 : i32
          scf.yield %while3A_286 : i32
        }
        %while3A_166 = arith.constant 1 : i32
        %while3A_167 = scf.for %while3A_169 = %while3A_163 to %while3A_159 step %while3A_166 iter_args(%while3A_170 = %while3A_165) -> (i32)  : i32 {
          %and3A_171 = arith.constant 3 : i32
          %and3A_172 = arith.andi %while3A_169, %and3A_171 : i32
          %mul3A_173 = arith.constant 16 : i32
          %mul3A_174 = arith.muli %while3A_169, %mul3A_173 : i32
          %eq3A_175 = arith.constant 0 : i32
          %eq3A_176 = arith.cmpi eq, %and3A_172, %eq3A_175 : i32
          %convert_element_type3A_177 = arith.extui %eq3A_176 : i1 to i32
          %cond3A_178 = arith.constant 0 : i32
          %cond3A_179 = arith.cmpi ne, %convert_element_type3A_177, %cond3A_178 : i32
          scf.if %cond3A_179 {
            %dma_wait3A = arith.constant 0 : i32
            %dma_wait3A_287 = arith.constant 0 : i32
            %dma_wait3A_288 = tpu.memref_slice %arg21[%dma_wait3A, %dma_wait3A_287] : memref<64x256xf32, #tpu.memory_space<vmem>> -> memref<16x256xf32, #tpu.memory_space<vmem>>
            %dma_wait3A_289 = tpu.memref_slice %arg18[%mul3A_174] : memref<2016xi32, #tpu.memory_space<vmem>> -> memref<16xi32, #tpu.memory_space<vmem>>
            %dma_wait3A_290 = arith.constant 0 : i32
            %dma_wait3A_291 = arith.constant 0 : i32
            %dma_wait3A_292 = tpu.memref_slice %arg6[%dma_wait3A_290, %dma_wait3A_291] : memref<10240x256xf32, #tpu.memory_space<hbm>> -> memref<10240x256xf32, #tpu.memory_space<hbm>>
            tpu.wait_indirect_dma semaphore(%arg30 : memref<!tpu.dma_semaphore, #tpu.memory_space<semaphore_mem>>) src(%dma_wait3A_292 : memref<10240x256xf32, #tpu.memory_space<hbm>>) dst(%dma_wait3A_288 : memref<16x256xf32, #tpu.memory_space<vmem>>)
          } else {
          }
          %eq3A_180 = arith.constant 1 : i32
          %eq3A_181 = arith.cmpi eq, %and3A_172, %eq3A_180 : i32
          %convert_element_type3A_182 = arith.extui %eq3A_181 : i1 to i32
          %cond3A_183 = arith.constant 0 : i32
          %cond3A_184 = arith.cmpi ne, %convert_element_type3A_182, %cond3A_183 : i32
          scf.if %cond3A_184 {
            %dma_wait3A = arith.constant 16 : i32
            %dma_wait3A_287 = arith.constant 0 : i32
            %dma_wait3A_288 = tpu.memref_slice %arg21[%dma_wait3A, %dma_wait3A_287] : memref<64x256xf32, #tpu.memory_space<vmem>> -> memref<16x256xf32, #tpu.memory_space<vmem>>
            %dma_wait3A_289 = tpu.memref_slice %arg18[%mul3A_174] : memref<2016xi32, #tpu.memory_space<vmem>> -> memref<16xi32, #tpu.memory_space<vmem>>
            %dma_wait3A_290 = arith.constant 0 : i32
            %dma_wait3A_291 = arith.constant 0 : i32
            %dma_wait3A_292 = tpu.memref_slice %arg6[%dma_wait3A_290, %dma_wait3A_291] : memref<10240x256xf32, #tpu.memory_space<hbm>> -> memref<10240x256xf32, #tpu.memory_space<hbm>>
            tpu.wait_indirect_dma semaphore(%arg31 : memref<!tpu.dma_semaphore, #tpu.memory_space<semaphore_mem>>) src(%dma_wait3A_292 : memref<10240x256xf32, #tpu.memory_space<hbm>>) dst(%dma_wait3A_288 : memref<16x256xf32, #tpu.memory_space<vmem>>)
          } else {
          }
          %eq3A_185 = arith.constant 2 : i32
          %eq3A_186 = arith.cmpi eq, %and3A_172, %eq3A_185 : i32
          %convert_element_type3A_187 = arith.extui %eq3A_186 : i1 to i32
          %cond3A_188 = arith.constant 0 : i32
          %cond3A_189 = arith.cmpi ne, %convert_element_type3A_187, %cond3A_188 : i32
          scf.if %cond3A_189 {
            %dma_wait3A = arith.constant 32 : i32
            %dma_wait3A_287 = arith.constant 0 : i32
            %dma_wait3A_288 = tpu.memref_slice %arg21[%dma_wait3A, %dma_wait3A_287] : memref<64x256xf32, #tpu.memory_space<vmem>> -> memref<16x256xf32, #tpu.memory_space<vmem>>
            %dma_wait3A_289 = tpu.memref_slice %arg18[%mul3A_174] : memref<2016xi32, #tpu.memory_space<vmem>> -> memref<16xi32, #tpu.memory_space<vmem>>
            %dma_wait3A_290 = arith.constant 0 : i32
            %dma_wait3A_291 = arith.constant 0 : i32
            %dma_wait3A_292 = tpu.memref_slice %arg6[%dma_wait3A_290, %dma_wait3A_291] : memref<10240x256xf32, #tpu.memory_space<hbm>> -> memref<10240x256xf32, #tpu.memory_space<hbm>>
            tpu.wait_indirect_dma semaphore(%arg32 : memref<!tpu.dma_semaphore, #tpu.memory_space<semaphore_mem>>) src(%dma_wait3A_292 : memref<10240x256xf32, #tpu.memory_space<hbm>>) dst(%dma_wait3A_288 : memref<16x256xf32, #tpu.memory_space<vmem>>)
          } else {
          }
          %eq3A_190 = arith.constant 3 : i32
          %eq3A_191 = arith.cmpi eq, %and3A_172, %eq3A_190 : i32
          %convert_element_type3A_192 = arith.extui %eq3A_191 : i1 to i32
          %cond3A_193 = arith.constant 0 : i32
          %cond3A_194 = arith.cmpi ne, %convert_element_type3A_192, %cond3A_193 : i32
          scf.if %cond3A_194 {
            %dma_wait3A = arith.constant 48 : i32
            %dma_wait3A_287 = arith.constant 0 : i32
            %dma_wait3A_288 = tpu.memref_slice %arg21[%dma_wait3A, %dma_wait3A_287] : memref<64x256xf32, #tpu.memory_space<vmem>> -> memref<16x256xf32, #tpu.memory_space<vmem>>
            %dma_wait3A_289 = tpu.memref_slice %arg18[%mul3A_174] : memref<2016xi32, #tpu.memory_space<vmem>> -> memref<16xi32, #tpu.memory_space<vmem>>
            %dma_wait3A_290 = arith.constant 0 : i32
            %dma_wait3A_291 = arith.constant 0 : i32
            %dma_wait3A_292 = tpu.memref_slice %arg6[%dma_wait3A_290, %dma_wait3A_291] : memref<10240x256xf32, #tpu.memory_space<hbm>> -> memref<10240x256xf32, #tpu.memory_space<hbm>>
            tpu.wait_indirect_dma semaphore(%arg33 : memref<!tpu.dma_semaphore, #tpu.memory_space<semaphore_mem>>) src(%dma_wait3A_292 : memref<10240x256xf32, #tpu.memory_space<hbm>>) dst(%dma_wait3A_288 : memref<16x256xf32, #tpu.memory_space<vmem>>)
          } else {
          }
          %add3A_195 = arith.constant 3 : i32
          %add3A_196 = arith.addi %while3A_169, %add3A_195 : i32
          %lt3A_197 = arith.cmpi slt, %add3A_196, %select_n3A_142 : i32
          %convert_element_type3A_198 = arith.extui %lt3A_197 : i1 to i32
          %cond3A_199 = arith.constant 0 : i32
          %cond3A_200 = arith.cmpi ne, %convert_element_type3A_198, %cond3A_199 : i32
          scf.if %cond3A_200 {
            %add3A_287 = arith.constant 3 : i32
            %add3A_288 = arith.addi %while3A_169, %add3A_287 : i32
            %and3A_289 = arith.constant 3 : i32
            %and3A_290 = arith.andi %add3A_288, %and3A_289 : i32
            %eq3A_291 = arith.constant 0 : i32
            %eq3A_292 = arith.cmpi eq, %and3A_290, %eq3A_291 : i32
            %convert_element_type3A_293 = arith.extui %eq3A_292 : i1 to i32
            %cond3A_294 = arith.constant 0 : i32
            %cond3A_295 = arith.cmpi ne, %convert_element_type3A_293, %cond3A_294 : i32
            scf.if %cond3A_295 {
              %add3A_311 = arith.constant 48 : i32
              %add3A_312 = arith.addi %mul3A_174, %add3A_311 : i32
              %dma_start3A_313 = arith.constant 0 : i32
              %dma_start3A_314 = arith.constant 0 : i32
              %dma_start3A_315 = tpu.memref_slice %arg21[%dma_start3A_313, %dma_start3A_314] : memref<64x256xf32, #tpu.memory_space<vmem>> -> memref<16x256xf32, #tpu.memory_space<vmem>>
              %dma_start3A_316 = tpu.memref_slice %arg18[%add3A_312] : memref<2016xi32, #tpu.memory_space<vmem>> -> memref<16xi32, #tpu.memory_space<vmem>>
              %dma_start3A_317 = arith.constant 0 : i32
              %dma_start3A_318 = arith.constant 0 : i32
              %dma_start3A_319 = tpu.memref_slice %arg6[%dma_start3A_317, %dma_start3A_318] : memref<10240x256xf32, #tpu.memory_space<hbm>> -> memref<10240x256xf32, #tpu.memory_space<hbm>>
              tpu.enqueue_indirect_dma source(%dma_start3A_319 : memref<10240x256xf32, #tpu.memory_space<hbm>>) target(%dma_start3A_315 : memref<16x256xf32, #tpu.memory_space<vmem>>) offsets(%dma_start3A_316 : memref<16xi32, #tpu.memory_space<vmem>>) semaphore(%arg30 : memref<!tpu.dma_semaphore, #tpu.memory_space<semaphore_mem>>)
            } else {
            }
            %eq3A_296 = arith.constant 1 : i32
            %eq3A_297 = arith.cmpi eq, %and3A_290, %eq3A_296 : i32
            %convert_element_type3A_298 = arith.extui %eq3A_297 : i1 to i32
            %cond3A_299 = arith.constant 0 : i32
            %cond3A_300 = arith.cmpi ne, %convert_element_type3A_298, %cond3A_299 : i32
            scf.if %cond3A_300 {
              %add3A_311 = arith.constant 48 : i32
              %add3A_312 = arith.addi %mul3A_174, %add3A_311 : i32
              %dma_start3A_313 = arith.constant 16 : i32
              %dma_start3A_314 = arith.constant 0 : i32
              %dma_start3A_315 = tpu.memref_slice %arg21[%dma_start3A_313, %dma_start3A_314] : memref<64x256xf32, #tpu.memory_space<vmem>> -> memref<16x256xf32, #tpu.memory_space<vmem>>
              %dma_start3A_316 = tpu.memref_slice %arg18[%add3A_312] : memref<2016xi32, #tpu.memory_space<vmem>> -> memref<16xi32, #tpu.memory_space<vmem>>
              %dma_start3A_317 = arith.constant 0 : i32
              %dma_start3A_318 = arith.constant 0 : i32
              %dma_start3A_319 = tpu.memref_slice %arg6[%dma_start3A_317, %dma_start3A_318] : memref<10240x256xf32, #tpu.memory_space<hbm>> -> memref<10240x256xf32, #tpu.memory_space<hbm>>
              tpu.enqueue_indirect_dma source(%dma_start3A_319 : memref<10240x256xf32, #tpu.memory_space<hbm>>) target(%dma_start3A_315 : memref<16x256xf32, #tpu.memory_space<vmem>>) offsets(%dma_start3A_316 : memref<16xi32, #tpu.memory_space<vmem>>) semaphore(%arg31 : memref<!tpu.dma_semaphore, #tpu.memory_space<semaphore_mem>>)
            } else {
            }
            %eq3A_301 = arith.constant 2 : i32
            %eq3A_302 = arith.cmpi eq, %and3A_290, %eq3A_301 : i32
            %convert_element_type3A_303 = arith.extui %eq3A_302 : i1 to i32
            %cond3A_304 = arith.constant 0 : i32
            %cond3A_305 = arith.cmpi ne, %convert_element_type3A_303, %cond3A_304 : i32
            scf.if %cond3A_305 {
              %add3A_311 = arith.constant 48 : i32
              %add3A_312 = arith.addi %mul3A_174, %add3A_311 : i32
              %dma_start3A_313 = arith.constant 32 : i32
              %dma_start3A_314 = arith.constant 0 : i32
              %dma_start3A_315 = tpu.memref_slice %arg21[%dma_start3A_313, %dma_start3A_314] : memref<64x256xf32, #tpu.memory_space<vmem>> -> memref<16x256xf32, #tpu.memory_space<vmem>>
              %dma_start3A_316 = tpu.memref_slice %arg18[%add3A_312] : memref<2016xi32, #tpu.memory_space<vmem>> -> memref<16xi32, #tpu.memory_space<vmem>>
              %dma_start3A_317 = arith.constant 0 : i32
              %dma_start3A_318 = arith.constant 0 : i32
              %dma_start3A_319 = tpu.memref_slice %arg6[%dma_start3A_317, %dma_start3A_318] : memref<10240x256xf32, #tpu.memory_space<hbm>> -> memref<10240x256xf32, #tpu.memory_space<hbm>>
              tpu.enqueue_indirect_dma source(%dma_start3A_319 : memref<10240x256xf32, #tpu.memory_space<hbm>>) target(%dma_start3A_315 : memref<16x256xf32, #tpu.memory_space<vmem>>) offsets(%dma_start3A_316 : memref<16xi32, #tpu.memory_space<vmem>>) semaphore(%arg32 : memref<!tpu.dma_semaphore, #tpu.memory_space<semaphore_mem>>)
            } else {
            }
            %eq3A_306 = arith.constant 3 : i32
            %eq3A_307 = arith.cmpi eq, %and3A_290, %eq3A_306 : i32
            %convert_element_type3A_308 = arith.extui %eq3A_307 : i1 to i32
            %cond3A_309 = arith.constant 0 : i32
            %cond3A_310 = arith.cmpi ne, %convert_element_type3A_308, %cond3A_309 : i32
            scf.if %cond3A_310 {
              %add3A_311 = arith.constant 48 : i32
              %add3A_312 = arith.addi %mul3A_174, %add3A_311 : i32
              %dma_start3A_313 = arith.constant 48 : i32
              %dma_start3A_314 = arith.constant 0 : i32
              %dma_start3A_315 = tpu.memref_slice %arg21[%dma_start3A_313, %dma_start3A_314] : memref<64x256xf32, #tpu.memory_space<vmem>> -> memref<16x256xf32, #tpu.memory_space<vmem>>
              %dma_start3A_316 = tpu.memref_slice %arg18[%add3A_312] : memref<2016xi32, #tpu.memory_space<vmem>> -> memref<16xi32, #tpu.memory_space<vmem>>
              %dma_start3A_317 = arith.constant 0 : i32
              %dma_start3A_318 = arith.constant 0 : i32
              %dma_start3A_319 = tpu.memref_slice %arg6[%dma_start3A_317, %dma_start3A_318] : memref<10240x256xf32, #tpu.memory_space<hbm>> -> memref<10240x256xf32, #tpu.memory_space<hbm>>
              tpu.enqueue_indirect_dma source(%dma_start3A_319 : memref<10240x256xf32, #tpu.memory_space<hbm>>) target(%dma_start3A_315 : memref<16x256xf32, #tpu.memory_space<vmem>>) offsets(%dma_start3A_316 : memref<16xi32, #tpu.memory_space<vmem>>) semaphore(%arg33 : memref<!tpu.dma_semaphore, #tpu.memory_space<semaphore_mem>>)
            } else {
            }
          } else {
          }
          %mul3A_201 = arith.constant 16 : i32
          %mul3A_202 = arith.muli %and3A_172, %mul3A_201 : i32
          %get3A = arith.index_cast %mul3A_174 : i32 to index
          %get3A_203 = tpu.vector_load %arg17[%get3A] {strides = array<i32>} : memref<2016xi32, #tpu.memory_space<vmem>>, vector<16xi32>,
          %get3A_204 = arith.index_cast %mul3A_174 : i32 to index
          %get3A_205 = tpu.vector_load %arg19[%get3A_204] {strides = array<i32>} : memref<2016xf32, #tpu.memory_space<vmem>>, vector<16xf32>,
          %get3A_206 = arith.index_cast %mul3A_174 : i32 to index
          %get3A_207 = tpu.vector_load %arg20[%get3A_206] {strides = array<i32>} : memref<2016xf32, #tpu.memory_space<vmem>>, vector<16xf32>,
          %slice3A = vector.extract_strided_slice %get3A_203 {offsets = [0], sizes = [1], strides = [1]} : vector<16xi32> to vector<1xi32>
          %squeeze3A = vector.extract %slice3A[0] : i32 from vector<1xi32>
          %swap3A_208 = arith.index_cast %squeeze3A : i32 to index
          %swap3A_209 = arith.constant 0 : index
          %swap3A_210 = tpu.vector_load %arg27[%swap3A_208, %swap3A_209] {strides = array<i32>} : memref<81x16xf32, #tpu.memory_space<vmem>>, vector<16xf32>,
          tpu.vector_store %arg27[%swap3A_208, %swap3A_209], %select_n3A {add = true, strides = array<i32>} : memref<81x16xf32, #tpu.memory_space<vmem>>, vector<16xf32>,
          %slice3A_211 = vector.extract_strided_slice %get3A_203 {offsets = [1], sizes = [1], strides = [1]} : vector<16xi32> to vector<1xi32>
          %squeeze3A_212 = vector.extract %slice3A_211[0] : i32 from vector<1xi32>
          %swap3A_213 = arith.index_cast %squeeze3A_212 : i32 to index
          %swap3A_214 = arith.constant 0 : index
          %swap3A_215 = tpu.vector_load %arg27[%swap3A_213, %swap3A_214] {strides = array<i32>} : memref<81x16xf32, #tpu.memory_space<vmem>>, vector<16xf32>,
          tpu.vector_store %arg27[%swap3A_213, %swap3A_214], %select_n3A {add = true, strides = array<i32>} : memref<81x16xf32, #tpu.memory_space<vmem>>, vector<16xf32>,
          %slice3A_216 = vector.extract_strided_slice %get3A_203 {offsets = [2], sizes = [1], strides = [1]} : vector<16xi32> to vector<1xi32>
          %squeeze3A_217 = vector.extract %slice3A_216[0] : i32 from vector<1xi32>
          %swap3A_218 = arith.index_cast %squeeze3A_217 : i32 to index
          %swap3A_219 = arith.constant 0 : index
          %swap3A_220 = tpu.vector_load %arg27[%swap3A_218, %swap3A_219] {strides = array<i32>} : memref<81x16xf32, #tpu.memory_space<vmem>>, vector<16xf32>,
          tpu.vector_store %arg27[%swap3A_218, %swap3A_219], %select_n3A {add = true, strides = array<i32>} : memref<81x16xf32, #tpu.memory_space<vmem>>, vector<16xf32>,
          %slice3A_221 = vector.extract_strided_slice %get3A_203 {offsets = [3], sizes = [1], strides = [1]} : vector<16xi32> to vector<1xi32>
          %squeeze3A_222 = vector.extract %slice3A_221[0] : i32 from vector<1xi32>
          %swap3A_223 = arith.index_cast %squeeze3A_222 : i32 to index
          %swap3A_224 = arith.constant 0 : index
          %swap3A_225 = tpu.vector_load %arg27[%swap3A_223, %swap3A_224] {strides = array<i32>} : memref<81x16xf32, #tpu.memory_space<vmem>>, vector<16xf32>,
          tpu.vector_store %arg27[%swap3A_223, %swap3A_224], %select_n3A {add = true, strides = array<i32>} : memref<81x16xf32, #tpu.memory_space<vmem>>, vector<16xf32>,
          %slice3A_226 = vector.extract_strided_slice %get3A_203 {offsets = [4], sizes = [1], strides = [1]} : vector<16xi32> to vector<1xi32>
          %squeeze3A_227 = vector.extract %slice3A_226[0] : i32 from vector<1xi32>
          %swap3A_228 = arith.index_cast %squeeze3A_227 : i32 to index
          %swap3A_229 = arith.constant 0 : index
          %swap3A_230 = tpu.vector_load %arg27[%swap3A_228, %swap3A_229] {strides = array<i32>} : memref<81x16xf32, #tpu.memory_space<vmem>>, vector<16xf32>,
          tpu.vector_store %arg27[%swap3A_228, %swap3A_229], %select_n3A {add = true, strides = array<i32>} : memref<81x16xf32, #tpu.memory_space<vmem>>, vector<16xf32>,
          %slice3A_231 = vector.extract_strided_slice %get3A_203 {offsets = [5], sizes = [1], strides = [1]} : vector<16xi32> to vector<1xi32>
          %squeeze3A_232 = vector.extract %slice3A_231[0] : i32 from vector<1xi32>
          %swap3A_233 = arith.index_cast %squeeze3A_232 : i32 to index
          %swap3A_234 = arith.constant 0 : index
          %swap3A_235 = tpu.vector_load %arg27[%swap3A_233, %swap3A_234] {strides = array<i32>} : memref<81x16xf32, #tpu.memory_space<vmem>>, vector<16xf32>,
          tpu.vector_store %arg27[%swap3A_233, %swap3A_234], %select_n3A {add = true, strides = array<i32>} : memref<81x16xf32, #tpu.memory_space<vmem>>, vector<16xf32>,
          %slice3A_236 = vector.extract_strided_slice %get3A_203 {offsets = [6], sizes = [1], strides = [1]} : vector<16xi32> to vector<1xi32>
          %squeeze3A_237 = vector.extract %slice3A_236[0] : i32 from vector<1xi32>
          %swap3A_238 = arith.index_cast %squeeze3A_237 : i32 to index
          %swap3A_239 = arith.constant 0 : index
          %swap3A_240 = tpu.vector_load %arg27[%swap3A_238, %swap3A_239] {strides = array<i32>} : memref<81x16xf32, #tpu.memory_space<vmem>>, vector<16xf32>,
          tpu.vector_store %arg27[%swap3A_238, %swap3A_239], %select_n3A {add = true, strides = array<i32>} : memref<81x16xf32, #tpu.memory_space<vmem>>, vector<16xf32>,
          %slice3A_241 = vector.extract_strided_slice %get3A_203 {offsets = [7], sizes = [1], strides = [1]} : vector<16xi32> to vector<1xi32>
          %squeeze3A_242 = vector.extract %slice3A_241[0] : i32 from vector<1xi32>
          %swap3A_243 = arith.index_cast %squeeze3A_242 : i32 to index
          %swap3A_244 = arith.constant 0 : index
          %swap3A_245 = tpu.vector_load %arg27[%swap3A_243, %swap3A_244] {strides = array<i32>} : memref<81x16xf32, #tpu.memory_space<vmem>>, vector<16xf32>,
          tpu.vector_store %arg27[%swap3A_243, %swap3A_244], %select_n3A {add = true, strides = array<i32>} : memref<81x16xf32, #tpu.memory_space<vmem>>, vector<16xf32>,
          %slice3A_246 = vector.extract_strided_slice %get3A_203 {offsets = [8], sizes = [1], strides = [1]} : vector<16xi32> to vector<1xi32>
          %squeeze3A_247 = vector.extract %slice3A_246[0] : i32 from vector<1xi32>
          %swap3A_248 = arith.index_cast %squeeze3A_247 : i32 to index
          %swap3A_249 = arith.constant 0 : index
          %swap3A_250 = tpu.vector_load %arg27[%swap3A_248, %swap3A_249] {strides = array<i32>} : memref<81x16xf32, #tpu.memory_space<vmem>>, vector<16xf32>,
          tpu.vector_store %arg27[%swap3A_248, %swap3A_249], %select_n3A {add = true, strides = array<i32>} : memref<81x16xf32, #tpu.memory_space<vmem>>, vector<16xf32>,
          %slice3A_251 = vector.extract_strided_slice %get3A_203 {offsets = [9], sizes = [1], strides = [1]} : vector<16xi32> to vector<1xi32>
          %squeeze3A_252 = vector.extract %slice3A_251[0] : i32 from vector<1xi32>
          %swap3A_253 = arith.index_cast %squeeze3A_252 : i32 to index
          %swap3A_254 = arith.constant 0 : index
          %swap3A_255 = tpu.vector_load %arg27[%swap3A_253, %swap3A_254] {strides = array<i32>} : memref<81x16xf32, #tpu.memory_space<vmem>>, vector<16xf32>,
          tpu.vector_store %arg27[%swap3A_253, %swap3A_254], %select_n3A {add = true, strides = array<i32>} : memref<81x16xf32, #tpu.memory_space<vmem>>, vector<16xf32>,
          %slice3A_256 = vector.extract_strided_slice %get3A_203 {offsets = [10], sizes = [1], strides = [1]} : vector<16xi32> to vector<1xi32>
          %squeeze3A_257 = vector.extract %slice3A_256[0] : i32 from vector<1xi32>
          %swap3A_258 = arith.index_cast %squeeze3A_257 : i32 to index
          %swap3A_259 = arith.constant 0 : index
          %swap3A_260 = tpu.vector_load %arg27[%swap3A_258, %swap3A_259] {strides = array<i32>} : memref<81x16xf32, #tpu.memory_space<vmem>>, vector<16xf32>,
          tpu.vector_store %arg27[%swap3A_258, %swap3A_259], %select_n3A {add = true, strides = array<i32>} : memref<81x16xf32, #tpu.memory_space<vmem>>, vector<16xf32>,
          %slice3A_261 = vector.extract_strided_slice %get3A_203 {offsets = [11], sizes = [1], strides = [1]} : vector<16xi32> to vector<1xi32>
          %squeeze3A_262 = vector.extract %slice3A_261[0] : i32 from vector<1xi32>
          %swap3A_263 = arith.index_cast %squeeze3A_262 : i32 to index
          %swap3A_264 = arith.constant 0 : index
          %swap3A_265 = tpu.vector_load %arg27[%swap3A_263, %swap3A_264] {strides = array<i32>} : memref<81x16xf32, #tpu.memory_space<vmem>>, vector<16xf32>,
          tpu.vector_store %arg27[%swap3A_263, %swap3A_264], %select_n3A {add = true, strides = array<i32>} : memref<81x16xf32, #tpu.memory_space<vmem>>, vector<16xf32>,
          %slice3A_266 = vector.extract_strided_slice %get3A_203 {offsets = [12], sizes = [1], strides = [1]} : vector<16xi32> to vector<1xi32>
          %squeeze3A_267 = vector.extract %slice3A_266[0] : i32 from vector<1xi32>
          %swap3A_268 = arith.index_cast %squeeze3A_267 : i32 to index
          %swap3A_269 = arith.constant 0 : index
          %swap3A_270 = tpu.vector_load %arg27[%swap3A_268, %swap3A_269] {strides = array<i32>} : memref<81x16xf32, #tpu.memory_space<vmem>>, vector<16xf32>,
          tpu.vector_store %arg27[%swap3A_268, %swap3A_269], %select_n3A {add = true, strides = array<i32>} : memref<81x16xf32, #tpu.memory_space<vmem>>, vector<16xf32>,
          %slice3A_271 = vector.extract_strided_slice %get3A_203 {offsets = [13], sizes = [1], strides = [1]} : vector<16xi32> to vector<1xi32>
          %squeeze3A_272 = vector.extract %slice3A_271[0] : i32 from vector<1xi32>
          %swap3A_273 = arith.index_cast %squeeze3A_272 : i32 to index
          %swap3A_274 = arith.constant 0 : index
          %swap3A_275 = tpu.vector_load %arg27[%swap3A_273, %swap3A_274] {strides = array<i32>} : memref<81x16xf32, #tpu.memory_space<vmem>>, vector<16xf32>,
          tpu.vector_store %arg27[%swap3A_273, %swap3A_274], %select_n3A {add = true, strides = array<i32>} : memref<81x16xf32, #tpu.memory_space<vmem>>, vector<16xf32>,
          %slice3A_276 = vector.extract_strided_slice %get3A_203 {offsets = [14], sizes = [1], strides = [1]} : vector<16xi32> to vector<1xi32>
          %squeeze3A_277 = vector.extract %slice3A_276[0] : i32 from vector<1xi32>
          %swap3A_278 = arith.index_cast %squeeze3A_277 : i32 to index
          %swap3A_279 = arith.constant 0 : index
          %swap3A_280 = tpu.vector_load %arg27[%swap3A_278, %swap3A_279] {strides = array<i32>} : memref<81x16xf32, #tpu.memory_space<vmem>>, vector<16xf32>,
          tpu.vector_store %arg27[%swap3A_278, %swap3A_279], %select_n3A {add = true, strides = array<i32>} : memref<81x16xf32, #tpu.memory_space<vmem>>, vector<16xf32>,
          %slice3A_281 = vector.extract_strided_slice %get3A_203 {offsets = [15], sizes = [1], strides = [1]} : vector<16xi32> to vector<1xi32>
          %squeeze3A_282 = vector.extract %slice3A_281[0] : i32 from vector<1xi32>
          %swap3A_283 = arith.index_cast %squeeze3A_282 : i32 to index
          %swap3A_284 = arith.constant 0 : index
          %swap3A_285 = tpu.vector_load %arg27[%swap3A_283, %swap3A_284] {strides = array<i32>} : memref<81x16xf32, #tpu.memory_space<vmem>>, vector<16xf32>,
          tpu.vector_store %arg27[%swap3A_283, %swap3A_284], %select_n3A {add = true, strides = array<i32>} : memref<81x16xf32, #tpu.memory_space<vmem>>, vector<16xf32>,
          %while3A_286 = arith.constant 0 : i32
          scf.yield %while3A_286 : i32
        }
        %scan3A_168 = arith.constant 0 : i32
        scf.yield %scan3A_168 : i32
      }
      %scan3A_83 = arith.constant 80 : i32
      "tpu.region"() ({
        %run_scoped3A = tpu.sem_alloc : memref<!tpu.dma_semaphore, #tpu.memory_space<semaphore_mem>>
        %dma_start3A_85 = arith.constant 0 : i32
        %dma_start3A_86 = arith.constant 0 : i32
        %dma_start3A_87 = tpu.memref_slice %arg23[%dma_start3A_85, %dma_start3A_86] : memref<81x256xf32, #tpu.memory_space<vmem>> -> memref<80x256xf32, #tpu.memory_space<vmem>>
        %dma_start3A_88 = arith.constant 0 : i32
        %dma_start3A_89 = tpu.memref_slice %arg8[%mul3A_26, %dma_start3A_88] : memref<10240x256xf32, #tpu.memory_space<hbm>> -> memref<80x256xf32, #tpu.memory_space<hbm>>
        %dma_start3A_90 = arith.constant 0 : i32
        %dma_start3A_91 = tpu.memref_slice %arg8[%mul3A_26, %dma_start3A_90] : memref<10240x256xf32, #tpu.memory_space<hbm>> -> memref<80x256xf32, #tpu.memory_space<hbm>>
        %dma_start3A_92 = arith.constant 0 : i32
        %dma_start3A_93 = arith.constant 0 : i32
        %dma_start3A_94 = tpu.memref_slice %arg23[%dma_start3A_92, %dma_start3A_93] : memref<81x256xf32, #tpu.memory_space<vmem>> -> memref<80x256xf32, #tpu.memory_space<vmem>>
        tpu.enqueue_dma source(%dma_start3A_94 : memref<80x256xf32, #tpu.memory_space<vmem>>) target(%dma_start3A_91 : memref<80x256xf32, #tpu.memory_space<hbm>>) target_semaphore(%run_scoped3A : memref<!tpu.dma_semaphore, #tpu.memory_space<semaphore_mem>>)
        %dma_wait3A = arith.constant 0 : i32
        %dma_wait3A_95 = arith.constant 0 : i32
        %dma_wait3A_96 = tpu.memref_slice %arg23[%dma_wait3A, %dma_wait3A_95] : memref<81x256xf32, #tpu.memory_space<vmem>> -> memref<80x256xf32, #tpu.memory_space<vmem>>
        %dma_wait3A_97 = arith.constant 0 : i32
        %dma_wait3A_98 = tpu.memref_slice %arg8[%mul3A_26, %dma_wait3A_97] : memref<10240x256xf32, #tpu.memory_space<hbm>> -> memref<80x256xf32, #tpu.memory_space<hbm>>
        %dma_wait3A_99 = arith.constant 0 : i32
        %dma_wait3A_100 = tpu.memref_slice %arg8[%mul3A_26, %dma_wait3A_99] : memref<10240x256xf32, #tpu.memory_space<hbm>> -> memref<80x256xf32, #tpu.memory_space<hbm>>
        %dma_wait3A_101 = arith.constant 0 : i32
        %dma_wait3A_102 = arith.constant 0 : i32
        %dma_wait3A_103 = tpu.memref_slice %arg23[%dma_wait3A_101, %dma_wait3A_102] : memref<81x256xf32, #tpu.memory_space<vmem>> -> memref<80x256xf32, #tpu.memory_space<vmem>>
        tpu.wait_dma2 semaphore(%run_scoped3A : memref<!tpu.dma_semaphore, #tpu.memory_space<semaphore_mem>>) src(%dma_wait3A_103 : memref<80x256xf32, #tpu.memory_space<vmem>>) dst(%dma_wait3A_100 : memref<80x256xf32, #tpu.memory_space<hbm>>)
        tpu.yield
      }) : () -> ()
      "tpu.region"() ({
        %run_scoped3A = tpu.sem_alloc : memref<!tpu.dma_semaphore, #tpu.memory_space<semaphore_mem>>
        %dma_start3A_85 = arith.constant 0 : i32
        %dma_start3A_86 = arith.constant 0 : i32
        %dma_start3A_87 = tpu.memref_slice %arg24[%dma_start3A_85, %dma_start3A_86] : memref<81x256xf32, #tpu.memory_space<vmem>> -> memref<80x256xf32, #tpu.memory_space<vmem>>
        %dma_start3A_88 = arith.constant 0 : i32
        %dma_start3A_89 = tpu.memref_slice %arg9[%mul3A_26, %dma_start3A_88] : memref<10240x256xf32, #tpu.memory_space<hbm>> -> memref<80x256xf32, #tpu.memory_space<hbm>>
        %dma_start3A_90 = arith.constant 0 : i32
        %dma_start3A_91 = tpu.memref_slice %arg9[%mul3A_26, %dma_start3A_90] : memref<10240x256xf32, #tpu.memory_space<hbm>> -> memref<80x256xf32, #tpu.memory_space<hbm>>
        %dma_start3A_92 = arith.constant 0 : i32
        %dma_start3A_93 = arith.constant 0 : i32
        %dma_start3A_94 = tpu.memref_slice %arg24[%dma_start3A_92, %dma_start3A_93] : memref<81x256xf32, #tpu.memory_space<vmem>> -> memref<80x256xf32, #tpu.memory_space<vmem>>
        tpu.enqueue_dma source(%dma_start3A_94 : memref<80x256xf32, #tpu.memory_space<vmem>>) target(%dma_start3A_91 : memref<80x256xf32, #tpu.memory_space<hbm>>) target_semaphore(%run_scoped3A : memref<!tpu.dma_semaphore, #tpu.memory_space<semaphore_mem>>)
        %dma_wait3A = arith.constant 0 : i32
        %dma_wait3A_95 = arith.constant 0 : i32
        %dma_wait3A_96 = tpu.memref_slice %arg24[%dma_wait3A, %dma_wait3A_95] : memref<81x256xf32, #tpu.memory_space<vmem>> -> memref<80x256xf32, #tpu.memory_space<vmem>>
        %dma_wait3A_97 = arith.constant 0 : i32
        %dma_wait3A_98 = tpu.memref_slice %arg9[%mul3A_26, %dma_wait3A_97] : memref<10240x256xf32, #tpu.memory_space<hbm>> -> memref<80x256xf32, #tpu.memory_space<hbm>>
        %dma_wait3A_99 = arith.constant 0 : i32
        %dma_wait3A_100 = tpu.memref_slice %arg9[%mul3A_26, %dma_wait3A_99] : memref<10240x256xf32, #tpu.memory_space<hbm>> -> memref<80x256xf32, #tpu.memory_space<hbm>>
        %dma_wait3A_101 = arith.constant 0 : i32
        %dma_wait3A_102 = arith.constant 0 : i32
        %dma_wait3A_103 = tpu.memref_slice %arg24[%dma_wait3A_101, %dma_wait3A_102] : memref<81x256xf32, #tpu.memory_space<vmem>> -> memref<80x256xf32, #tpu.memory_space<vmem>>
        tpu.wait_dma2 semaphore(%run_scoped3A : memref<!tpu.dma_semaphore, #tpu.memory_space<semaphore_mem>>) src(%dma_wait3A_103 : memref<80x256xf32, #tpu.memory_space<vmem>>) dst(%dma_wait3A_100 : memref<80x256xf32, #tpu.memory_space<hbm>>)
        tpu.yield
      }) : () -> ()
      "tpu.region"() ({
        %run_scoped3A = tpu.sem_alloc : memref<!tpu.dma_semaphore, #tpu.memory_space<semaphore_mem>>
        %dma_start3A_85 = arith.constant 0 : i32
        %dma_start3A_86 = arith.constant 0 : i32
        %dma_start3A_87 = tpu.memref_slice %arg25[%dma_start3A_85, %dma_start3A_86] : memref<81x256xf32, #tpu.memory_space<vmem>> -> memref<80x256xf32, #tpu.memory_space<vmem>>
        %dma_start3A_88 = arith.constant 0 : i32
        %dma_start3A_89 = tpu.memref_slice %arg10[%mul3A_26, %dma_start3A_88] : memref<10240x256xf32, #tpu.memory_space<hbm>> -> memref<80x256xf32, #tpu.memory_space<hbm>>
        %dma_start3A_90 = arith.constant 0 : i32
        %dma_start3A_91 = tpu.memref_slice %arg10[%mul3A_26, %dma_start3A_90] : memref<10240x256xf32, #tpu.memory_space<hbm>> -> memref<80x256xf32, #tpu.memory_space<hbm>>
        %dma_start3A_92 = arith.constant 0 : i32
        %dma_start3A_93 = arith.constant 0 : i32
        %dma_start3A_94 = tpu.memref_slice %arg25[%dma_start3A_92, %dma_start3A_93] : memref<81x256xf32, #tpu.memory_space<vmem>> -> memref<80x256xf32, #tpu.memory_space<vmem>>
        tpu.enqueue_dma source(%dma_start3A_94 : memref<80x256xf32, #tpu.memory_space<vmem>>) target(%dma_start3A_91 : memref<80x256xf32, #tpu.memory_space<hbm>>) target_semaphore(%run_scoped3A : memref<!tpu.dma_semaphore, #tpu.memory_space<semaphore_mem>>)
        %dma_wait3A = arith.constant 0 : i32
        %dma_wait3A_95 = arith.constant 0 : i32
        %dma_wait3A_96 = tpu.memref_slice %arg25[%dma_wait3A, %dma_wait3A_95] : memref<81x256xf32, #tpu.memory_space<vmem>> -> memref<80x256xf32, #tpu.memory_space<vmem>>
        %dma_wait3A_97 = arith.constant 0 : i32
        %dma_wait3A_98 = tpu.memref_slice %arg10[%mul3A_26, %dma_wait3A_97] : memref<10240x256xf32, #tpu.memory_space<hbm>> -> memref<80x256xf32, #tpu.memory_space<hbm>>
        %dma_wait3A_99 = arith.constant 0 : i32
        %dma_wait3A_100 = tpu.memref_slice %arg10[%mul3A_26, %dma_wait3A_99] : memref<10240x256xf32, #tpu.memory_space<hbm>> -> memref<80x256xf32, #tpu.memory_space<hbm>>
        %dma_wait3A_101 = arith.constant 0 : i32
        %dma_wait3A_102 = arith.constant 0 : i32
        %dma_wait3A_103 = tpu.memref_slice %arg25[%dma_wait3A_101, %dma_wait3A_102] : memref<81x256xf32, #tpu.memory_space<vmem>> -> memref<80x256xf32, #tpu.memory_space<vmem>>
        tpu.wait_dma2 semaphore(%run_scoped3A : memref<!tpu.dma_semaphore, #tpu.memory_space<semaphore_mem>>) src(%dma_wait3A_103 : memref<80x256xf32, #tpu.memory_space<vmem>>) dst(%dma_wait3A_100 : memref<80x256xf32, #tpu.memory_space<hbm>>)
        tpu.yield
      }) : () -> ()
      "tpu.region"() ({
        %run_scoped3A = tpu.sem_alloc : memref<!tpu.dma_semaphore, #tpu.memory_space<semaphore_mem>>
        %dma_start3A_85 = arith.constant 0 : i32
        %dma_start3A_86 = arith.constant 0 : i32
        %dma_start3A_87 = tpu.memref_slice %arg26[%dma_start3A_85, %dma_start3A_86] : memref<81x256xf32, #tpu.memory_space<vmem>> -> memref<80x256xf32, #tpu.memory_space<vmem>>
        %dma_start3A_88 = arith.constant 0 : i32
        %dma_start3A_89 = tpu.memref_slice %arg11[%mul3A_26, %dma_start3A_88] : memref<10240x256xf32, #tpu.memory_space<hbm>> -> memref<80x256xf32, #tpu.memory_space<hbm>>
        %dma_start3A_90 = arith.constant 0 : i32
        %dma_start3A_91 = tpu.memref_slice %arg11[%mul3A_26, %dma_start3A_90] : memref<10240x256xf32, #tpu.memory_space<hbm>> -> memref<80x256xf32, #tpu.memory_space<hbm>>
        %dma_start3A_92 = arith.constant 0 : i32
        %dma_start3A_93 = arith.constant 0 : i32
        %dma_start3A_94 = tpu.memref_slice %arg26[%dma_start3A_92, %dma_start3A_93] : memref<81x256xf32, #tpu.memory_space<vmem>> -> memref<80x256xf32, #tpu.memory_space<vmem>>
        tpu.enqueue_dma source(%dma_start3A_94 : memref<80x256xf32, #tpu.memory_space<vmem>>) target(%dma_start3A_91 : memref<80x256xf32, #tpu.memory_space<hbm>>) target_semaphore(%run_scoped3A : memref<!tpu.dma_semaphore, #tpu.memory_space<semaphore_mem>>)
        %dma_wait3A = arith.constant 0 : i32
        %dma_wait3A_95 = arith.constant 0 : i32
        %dma_wait3A_96 = tpu.memref_slice %arg26[%dma_wait3A, %dma_wait3A_95] : memref<81x256xf32, #tpu.memory_space<vmem>> -> memref<80x256xf32, #tpu.memory_space<vmem>>
        %dma_wait3A_97 = arith.constant 0 : i32
        %dma_wait3A_98 = tpu.memref_slice %arg11[%mul3A_26, %dma_wait3A_97] : memref<10240x256xf32, #tpu.memory_space<hbm>> -> memref<80x256xf32, #tpu.memory_space<hbm>>
        %dma_wait3A_99 = arith.constant 0 : i32
        %dma_wait3A_100 = tpu.memref_slice %arg11[%mul3A_26, %dma_wait3A_99] : memref<10240x256xf32, #tpu.memory_space<hbm>> -> memref<80x256xf32, #tpu.memory_space<hbm>>
        %dma_wait3A_101 = arith.constant 0 : i32
        %dma_wait3A_102 = arith.constant 0 : i32
        %dma_wait3A_103 = tpu.memref_slice %arg26[%dma_wait3A_101, %dma_wait3A_102] : memref<81x256xf32, #tpu.memory_space<vmem>> -> memref<80x256xf32, #tpu.memory_space<vmem>>
        tpu.wait_dma2 semaphore(%run_scoped3A : memref<!tpu.dma_semaphore, #tpu.memory_space<semaphore_mem>>) src(%dma_wait3A_103 : memref<80x256xf32, #tpu.memory_space<vmem>>) dst(%dma_wait3A_100 : memref<80x256xf32, #tpu.memory_space<hbm>>)
        tpu.yield
      }) : () -> ()
      "tpu.region"() ({
        %run_scoped3A = tpu.sem_alloc : memref<!tpu.dma_semaphore, #tpu.memory_space<semaphore_mem>>
        %dma_start3A_85 = arith.constant 0 : i32
        %dma_start3A_86 = arith.constant 0 : i32
        %dma_start3A_87 = tpu.memref_slice %arg27[%dma_start3A_85, %dma_start3A_86] : memref<81x16xf32, #tpu.memory_space<vmem>> -> memref<80x16xf32, #tpu.memory_space<vmem>>
        %dma_start3A_88 = arith.constant 0 : i32
        %dma_start3A_89 = tpu.memref_slice %arg12[%mul3A_26, %dma_start3A_88] : memref<10240x16xf32, #tpu.memory_space<hbm>> -> memref<80x16xf32, #tpu.memory_space<hbm>>
        %dma_start3A_90 = arith.constant 0 : i32
        %dma_start3A_91 = tpu.memref_slice %arg12[%mul3A_26, %dma_start3A_90] : memref<10240x16xf32, #tpu.memory_space<hbm>> -> memref<80x16xf32, #tpu.memory_space<hbm>>
        %dma_start3A_92 = arith.constant 0 : i32
        %dma_start3A_93 = arith.constant 0 : i32
        %dma_start3A_94 = tpu.memref_slice %arg27[%dma_start3A_92, %dma_start3A_93] : memref<81x16xf32, #tpu.memory_space<vmem>> -> memref<80x16xf32, #tpu.memory_space<vmem>>
        tpu.enqueue_dma source(%dma_start3A_94 : memref<80x16xf32, #tpu.memory_space<vmem>>) target(%dma_start3A_91 : memref<80x16xf32, #tpu.memory_space<hbm>>) target_semaphore(%run_scoped3A : memref<!tpu.dma_semaphore, #tpu.memory_space<semaphore_mem>>)
        %dma_wait3A = arith.constant 0 : i32
        %dma_wait3A_95 = arith.constant 0 : i32
        %dma_wait3A_96 = tpu.memref_slice %arg27[%dma_wait3A, %dma_wait3A_95] : memref<81x16xf32, #tpu.memory_space<vmem>> -> memref<80x16xf32, #tpu.memory_space<vmem>>
        %dma_wait3A_97 = arith.constant 0 : i32
        %dma_wait3A_98 = tpu.memref_slice %arg12[%mul3A_26, %dma_wait3A_97] : memref<10240x16xf32, #tpu.memory_space<hbm>> -> memref<80x16xf32, #tpu.memory_space<hbm>>
        %dma_wait3A_99 = arith.constant 0 : i32
        %dma_wait3A_100 = tpu.memref_slice %arg12[%mul3A_26, %dma_wait3A_99] : memref<10240x16xf32, #tpu.memory_space<hbm>> -> memref<80x16xf32, #tpu.memory_space<hbm>>
        %dma_wait3A_101 = arith.constant 0 : i32
        %dma_wait3A_102 = arith.constant 0 : i32
        %dma_wait3A_103 = tpu.memref_slice %arg27[%dma_wait3A_101, %dma_wait3A_102] : memref<81x16xf32, #tpu.memory_space<vmem>> -> memref<80x16xf32, #tpu.memory_space<vmem>>
        tpu.wait_dma2 semaphore(%run_scoped3A : memref<!tpu.dma_semaphore, #tpu.memory_space<semaphore_mem>>) src(%dma_wait3A_103 : memref<80x16xf32, #tpu.memory_space<vmem>>) dst(%dma_wait3A_100 : memref<80x16xf32, #tpu.memory_space<hbm>>)
        tpu.yield
      }) : () -> ()
      %scan3A_84 = arith.constant 0 : i32
      scf.yield %scan3A_84 : i32
    }
    %scan3A_19 = arith.constant 4 : i32
    return
  }
}

module attributes {stable_mosaic.version = 14 : i64} {
  func.func @_mm_body(%arg0: i32, %arg1: memref<256x256xf32, #tpu.memory_space<vmem>>, %arg2: memref<256x512xf32, #tpu.memory_space<vmem>>, %arg3: memref<1x512xf32, #tpu.memory_space<vmem>>, %arg4: memref<256x512xf32, #tpu.memory_space<vmem>>) attributes {dimension_semantics = [#tpu.dimension_semantics<arbitrary>], iteration_bounds = array<i64: 40>, scalar_prefetch = 0 : i64, scratch_operands = 0 : i64, tpu.core_type = #tpu.core_type<tc>, window_params = [{transform_indices = @transform_0, window_bounds = array<i64: 256, 256>}, {pipeline_mode = #tpu.pipeline_mode<synchronous>, transform_indices = @transform_1, window_bounds = array<i64: 256, 512>}, {pipeline_mode = #tpu.pipeline_mode<synchronous>, transform_indices = @transform_2, window_bounds = array<i64: 1, 512>}, {transform_indices = @transform_3, window_bounds = array<i64: 256, 512>}]} {
    %get3A = arith.constant 0 : index
    %get3A_0 = arith.constant 0 : index
    %get3A_1 = vector.load %arg1[%get3A, %get3A_0] : memref<256x256xf32, #tpu.memory_space<vmem>>, vector<256x256xf32>
    %get3A_2 = arith.constant 0 : index
    %get3A_3 = arith.constant 0 : index
    %get3A_4 = vector.load %arg2[%get3A_2, %get3A_3] : memref<256x512xf32, #tpu.memory_space<vmem>>, vector<256x512xf32>
    %dot_general3A = arith.constant dense<0.000000e+00> : vector<256x512xf32>
    %dot_general3A_5 = tpu.matmul %get3A_1, %get3A_4, %dot_general3A {dimension_numbers = #tpu.dot_dimension_numbers<[1], [0], [0], [1], [0, 0, 1, 1], [], []>, transpose_lhs_hint = false} : vector<256x256xf32>, vector<256x512xf32>, vector<256x512xf32> -> vector<256x512xf32>
    %get3A_6 = arith.constant 0 : index
    %get3A_7 = arith.constant 0 : index
    %get3A_8 = vector.load %arg3[%get3A_6, %get3A_7] : memref<1x512xf32, #tpu.memory_space<vmem>>, vector<1x512xf32>
    %add3A = vector.broadcast %get3A_8 : vector<1x512xf32> to vector<256x512xf32>
    %add3A_9 = arith.addf %dot_general3A_5, %add3A : vector<256x512xf32>
    %swap3A = arith.constant 0 : index
    %swap3A_10 = arith.constant 0 : index
    %swap3A_11 = vector.load %arg4[%swap3A, %swap3A_10] : memref<256x512xf32, #tpu.memory_space<vmem>>, vector<256x512xf32>
    tpu.vector_store %arg4[%swap3A, %swap3A_10], %add3A_9 {strides = array<i32>} : memref<256x512xf32, #tpu.memory_space<vmem>>, vector<256x512xf32>,
    return
  }
  func.func @transform_0(%arg0: i32) -> (i32, i32) {
    %c0_i32 = arith.constant 0 : i32
    %c0_i32_0 = arith.constant 0 : i32
    return %arg0, %c0_i32 : i32, i32
  }
  func.func @transform_1(%arg0: i32) -> (i32, i32) {
    %c0_i32 = arith.constant 0 : i32
    %c0_i32_0 = arith.constant 0 : i32
    %c0_i32_1 = arith.constant 0 : i32
    return %c0_i32, %c0_i32_0 : i32, i32
  }
  func.func @transform_2(%arg0: i32) -> (i32, i32) {
    %c0_i32 = arith.constant 0 : i32
    %c0_i32_0 = arith.constant 0 : i32
    %c0_i32_1 = arith.constant 0 : i32
    return %c0_i32, %c0_i32_0 : i32, i32
  }
  func.func @transform_3(%arg0: i32) -> (i32, i32) {
    %c0_i32 = arith.constant 0 : i32
    %c0_i32_0 = arith.constant 0 : i32
    return %arg0, %c0_i32 : i32, i32
  }
}

module attributes {stable_mosaic.version = 14 : i64} {
  func.func @_avg_log_body(%arg0: i32, %arg1: memref<256x16xf32, #tpu.memory_space<vmem>>, %arg2: memref<1x1xf32, #tpu.memory_space<smem>>) attributes {dimension_semantics = [#tpu.dimension_semantics<arbitrary>], iteration_bounds = array<i64: 40>, scalar_prefetch = 0 : i64, scratch_operands = 0 : i64, tpu.core_type = #tpu.core_type<tc>, window_params = [{transform_indices = @transform_0, window_bounds = array<i64: 256, 16>}, {transform_indices = @transform_1, window_bounds = array<i64: 1, 1>}]} {
    %get3A = arith.constant 0 : index
    %get3A_0 = arith.constant 0 : index
    %get3A_1 = vector.load %arg1[%get3A, %get3A_0] : memref<256x16xf32, #tpu.memory_space<vmem>>, vector<256x1xf32>
    %iota3A = tpu.iota {dimensions = array<i32: 0>} : vector<256x1xi32>
    %mul3A = arith.constant 256 : i32
    %mul3A_2 = arith.muli %arg0, %mul3A : i32
    %add3A = vector.broadcast %mul3A_2 : i32 to vector<256x1xi32>
    %add3A_3 = arith.addi %iota3A, %add3A : vector<256x1xi32>
    %lt3A = arith.constant 10000 : i32
    %lt3A_4 = vector.broadcast %lt3A : i32 to vector<256x1xi32>
    %lt3A_5 = arith.cmpi slt, %add3A_3, %lt3A_4 : vector<256x1xi32>
    %add3A_6 = arith.constant 1.000000e+00 : f32
    %add3A_7 = vector.broadcast %add3A_6 : f32 to vector<256x1xf32>
    %add3A_8 = arith.addf %get3A_1, %add3A_7 : vector<256x1xf32>
    %log3A = math.log %add3A_8 : vector<256x1xf32>
    %jit3A = arith.constant 0.000000e+00 : f32
    %broadcast_in_dim3A = vector.broadcast %jit3A : f32 to vector<256x1xf32>
    %select_n3A = arith.select %lt3A_5, %log3A, %broadcast_in_dim3A : vector<256x1xi1>, vector<256x1xf32>
    %reduce_sum3A = vector.shape_cast %select_n3A : vector<256x1xf32> to vector<1x256x1xf32>
    %reduce_sum3A_9 = arith.constant dense<0.000000e+00> : vector<1xf32>
    %reduce_sum3A_10 = vector.multi_reduction <add>, %reduce_sum3A, %reduce_sum3A_9 [1, 2] : vector<1x256x1xf32> to vector<1xf32>
    %reduce_sum3A_11 = vector.shape_cast %reduce_sum3A_10 : vector<1xf32> to vector<1x1x1xf32>
    %reduce_sum3A_12 = vector.extract %reduce_sum3A_11[0, 0, 0] : f32 from vector<1x1x1xf32>
    %eq3A = arith.constant 0 : i32
    %eq3A_13 = arith.cmpi eq, %arg0, %eq3A : i32
    %convert_element_type3A = arith.extui %eq3A_13 : i1 to i32
    %cond3A = arith.constant 0 : i32
    %cond3A_14 = arith.cmpi ne, %convert_element_type3A, %cond3A : i32
    scf.if %cond3A_14 {
      %swap3A_21 = arith.constant 0.000000e+00 : f32
      %swap3A_22 = arith.constant 0 : index
      %swap3A_23 = arith.constant 0 : index
      %swap3A_24 = memref.load %arg2[%swap3A_22, %swap3A_23] : memref<1x1xf32, #tpu.memory_space<smem>>
      memref.store %swap3A_21, %arg2[%swap3A_22, %swap3A_23] : memref<1x1xf32, #tpu.memory_space<smem>>
    } else {
    }
    %get3A_15 = arith.constant 0 : index
    %get3A_16 = arith.constant 0 : index
    %get3A_17 = memref.load %arg2[%get3A_15, %get3A_16] : memref<1x1xf32, #tpu.memory_space<smem>>
    %add3A_18 = arith.addf %get3A_17, %reduce_sum3A_12 : f32
    %swap3A = arith.constant 0 : index
    %swap3A_19 = arith.constant 0 : index
    %swap3A_20 = memref.load %arg2[%swap3A, %swap3A_19] : memref<1x1xf32, #tpu.memory_space<smem>>
    memref.store %add3A_18, %arg2[%swap3A, %swap3A_19] : memref<1x1xf32, #tpu.memory_space<smem>>
    return
  }
  func.func @transform_0(%arg0: i32) -> (i32, i32) {
    %c0_i32 = arith.constant 0 : i32
    %c0_i32_0 = arith.constant 0 : i32
    return %arg0, %c0_i32 : i32, i32
  }
  func.func @transform_1(%arg0: i32) -> (i32, i32) {
    %c0_i32 = arith.constant 0 : i32
    %c0_i32_0 = arith.constant 0 : i32
    %c0_i32_1 = arith.constant 0 : i32
    return %c0_i32, %c0_i32_0 : i32, i32
  }
}

module attributes {stable_mosaic.version = 14 : i64} {
  func.func @_combine_body(%arg0: i32, %arg1: memref<256x256xf32, #tpu.memory_space<vmem>>, %arg2: memref<256x256xf32, #tpu.memory_space<vmem>>, %arg3: memref<256x256xf32, #tpu.memory_space<vmem>>, %arg4: memref<256x256xf32, #tpu.memory_space<vmem>>, %arg5: memref<256x16xf32, #tpu.memory_space<vmem>>, %arg6: memref<256x256xf32, #tpu.memory_space<vmem>>, %arg7: memref<256x256xf32, #tpu.memory_space<vmem>>, %arg8: memref<1x1xf32, #tpu.memory_space<smem>>, %arg9: memref<256x32xf32, #tpu.memory_space<vmem>>, %arg10: memref<1024x32xf32, #tpu.memory_space<vmem>>, %arg11: memref<1024x32xf32, #tpu.memory_space<vmem>>, %arg12: memref<1024x32xf32, #tpu.memory_space<vmem>>, %arg13: memref<1x32xf32, #tpu.memory_space<vmem>>, %arg14: memref<32x32xf32, #tpu.memory_space<vmem>>, %arg15: memref<1x32xf32, #tpu.memory_space<vmem>>, %arg16: memref<256x32xf32, #tpu.memory_space<vmem>>) attributes {dimension_semantics = [#tpu.dimension_semantics<arbitrary>], iteration_bounds = array<i64: 40>, scalar_prefetch = 0 : i64, scratch_operands = 0 : i64, tpu.core_type = #tpu.core_type<tc>, window_params = [{transform_indices = @transform_0, window_bounds = array<i64: 256, 256>}, {transform_indices = @transform_1, window_bounds = array<i64: 256, 256>}, {transform_indices = @transform_2, window_bounds = array<i64: 256, 256>}, {transform_indices = @transform_3, window_bounds = array<i64: 256, 256>}, {transform_indices = @transform_4, window_bounds = array<i64: 256, 16>}, {transform_indices = @transform_5, window_bounds = array<i64: 256, 256>}, {transform_indices = @transform_6, window_bounds = array<i64: 256, 256>}, {transform_indices = @transform_7, window_bounds = array<i64: 1, 1>}, {pipeline_mode = #tpu.pipeline_mode<synchronous>, transform_indices = @transform_8, window_bounds = array<i64: 256, 32>}, {pipeline_mode = #tpu.pipeline_mode<synchronous>, transform_indices = @transform_9, window_bounds = array<i64: 1024, 32>}, {pipeline_mode = #tpu.pipeline_mode<synchronous>, transform_indices = @transform_10, window_bounds = array<i64: 1024, 32>}, {pipeline_mode = #tpu.pipeline_mode<synchronous>, transform_indices = @transform_11, window_bounds = array<i64: 1024, 32>}, {pipeline_mode = #tpu.pipeline_mode<synchronous>, transform_indices = @transform_12, window_bounds = array<i64: 1, 32>}, {pipeline_mode = #tpu.pipeline_mode<synchronous>, transform_indices = @transform_13, window_bounds = array<i64: 32, 32>}, {pipeline_mode = #tpu.pipeline_mode<synchronous>, transform_indices = @transform_14, window_bounds = array<i64: 1, 32>}, {transform_indices = @transform_15, window_bounds = array<i64: 256, 32>}]} {
    %get3A = arith.constant 0 : index
    %get3A_0 = arith.constant 0 : index
    %get3A_1 = vector.load %arg5[%get3A, %get3A_0] : memref<256x16xf32, #tpu.memory_space<vmem>>, vector<256x1xf32>
    %max3A = arith.constant 1.000000e+00 : f32
    %max3A_2 = vector.broadcast %max3A : f32 to vector<256x1xf32>
    %max3A_3 = arith.maximumf %get3A_1, %max3A_2 : vector<256x1xf32>
    %get3A_4 = arith.constant 0 : index
    %get3A_5 = arith.constant 0 : index
    %get3A_6 = vector.load %arg6[%get3A_4, %get3A_5] : memref<256x256xf32, #tpu.memory_space<vmem>>, vector<256x256xf32>
    %get3A_7 = arith.constant 0 : index
    %get3A_8 = arith.constant 0 : index
    %get3A_9 = vector.load %arg1[%get3A_7, %get3A_8] : memref<256x256xf32, #tpu.memory_space<vmem>>, vector<256x256xf32>
    %mul3A = vector.broadcast %get3A_1 : vector<256x1xf32> to vector<256x256xf32>
    %mul3A_10 = arith.mulf %mul3A, %get3A_6 : vector<256x256xf32>
    %add3A = arith.addf %get3A_9, %mul3A_10 : vector<256x256xf32>
    %div3A = vector.broadcast %max3A_3 : vector<256x1xf32> to vector<256x256xf32>
    %div3A_11 = arith.divf %add3A, %div3A : vector<256x256xf32>
    %get3A_12 = arith.constant 0 : index
    %get3A_13 = arith.constant 0 : index
    %get3A_14 = vector.load %arg2[%get3A_12, %get3A_13] : memref<256x256xf32, #tpu.memory_space<vmem>>, vector<256x256xf32>
    %mul3A_15 = arith.constant 2.000000e+00 : f32
    %mul3A_16 = vector.broadcast %mul3A_15 : f32 to vector<256x256xf32>
    %mul3A_17 = arith.mulf %mul3A_16, %get3A_6 : vector<256x256xf32>
    %mul3A_18 = arith.mulf %mul3A_17, %get3A_9 : vector<256x256xf32>
    %add3A_19 = arith.addf %get3A_14, %mul3A_18 : vector<256x256xf32>
    %mul3A_20 = vector.broadcast %get3A_1 : vector<256x1xf32> to vector<256x256xf32>
    %mul3A_21 = arith.mulf %mul3A_20, %get3A_6 : vector<256x256xf32>
    %mul3A_22 = arith.mulf %mul3A_21, %get3A_6 : vector<256x256xf32>
    %add3A_23 = arith.addf %add3A_19, %mul3A_22 : vector<256x256xf32>
    %div3A_24 = vector.broadcast %max3A_3 : vector<256x1xf32> to vector<256x256xf32>
    %div3A_25 = arith.divf %add3A_23, %div3A_24 : vector<256x256xf32>
    %mul3A_26 = arith.mulf %div3A_11, %div3A_11 : vector<256x256xf32>
    %sub3A = arith.subf %div3A_25, %mul3A_26 : vector<256x256xf32>
    %max3A_27 = arith.constant 0.000000e+00 : f32
    %max3A_28 = vector.broadcast %max3A_27 : f32 to vector<256x256xf32>
    %max3A_29 = arith.maximumf %sub3A, %max3A_28 : vector<256x256xf32>
    %add3A_30 = arith.constant 9.99999974E-6 : f32
    %add3A_31 = vector.broadcast %add3A_30 : f32 to vector<256x256xf32>
    %add3A_32 = arith.addf %max3A_29, %add3A_31 : vector<256x256xf32>
    %sqrt3A = math.sqrt %add3A_32 : vector<256x256xf32>
    %gt3A = arith.constant 0.000000e+00 : f32
    %gt3A_33 = vector.broadcast %gt3A : f32 to vector<256x1xf32>
    %gt3A_34 = arith.cmpf ogt, %get3A_1, %gt3A_33 : vector<256x1xf32>
    %get3A_35 = arith.constant 0 : index
    %get3A_36 = arith.constant 0 : index
    %get3A_37 = vector.load %arg3[%get3A_35, %get3A_36] : memref<256x256xf32, #tpu.memory_space<vmem>>, vector<256x256xf32>
    %add3A_38 = arith.addf %get3A_37, %get3A_6 : vector<256x256xf32>
    %jit3A = arith.constant 0.000000e+00 : f32
    %broadcast_in_dim3A = vector.shape_cast %gt3A_34 : vector<256x1xi1> to vector<256x1xi1>
    %broadcast_in_dim3A_39 = vector.broadcast %broadcast_in_dim3A : vector<256x1xi1> to vector<256x256xi1>
    %broadcast_in_dim3A_40 = vector.broadcast %jit3A : f32 to vector<256x256xf32>
    %select_n3A = arith.select %broadcast_in_dim3A_39, %add3A_38, %broadcast_in_dim3A_40 : vector<256x256xi1>, vector<256x256xf32>
    %get3A_41 = arith.constant 0 : index
    %get3A_42 = arith.constant 0 : index
    %get3A_43 = vector.load %arg4[%get3A_41, %get3A_42] : memref<256x256xf32, #tpu.memory_space<vmem>>, vector<256x256xf32>
    %add3A_44 = arith.addf %get3A_43, %get3A_6 : vector<256x256xf32>
    %jit3A_45 = arith.constant 0.000000e+00 : f32
    %broadcast_in_dim3A_46 = vector.shape_cast %gt3A_34 : vector<256x1xi1> to vector<256x1xi1>
    %broadcast_in_dim3A_47 = vector.broadcast %broadcast_in_dim3A_46 : vector<256x1xi1> to vector<256x256xi1>
    %broadcast_in_dim3A_48 = vector.broadcast %jit3A_45 : f32 to vector<256x256xf32>
    %select_n3A_49 = arith.select %broadcast_in_dim3A_47, %add3A_44, %broadcast_in_dim3A_48 : vector<256x256xi1>, vector<256x256xf32>
    %concatenate3A = tpu.concatenate %div3A_11, %select_n3A, %select_n3A_49, %sqrt3A in 1 : vector<256x256xf32>, vector<256x256xf32>, vector<256x256xf32>, vector<256x256xf32> -> vector<256x1024xf32>
    %get3A_50 = arith.constant 0 : index
    %get3A_51 = arith.constant 0 : index
    %get3A_52 = memref.load %arg8[%get3A_50, %get3A_51] : memref<1x1xf32, #tpu.memory_space<smem>>
    %add3A_53 = arith.constant 1.000000e+00 : f32
    %add3A_54 = vector.broadcast %add3A_53 : f32 to vector<256x1xf32>
    %add3A_55 = arith.addf %max3A_3, %add3A_54 : vector<256x1xf32>
    %log3A = math.log %add3A_55 : vector<256x1xf32>
    %div3A_56 = vector.broadcast %get3A_52 : f32 to vector<256x1xf32>
    %div3A_57 = arith.divf %log3A, %div3A_56 : vector<256x1xf32>
    %div3A_58 = vector.broadcast %get3A_52 : f32 to vector<256x1xf32>
    %div3A_59 = arith.divf %div3A_58, %log3A : vector<256x1xf32>
    %get3A_60 = arith.constant 0 : index
    %get3A_61 = arith.constant 0 : index
    %get3A_62 = vector.load %arg7[%get3A_60, %get3A_61] : memref<256x256xf32, #tpu.memory_space<vmem>>, vector<256x256xf32>
    %get3A_63 = arith.constant 0 : index
    %get3A_64 = arith.constant 0 : index
    %get3A_65 = vector.load %arg9[%get3A_63, %get3A_64] : memref<256x32xf32, #tpu.memory_space<vmem>>, vector<256x32xf32>
    %dot_general3A = arith.constant dense<0.000000e+00> : vector<256x32xf32>
    %dot_general3A_66 = tpu.matmul %get3A_62, %get3A_65, %dot_general3A {dimension_numbers = #tpu.dot_dimension_numbers<[1], [0], [0], [1], [0, 0, 1, 1], [], []>, transpose_lhs_hint = false} : vector<256x256xf32>, vector<256x32xf32>, vector<256x32xf32> -> vector<256x32xf32>
    %get3A_67 = arith.constant 0 : index
    %get3A_68 = arith.constant 0 : index
    %get3A_69 = vector.load %arg10[%get3A_67, %get3A_68] : memref<1024x32xf32, #tpu.memory_space<vmem>>, vector<1024x32xf32>
    %dot_general3A_70 = arith.constant dense<0.000000e+00> : vector<256x32xf32>
    %dot_general3A_71 = tpu.matmul %concatenate3A, %get3A_69, %dot_general3A_70 {dimension_numbers = #tpu.dot_dimension_numbers<[1], [0], [0], [1], [0, 0, 1, 1], [], []>, transpose_lhs_hint = false} : vector<256x1024xf32>, vector<1024x32xf32>, vector<256x32xf32> -> vector<256x32xf32>
    %add3A_72 = arith.addf %dot_general3A_66, %dot_general3A_71 : vector<256x32xf32>
    %mul3A_73 = vector.broadcast %div3A_57 : vector<256x1xf32> to vector<256x1024xf32>
    %mul3A_74 = arith.mulf %concatenate3A, %mul3A_73 : vector<256x1024xf32>
    %get3A_75 = arith.constant 0 : index
    %get3A_76 = arith.constant 0 : index
    %get3A_77 = vector.load %arg11[%get3A_75, %get3A_76] : memref<1024x32xf32, #tpu.memory_space<vmem>>, vector<1024x32xf32>
    %dot_general3A_78 = arith.constant dense<0.000000e+00> : vector<256x32xf32>
    %dot_general3A_79 = tpu.matmul %mul3A_74, %get3A_77, %dot_general3A_78 {dimension_numbers = #tpu.dot_dimension_numbers<[1], [0], [0], [1], [0, 0, 1, 1], [], []>, transpose_lhs_hint = false} : vector<256x1024xf32>, vector<1024x32xf32>, vector<256x32xf32> -> vector<256x32xf32>
    %add3A_80 = arith.addf %add3A_72, %dot_general3A_79 : vector<256x32xf32>
    %mul3A_81 = vector.broadcast %div3A_59 : vector<256x1xf32> to vector<256x1024xf32>
    %mul3A_82 = arith.mulf %concatenate3A, %mul3A_81 : vector<256x1024xf32>
    %get3A_83 = arith.constant 0 : index
    %get3A_84 = arith.constant 0 : index
    %get3A_85 = vector.load %arg12[%get3A_83, %get3A_84] : memref<1024x32xf32, #tpu.memory_space<vmem>>, vector<1024x32xf32>
    %dot_general3A_86 = arith.constant dense<0.000000e+00> : vector<256x32xf32>
    %dot_general3A_87 = tpu.matmul %mul3A_82, %get3A_85, %dot_general3A_86 {dimension_numbers = #tpu.dot_dimension_numbers<[1], [0], [0], [1], [0, 0, 1, 1], [], []>, transpose_lhs_hint = false} : vector<256x1024xf32>, vector<1024x32xf32>, vector<256x32xf32> -> vector<256x32xf32>
    %add3A_88 = arith.addf %add3A_80, %dot_general3A_87 : vector<256x32xf32>
    %get3A_89 = arith.constant 0 : index
    %get3A_90 = arith.constant 0 : index
    %get3A_91 = vector.load %arg13[%get3A_89, %get3A_90] : memref<1x32xf32, #tpu.memory_space<vmem>>, vector<1x32xf32>
    %add3A_92 = vector.broadcast %get3A_91 : vector<1x32xf32> to vector<256x32xf32>
    %add3A_93 = arith.addf %add3A_88, %add3A_92 : vector<256x32xf32>
    %get3A_94 = arith.constant 0 : index
    %get3A_95 = arith.constant 0 : index
    %get3A_96 = vector.load %arg14[%get3A_94, %get3A_95] : memref<32x32xf32, #tpu.memory_space<vmem>>, vector<32x32xf32>
    %dot_general3A_97 = arith.constant dense<0.000000e+00> : vector<256x32xf32>
    %dot_general3A_98 = tpu.matmul %add3A_93, %get3A_96, %dot_general3A_97 {dimension_numbers = #tpu.dot_dimension_numbers<[1], [0], [0], [1], [0, 0, 1, 1], [], []>, transpose_lhs_hint = false} : vector<256x32xf32>, vector<32x32xf32>, vector<256x32xf32> -> vector<256x32xf32>
    %get3A_99 = arith.constant 0 : index
    %get3A_100 = arith.constant 0 : index
    %get3A_101 = vector.load %arg15[%get3A_99, %get3A_100] : memref<1x32xf32, #tpu.memory_space<vmem>>, vector<1x32xf32>
    %add3A_102 = vector.broadcast %get3A_101 : vector<1x32xf32> to vector<256x32xf32>
    %add3A_103 = arith.addf %dot_general3A_98, %add3A_102 : vector<256x32xf32>
    %swap3A = arith.constant 0 : index
    %swap3A_104 = arith.constant 0 : index
    %swap3A_105 = vector.load %arg16[%swap3A, %swap3A_104] : memref<256x32xf32, #tpu.memory_space<vmem>>, vector<256x32xf32>
    tpu.vector_store %arg16[%swap3A, %swap3A_104], %add3A_103 {strides = array<i32>} : memref<256x32xf32, #tpu.memory_space<vmem>>, vector<256x32xf32>,
    return
  }
  func.func @transform_0(%arg0: i32) -> (i32, i32) {
    %c0_i32 = arith.constant 0 : i32
    %c0_i32_0 = arith.constant 0 : i32
    return %arg0, %c0_i32 : i32, i32
  }
  func.func @transform_1(%arg0: i32) -> (i32, i32) {
    %c0_i32 = arith.constant 0 : i32
    %c0_i32_0 = arith.constant 0 : i32
    return %arg0, %c0_i32 : i32, i32
  }
  func.func @transform_2(%arg0: i32) -> (i32, i32) {
    %c0_i32 = arith.constant 0 : i32
    %c0_i32_0 = arith.constant 0 : i32
    return %arg0, %c0_i32 : i32, i32
  }
  func.func @transform_3(%arg0: i32) -> (i32, i32) {
    %c0_i32 = arith.constant 0 : i32
    %c0_i32_0 = arith.constant 0 : i32
    return %arg0, %c0_i32 : i32, i32
  }
  func.func @transform_4(%arg0: i32) -> (i32, i32) {
    %c0_i32 = arith.constant 0 : i32
    %c0_i32_0 = arith.constant 0 : i32
    return %arg0, %c0_i32 : i32, i32
  }
  func.func @transform_5(%arg0: i32) -> (i32, i32) {
    %c0_i32 = arith.constant 0 : i32
    %c0_i32_0 = arith.constant 0 : i32
    return %arg0, %c0_i32 : i32, i32
  }
  func.func @transform_6(%arg0: i32) -> (i32, i32) {
    %c0_i32 = arith.constant 0 : i32
    %c0_i32_0 = arith.constant 0 : i32
    return %arg0, %c0_i32 : i32, i32
  }
  func.func @transform_7(%arg0: i32) -> (i32, i32) {
    %c0_i32 = arith.constant 0 : i32
    %c0_i32_0 = arith.constant 0 : i32
    %c0_i32_1 = arith.constant 0 : i32
    return %c0_i32, %c0_i32_0 : i32, i32
  }
  func.func @transform_8(%arg0: i32) -> (i32, i32) {
    %c0_i32 = arith.constant 0 : i32
    %c0_i32_0 = arith.constant 0 : i32
    %c0_i32_1 = arith.constant 0 : i32
    return %c0_i32, %c0_i32_0 : i32, i32
  }
  func.func @transform_9(%arg0: i32) -> (i32, i32) {
    %c0_i32 = arith.constant 0 : i32
    %c0_i32_0 = arith.constant 0 : i32
    %c0_i32_1 = arith.constant 0 : i32
    return %c0_i32, %c0_i32_0 : i32, i32
  }
  func.func @transform_10(%arg0: i32) -> (i32, i32) {
    %c0_i32 = arith.constant 0 : i32
    %c0_i32_0 = arith.constant 0 : i32
    %c0_i32_1 = arith.constant 0 : i32
    return %c0_i32, %c0_i32_0 : i32, i32
  }
  func.func @transform_11(%arg0: i32) -> (i32, i32) {
    %c0_i32 = arith.constant 0 : i32
    %c0_i32_0 = arith.constant 0 : i32
    %c0_i32_1 = arith.constant 0 : i32
    return %c0_i32, %c0_i32_0 : i32, i32
  }
  func.func @transform_12(%arg0: i32) -> (i32, i32) {
    %c0_i32 = arith.constant 0 : i32
    %c0_i32_0 = arith.constant 0 : i32
    %c0_i32_1 = arith.constant 0 : i32
    return %c0_i32, %c0_i32_0 : i32, i32
  }
  func.func @transform_13(%arg0: i32) -> (i32, i32) {
    %c0_i32 = arith.constant 0 : i32
    %c0_i32_0 = arith.constant 0 : i32
    %c0_i32_1 = arith.constant 0 : i32
    return %c0_i32, %c0_i32_0 : i32, i32
  }
  func.func @transform_14(%arg0: i32) -> (i32, i32) {
    %c0_i32 = arith.constant 0 : i32
    %c0_i32_0 = arith.constant 0 : i32
    %c0_i32_1 = arith.constant 0 : i32
    return %c0_i32, %c0_i32_0 : i32, i32
  }
  func.func @transform_15(%arg0: i32) -> (i32, i32) {
    %c0_i32 = arith.constant 0 : i32
    %c0_i32_0 = arith.constant 0 : i32
    return %arg0, %c0_i32 : i32, i32
  }
}

module attributes {stable_mosaic.version = 14 : i64} {
  func.func @_bn_stats_body(%arg0: i32, %arg1: memref<256x32xf32, #tpu.memory_space<vmem>>, %arg2: memref<2x32xf32, #tpu.memory_space<vmem>>) attributes {dimension_semantics = [#tpu.dimension_semantics<arbitrary>], iteration_bounds = array<i64: 40>, scalar_prefetch = 0 : i64, scratch_operands = 0 : i64, tpu.core_type = #tpu.core_type<tc>, window_params = [{transform_indices = @transform_0, window_bounds = array<i64: 256, 32>}, {pipeline_mode = #tpu.pipeline_mode<synchronous>, transform_indices = @transform_1, window_bounds = array<i64: 2, 32>}]} {
    %get3A = arith.constant 0 : index
    %get3A_0 = arith.constant 0 : index
    %get3A_1 = vector.load %arg1[%get3A, %get3A_0] : memref<256x32xf32, #tpu.memory_space<vmem>>, vector<256x32xf32>
    %iota3A = tpu.iota {dimensions = array<i32: 0>} : vector<256x1xi32>
    %mul3A = arith.constant 256 : i32
    %mul3A_2 = arith.muli %arg0, %mul3A : i32
    %add3A = vector.broadcast %mul3A_2 : i32 to vector<256x1xi32>
    %add3A_3 = arith.addi %iota3A, %add3A : vector<256x1xi32>
    %lt3A = arith.constant 10000 : i32
    %lt3A_4 = vector.broadcast %lt3A : i32 to vector<256x1xi32>
    %lt3A_5 = arith.cmpi slt, %add3A_3, %lt3A_4 : vector<256x1xi32>
    %jit3A = arith.constant 0.000000e+00 : f32
    %broadcast_in_dim3A = vector.shape_cast %lt3A_5 : vector<256x1xi1> to vector<256x1xi1>
    %broadcast_in_dim3A_6 = vector.broadcast %broadcast_in_dim3A : vector<256x1xi1> to vector<256x32xi1>
    %broadcast_in_dim3A_7 = vector.broadcast %jit3A : f32 to vector<256x32xf32>
    %select_n3A = arith.select %broadcast_in_dim3A_6, %get3A_1, %broadcast_in_dim3A_7 : vector<256x32xi1>, vector<256x32xf32>
    %reduce_sum3A = arith.constant dense<0.000000e+00> : vector<32xf32>
    %reduce_sum3A_8 = vector.multi_reduction <add>, %select_n3A, %reduce_sum3A [0] : vector<256x32xf32> to vector<32xf32>
    %broadcast_in_dim3A_9 = vector.shape_cast %reduce_sum3A_8 : vector<32xf32> to vector<1x32xf32>
    %mul3A_10 = arith.mulf %select_n3A, %select_n3A : vector<256x32xf32>
    %reduce_sum3A_11 = arith.constant dense<0.000000e+00> : vector<32xf32>
    %reduce_sum3A_12 = vector.multi_reduction <add>, %mul3A_10, %reduce_sum3A_11 [0] : vector<256x32xf32> to vector<32xf32>
    %broadcast_in_dim3A_13 = vector.shape_cast %reduce_sum3A_12 : vector<32xf32> to vector<1x32xf32>
    %eq3A = arith.constant 0 : i32
    %eq3A_14 = arith.cmpi eq, %arg0, %eq3A : i32
    %convert_element_type3A = arith.extui %eq3A_14 : i1 to i32
    %cond3A = arith.constant 0 : i32
    %cond3A_15 = arith.cmpi ne, %convert_element_type3A, %cond3A : i32
    scf.if %cond3A_15 {
      %broadcast_in_dim3A_29 = arith.constant 0.000000e+00 : f32
      %broadcast_in_dim3A_30 = vector.broadcast %broadcast_in_dim3A_29 : f32 to vector<2x32xf32>
      %swap3A_31 = arith.constant 0 : index
      %swap3A_32 = arith.constant 0 : index
      %swap3A_33 = vector.load %arg2[%swap3A_31, %swap3A_32] : memref<2x32xf32, #tpu.memory_space<vmem>>, vector<2x32xf32>
      tpu.vector_store %arg2[%swap3A_31, %swap3A_32], %broadcast_in_dim3A_30 {strides = array<i32>} : memref<2x32xf32, #tpu.memory_space<vmem>>, vector<2x32xf32>,
    } else {
    }
    %get3A_16 = arith.constant 0 : index
    %get3A_17 = arith.constant 0 : index
    %get3A_18 = vector.load %arg2[%get3A_16, %get3A_17] : memref<2x32xf32, #tpu.memory_space<vmem>>, vector<1x32xf32>
    %add3A_19 = arith.addf %get3A_18, %broadcast_in_dim3A_9 : vector<1x32xf32>
    %swap3A = arith.constant 0 : index
    %swap3A_20 = arith.constant 0 : index
    %swap3A_21 = vector.load %arg2[%swap3A, %swap3A_20] : memref<2x32xf32, #tpu.memory_space<vmem>>, vector<1x32xf32>
    tpu.vector_store %arg2[%swap3A, %swap3A_20], %add3A_19 {strides = array<i32>} : memref<2x32xf32, #tpu.memory_space<vmem>>, vector<1x32xf32>,
    %get3A_22 = arith.constant 1 : index
    %get3A_23 = arith.constant 0 : index
    %get3A_24 = vector.load %arg2[%get3A_22, %get3A_23] : memref<2x32xf32, #tpu.memory_space<vmem>>, vector<1x32xf32>
    %add3A_25 = arith.addf %get3A_24, %broadcast_in_dim3A_13 : vector<1x32xf32>
    %swap3A_26 = arith.constant 1 : index
    %swap3A_27 = arith.constant 0 : index
    %swap3A_28 = vector.load %arg2[%swap3A_26, %swap3A_27] : memref<2x32xf32, #tpu.memory_space<vmem>>, vector<1x32xf32>
    tpu.vector_store %arg2[%swap3A_26, %swap3A_27], %add3A_25 {strides = array<i32>} : memref<2x32xf32, #tpu.memory_space<vmem>>, vector<1x32xf32>,
    return
  }
  func.func @transform_0(%arg0: i32) -> (i32, i32) {
    %c0_i32 = arith.constant 0 : i32
    %c0_i32_0 = arith.constant 0 : i32
    return %arg0, %c0_i32 : i32, i32
  }
  func.func @transform_1(%arg0: i32) -> (i32, i32) {
    %c0_i32 = arith.constant 0 : i32
    %c0_i32_0 = arith.constant 0 : i32
    %c0_i32_1 = arith.constant 0 : i32
    return %c0_i32, %c0_i32_0 : i32, i32
  }
}

module attributes {stable_mosaic.version = 14 : i64} {
  func.func @_bn_act_body(%arg0: i32, %arg1: memref<256x32xf32, #tpu.memory_space<vmem>>, %arg2: memref<2x32xf32, #tpu.memory_space<vmem>>, %arg3: memref<1x32xf32, #tpu.memory_space<vmem>>, %arg4: memref<1x32xf32, #tpu.memory_space<vmem>>, %arg5: memref<32x160xf32, #tpu.memory_space<vmem>>, %arg6: memref<1x160xf32, #tpu.memory_space<vmem>>, %arg7: memref<256x32xf32, #tpu.memory_space<vmem>>, %arg8: memref<256x160xf32, #tpu.memory_space<vmem>>) attributes {dimension_semantics = [#tpu.dimension_semantics<arbitrary>], iteration_bounds = array<i64: 40>, scalar_prefetch = 0 : i64, scratch_operands = 0 : i64, tpu.core_type = #tpu.core_type<tc>, window_params = [{transform_indices = @transform_0, window_bounds = array<i64: 256, 32>}, {pipeline_mode = #tpu.pipeline_mode<synchronous>, transform_indices = @transform_1, window_bounds = array<i64: 2, 32>}, {pipeline_mode = #tpu.pipeline_mode<synchronous>, transform_indices = @transform_2, window_bounds = array<i64: 1, 32>}, {pipeline_mode = #tpu.pipeline_mode<synchronous>, transform_indices = @transform_3, window_bounds = array<i64: 1, 32>}, {pipeline_mode = #tpu.pipeline_mode<synchronous>, transform_indices = @transform_4, window_bounds = array<i64: 32, 160>}, {pipeline_mode = #tpu.pipeline_mode<synchronous>, transform_indices = @transform_5, window_bounds = array<i64: 1, 160>}, {transform_indices = @transform_6, window_bounds = array<i64: 256, 32>}, {transform_indices = @transform_7, window_bounds = array<i64: 256, 160>}]} {
    %get3A = arith.constant 0 : index
    %get3A_0 = arith.constant 0 : index
    %get3A_1 = vector.load %arg1[%get3A, %get3A_0] : memref<256x32xf32, #tpu.memory_space<vmem>>, vector<256x32xf32>
    %get3A_2 = arith.constant 0 : index
    %get3A_3 = arith.constant 0 : index
    %get3A_4 = vector.load %arg2[%get3A_2, %get3A_3] : memref<2x32xf32, #tpu.memory_space<vmem>>, vector<1x32xf32>
    %div3A = arith.constant 1.000000e+04 : f32
    %div3A_5 = vector.broadcast %div3A : f32 to vector<1x32xf32>
    %div3A_6 = arith.divf %get3A_4, %div3A_5 : vector<1x32xf32>
    %get3A_7 = arith.constant 1 : index
    %get3A_8 = arith.constant 0 : index
    %get3A_9 = vector.load %arg2[%get3A_7, %get3A_8] : memref<2x32xf32, #tpu.memory_space<vmem>>, vector<1x32xf32>
    %div3A_10 = arith.constant 1.000000e+04 : f32
    %div3A_11 = vector.broadcast %div3A_10 : f32 to vector<1x32xf32>
    %div3A_12 = arith.divf %get3A_9, %div3A_11 : vector<1x32xf32>
    %mul3A = arith.mulf %div3A_6, %div3A_6 : vector<1x32xf32>
    %sub3A = arith.subf %div3A_12, %mul3A : vector<1x32xf32>
    %get3A_13 = arith.constant 0 : index
    %get3A_14 = arith.constant 0 : index
    %get3A_15 = vector.load %arg3[%get3A_13, %get3A_14] : memref<1x32xf32, #tpu.memory_space<vmem>>, vector<1x32xf32>
    %sub3A_16 = vector.broadcast %div3A_6 : vector<1x32xf32> to vector<256x32xf32>
    %sub3A_17 = arith.subf %get3A_1, %sub3A_16 : vector<256x32xf32>
    %mul3A_18 = vector.broadcast %get3A_15 : vector<1x32xf32> to vector<256x32xf32>
    %mul3A_19 = arith.mulf %mul3A_18, %sub3A_17 : vector<256x32xf32>
    %add3A = arith.constant 9.99999974E-6 : f32
    %add3A_20 = vector.broadcast %add3A : f32 to vector<1x32xf32>
    %add3A_21 = arith.addf %sub3A, %add3A_20 : vector<1x32xf32>
    %sqrt3A = math.sqrt %add3A_21 : vector<1x32xf32>
    %div3A_22 = vector.broadcast %sqrt3A : vector<1x32xf32> to vector<256x32xf32>
    %div3A_23 = arith.divf %mul3A_19, %div3A_22 : vector<256x32xf32>
    %get3A_24 = arith.constant 0 : index
    %get3A_25 = arith.constant 0 : index
    %get3A_26 = vector.load %arg4[%get3A_24, %get3A_25] : memref<1x32xf32, #tpu.memory_space<vmem>>, vector<1x32xf32>
    %add3A_27 = vector.broadcast %get3A_26 : vector<1x32xf32> to vector<256x32xf32>
    %add3A_28 = arith.addf %div3A_23, %add3A_27 : vector<256x32xf32>
    %gt3A = arith.constant 0.000000e+00 : f32
    %gt3A_29 = vector.broadcast %gt3A : f32 to vector<256x32xf32>
    %gt3A_30 = arith.cmpf ogt, %add3A_28, %gt3A_29 : vector<256x32xf32>
    %exp3A = math.exp %add3A_28 : vector<256x32xf32>
    %sub3A_31 = arith.constant 1.000000e+00 : f32
    %sub3A_32 = vector.broadcast %sub3A_31 : f32 to vector<256x32xf32>
    %sub3A_33 = arith.subf %exp3A, %sub3A_32 : vector<256x32xf32>
    %select_n3A = arith.select %gt3A_30, %add3A_28, %sub3A_33 : vector<256x32xi1>, vector<256x32xf32>
    %swap3A = arith.constant 0 : index
    %swap3A_34 = arith.constant 0 : index
    %swap3A_35 = vector.load %arg7[%swap3A, %swap3A_34] : memref<256x32xf32, #tpu.memory_space<vmem>>, vector<256x32xf32>
    tpu.vector_store %arg7[%swap3A, %swap3A_34], %select_n3A {strides = array<i32>} : memref<256x32xf32, #tpu.memory_space<vmem>>, vector<256x32xf32>,
    %get3A_36 = arith.constant 0 : index
    %get3A_37 = arith.constant 0 : index
    %get3A_38 = vector.load %arg5[%get3A_36, %get3A_37] : memref<32x160xf32, #tpu.memory_space<vmem>>, vector<32x160xf32>
    %dot_general3A = arith.constant dense<0.000000e+00> : vector<256x160xf32>
    %dot_general3A_39 = tpu.matmul %select_n3A, %get3A_38, %dot_general3A {dimension_numbers = #tpu.dot_dimension_numbers<[1], [0], [0], [1], [0, 0, 1, 1], [], []>, transpose_lhs_hint = false} : vector<256x32xf32>, vector<32x160xf32>, vector<256x160xf32> -> vector<256x160xf32>
    %get3A_40 = arith.constant 0 : index
    %get3A_41 = arith.constant 0 : index
    %get3A_42 = vector.load %arg6[%get3A_40, %get3A_41] : memref<1x160xf32, #tpu.memory_space<vmem>>, vector<1x160xf32>
    %add3A_43 = vector.broadcast %get3A_42 : vector<1x160xf32> to vector<256x160xf32>
    %add3A_44 = arith.addf %dot_general3A_39, %add3A_43 : vector<256x160xf32>
    %swap3A_45 = arith.constant 0 : index
    %swap3A_46 = arith.constant 0 : index
    %swap3A_47 = vector.load %arg8[%swap3A_45, %swap3A_46] : memref<256x160xf32, #tpu.memory_space<vmem>>, vector<256x160xf32>
    tpu.vector_store %arg8[%swap3A_45, %swap3A_46], %add3A_44 {strides = array<i32>} : memref<256x160xf32, #tpu.memory_space<vmem>>, vector<256x160xf32>,
    return
  }
  func.func @transform_0(%arg0: i32) -> (i32, i32) {
    %c0_i32 = arith.constant 0 : i32
    %c0_i32_0 = arith.constant 0 : i32
    return %arg0, %c0_i32 : i32, i32
  }
  func.func @transform_1(%arg0: i32) -> (i32, i32) {
    %c0_i32 = arith.constant 0 : i32
    %c0_i32_0 = arith.constant 0 : i32
    %c0_i32_1 = arith.constant 0 : i32
    return %c0_i32, %c0_i32_0 : i32, i32
  }
  func.func @transform_2(%arg0: i32) -> (i32, i32) {
    %c0_i32 = arith.constant 0 : i32
    %c0_i32_0 = arith.constant 0 : i32
    %c0_i32_1 = arith.constant 0 : i32
    return %c0_i32, %c0_i32_0 : i32, i32
  }
  func.func @transform_3(%arg0: i32) -> (i32, i32) {
    %c0_i32 = arith.constant 0 : i32
    %c0_i32_0 = arith.constant 0 : i32
    %c0_i32_1 = arith.constant 0 : i32
    return %c0_i32, %c0_i32_0 : i32, i32
  }
  func.func @transform_4(%arg0: i32) -> (i32, i32) {
    %c0_i32 = arith.constant 0 : i32
    %c0_i32_0 = arith.constant 0 : i32
    %c0_i32_1 = arith.constant 0 : i32
    return %c0_i32, %c0_i32_0 : i32, i32
  }
  func.func @transform_5(%arg0: i32) -> (i32, i32) {
    %c0_i32 = arith.constant 0 : i32
    %c0_i32_0 = arith.constant 0 : i32
    %c0_i32_1 = arith.constant 0 : i32
    return %c0_i32, %c0_i32_0 : i32, i32
  }
  func.func @transform_6(%arg0: i32) -> (i32, i32) {
    %c0_i32 = arith.constant 0 : i32
    %c0_i32_0 = arith.constant 0 : i32
    return %arg0, %c0_i32 : i32, i32
  }
  func.func @transform_7(%arg0: i32) -> (i32, i32) {
    %c0_i32 = arith.constant 0 : i32
    %c0_i32_0 = arith.constant 0 : i32
    return %arg0, %c0_i32 : i32, i32
  }
}

module attributes {stable_mosaic.version = 14 : i64} {
  func.func @_combine_body(%arg0: i32, %arg1: memref<256x32xf32, #tpu.memory_space<vmem>>, %arg2: memref<256x32xf32, #tpu.memory_space<vmem>>, %arg3: memref<256x32xf32, #tpu.memory_space<vmem>>, %arg4: memref<256x32xf32, #tpu.memory_space<vmem>>, %arg5: memref<256x16xf32, #tpu.memory_space<vmem>>, %arg6: memref<256x32xf32, #tpu.memory_space<vmem>>, %arg7: memref<256x32xf32, #tpu.memory_space<vmem>>, %arg8: memref<1x1xf32, #tpu.memory_space<smem>>, %arg9: memref<32x4xf32, #tpu.memory_space<vmem>>, %arg10: memref<128x4xf32, #tpu.memory_space<vmem>>, %arg11: memref<128x4xf32, #tpu.memory_space<vmem>>, %arg12: memref<128x4xf32, #tpu.memory_space<vmem>>, %arg13: memref<1x4xf32, #tpu.memory_space<vmem>>, %arg14: memref<4x4xf32, #tpu.memory_space<vmem>>, %arg15: memref<1x4xf32, #tpu.memory_space<vmem>>, %arg16: memref<256x4xf32, #tpu.memory_space<vmem>>) attributes {dimension_semantics = [#tpu.dimension_semantics<arbitrary>], iteration_bounds = array<i64: 40>, scalar_prefetch = 0 : i64, scratch_operands = 0 : i64, tpu.core_type = #tpu.core_type<tc>, window_params = [{transform_indices = @transform_0, window_bounds = array<i64: 256, 32>}, {transform_indices = @transform_1, window_bounds = array<i64: 256, 32>}, {transform_indices = @transform_2, window_bounds = array<i64: 256, 32>}, {transform_indices = @transform_3, window_bounds = array<i64: 256, 32>}, {transform_indices = @transform_4, window_bounds = array<i64: 256, 16>}, {transform_indices = @transform_5, window_bounds = array<i64: 256, 32>}, {transform_indices = @transform_6, window_bounds = array<i64: 256, 32>}, {transform_indices = @transform_7, window_bounds = array<i64: 1, 1>}, {pipeline_mode = #tpu.pipeline_mode<synchronous>, transform_indices = @transform_8, window_bounds = array<i64: 32, 4>}, {pipeline_mode = #tpu.pipeline_mode<synchronous>, transform_indices = @transform_9, window_bounds = array<i64: 128, 4>}, {pipeline_mode = #tpu.pipeline_mode<synchronous>, transform_indices = @transform_10, window_bounds = array<i64: 128, 4>}, {pipeline_mode = #tpu.pipeline_mode<synchronous>, transform_indices = @transform_11, window_bounds = array<i64: 128, 4>}, {pipeline_mode = #tpu.pipeline_mode<synchronous>, transform_indices = @transform_12, window_bounds = array<i64: 1, 4>}, {pipeline_mode = #tpu.pipeline_mode<synchronous>, transform_indices = @transform_13, window_bounds = array<i64: 4, 4>}, {pipeline_mode = #tpu.pipeline_mode<synchronous>, transform_indices = @transform_14, window_bounds = array<i64: 1, 4>}, {transform_indices = @transform_15, window_bounds = array<i64: 256, 4>}]} {
    %get3A = arith.constant 0 : index
    %get3A_0 = arith.constant 0 : index
    %get3A_1 = vector.load %arg5[%get3A, %get3A_0] : memref<256x16xf32, #tpu.memory_space<vmem>>, vector<256x1xf32>
    %max3A = arith.constant 1.000000e+00 : f32
    %max3A_2 = vector.broadcast %max3A : f32 to vector<256x1xf32>
    %max3A_3 = arith.maximumf %get3A_1, %max3A_2 : vector<256x1xf32>
    %get3A_4 = arith.constant 0 : index
    %get3A_5 = arith.constant 0 : index
    %get3A_6 = vector.load %arg6[%get3A_4, %get3A_5] : memref<256x32xf32, #tpu.memory_space<vmem>>, vector<256x32xf32>
    %get3A_7 = arith.constant 0 : index
    %get3A_8 = arith.constant 0 : index
    %get3A_9 = vector.load %arg1[%get3A_7, %get3A_8] : memref<256x32xf32, #tpu.memory_space<vmem>>, vector<256x32xf32>
    %mul3A = vector.broadcast %get3A_1 : vector<256x1xf32> to vector<256x32xf32>
    %mul3A_10 = arith.mulf %mul3A, %get3A_6 : vector<256x32xf32>
    %add3A = arith.addf %get3A_9, %mul3A_10 : vector<256x32xf32>
    %div3A = vector.broadcast %max3A_3 : vector<256x1xf32> to vector<256x32xf32>
    %div3A_11 = arith.divf %add3A, %div3A : vector<256x32xf32>
    %get3A_12 = arith.constant 0 : index
    %get3A_13 = arith.constant 0 : index
    %get3A_14 = vector.load %arg2[%get3A_12, %get3A_13] : memref<256x32xf32, #tpu.memory_space<vmem>>, vector<256x32xf32>
    %mul3A_15 = arith.constant 2.000000e+00 : f32
    %mul3A_16 = vector.broadcast %mul3A_15 : f32 to vector<256x32xf32>
    %mul3A_17 = arith.mulf %mul3A_16, %get3A_6 : vector<256x32xf32>
    %mul3A_18 = arith.mulf %mul3A_17, %get3A_9 : vector<256x32xf32>
    %add3A_19 = arith.addf %get3A_14, %mul3A_18 : vector<256x32xf32>
    %mul3A_20 = vector.broadcast %get3A_1 : vector<256x1xf32> to vector<256x32xf32>
    %mul3A_21 = arith.mulf %mul3A_20, %get3A_6 : vector<256x32xf32>
    %mul3A_22 = arith.mulf %mul3A_21, %get3A_6 : vector<256x32xf32>
    %add3A_23 = arith.addf %add3A_19, %mul3A_22 : vector<256x32xf32>
    %div3A_24 = vector.broadcast %max3A_3 : vector<256x1xf32> to vector<256x32xf32>
    %div3A_25 = arith.divf %add3A_23, %div3A_24 : vector<256x32xf32>
    %mul3A_26 = arith.mulf %div3A_11, %div3A_11 : vector<256x32xf32>
    %sub3A = arith.subf %div3A_25, %mul3A_26 : vector<256x32xf32>
    %max3A_27 = arith.constant 0.000000e+00 : f32
    %max3A_28 = vector.broadcast %max3A_27 : f32 to vector<256x32xf32>
    %max3A_29 = arith.maximumf %sub3A, %max3A_28 : vector<256x32xf32>
    %add3A_30 = arith.constant 9.99999974E-6 : f32
    %add3A_31 = vector.broadcast %add3A_30 : f32 to vector<256x32xf32>
    %add3A_32 = arith.addf %max3A_29, %add3A_31 : vector<256x32xf32>
    %sqrt3A = math.sqrt %add3A_32 : vector<256x32xf32>
    %gt3A = arith.constant 0.000000e+00 : f32
    %gt3A_33 = vector.broadcast %gt3A : f32 to vector<256x1xf32>
    %gt3A_34 = arith.cmpf ogt, %get3A_1, %gt3A_33 : vector<256x1xf32>
    %get3A_35 = arith.constant 0 : index
    %get3A_36 = arith.constant 0 : index
    %get3A_37 = vector.load %arg3[%get3A_35, %get3A_36] : memref<256x32xf32, #tpu.memory_space<vmem>>, vector<256x32xf32>
    %add3A_38 = arith.addf %get3A_37, %get3A_6 : vector<256x32xf32>
    %jit3A = arith.constant 0.000000e+00 : f32
    %broadcast_in_dim3A = vector.shape_cast %gt3A_34 : vector<256x1xi1> to vector<256x1xi1>
    %broadcast_in_dim3A_39 = vector.broadcast %broadcast_in_dim3A : vector<256x1xi1> to vector<256x32xi1>
    %broadcast_in_dim3A_40 = vector.broadcast %jit3A : f32 to vector<256x32xf32>
    %select_n3A = arith.select %broadcast_in_dim3A_39, %add3A_38, %broadcast_in_dim3A_40 : vector<256x32xi1>, vector<256x32xf32>
    %get3A_41 = arith.constant 0 : index
    %get3A_42 = arith.constant 0 : index
    %get3A_43 = vector.load %arg4[%get3A_41, %get3A_42] : memref<256x32xf32, #tpu.memory_space<vmem>>, vector<256x32xf32>
    %add3A_44 = arith.addf %get3A_43, %get3A_6 : vector<256x32xf32>
    %jit3A_45 = arith.constant 0.000000e+00 : f32
    %broadcast_in_dim3A_46 = vector.shape_cast %gt3A_34 : vector<256x1xi1> to vector<256x1xi1>
    %broadcast_in_dim3A_47 = vector.broadcast %broadcast_in_dim3A_46 : vector<256x1xi1> to vector<256x32xi1>
    %broadcast_in_dim3A_48 = vector.broadcast %jit3A_45 : f32 to vector<256x32xf32>
    %select_n3A_49 = arith.select %broadcast_in_dim3A_47, %add3A_44, %broadcast_in_dim3A_48 : vector<256x32xi1>, vector<256x32xf32>
    %concatenate3A = tpu.concatenate %div3A_11, %select_n3A, %select_n3A_49, %sqrt3A in 1 : vector<256x32xf32>, vector<256x32xf32>, vector<256x32xf32>, vector<256x32xf32> -> vector<256x128xf32>
    %get3A_50 = arith.constant 0 : index
    %get3A_51 = arith.constant 0 : index
    %get3A_52 = memref.load %arg8[%get3A_50, %get3A_51] : memref<1x1xf32, #tpu.memory_space<smem>>
    %add3A_53 = arith.constant 1.000000e+00 : f32
    %add3A_54 = vector.broadcast %add3A_53 : f32 to vector<256x1xf32>
    %add3A_55 = arith.addf %max3A_3, %add3A_54 : vector<256x1xf32>
    %log3A = math.log %add3A_55 : vector<256x1xf32>
    %div3A_56 = vector.broadcast %get3A_52 : f32 to vector<256x1xf32>
    %div3A_57 = arith.divf %log3A, %div3A_56 : vector<256x1xf32>
    %div3A_58 = vector.broadcast %get3A_52 : f32 to vector<256x1xf32>
    %div3A_59 = arith.divf %div3A_58, %log3A : vector<256x1xf32>
    %get3A_60 = arith.constant 0 : index
    %get3A_61 = arith.constant 0 : index
    %get3A_62 = vector.load %arg7[%get3A_60, %get3A_61] : memref<256x32xf32, #tpu.memory_space<vmem>>, vector<256x32xf32>
    %get3A_63 = arith.constant 0 : index
    %get3A_64 = arith.constant 0 : index
    %get3A_65 = vector.load %arg9[%get3A_63, %get3A_64] : memref<32x4xf32, #tpu.memory_space<vmem>>, vector<32x4xf32>
    %dot_general3A = arith.constant dense<0.000000e+00> : vector<256x4xf32>
    %dot_general3A_66 = tpu.matmul %get3A_62, %get3A_65, %dot_general3A {dimension_numbers = #tpu.dot_dimension_numbers<[1], [0], [0], [1], [0, 0, 1, 1], [], []>, transpose_lhs_hint = false} : vector<256x32xf32>, vector<32x4xf32>, vector<256x4xf32> -> vector<256x4xf32>
    %get3A_67 = arith.constant 0 : index
    %get3A_68 = arith.constant 0 : index
    %get3A_69 = vector.load %arg10[%get3A_67, %get3A_68] : memref<128x4xf32, #tpu.memory_space<vmem>>, vector<128x4xf32>
    %dot_general3A_70 = arith.constant dense<0.000000e+00> : vector<256x4xf32>
    %dot_general3A_71 = tpu.matmul %concatenate3A, %get3A_69, %dot_general3A_70 {dimension_numbers = #tpu.dot_dimension_numbers<[1], [0], [0], [1], [0, 0, 1, 1], [], []>, transpose_lhs_hint = false} : vector<256x128xf32>, vector<128x4xf32>, vector<256x4xf32> -> vector<256x4xf32>
    %add3A_72 = arith.addf %dot_general3A_66, %dot_general3A_71 : vector<256x4xf32>
    %mul3A_73 = vector.broadcast %div3A_57 : vector<256x1xf32> to vector<256x128xf32>
    %mul3A_74 = arith.mulf %concatenate3A, %mul3A_73 : vector<256x128xf32>
    %get3A_75 = arith.constant 0 : index
    %get3A_76 = arith.constant 0 : index
    %get3A_77 = vector.load %arg11[%get3A_75, %get3A_76] : memref<128x4xf32, #tpu.memory_space<vmem>>, vector<128x4xf32>
    %dot_general3A_78 = arith.constant dense<0.000000e+00> : vector<256x4xf32>
    %dot_general3A_79 = tpu.matmul %mul3A_74, %get3A_77, %dot_general3A_78 {dimension_numbers = #tpu.dot_dimension_numbers<[1], [0], [0], [1], [0, 0, 1, 1], [], []>, transpose_lhs_hint = false} : vector<256x128xf32>, vector<128x4xf32>, vector<256x4xf32> -> vector<256x4xf32>
    %add3A_80 = arith.addf %add3A_72, %dot_general3A_79 : vector<256x4xf32>
    %mul3A_81 = vector.broadcast %div3A_59 : vector<256x1xf32> to vector<256x128xf32>
    %mul3A_82 = arith.mulf %concatenate3A, %mul3A_81 : vector<256x128xf32>
    %get3A_83 = arith.constant 0 : index
    %get3A_84 = arith.constant 0 : index
    %get3A_85 = vector.load %arg12[%get3A_83, %get3A_84] : memref<128x4xf32, #tpu.memory_space<vmem>>, vector<128x4xf32>
    %dot_general3A_86 = arith.constant dense<0.000000e+00> : vector<256x4xf32>
    %dot_general3A_87 = tpu.matmul %mul3A_82, %get3A_85, %dot_general3A_86 {dimension_numbers = #tpu.dot_dimension_numbers<[1], [0], [0], [1], [0, 0, 1, 1], [], []>, transpose_lhs_hint = false} : vector<256x128xf32>, vector<128x4xf32>, vector<256x4xf32> -> vector<256x4xf32>
    %add3A_88 = arith.addf %add3A_80, %dot_general3A_87 : vector<256x4xf32>
    %get3A_89 = arith.constant 0 : index
    %get3A_90 = arith.constant 0 : index
    %get3A_91 = vector.load %arg13[%get3A_89, %get3A_90] : memref<1x4xf32, #tpu.memory_space<vmem>>, vector<1x4xf32>
    %add3A_92 = vector.broadcast %get3A_91 : vector<1x4xf32> to vector<256x4xf32>
    %add3A_93 = arith.addf %add3A_88, %add3A_92 : vector<256x4xf32>
    %get3A_94 = arith.constant 0 : index
    %get3A_95 = arith.constant 0 : index
    %get3A_96 = vector.load %arg14[%get3A_94, %get3A_95] : memref<4x4xf32, #tpu.memory_space<vmem>>, vector<4x4xf32>
    %dot_general3A_97 = arith.constant dense<0.000000e+00> : vector<256x4xf32>
    %dot_general3A_98 = tpu.matmul %add3A_93, %get3A_96, %dot_general3A_97 {dimension_numbers = #tpu.dot_dimension_numbers<[1], [0], [0], [1], [0, 0, 1, 1], [], []>, transpose_lhs_hint = false} : vector<256x4xf32>, vector<4x4xf32>, vector<256x4xf32> -> vector<256x4xf32>
    %get3A_99 = arith.constant 0 : index
    %get3A_100 = arith.constant 0 : index
    %get3A_101 = vector.load %arg15[%get3A_99, %get3A_100] : memref<1x4xf32, #tpu.memory_space<vmem>>, vector<1x4xf32>
    %add3A_102 = vector.broadcast %get3A_101 : vector<1x4xf32> to vector<256x4xf32>
    %add3A_103 = arith.addf %dot_general3A_98, %add3A_102 : vector<256x4xf32>
    %swap3A = arith.constant 0 : index
    %swap3A_104 = arith.constant 0 : index
    %swap3A_105 = vector.load %arg16[%swap3A, %swap3A_104] : memref<256x4xf32, #tpu.memory_space<vmem>>, vector<256x4xf32>
    tpu.vector_store %arg16[%swap3A, %swap3A_104], %add3A_103 {strides = array<i32>} : memref<256x4xf32, #tpu.memory_space<vmem>>, vector<256x4xf32>,
    return
  }
  func.func @transform_0(%arg0: i32) -> (i32, i32) {
    %c0_i32 = arith.constant 0 : i32
    %c0_i32_0 = arith.constant 0 : i32
    return %arg0, %c0_i32 : i32, i32
  }
  func.func @transform_1(%arg0: i32) -> (i32, i32) {
    %c0_i32 = arith.constant 0 : i32
    %c0_i32_0 = arith.constant 0 : i32
    return %arg0, %c0_i32 : i32, i32
  }
  func.func @transform_2(%arg0: i32) -> (i32, i32) {
    %c0_i32 = arith.constant 0 : i32
    %c0_i32_0 = arith.constant 0 : i32
    return %arg0, %c0_i32 : i32, i32
  }
  func.func @transform_3(%arg0: i32) -> (i32, i32) {
    %c0_i32 = arith.constant 0 : i32
    %c0_i32_0 = arith.constant 0 : i32
    return %arg0, %c0_i32 : i32, i32
  }
  func.func @transform_4(%arg0: i32) -> (i32, i32) {
    %c0_i32 = arith.constant 0 : i32
    %c0_i32_0 = arith.constant 0 : i32
    return %arg0, %c0_i32 : i32, i32
  }
  func.func @transform_5(%arg0: i32) -> (i32, i32) {
    %c0_i32 = arith.constant 0 : i32
    %c0_i32_0 = arith.constant 0 : i32
    return %arg0, %c0_i32 : i32, i32
  }
  func.func @transform_6(%arg0: i32) -> (i32, i32) {
    %c0_i32 = arith.constant 0 : i32
    %c0_i32_0 = arith.constant 0 : i32
    return %arg0, %c0_i32 : i32, i32
  }
  func.func @transform_7(%arg0: i32) -> (i32, i32) {
    %c0_i32 = arith.constant 0 : i32
    %c0_i32_0 = arith.constant 0 : i32
    %c0_i32_1 = arith.constant 0 : i32
    return %c0_i32, %c0_i32_0 : i32, i32
  }
  func.func @transform_8(%arg0: i32) -> (i32, i32) {
    %c0_i32 = arith.constant 0 : i32
    %c0_i32_0 = arith.constant 0 : i32
    %c0_i32_1 = arith.constant 0 : i32
    return %c0_i32, %c0_i32_0 : i32, i32
  }
  func.func @transform_9(%arg0: i32) -> (i32, i32) {
    %c0_i32 = arith.constant 0 : i32
    %c0_i32_0 = arith.constant 0 : i32
    %c0_i32_1 = arith.constant 0 : i32
    return %c0_i32, %c0_i32_0 : i32, i32
  }
  func.func @transform_10(%arg0: i32) -> (i32, i32) {
    %c0_i32 = arith.constant 0 : i32
    %c0_i32_0 = arith.constant 0 : i32
    %c0_i32_1 = arith.constant 0 : i32
    return %c0_i32, %c0_i32_0 : i32, i32
  }
  func.func @transform_11(%arg0: i32) -> (i32, i32) {
    %c0_i32 = arith.constant 0 : i32
    %c0_i32_0 = arith.constant 0 : i32
    %c0_i32_1 = arith.constant 0 : i32
    return %c0_i32, %c0_i32_0 : i32, i32
  }
  func.func @transform_12(%arg0: i32) -> (i32, i32) {
    %c0_i32 = arith.constant 0 : i32
    %c0_i32_0 = arith.constant 0 : i32
    %c0_i32_1 = arith.constant 0 : i32
    return %c0_i32, %c0_i32_0 : i32, i32
  }
  func.func @transform_13(%arg0: i32) -> (i32, i32) {
    %c0_i32 = arith.constant 0 : i32
    %c0_i32_0 = arith.constant 0 : i32
    %c0_i32_1 = arith.constant 0 : i32
    return %c0_i32, %c0_i32_0 : i32, i32
  }
  func.func @transform_14(%arg0: i32) -> (i32, i32) {
    %c0_i32 = arith.constant 0 : i32
    %c0_i32_0 = arith.constant 0 : i32
    %c0_i32_1 = arith.constant 0 : i32
    return %c0_i32, %c0_i32_0 : i32, i32
  }
  func.func @transform_15(%arg0: i32) -> (i32, i32) {
    %c0_i32 = arith.constant 0 : i32
    %c0_i32_0 = arith.constant 0 : i32
    return %arg0, %c0_i32 : i32, i32
  }
}

module attributes {stable_mosaic.version = 14 : i64} {
  func.func @_logsm_body(%arg0: i32, %arg1: memref<256x4xf32, #tpu.memory_space<vmem>>, %arg2: memref<256x4xf32, #tpu.memory_space<vmem>>) attributes {dimension_semantics = [#tpu.dimension_semantics<arbitrary>], iteration_bounds = array<i64: 40>, scalar_prefetch = 0 : i64, scratch_operands = 0 : i64, tpu.core_type = #tpu.core_type<tc>, window_params = [{transform_indices = @transform_0, window_bounds = array<i64: 256, 4>}, {transform_indices = @transform_1, window_bounds = array<i64: 256, 4>}]} {
    %get3A = arith.constant 0 : index
    %get3A_0 = arith.constant 0 : index
    %get3A_1 = vector.load %arg1[%get3A, %get3A_0] : memref<256x4xf32, #tpu.memory_space<vmem>>, vector<256x4xf32>
    %reduce_max3A = arith.constant dense<0xFF800000> : vector<256xf32>
    %reduce_max3A_2 = vector.multi_reduction <maximumf>, %get3A_1, %reduce_max3A [1] : vector<256x4xf32> to vector<256xf32>
    %broadcast_in_dim3A = vector.shape_cast %reduce_max3A_2 : vector<256xf32> to vector<256x1xf32>
    %sub3A = vector.broadcast %broadcast_in_dim3A : vector<256x1xf32> to vector<256x4xf32>
    %sub3A_3 = arith.subf %get3A_1, %sub3A : vector<256x4xf32>
    %exp3A = math.exp %sub3A_3 : vector<256x4xf32>
    %reduce_sum3A = arith.constant dense<0.000000e+00> : vector<256xf32>
    %reduce_sum3A_4 = vector.multi_reduction <add>, %exp3A, %reduce_sum3A [1] : vector<256x4xf32> to vector<256xf32>
    %broadcast_in_dim3A_5 = vector.shape_cast %reduce_sum3A_4 : vector<256xf32> to vector<256x1xf32>
    %log3A = math.log %broadcast_in_dim3A_5 : vector<256x1xf32>
    %sub3A_6 = vector.broadcast %broadcast_in_dim3A : vector<256x1xf32> to vector<256x4xf32>
    %sub3A_7 = arith.subf %get3A_1, %sub3A_6 : vector<256x4xf32>
    %sub3A_8 = vector.broadcast %log3A : vector<256x1xf32> to vector<256x4xf32>
    %sub3A_9 = arith.subf %sub3A_7, %sub3A_8 : vector<256x4xf32>
    %swap3A = arith.constant 0 : index
    %swap3A_10 = arith.constant 0 : index
    %swap3A_11 = vector.load %arg2[%swap3A, %swap3A_10] : memref<256x4xf32, #tpu.memory_space<vmem>>, vector<256x4xf32>
    tpu.vector_store %arg2[%swap3A, %swap3A_10], %sub3A_9 {strides = array<i32>} : memref<256x4xf32, #tpu.memory_space<vmem>>, vector<256x4xf32>,
    return
  }
  func.func @transform_0(%arg0: i32) -> (i32, i32) {
    %c0_i32 = arith.constant 0 : i32
    %c0_i32_0 = arith.constant 0 : i32
    return %arg0, %c0_i32 : i32, i32
  }
  func.func @transform_1(%arg0: i32) -> (i32, i32) {
    %c0_i32 = arith.constant 0 : i32
    %c0_i32_0 = arith.constant 0 : i32
    return %arg0, %c0_i32 : i32, i32
  }
}

</mosaic_0001>

<sc_bundles>
// kernel: kernel.11.cloned.1.call-start
scs
__scs_entry_jumppad:
0x0: {  	(pc) =	sbr.rel $0x88, $3  }
0x1: {  	(tag) =	ssettag $0x0;
	lr =	simm.s32 $0x1  }
0x2: {  	[smem:$0x3F8C] =	sst lr;
	_ =	strace $0xD0000000  }
0x3: {  	_ = 	snop  }
0x4: {  	_ = 	snop  }
0x5: {  	_ = 	snop  }
0x6: {  	_ = 	snop  }
0x7: {  	_ = 	snop  }
__scs_overlays_trampoline_lowered:
0x8: {  	[smem:$0x3F9B] =	sst s0  }
0x9: {  	[smem:$0x3F9C] =	sst s1  }
0xa: {  	[smem:$0x3F9D] =	sst s2  }
0xb: {  	[smem:$0x3F9E] =	sst s3  }
0xc: {  	[smem:$0x3F9F] =	sst s4  }
0xd: {  	[smem:$0x3FA0] =	sst s5  }
0xe: {  	[smem:$0x3FA1] =	sst s6  }
0xf: {  	[smem:$0x3FA2] =	sst s7  }
0x10: {  	[smem:$0x3FA3] =	sst s8  }
0x11: {  	[smem:$0x3FA4] =	sst s9;
	s0 =	simm.s32 @!p0 $0x0  }
0x12: {  	s1 =	sld [smem:$0x3F8A];
	s0 =	simm.s32 @p0 $0x1  }
0x13: {  	[smem:$0x3FA5] =	sst s0;
	s0 =	simm.s32 @!p1 $0x0  }
0x14: {  	s2 =	sld [smem:$0x3F89];
	s0 =	simm.s32 @p1 $0x1  }
0x15: {  	[smem:$0x3FA6] =	sst s0;
	s0 =	simm.s32 @!p2 $0x0  }
0x16: {  	s3 =	sld [smem:$0x3FDB];
	s0 =	simm.s32 @p2 $0x1  }
0x17: {  	s4 =	simm.s32 $0x1BF5;
	[smem:$0x3FA8] =	sst s0  }
0x18: {  	s0 =	sld [smem:$0x3F8B];
	_ =	swait.ge [sflag:s4], $0x0  }
0x19: {  	s7 =	sld [smem:$0x3F8C]  }
0x1a: {  	s8 =	sadd.s32 $0xFFFFE003, lr  }
0x1b: {  	s9 =	sadd.s32 $0xFFFFFEF7, lr;
	s5 =	simm.s32 $0xFFFFFFFF;
	p2 =	slt.u32 s8, $0xFFFFF086  }
0x1c: {  	p1 =	slt.u32 s9, $0xF7A;
	s5 =	simm.s32 @!p2 $0x0  }
0x1d: {  	s5 =	simm.s32 @p1 $0x1;
	p0 =	seq.s32 s7, s2  }
0x1e: {  	s7 =	smul.u32 @!p0 $0xF7A, s2;
	p2 =	seq.s32 @!p0 s5, $0x0  }
0x1f: {  	s9 =	smul.u32 $0xF7A, s1;
	s8 =	simm.s32 @!p0 $0x1BF5;
	p2 =	por !p2, p0  }
0x20: {  	[sflag:s8] =	ssyncset.s32 @!p0 $0xFFFFF086;
	s6 =	sadd.s32 @!p0 s3, s7;
	s7 =	simm.s32 @!p0 $0x108  }
0x21: {  	s3 =	sadd.s32 s3, s9;
	s6 =	sadd.s32 @!p0 $0x88, s6;
	s7 =	simm.s32 @p2 $0x1082  }
0x22: {  	[simem:s7], [sflag:s8] =	dma.local @!p0 [hbm:s6], $0xF7A  }
0x23: {  	s9 =	sor.u32 $0xD0000000, s2;
	s6 =	simm.s32 $0x108;
	_ =	swait.ge @!p0 [sflag:s8], $0x0  }
0x24: {  	s3 =	sadd.s32 $0x88, s3;
	s6 =	simm.s32 @!p1 $0x1082;
	[sflag:s4] =	ssyncset.s32 $0xFFFFF086  }
0x25: {  	[simem:s6], [sflag:s4] =	dma.local [hbm:s3], $0xF7A  }
0x26: {  	[smem:$0x3F8C] =	sst s1;
	(tag) =	ssettag s2;
	_ =	strace s9  }
0x27: {  	s1 =	sld [smem:$0x3F9C]  }
0x28: {  	s2 =	sld [smem:$0x3F9D]  }
0x29: {  	s4 =	sld [smem:$0x3F9F]  }
0x2a: {  	p0 =	seq.s32 s5, $0x0;
	s5 =	sld [smem:$0x3FA0]  }
0x2b: {  	s6 =	sld [smem:$0x3FA1]  }
0x2c: {  	s7 =	sld [smem:$0x3FA2]  }
0x2d: {  	s3 =	simm.s32 $0x108;
	s8 =	sld [smem:$0x3FA3]  }
0x2e: {  	s3 =	simm.s32 @!p0 $0x1082;
	s9 =	sld [smem:$0x3FA4]  }
0x2f: {  	lr =	sadd.s32 s0, s3;
	s0 =	sld [smem:$0x3F9B]  }
0x30: {  	s3 =	sld [smem:$0x3F9E]  }
0x31: {  	[smem:$0x3FA7] =	sst s10  }
0x32: {  	s10 =	sld [smem:$0x3FA5];
	_ =	sdelay $0x3  }
0x33: {  	p0 =	seq.s32 s10, $0x1;
	s10 =	sld [smem:$0x3FA7];
	_ =	sdelay $0x3  }
0x34: {  	[smem:$0x3FA7] =	sst s10  }
0x35: {  	s10 =	sld [smem:$0x3FA6];
	_ =	sdelay $0x3  }
0x36: {  	p1 =	seq.s32 s10, $0x1;
	s10 =	sld [smem:$0x3FA7];
	_ =	sdelay $0x3  }
0x37: {  	[smem:$0x3FA7] =	sst s10  }
0x38: {  	s10 =	sld [smem:$0x3FA8]  }
0x39: {  	_ = 	snop;
	(pc) =	sbr.ind lr, $3  }
0x3a: {  	_ = 	snop  }
0x3b: {  	_ = 	snop  }
0x3c: {  	p2 =	seq.s32 s10, $0x1;
	s10 =	sld [smem:$0x3FA7]  }
0x3d: {  	_ =	shalt  }
0x3e: {  	_ =	shalt  }
0x3f: {  	_ =	shalt  }
0x40: {  	_ =	shalt  }
0x41: {  	_ =	shalt  }
0x42: {  	_ =	shalt  }
0x43: {  	_ =	shalt  }
0x44: {  	_ =	shalt  }
0x45: {  	_ =	shalt  }
0x46: {  	_ =	shalt  }
0x47: {  	_ =	shalt  }
0x48: {  	_ =	shalt  }
0x49: {  	_ =	shalt  }
0x4a: {  	_ =	shalt  }
0x4b: {  	_ =	shalt  }
0x4c: {  	_ =	shalt  }
0x4d: {  	_ =	shalt  }
0x4e: {  	_ =	shalt  }
0x4f: {  	_ =	shalt  }
0x50: {  	_ =	shalt  }
0x51: {  	_ =	shalt  }
0x52: {  	_ =	shalt  }
0x53: {  	_ =	shalt  }
0x54: {  	_ =	shalt  }
0x55: {  	_ =	shalt  }
0x56: {  	_ =	shalt  }
0x57: {  	_ =	shalt  }
0x58: {  	_ =	shalt  }
0x59: {  	_ =	shalt  }
0x5a: {  	_ =	shalt  }
0x5b: {  	_ =	shalt  }
0x5c: {  	_ =	shalt  }
0x5d: {  	_ =	shalt  }
0x5e: {  	_ =	shalt  }
0x5f: {  	_ =	shalt  }
0x60: {  	_ =	shalt  }
0x61: {  	_ =	shalt  }
0x62: {  	_ =	shalt  }
0x63: {  	_ =	shalt  }
0x64: {  	_ =	shalt  }
0x65: {  	_ =	shalt  }
0x66: {  	_ =	shalt  }
0x67: {  	_ =	shalt  }
0x68: {  	_ =	shalt  }
0x69: {  	_ =	shalt  }
0x6a: {  	_ =	shalt  }
0x6b: {  	_ =	shalt  }
0x6c: {  	_ =	shalt  }
0x6d: {  	_ =	shalt  }
0x6e: {  	_ =	shalt  }
0x6f: {  	_ =	shalt  }
0x70: {  	_ =	shalt  }
0x71: {  	_ =	shalt  }
0x72: {  	_ =	shalt  }
0x73: {  	_ =	shalt  }
0x74: {  	_ =	shalt  }
0x75: {  	_ =	shalt  }
0x76: {  	_ =	shalt  }
0x77: {  	_ =	shalt  }
0x78: {  	_ =	shalt  }
0x79: {  	_ =	shalt  }
0x7a: {  	_ =	shalt  }
0x7b: {  	_ =	shalt  }
0x7c: {  	_ =	shalt  }
0x7d: {  	_ =	shalt  }
0x7e: {  	_ =	shalt  }
0x7f: {  	_ =	shalt  }
0x80: {  	_ =	shalt  }
0x81: {  	_ =	shalt  }
0x82: {  	_ =	shalt  }
0x83: {  	_ =	shalt  }
0x84: {  	_ =	shalt  }
0x85: {  	_ =	shalt  }
0x86: {  	_ =	shalt  }
0x87: {  	_ =	shalt  }
.Lfunc_end0:
.L_simem_size_0:
called_computation_lowered:
.L_overlay_start_0:
0x88: {  	s2 =	sld [smem:$0x3FD9]  }
0x89: {  	s3 =	sld [smem:$0x3FFE];
	_ =	sdelay $0x1  }
0x8a: {  	s1 =	srdreg.scid  }
0x8b: {  	s0 =	sand.u32 $0x1, s1  }
0x8c: {  	s17 =	sshll.u32 s0, $0xA;
	s2 =	sadd.s32 s3, s2  }
0x8d: {  	s2 =	sadd.s32 s2, s17  }
0x8e: {  	[smem:$0x3FB3] =	sst s2  }
0x8f: {  	_ = 	snop  }
0x90: {  	s2 =	sld [smem:$0x3FD0];
	(tm) =	ssettm $0x1  }
0x91: {  	s18 =	sld [smem:$0x3FFB];
	_ =	sdelay $0x3  }
0x92: {  	_ =	strace s18  }
0x93: {  	s3 =	sld [smem:$0x3FFC];
	_ =	sdelay $0x3  }
0x94: {  	_ =	strace s3  }
0x95: {  	s3 =	sld [smem:$0x3FFD];
	_ =	sdelay $0x3  }
0x96: {  	_ =	strace s3  }
0x97: {  	_ =	strace $0x8FFFFFFF  }
0x98: {  	s19 =	sld [smem:$0x3FDB];
	_ =	sdelay $0x1  }
0x99: {  	s4 =	simm.s32 $_scs_section_size  }
0x9a: {  	s5 =	simm.s32 $_size__tile_overlayer_lowered;
	s6 =	simm.s32 $_tile_overlayer_lowered  }
0x9b: {  	s22 =	simm.s32 $0x1BFF;
	s21 =	sshll.u32 s6, $0x1;
	s3 =	sadd.s32 s4, s19  }
0x9c: {  	s7 =	simm.s32 $0x0;
	s20 =	sshll.u32 s5, $0x1;
	s5 =	sadd.s32 s21, s3  }
0x9d: {  	[timem:s7], [sflag:s22] =	dma.local [hbm:s5], s20  }
0x9e: {  	_ =	swait.ge [sflag:s22], s20  }
0x9f: {  	s4 =	ssub.s32 $0x0, s20;
	[sflag:s22] =	ssyncset.done $0x0  }
0xa0: {  	[sflag:s22] =	ssyncadd.s32 s4;
	_ =	sdelay $0x1  }
0xa1: {  	s23 =	simm.s32 $0x1B8B  }
0xa2: {  	_ =	swait.ge [sflag:s23], $0x1  }
0xa3: {  	[sflag:s23] =	ssyncset.done $0x0  }
0xa4: {  	s25 =	simm.s32 $0x1B8E;
	s24 =	sld [smem:$0x3FFE];
	[sflag:s23] =	ssyncadd.s32 $0xFFFFFFFF  }
0xa5: {  	s26 =	simm.s32 $execute0_lowered;
	[smem:$0x3FD2] =	sst s25  }
0xa6: {  	s5 =	sshll.u32 s26, $0x1;
	_ =	strace $0x80000046;
	[dreg:$0x1] =	wrdreg $0xFFFFFFFF  }
0xa7: {  	s28 =	simm.s32 $_size_execute0_lowered;
	s3 =	sadd.s32 s3, s5;
	[dreg:$0x0] =	wrdreg $0x0  }
0xa8: {  	s5 =	sshll.u32 s28, $0x1;
	[dreg:$0x2] =	wrdreg s3  }
0xa9: {  	[dreg:$0x3] =	wrdreg s5  }
0xaa: {  	[dreg:$0x4] =	wrdreg $0xC0  }
0xab: {  	_ =	task [dreg:s7], $0x5FFFF  }
0xac: {  	[dreg:$0x1] =	wrdreg $0xFFFFFFFF  }
0xad: {  	[dreg:$0x0] =	wrdreg $0x60  }
0xae: {  	[dreg:$0x2] =	wrdreg s24  }
0xaf: {  	[dreg:$0x3] =	wrdreg s2  }
0xb0: {  	[dreg:$0x4] =	wrdreg $0x9  }
0xb1: {  	_ =	task.clear_ibuf [dreg:s7], $0x5FFFF;
	_ =	strace $0x90000046  }
0xb2: {  	s29 =	simm.s32 $0x9;
	_ =	strace $0x80000048  }
0xb3: {  	_ =	swait.ge [sflag:s29], $0x1  }
0xb4: {  	[sflag:s29] =	ssyncadd.s32 $0xFFFFFFFF  }
0xb5: {  	_ =	strace $0x90000048  }
0xb6: {  	_ =	sfence  }
0xb7: {  	s30 =	sld [smem:$0x0];
	_ =	sdelay $0x2  }
0xb8: {  	s31 =	sshll.u32 s1, $0xD;
	s1 =	sshrl.u32 s1, $0x2  }
0xb9: {  	s3 =	sand.u32 $0x4000, s31;
	s1 =	sadd.s32 s1, s30  }
0xba: {  	s0 =	sor.u32 s3, s0;
	s1 =	sshll.u32 s1, $0x11  }
0xbb: {  	s0 =	sor.u32 s1, s0  }
0xbc: {  	s0 =	sadd.s32 $0x8F2B, s0  }
0xbd: {  	[sflag:s0] =	ssyncadd.remote.s32 $0x1  }
0xbe: {  	_ =	sfence.sel $0xFFFF  }
0xbf: {  	[dreg:$0x0] =	wrdreg $0xFFFFFFFF;
	(pc) =	sbr.abs _section_cstart, $3  }
0xc0: {  	[dreg:$0x1] =	wrdreg $0xFFFFFFFF  }
0xc1: {  	_ =	task.clear_ibuf [dreg:s7], $0x2FFFF;
	_ =	strace $0x9FFFFFFF  }
0xc2: {  	(tm) =	ssettm $0x7FFFFFFF  }
0xc3: {  	_ =	shalt  }
tec
execute0_lowered:
.L_overlay_start_1:
0x0: {  	(tag) =	ssettag $0x1  }
0x1: {  	s0 =	rddreg [dreg:$0x0]  }
0x2: {  	s2 =	simm.s32 $0x0;
	s1 =	srdreg.scid;
	s15 =	stileid.u32  }
0x3: {  	s18 =	simm.s32 $0x7;
	s22 =	simm.s32 $0x10;
	s23 =	simm.s32 $0x4660  }
0x4: {  	s24 =	simm.s32 $0x5E00;
	s29 =	simm.s32 $0x19900;
	s30 =	simm.s32 $0x1EA00  }
0x5: {  	[smem:$0x7FF] =	sst s2;
	s3 =	sadd.s32 $0x9E00, s0;
	s4 =	sadd.s32 $0x4E00, s0  }
0x6: {  	s5 =	sadd.s32 $0x13E00, s0;
	s6 =	sadd.s32 $0xEE00, s0;
	s9 =	sand.u32 $0x1, s1  }
.Ltmp0:
0x7: {  	s7 =	sadd.s32 $0x68E00, s0;
	s1 =	ssub.s32 $0x2, s9;
	(pc) =	sbr.rel .LBB2_1-.Ltmp0, $4  }
0x8: {  	s8 =	sadd.s32 $0xB8E00, s0;
	s11 =	sadd.s32 $0x158E00, s0;
	s10 =	sshrl.u32 s1, $0x1  }
0x9: {  	v0 =	vimm.s32 $0x0;
	s12 =	sadd.s32 $0x1A8E00, s0;
	s13 =	sadd.s32 $0x1F8E00, s0;
	s31 =	ssub.s32 s1, s10  }
0xa: {  	v1 =	vimm.f32 $0.0e+00;
	v2 =	vimm.f32 $+Inf;
	vm0 =	vcmask $0x300;
	s14 =	sadd.s32 $0x248E00, s0;
	s15 =	sshll.u32 s15, $0x1;
	s0 =	smax.u32 s31, $0x1  }
0xb: {  	v3 =	vimm.f32 $-Inf;
	v4 =	vimm.s32 $0x50;
	v5 =	vsel vm0, $0x3F800000, v1;
	_ =	strace $0x80000047;
	s1 =	simm.s32 $0x0;
	[dreg:$0x3] =	wrdreg s0  }
.LBB2_14:
0xc: {  	s1 =	rddreg [dreg:$0x4]  }
0xd: {  	s0 =	rddreg [dreg:$0x3];
	s1 =	sadd.s32 $0x1, s1  }
0xe: {  	p0 =	sne.s32 s1, s0  }
.Ltmp1:
0xf: {  	_ = 	snop;
	(pc) =	sbr.rel @!p0 .LBB2_15-.Ltmp1, $1  }
0x10: {  	_ =	sdelay $0x3  }
.LBB2_1:
0x11: {  	[dreg:$0x4] =	wrdreg s1  }
0x12: {  	s0 =	rddreg [dreg:$0x1];
	s31 =	simm.s32 $0x9E00  }
0x13: {  	[tilespmem:s31], [sflag:$0x7] =	stream.linear.gather [hbm4b:s0+s2], $0x800, $0x38;
	[tilespmem:$0x1EF10] =	vst v63  }
0x14: {  	_ =	swait.ge [sflag:s18], $0x800  }
0x15: {  	[sflag:s18] =	ssyncset.done $0x0  }
0x16: {  	s1 =	simm.s32 $0x0;
	s0 =	simm.s32 $0x40;
	[sflag:s18] =	ssyncadd.s32 $0xFFFFF800  }
.LBB2_2:
0x17: {  	p0 =	sne.s32 s0, $0x1F40;
	[tilespmem:s1+$0x4660] =	vst v0;
	s1 =	smov.u32 s0;
	s0 =	sadd.s32 $0x40, s0  }
.Ltmp2:
0x18: {  	(pc) =	sbr.rel @p0 .LBB2_2-.Ltmp2, $2  }
0x19: {  	_ =	sdelay $0x2  }
0x1a: {  	s1 =	sshra.s32 s1, $0x2  }
.Ltmp3:
0x1b: {  	(pc) =	sbr.rel .LBB2_4-.Ltmp3, $2  }
0x1c: {  	_ =	sdelay $0x2  }
0x1d: {  	[tilespmem:s1+$0x4660] =	vst v0;
	s0 =	simm.s32 $0x0;
	s10 =	simm.s32 $0x0  }
.LBB2_13:
0x1e: {  	s16 =	smul.u32 $0xA00, s1;
	_ =	sdelay $0x1  }
0x1f: {  	s19 =	simm.s32 $0xA600;
	s17 =	sadd.s32 s8, s16  }
0x20: {  	[hbm4b:s17+s2] =	stream.linear.scatter [tilespmem:s19], [sflag:$0x7], $0x5000, $0x38;
	[tilespmem:$0x1EF10] =	vst v63  }
0x21: {  	_ =	swait.ge [sflag:s18], $0x5000  }
0x22: {  	[sflag:s18] =	ssyncset.done $0x0  }
0x23: {  	s25 =	simm.s32 $0xF700;
	s21 =	sadd.s32 s11, s16;
	[sflag:s18] =	ssyncadd.s32 $0xFFFFB000  }
0x24: {  	[hbm4b:s21+s2] =	stream.linear.scatter [tilespmem:s25], [sflag:$0x7], $0x5000, $0x38;
	[tilespmem:$0x1EF10] =	vst v63  }
0x25: {  	_ =	swait.ge [sflag:s18], $0x5000  }
0x26: {  	[sflag:s18] =	ssyncset.done $0x0  }
0x27: {  	s28 =	simm.s32 $0x14800;
	s26 =	sadd.s32 s12, s16;
	[sflag:s18] =	ssyncadd.s32 $0xFFFFB000  }
0x28: {  	[hbm4b:s26+s2] =	stream.linear.scatter [tilespmem:s28], [sflag:$0x7], $0x5000, $0x38;
	[tilespmem:$0x1EF10] =	vst v63  }
0x29: {  	_ =	swait.ge [sflag:s18], $0x5000  }
0x2a: {  	[sflag:s18] =	ssyncset.done $0x0  }
0x2b: {  	s16 =	sadd.s32 s13, s16;
	[sflag:s18] =	ssyncadd.s32 $0xFFFFB000  }
0x2c: {  	[hbm4b:s16+s2] =	stream.linear.scatter [tilespmem:s29], [sflag:$0x7], $0x5000, $0x38;
	[tilespmem:$0x1EF10] =	vst v63  }
0x2d: {  	s31 =	smul.u32 $0xA0, s1;
	s10 =	sadd.s32 $0x1, s10;
	_ =	swait.ge [sflag:s18], $0x5000  }
0x2e: {  	p0 =	sne.s32 s10, $0x4;
	[sflag:s18] =	ssyncset.done $0x0  }
.Ltmp4:
0x2f: {  	s1 =	sadd.s32 s14, s31;
	[sflag:s18] =	ssyncadd.s32 $0xFFFFB000;
	(pc) =	sbr.rel @!p0 .LBB2_14-.Ltmp4, $4  }
0x30: {  	[hbm4b:s1+s2] =	stream.linear.scatter [tilespmem:s30], [sflag:$0x7], $0x500, $0x38;
	[tilespmem:$0x1EF10] =	vst v63  }
0x31: {  	_ =	swait.ge [sflag:s18], $0x500  }
0x32: {  	[sflag:s18] =	ssyncset.done $0x0  }
0x33: {  	[sflag:s18] =	ssyncadd.s32 $0xFFFFFB00  }
.LBB2_4:
0x34: {  	[tilespmem:s0], [sflag:$0x1] =	stream.linear.gather [hbm4b:s3+s0], $0x7D0, $0x38;
	[tilespmem:$0x1EF10] =	vst v63  }
0x35: {  	s1 =	simm.s32 $0xFA0  }
0x36: {  	[tilespmem:s1], [sflag:$0x1] =	stream.linear.gather [hbm4b:s4+s0], $0x7D0, $0x38;
	[tilespmem:$0x1EF10] =	vst v63  }
0x37: {  	s28 =	simm.s32 $0x1F40  }
0x38: {  	[tilespmem:s28], [sflag:$0x1] =	stream.linear.gather [hbm4b:s5+s0], $0x7D0, $0x38;
	[tilespmem:$0x1EF10] =	vst v63  }
0x39: {  	s31 =	simm.s32 $0x2EE0;
	s16 =	simm.s32 $0x0  }
0x3a: {  	[tilespmem:s31], [sflag:$0x1] =	stream.linear.gather [hbm4b:s6+s0], $0x7D0, $0x38;
	[tilespmem:$0x1EF10] =	vst v63  }
0x3b: {  	[tilespmem:s16+$0xF700] =	vst v1  }
0x3c: {  	[tilespmem:s16+$0x14800] =	vst v2  }
0x3d: {  	[tilespmem:s16+$0x19900] =	vst v3  }
0x3e: {  	[tilespmem:s16+$0xA610] =	vst v1  }
0x3f: {  	[tilespmem:s16+$0xF710] =	vst v1  }
0x40: {  	[tilespmem:s16+$0x14810] =	vst v2  }
0x41: {  	[tilespmem:s16+$0x19910] =	vst v3  }
0x42: {  	[tilespmem:s16+$0xA620] =	vst v1  }
0x43: {  	[tilespmem:s16+$0xF720] =	vst v1  }
0x44: {  	[tilespmem:s16+$0x14820] =	vst v2  }
0x45: {  	[tilespmem:s16+$0x19920] =	vst v3  }
0x46: {  	[tilespmem:s16+$0xA630] =	vst v1  }
0x47: {  	[tilespmem:s16+$0xF730] =	vst v1  }
0x48: {  	[tilespmem:s16+$0x14830] =	vst v2  }
0x49: {  	[tilespmem:s16+$0x19930] =	vst v3  }
0x4a: {  	[tilespmem:s16+$0xA640] =	vst v1  }
0x4b: {  	[tilespmem:s16+$0xF740] =	vst v1  }
0x4c: {  	[tilespmem:s16+$0x14840] =	vst v2  }
0x4d: {  	[tilespmem:s16+$0x19940] =	vst v3  }
0x4e: {  	[tilespmem:s16+$0xA650] =	vst v1  }
0x4f: {  	[tilespmem:s16+$0xF750] =	vst v1  }
0x50: {  	[tilespmem:s16+$0x14850] =	vst v2  }
0x51: {  	[tilespmem:s16+$0x19950] =	vst v3  }
0x52: {  	[tilespmem:s16+$0xA660] =	vst v1  }
0x53: {  	[tilespmem:s16+$0xF760] =	vst v1  }
0x54: {  	[tilespmem:s16+$0x14860] =	vst v2  }
0x55: {  	[tilespmem:s16+$0x19960] =	vst v3  }
0x56: {  	[tilespmem:s16+$0xA670] =	vst v1  }
0x57: {  	[tilespmem:s16+$0xF770] =	vst v1  }
0x58: {  	[tilespmem:s16+$0x14870] =	vst v2  }
0x59: {  	[tilespmem:s16+$0x19970] =	vst v3  }
0x5a: {  	[tilespmem:s16+$0xA680] =	vst v1  }
0x5b: {  	[tilespmem:s16+$0xF780] =	vst v1  }
0x5c: {  	[tilespmem:s16+$0x14880] =	vst v2  }
0x5d: {  	[tilespmem:s16+$0x19980] =	vst v3  }
0x5e: {  	[tilespmem:s16+$0xA690] =	vst v1  }
0x5f: {  	[tilespmem:s16+$0xF790] =	vst v1  }
0x60: {  	[tilespmem:s16+$0x14890] =	vst v2  }
0x61: {  	[tilespmem:s16+$0x19990] =	vst v3  }
0x62: {  	[tilespmem:s16+$0xA6A0] =	vst v1  }
0x63: {  	[tilespmem:s16+$0xF7A0] =	vst v1  }
0x64: {  	[tilespmem:s16+$0x148A0] =	vst v2  }
0x65: {  	[tilespmem:s16+$0x199A0] =	vst v3  }
0x66: {  	[tilespmem:s16+$0xA6B0] =	vst v1  }
0x67: {  	[tilespmem:s16+$0xF7B0] =	vst v1  }
0x68: {  	[tilespmem:s16+$0x148B0] =	vst v2  }
0x69: {  	[tilespmem:s16+$0x199B0] =	vst v3  }
0x6a: {  	[tilespmem:s16+$0xA6C0] =	vst v1  }
0x6b: {  	[tilespmem:s16+$0xF7C0] =	vst v1  }
0x6c: {  	[tilespmem:s16+$0x148C0] =	vst v2  }
0x6d: {  	[tilespmem:s16+$0x199C0] =	vst v3  }
0x6e: {  	[tilespmem:s16+$0xA6D0] =	vst v1  }
0x6f: {  	[tilespmem:s16+$0xF7D0] =	vst v1  }
0x70: {  	[tilespmem:s16+$0x148D0] =	vst v2  }
0x71: {  	[tilespmem:s16+$0x199D0] =	vst v3  }
0x72: {  	[tilespmem:s16+$0xA6E0] =	vst v1  }
0x73: {  	[tilespmem:s16+$0xF7E0] =	vst v1  }
0x74: {  	[tilespmem:s16+$0x148E0] =	vst v2  }
0x75: {  	[tilespmem:s16+$0x199E0] =	vst v3  }
0x76: {  	[tilespmem:s16+$0xA6F0] =	vst v1  }
0x77: {  	[tilespmem:s16+$0xF7F0] =	vst v1  }
0x78: {  	[tilespmem:s16+$0x148F0] =	vst v2  }
0x79: {  	[tilespmem:s16+$0x199F0] =	vst v3  }
0x7a: {  	s1 =	simm.s32 $0x1EA00;
	[tilespmem:s16+$0xA600] =	vst v1;
	s16 =	simm.s32 $0x400  }
.LBB2_5:
0x7b: {  	s17 =	sshra.s32 s16, $0x2;
	p0 =	seq.s32 s16, $0x13C00;
	[tilespmem:s1+$0x0] =	vst v1  }
0x7c: {  	[tilespmem:s17+$0xF700] =	vst v1  }
0x7d: {  	[tilespmem:s17+$0x14800] =	vst v2  }
0x7e: {  	[tilespmem:s17+$0x19900] =	vst v3  }
0x7f: {  	[tilespmem:s17+$0xA610] =	vst v1  }
0x80: {  	[tilespmem:s17+$0xF710] =	vst v1  }
0x81: {  	[tilespmem:s17+$0x14810] =	vst v2  }
0x82: {  	[tilespmem:s17+$0x19910] =	vst v3  }
0x83: {  	[tilespmem:s17+$0xA620] =	vst v1  }
0x84: {  	[tilespmem:s17+$0xF720] =	vst v1  }
0x85: {  	[tilespmem:s17+$0x14820] =	vst v2  }
0x86: {  	[tilespmem:s17+$0x19920] =	vst v3  }
0x87: {  	[tilespmem:s17+$0xA630] =	vst v1  }
0x88: {  	[tilespmem:s17+$0xF730] =	vst v1  }
0x89: {  	[tilespmem:s17+$0x14830] =	vst v2  }
0x8a: {  	[tilespmem:s17+$0x19930] =	vst v3  }
0x8b: {  	[tilespmem:s17+$0xA640] =	vst v1  }
0x8c: {  	[tilespmem:s17+$0xF740] =	vst v1  }
0x8d: {  	[tilespmem:s17+$0x14840] =	vst v2  }
0x8e: {  	[tilespmem:s17+$0x19940] =	vst v3  }
0x8f: {  	[tilespmem:s17+$0xA650] =	vst v1  }
0x90: {  	[tilespmem:s17+$0xF750] =	vst v1  }
0x91: {  	[tilespmem:s17+$0x14850] =	vst v2  }
0x92: {  	[tilespmem:s17+$0x19950] =	vst v3  }
0x93: {  	[tilespmem:s17+$0xA660] =	vst v1  }
0x94: {  	[tilespmem:s17+$0xF760] =	vst v1  }
0x95: {  	[tilespmem:s17+$0x14860] =	vst v2  }
0x96: {  	[tilespmem:s17+$0x19960] =	vst v3  }
0x97: {  	[tilespmem:s17+$0xA670] =	vst v1  }
0x98: {  	[tilespmem:s17+$0xF770] =	vst v1  }
0x99: {  	[tilespmem:s17+$0x14870] =	vst v2  }
0x9a: {  	[tilespmem:s17+$0x19970] =	vst v3  }
0x9b: {  	[tilespmem:s17+$0xA680] =	vst v1  }
0x9c: {  	[tilespmem:s17+$0xF780] =	vst v1  }
0x9d: {  	[tilespmem:s17+$0x14880] =	vst v2  }
0x9e: {  	[tilespmem:s17+$0x19980] =	vst v3  }
0x9f: {  	[tilespmem:s17+$0xA690] =	vst v1  }
0xa0: {  	[tilespmem:s17+$0xF790] =	vst v1  }
0xa1: {  	[tilespmem:s17+$0x14890] =	vst v2  }
0xa2: {  	[tilespmem:s17+$0x19990] =	vst v3  }
0xa3: {  	[tilespmem:s17+$0xA6A0] =	vst v1  }
0xa4: {  	[tilespmem:s17+$0xF7A0] =	vst v1  }
0xa5: {  	[tilespmem:s17+$0x148A0] =	vst v2  }
0xa6: {  	[tilespmem:s17+$0x199A0] =	vst v3  }
0xa7: {  	[tilespmem:s17+$0xA6B0] =	vst v1  }
0xa8: {  	[tilespmem:s17+$0xF7B0] =	vst v1  }
0xa9: {  	[tilespmem:s17+$0x148B0] =	vst v2  }
0xaa: {  	[tilespmem:s17+$0x199B0] =	vst v3  }
0xab: {  	[tilespmem:s17+$0xA6C0] =	vst v1  }
0xac: {  	[tilespmem:s17+$0xF7C0] =	vst v1  }
0xad: {  	[tilespmem:s17+$0x148C0] =	vst v2  }
0xae: {  	[tilespmem:s17+$0x199C0] =	vst v3  }
0xaf: {  	[tilespmem:s17+$0xA6D0] =	vst v1  }
0xb0: {  	[tilespmem:s17+$0xF7D0] =	vst v1  }
0xb1: {  	[tilespmem:s17+$0x148D0] =	vst v2  }
0xb2: {  	[tilespmem:s17+$0x199D0] =	vst v3  }
0xb3: {  	[tilespmem:s17+$0xA6E0] =	vst v1  }
0xb4: {  	[tilespmem:s17+$0xF7E0] =	vst v1  }
0xb5: {  	[tilespmem:s17+$0x148E0] =	vst v2  }
0xb6: {  	[tilespmem:s17+$0x199E0] =	vst v3  }
.Ltmp5:
0xb7: {  	[tilespmem:s17+$0xA6F0] =	vst v1;
	(pc) =	sbr.rel @!p0 .LBB2_5-.Ltmp5, $4  }
0xb8: {  	[tilespmem:s17+$0xF7F0] =	vst v1  }
0xb9: {  	[tilespmem:s17+$0x148F0] =	vst v2  }
0xba: {  	[tilespmem:s17+$0x199F0] =	vst v3  }
0xbb: {  	s16 =	sadd.s32 $0x400, s16;
	s1 =	sadd.s32 $0x10, s1;
	[tilespmem:s17+$0xA600] =	vst v1  }
0xbc: {  	s31 =	sshll.u32 s10, $0x5  }
.Ltmp6:
0xbd: {  	[tilespmem:s1+$0x0] =	vst v1;
	s1 =	sor.u32 s31, s15;
	(pc) =	sbr.rel .LBB2_8-.Ltmp6, $3  }
0xbe: {  	s1 =	sor.u32 s9, s1  }
0xbf: {  	s16 =	smul.u32 $0xFFFFFFB0, s1;
	_ =	sdelay $0x1  }
0xc0: {  	s17 =	simm.s32 $0x0;
	v6 =	vmov s16;
	s16 =	simm.s32 $0x0  }
.LBB2_7:
0xc1: {  	p0 =	sgt.u32 s16, $0x4F  }
.Ltmp7:
0xc2: {  	_ = 	snop;
	(pc) =	sbr.rel @p0 .LBB2_13-.Ltmp7, $1  }
0xc3: {  	_ =	sdelay $0x3  }
.LBB2_8:
0xc4: {  	s20 =	sand.u32 $0x1, s16  }
0xc5: {  	p0 =	seq.s32 s20, $0x1  }
0xc6: {  	s21 =	simm.s32 @p0 $0x2  }
0xc7: {  	_ =	swait.ge @p0 [sflag:s21], $0x7D0  }
0xc8: {  	[sflag:s21] =	ssyncset.done @p0 $0x0  }
0xc9: {  	[sflag:s21] =	ssyncadd.s32 @p0 $0xFFFFF830  }
0xca: {  	_ =	swait.ge @p0 [sflag:s21], $0x7D0  }
0xcb: {  	[sflag:s21] =	ssyncset.done @p0 $0x0  }
0xcc: {  	[sflag:s21] =	ssyncadd.s32 @p0 $0xFFFFF830  }
0xcd: {  	p1 =	seq.s32 @p0 s16, $0x4F;
	_ =	swait.ge @p0 [sflag:s21], $0x7D0  }
0xce: {  	p2 =	por p1, !p0;
	[sflag:s21] =	ssyncset.done @p0 $0x0  }
0xcf: {  	s19 =	sadd.s32 @!p2 $0x1, s16;
	[sflag:s21] =	ssyncadd.s32 @p0 $0xFFFFF830  }
0xd0: {  	s25 =	smul.u32 @!p2 $0xFA, s19;
	_ =	swait.ge @p0 [sflag:s21], $0x7D0  }
0xd1: {  	[sflag:s21] =	ssyncset.done @p0 $0x0  }
0xd2: {  	s31 =	simm.s32 @!p2 $0x0;
	[sflag:s21] =	ssyncadd.s32 @p0 $0xFFFFF830;
	s21 =	sadd.s32 @!p2 s3, s25  }
0xd3: {  	[tilespmem:s31], [sflag:$0x1] =	stream.linear.gather @!p2 [hbm4b:s21+s31], $0x7D0, $0x38;
	[tilespmem:$0x1EF10] =	vst v63  }
0xd4: {  	s26 =	simm.s32 @!p2 $0xFA0;
	s21 =	sadd.s32 @!p2 s4, s25  }
0xd5: {  	[tilespmem:s26], [sflag:$0x1] =	stream.linear.gather @!p2 [hbm4b:s21+s31], $0x7D0, $0x38;
	[tilespmem:$0x1EF10] =	vst v63  }
0xd6: {  	s21 =	sadd.s32 @!p2 s5, s25;
	s26 =	simm.s32 @!p2 $0x1F40  }
0xd7: {  	[tilespmem:s26], [sflag:$0x1] =	stream.linear.gather @!p2 [hbm4b:s21+s31], $0x7D0, $0x38;
	[tilespmem:$0x1EF10] =	vst v63  }
0xd8: {  	s21 =	sadd.s32 @!p2 s6, s25;
	s25 =	simm.s32 @!p2 $0x2EE0  }
0xd9: {  	[tilespmem:s25], [sflag:$0x1] =	stream.linear.gather @!p2 [hbm4b:s21+s31], $0x7D0, $0x38;
	[tilespmem:$0x1EF10] =	vst v63  }
0xda: {  	s21 =	simm.s32 @!p0 $0x1  }
0xdb: {  	_ =	swait.ge @!p0 [sflag:s21], $0x7D0  }
0xdc: {  	[sflag:s21] =	ssyncset.done @!p0 $0x0  }
0xdd: {  	[sflag:s21] =	ssyncadd.s32 @!p0 $0xFFFFF830  }
0xde: {  	_ =	swait.ge @!p0 [sflag:s21], $0x7D0  }
0xdf: {  	[sflag:s21] =	ssyncset.done @!p0 $0x0  }
0xe0: {  	[sflag:s21] =	ssyncadd.s32 @!p0 $0xFFFFF830  }
0xe1: {  	_ =	swait.ge @!p0 [sflag:s21], $0x7D0  }
0xe2: {  	[sflag:s21] =	ssyncset.done @!p0 $0x0  }
0xe3: {  	s16 =	sor.u32 @!p0 $0x1, s16;
	[sflag:s21] =	ssyncadd.s32 @!p0 $0xFFFFF830  }
0xe4: {  	s25 =	smul.u32 @!p0 $0xFA, s16;
	_ =	swait.ge @!p0 [sflag:s21], $0x7D0  }
0xe5: {  	s20 =	smul.u32 $0x1F40, s20;
	s26 =	simm.s32 @!p0 $0x0;
	[sflag:s21] =	ssyncset.done @!p0 $0x0  }
0xe6: {  	s31 =	simm.s32 @!p0 $0x7D0;
	[sflag:s21] =	ssyncadd.s32 @!p0 $0xFFFFF830;
	s21 =	sadd.s32 @!p0 s3, s25  }
0xe7: {  	[tilespmem:s31], [sflag:$0x2] =	stream.linear.gather @!p0 [hbm4b:s21+s26], $0x7D0, $0x38;
	[tilespmem:$0x1EF10] =	vst v63  }
0xe8: {  	s20 =	sshrl.u32 s20, $0x2;
	s21 =	sadd.s32 @!p0 s4, s25;
	s31 =	simm.s32 @!p0 $0x1770  }
0xe9: {  	[tilespmem:s31], [sflag:$0x2] =	stream.linear.gather @!p0 [hbm4b:s21+s26], $0x7D0, $0x38;
	[tilespmem:$0x1EF10] =	vst v63  }
0xea: {  	v7 =	vmov s20;
	s21 =	sadd.s32 @!p0 s5, s25;
	s31 =	simm.s32 @!p0 $0x2710  }
0xeb: {  	[tilespmem:s31], [sflag:$0x2] =	stream.linear.gather @!p0 [hbm4b:s21+s26], $0x7D0, $0x38;
	[tilespmem:$0x1EF10] =	vst v63  }
0xec: {  	s21 =	sadd.s32 @!p0 s6, s25;
	s25 =	simm.s32 @!p0 $0x36B0  }
0xed: {  	[tilespmem:s25], [sflag:$0x2] =	stream.linear.gather @!p0 [hbm4b:s21+s26], $0x7D0, $0x38;
	[tilespmem:$0x1EF10] =	vst v63  }
0xee: {  	s25 =	simm.s32 $0x0  }
0xef: {  	v8 =	vld.idx.msk [tilespmem:v7+s25+$0x0 ss:$0x1], $0xffff;
	_ =	sdelay $0x3  }
0xf0: {  	s28 =	sadd.s32 $0xFA0, s20  }
0xf1: {  	v9 =	vadd.s32 v6, v8;
	v8 =	vmov s28  }
0xf2: {  	vm0 =	vlt.u32 v9, $0x50  }
0xf3: {  	v10 =	vmpcnt.ones.xlane vm0;
	_ =	sdelay $0x1  }
0xf4: {  	[tilespmem:s17+$0x3E80] =	vst.msk vm0, v9;
	(v2sf) =	vpush v10, $0x0  }
0xf5: {  	s26 =	sadd.s32 $0x1F40, s20;
	v10 =	vld.idx.msk [tilespmem:v8+s25+$0x0 ss:$0x1], $0xffff  }
0xf6: {  	v9 =	vmov s26;
	_ =	sdelay $0x3  }
0xf7: {  	[tilespmem:s17+$0x4660] =	vst.msk vm0, v10  }
0xf8: {  	s20 =	sadd.s32 $0x2EE0, s20;
	v11 =	vld.idx.msk [tilespmem:v9+s25+$0x0 ss:$0x1], $0xffff  }
0xf9: {  	v10 =	vmov s20;
	_ =	sdelay $0x3  }
0xfa: {  	[tilespmem:s17+$0x4E40] =	vst.msk vm0, v11  }
0xfb: {  	p1 =	por !p1, !p0;
	v11 =	vld.idx.msk [tilespmem:v10+s25+$0x0 ss:$0x1], $0xffff  }
0xfc: {  	s19 =	simm.s32 @!p1 $0x50  }
0xfd: {  	s16 =	smov.u32 @p0 s19;
	s31 =	simm.s32 $0x0;
	s28 =	spop (v2sf)  }
0xfe: {  	s21 =	simm.s32 $0x80;
	s20 =	simm.s32 $0x40;
	s19 =	sadd.s32 $0x0, s28  }
.LBB2_9:
0xff: {  	p0 =	sne.s32 s21, $0x1F00;
	s25 =	sshra.s32 s20, $0x2  }
0x100: {  	s20 =	smov.u32 s21;
	s21 =	sadd.s32 $0x40, s21;
	[tilespmem:s31+$0x5620] =	vst.msk vm0, v11;
	s31 =	smov.u32 s19  }
0x101: {  	v11 =	vld.idx.msk [tilespmem:v7+s25+$0x0 ss:$0x1], $0xffff;
	_ =	sdelay $0x5  }
0x102: {  	v11 =	vadd.s32 v6, v11  }
0x103: {  	vm0 =	vlt.u32 v11, $0x50  }
0x104: {  	[tilespmem:s19+$0x3E80] =	vst.msk vm0, v11;
	v11 =	vmpcnt.ones.xlane vm0  }
0x105: {  	v12 =	vld.idx.msk [tilespmem:v8+s25+$0x0 ss:$0x1], $0xffff  }
0x106: {  	(v2sf) =	vpush v11, $0x0;
	_ =	sdelay $0x4  }
0x107: {  	[tilespmem:s19+$0x4660] =	vst.msk vm0, v12  }
0x108: {  	v11 =	vld.idx.msk [tilespmem:v9+s25+$0x0 ss:$0x1], $0xffff;
	_ =	sdelay $0x5  }
.Ltmp8:
0x109: {  	[tilespmem:s19+$0x4E40] =	vst.msk vm0, v11;
	(pc) =	sbr.rel @p0 .LBB2_9-.Ltmp8, $3  }
0x10a: {  	v11 =	vld.idx.msk [tilespmem:v10+s25+$0x0 ss:$0x1], $0xffff;
	_ =	sdelay $0x1  }
0x10b: {  	s25 =	spop (v2sf)  }
0x10c: {  	s19 =	sadd.s32 s19, s25  }
0x10d: {  	_ =	sdelay $0x2  }
0x10e: {  	s20 =	sshra.s32 s20, $0x2;
	[tilespmem:s31+$0x5620] =	vst.msk vm0, v11  }
0x10f: {  	v7 =	vld.idx.msk [tilespmem:v7+s20+$0x0 ss:$0x1], $0xffff;
	_ =	sdelay $0x4  }
0x110: {  	v7 =	vadd.s32 v6, v7  }
0x111: {  	vm15 =	vlt.u32 v7, $0x50  }
0x112: {  	v63 =	vmpcnt.ones.xlane vm15;
	_ =	sdelay $0x1  }
0x113: {  	(v2sf) =	vpush v63, $0x0;
	_ =	sdelay $0x2  }
0x114: {  	[tilespmem:s19+$0x3E80] =	vst.msk vm15, v7  }
0x115: {  	v7 =	vld.idx.msk [tilespmem:v8+s20+$0x0 ss:$0x1], $0xffff;
	_ =	sdelay $0x4  }
0x116: {  	[tilespmem:s19+$0x4660] =	vst.msk vm15, v7  }
0x117: {  	v7 =	vld.idx.msk [tilespmem:v9+s20+$0x0 ss:$0x1], $0xffff;
	_ =	sdelay $0x4  }
0x118: {  	[tilespmem:s19+$0x4E40] =	vst.msk vm15, v7;
	s21 =	spop (v2sf)  }
0x119: {  	v7 =	vld.idx.msk [tilespmem:v10+s20+$0x0 ss:$0x1], $0xffff;
	s20 =	sadd.s32 s19, s21  }
0x11a: {  	s21 =	sadd.s32 $0xF, s20  }
0x11b: {  	s25 =	sand.u32 $0xF, s21  }
0x11c: {  	s26 =	sshra.s32 s21, $0x1F;
	p1 =	slt.s32 s21, $0x1;
	p0 =	sne.s32 s25, $0x0  }
0x11d: {  	s25 =	sshrl.u32 s26, $0x1C;
	p0 =	por !p1, !p0  }
0x11e: {  	s28 =	sadd.s32 s25, s21;
	s21 =	simm.s32 $0x1;
	p0 =	por !p0, !p0  }
0x11f: {  	[tilespmem:s19+$0x5620] =	vst.msk vm15, v7;
	s19 =	sshra.s32 s28, $0x4;
	s21 =	simm.s32 @!p0 $0x0  }
0x120: {  	s31 =	ssub.s32 s19, s21  }
0x121: {  	p0 =	slt.s32 s31, $0x1  }
.Ltmp9:
0x122: {  	_ = 	snop;
	(pc) =	sbr.rel @p0 .LBB2_7-.Ltmp9, $4  }
0x123: {  	[tilespmem:s20+$0x3E80] =	vst v4  }
0x124: {  	[tilespmem:s20+$0x4660] =	vst v0  }
0x125: {  	[tilespmem:s20+$0x4E40] =	vst v1  }
0x126: {  	[tilespmem:s20+$0x5620] =	vst v1  }
0x127: {  	[tilespmem:s24], [sflag:$0x3] =	stream.indirect.gather [hbm4b:s7+s22], $0x100, s23, s22, $0xb8;
	[tilespmem:$0x1EF10] =	vst v63  }
0x128: {  	p0 =	seq.s32 s31, $0x1  }
0x129: {  	s19 =	simm.s32 @!p0 $0x10  }
0x12a: {  	s20 =	simm.s32 @!p0 $0x4670;
	s21 =	simm.s32 @!p0 $0x6E00;
	p1 =	slt.u32 @!p0 s31, $0x3  }
0x12b: {  	[tilespmem:s21], [sflag:$0x4] =	stream.indirect.gather @!p0 [hbm4b:s7+s19], $0x100, s20, s19, $0xb8;
	[tilespmem:$0x1EF10] =	vst v63  }
0x12c: {  	p0 =	por p1, p0  }
0x12d: {  	s19 =	simm.s32 @!p0 $0x10;
	s20 =	simm.s32 @!p0 $0x4680;
	s21 =	simm.s32 @!p0 $0x7E00  }
0x12e: {  	[tilespmem:s21], [sflag:$0x5] =	stream.indirect.gather @!p0 [hbm4b:s7+s19], $0x100, s20, s19, $0xb8;
	[tilespmem:$0x1EF10] =	vst v63  }
0x12f: {  	s19 =	simm.s32 $0x0;
	s20 =	simm.s32 $0x3E80;
	s21 =	simm.s32 $0x4690  }
.LBB2_12:
0x130: {  	s25 =	sand.u32 $0x3, s19  }
0x131: {  	p0 =	sgt.s32 s25, $0x1  }
0x132: {  	p1 =	seq.s32 @p0 s25, $0x2  }
0x133: {  	p2 =	seq.s32 @!p0 s25, $0x0;
	p1 =	por !p1, !p0  }
0x134: {  	s25 =	simm.s32 $0x3;
	p2 =	por !p2, p0;
	s26 =	simm.s32 @!p1 $0x5  }
0x135: {  	s25 =	simm.s32 @p2 $0x4;
	s26 =	simm.s32 @p1 $0x6  }
0x136: {  	s25 =	smov.u32 @p0 s26;
	s26 =	sadd.s32 $0x3, s19  }
0x137: {  	p0 =	sge.s32 s26, s31  }
0x138: {  	s26 =	sand.u32 @!p0 $0x3, s26  }
0x139: {  	p1 =	sgt.s32 @!p0 s26, $0x1  }
0x13a: {  	p2 =	por !p1, p0  }
0x13b: {  	_ =	swait.ge [sflag:s25], $0x1000;
	p2 =	seq.s32 @!p2 s26, $0x2  }
0x13c: {  	[sflag:s25] =	ssyncset.done $0x0;
	p3 =	por @!p0 !p2, !p1  }
0x13d: {  	[sflag:s25] =	ssyncadd.s32 $0xFFFFF000;
	p2 =	por @!p0 p2, !p1;
	p3 =	por p3, p0  }
0x13e: {  	p2 =	por p2, p0;
	s25 =	simm.s32 @!p3 $0x10;
	s28 =	simm.s32 @!p3 $0x7E00  }
0x13f: {  	[tilespmem:s28], [sflag:$0x5] =	stream.indirect.gather @!p3 [hbm4b:s7+s25], $0x100, s21, s25, $0xb8;
	[tilespmem:$0x1EF10] =	vst v63  }
0x140: {  	s25 =	simm.s32 @!p2 $0x10;
	s28 =	simm.s32 @!p2 $0x8E00  }
0x141: {  	[tilespmem:s28], [sflag:$0x6] =	stream.indirect.gather @!p2 [hbm4b:s7+s25], $0x100, s21, s25, $0xb8;
	[tilespmem:$0x1EF10] =	vst v63  }
0x142: {  	p2 =	por p1, p0  }
0x143: {  	p2 =	seq.s32 @!p2 s26, $0x0  }
0x144: {  	p3 =	por @!p0 !p2, p1  }
0x145: {  	p1 =	por @!p0 p2, p1;
	p3 =	por p3, p0  }
0x146: {  	p0 =	por p1, p0;
	s25 =	simm.s32 @!p3 $0x10;
	s26 =	simm.s32 @!p3 $0x5E00  }
0x147: {  	[tilespmem:s26], [sflag:$0x3] =	stream.indirect.gather @!p3 [hbm4b:s7+s25], $0x100, s21, s25, $0xb8;
	[tilespmem:$0x1EF10] =	vst v63  }
0x148: {  	s25 =	simm.s32 @!p0 $0x10;
	s26 =	simm.s32 @!p0 $0x6E00  }
0x149: {  	[tilespmem:s26], [sflag:$0x4] =	stream.indirect.gather @!p0 [hbm4b:s7+s25], $0x100, s21, s25, $0xb8;
	[tilespmem:$0x1EF10] =	vst v63  }
0x14a: {  	v7 =	vld [tilespmem:s20+$0x0];
	_ =	sdelay $0x4  }
0x14b: {  	v7 =	vshll.u32 v7, $0x6  }
0x14c: {  	v7 =	vshra.s32 v7, $0x2  }
0x14d: {  	v7 =	vadd.s32 $0x1EA00, v7  }
0x14e: {  	(v2sf) =	vpush v7, $0x0  }
0x14f: {  	(v2sf) =	vpush v7, $0x1  }
0x150: {  	(v2sf) =	vpush v7, $0x2  }
0x151: {  	(v2sf) =	vpush v7, $0x3  }
0x152: {  	(v2sf) =	vpush v7, $0x4  }
0x153: {  	(v2sf) =	vpush v7, $0x5  }
0x154: {  	(v2sf) =	vpush v7, $0x6  }
0x155: {  	(v2sf) =	vpush v7, $0x7  }
0x156: {  	(v2sf) =	vpush v7, $0x8  }
0x157: {  	(v2sf) =	vpush v7, $0x9  }
0x158: {  	(v2sf) =	vpush v7, $0xA  }
0x159: {  	(v2sf) =	vpush v7, $0xB  }
0x15a: {  	(v2sf) =	vpush v7, $0xC  }
0x15b: {  	(v2sf) =	vpush v7, $0xD  }
0x15c: {  	(v2sf) =	vpush v7, $0xE  }
0x15d: {  	s28 =	spop (v2sf);
	(v2sf) =	vpush v7, $0xF  }
0x15e: {  	s26 =	spop (v2sf);
	[tilespmem:s28+$0x0] =	vst.add.f32.msk $0xffff, v5  }
0x15f: {  	s28 =	spop (v2sf);
	[tilespmem:s26+$0x0] =	vst.add.f32.msk $0xffff, v5  }
0x160: {  	s26 =	spop (v2sf);
	[tilespmem:s28+$0x0] =	vst.add.f32.msk $0xffff, v5  }
0x161: {  	s28 =	spop (v2sf);
	[tilespmem:s26+$0x0] =	vst.add.f32.msk $0xffff, v5  }
0x162: {  	s26 =	spop (v2sf);
	[tilespmem:s28+$0x0] =	vst.add.f32.msk $0xffff, v5  }
0x163: {  	s28 =	spop (v2sf);
	[tilespmem:s26+$0x0] =	vst.add.f32.msk $0xffff, v5  }
0x164: {  	s26 =	spop (v2sf);
	[tilespmem:s28+$0x0] =	vst.add.f32.msk $0xffff, v5  }
0x165: {  	s28 =	spop (v2sf);
	[tilespmem:s26+$0x0] =	vst.add.f32.msk $0xffff, v5  }
0x166: {  	s26 =	spop (v2sf);
	[tilespmem:s28+$0x0] =	vst.add.f32.msk $0xffff, v5  }
0x167: {  	s19 =	sadd.s32 $0x1, s19;
	s28 =	spop (v2sf);
	[tilespmem:s26+$0x0] =	vst.add.f32.msk $0xffff, v5  }
0x168: {  	p0 =	seq.s32 s31, s19;
	s26 =	spop (v2sf);
	[tilespmem:s28+$0x0] =	vst.add.f32.msk $0xffff, v5  }
.Ltmp10:
0x169: {  	s28 =	spop (v2sf);
	[tilespmem:s26+$0x0] =	vst.add.f32.msk $0xffff, v5;
	(pc) =	sbr.rel @!p0 .LBB2_12-.Ltmp10, $4  }
0x16a: {  	s26 =	spop (v2sf);
	[tilespmem:s28+$0x0] =	vst.add.f32.msk $0xffff, v5  }
0x16b: {  	s28 =	spop (v2sf);
	[tilespmem:s26+$0x0] =	vst.add.f32.msk $0xffff, v5  }
0x16c: {  	[tilespmem:s28+$0x0] =	vst.add.f32.msk $0xffff, v5;
	s28 =	spop (v2sf)  }
0x16d: {  	s21 =	sadd.s32 $0x10, s21;
	s20 =	sadd.s32 $0x10, s20;
	[tilespmem:s28+$0x0] =	vst.add.f32.msk $0xffff, v5  }
.Ltmp11:
0x16e: {  	_ = 	snop;
	(pc) =	sbr.rel .LBB2_7-.Ltmp11, $1  }
0x16f: {  	_ =	sdelay $0x3  }
.LBB2_15:
0x170: {  	_ =	sfence.sel $0x180000  }
0x171: {  	[bflag:$0x0] =	sbarrier.arrive $0xFFFF  }
0x172: {  	_ =	strace $0x90000047  }
0x173: {  	s0 =	stileid.u32;
	[bflag:$0x2] =	sbarrier.arrive $0xFFFF  }
0x174: {  	p0 =	sne.s32 s0, $0x0;
	s0 =	rddreg [dreg:$0x2]  }
0x175: {  	s0 =	sadd.s32 @!p0 $0x100000, s0  }
0x176: {  	[sflag:s0] =	ssyncadd.tile.s32 @!p0 $0x1;
	_ =	shalt  }
.Lfunc_end2:
_tile_overlayer_lowered:
.L_overlay_start_2:
0x177: {  	(tag) =	ssettag $0x2  }
0x178: {  	s0 =	rddreg [dreg:$0x0];
	s2 =	stileid.u32  }
0x179: {  	s1 =	rddreg [dreg:$0x1];
	p0 =	sne.s32 s2, $0x0  }
0x17a: {  	s3 =	rddreg [dreg:$0x2];
	[bflag:$0x3] =	sbarrier.arrive $0xFFFF;
	s2 =	simm.s32 @!p0 $0x1C07  }
0x17b: {  	[timem:s3], [sflag:s2] =	dma.local @!p0 [hbm:s0], s1  }
0x17c: {  	s0 =	simm.s32 @!p0 $0x7  }
0x17d: {  	_ =	swait.ge @!p0 [sflag:s0], s1  }
0x17e: {  	s1 =	ssub.s32 @!p0 $0x0, s1;
	[sflag:s0] =	ssyncset.done @!p0 $0x0  }
0x17f: {  	[sflag:s0] =	ssyncadd.s32 @!p0 s1  }
0x180: {  	[bflag:$0x3] =	sbarrier.arrive $0xFFFF  }
0x181: {  	_ =	shalt  }

// kernel: kernel.14.cloned.1.call-start
scs
__scs_entry_jumppad:
0x0: {  	(pc) =	sbr.rel $0x88, $3  }
0x1: {  	(tag) =	ssettag $0x0;
	lr =	simm.s32 $0x1  }
0x2: {  	[smem:$0x3F8C] =	sst lr;
	_ =	strace $0xD0000000  }
0x3: {  	_ = 	snop  }
0x4: {  	_ = 	snop  }
0x5: {  	_ = 	snop  }
0x6: {  	_ = 	snop  }
0x7: {  	_ = 	snop  }
__scs_overlays_trampoline_lowered:
0x8: {  	[smem:$0x3F9B] =	sst s0  }
0x9: {  	[smem:$0x3F9C] =	sst s1  }
0xa: {  	[smem:$0x3F9D] =	sst s2  }
0xb: {  	[smem:$0x3F9E] =	sst s3  }
0xc: {  	[smem:$0x3F9F] =	sst s4  }
0xd: {  	[smem:$0x3FA0] =	sst s5  }
0xe: {  	[smem:$0x3FA1] =	sst s6  }
0xf: {  	[smem:$0x3FA2] =	sst s7  }
0x10: {  	[smem:$0x3FA3] =	sst s8  }
0x11: {  	[smem:$0x3FA4] =	sst s9;
	s0 =	simm.s32 @!p0 $0x0  }
0x12: {  	s1 =	sld [smem:$0x3F8A];
	s0 =	simm.s32 @p0 $0x1  }
0x13: {  	[smem:$0x3FA5] =	sst s0;
	s0 =	simm.s32 @!p1 $0x0  }
0x14: {  	s2 =	sld [smem:$0x3F89];
	s0 =	simm.s32 @p1 $0x1  }
0x15: {  	[smem:$0x3FA6] =	sst s0;
	s0 =	simm.s32 @!p2 $0x0  }
0x16: {  	s3 =	sld [smem:$0x3FDB];
	s0 =	simm.s32 @p2 $0x1  }
0x17: {  	s4 =	simm.s32 $0x1BF5;
	[smem:$0x3FA8] =	sst s0  }
0x18: {  	s0 =	sld [smem:$0x3F8B];
	_ =	swait.ge [sflag:s4], $0x0  }
0x19: {  	s7 =	sld [smem:$0x3F8C]  }
0x1a: {  	s8 =	sadd.s32 $0xFFFFE003, lr  }
0x1b: {  	s9 =	sadd.s32 $0xFFFFFEF7, lr;
	s5 =	simm.s32 $0xFFFFFFFF;
	p2 =	slt.u32 s8, $0xFFFFF086  }
0x1c: {  	p1 =	slt.u32 s9, $0xF7A;
	s5 =	simm.s32 @!p2 $0x0  }
0x1d: {  	s5 =	simm.s32 @p1 $0x1;
	p0 =	seq.s32 s7, s2  }
0x1e: {  	s7 =	smul.u32 @!p0 $0xF7A, s2;
	p2 =	seq.s32 @!p0 s5, $0x0  }
0x1f: {  	s9 =	smul.u32 $0xF7A, s1;
	s8 =	simm.s32 @!p0 $0x1BF5;
	p2 =	por !p2, p0  }
0x20: {  	[sflag:s8] =	ssyncset.s32 @!p0 $0xFFFFF086;
	s6 =	sadd.s32 @!p0 s3, s7;
	s7 =	simm.s32 @!p0 $0x108  }
0x21: {  	s3 =	sadd.s32 s3, s9;
	s6 =	sadd.s32 @!p0 $0x88, s6;
	s7 =	simm.s32 @p2 $0x1082  }
0x22: {  	[simem:s7], [sflag:s8] =	dma.local @!p0 [hbm:s6], $0xF7A  }
0x23: {  	s9 =	sor.u32 $0xD0000000, s2;
	s6 =	simm.s32 $0x108;
	_ =	swait.ge @!p0 [sflag:s8], $0x0  }
0x24: {  	s3 =	sadd.s32 $0x88, s3;
	s6 =	simm.s32 @!p1 $0x1082;
	[sflag:s4] =	ssyncset.s32 $0xFFFFF086  }
0x25: {  	[simem:s6], [sflag:s4] =	dma.local [hbm:s3], $0xF7A  }
0x26: {  	[smem:$0x3F8C] =	sst s1;
	(tag) =	ssettag s2;
	_ =	strace s9  }
0x27: {  	s1 =	sld [smem:$0x3F9C]  }
0x28: {  	s2 =	sld [smem:$0x3F9D]  }
0x29: {  	s4 =	sld [smem:$0x3F9F]  }
0x2a: {  	p0 =	seq.s32 s5, $0x0;
	s5 =	sld [smem:$0x3FA0]  }
0x2b: {  	s6 =	sld [smem:$0x3FA1]  }
0x2c: {  	s7 =	sld [smem:$0x3FA2]  }
0x2d: {  	s3 =	simm.s32 $0x108;
	s8 =	sld [smem:$0x3FA3]  }
0x2e: {  	s3 =	simm.s32 @!p0 $0x1082;
	s9 =	sld [smem:$0x3FA4]  }
0x2f: {  	lr =	sadd.s32 s0, s3;
	s0 =	sld [smem:$0x3F9B]  }
0x30: {  	s3 =	sld [smem:$0x3F9E]  }
0x31: {  	[smem:$0x3FA7] =	sst s10  }
0x32: {  	s10 =	sld [smem:$0x3FA5];
	_ =	sdelay $0x3  }
0x33: {  	p0 =	seq.s32 s10, $0x1;
	s10 =	sld [smem:$0x3FA7];
	_ =	sdelay $0x3  }
0x34: {  	[smem:$0x3FA7] =	sst s10  }
0x35: {  	s10 =	sld [smem:$0x3FA6];
	_ =	sdelay $0x3  }
0x36: {  	p1 =	seq.s32 s10, $0x1;
	s10 =	sld [smem:$0x3FA7];
	_ =	sdelay $0x3  }
0x37: {  	[smem:$0x3FA7] =	sst s10  }
0x38: {  	s10 =	sld [smem:$0x3FA8]  }
0x39: {  	_ = 	snop;
	(pc) =	sbr.ind lr, $3  }
0x3a: {  	_ = 	snop  }
0x3b: {  	_ = 	snop  }
0x3c: {  	p2 =	seq.s32 s10, $0x1;
	s10 =	sld [smem:$0x3FA7]  }
0x3d: {  	_ =	shalt  }
0x3e: {  	_ =	shalt  }
0x3f: {  	_ =	shalt  }
0x40: {  	_ =	shalt  }
0x41: {  	_ =	shalt  }
0x42: {  	_ =	shalt  }
0x43: {  	_ =	shalt  }
0x44: {  	_ =	shalt  }
0x45: {  	_ =	shalt  }
0x46: {  	_ =	shalt  }
0x47: {  	_ =	shalt  }
0x48: {  	_ =	shalt  }
0x49: {  	_ =	shalt  }
0x4a: {  	_ =	shalt  }
0x4b: {  	_ =	shalt  }
0x4c: {  	_ =	shalt  }
0x4d: {  	_ =	shalt  }
0x4e: {  	_ =	shalt  }
0x4f: {  	_ =	shalt  }
0x50: {  	_ =	shalt  }
0x51: {  	_ =	shalt  }
0x52: {  	_ =	shalt  }
0x53: {  	_ =	shalt  }
0x54: {  	_ =	shalt  }
0x55: {  	_ =	shalt  }
0x56: {  	_ =	shalt  }
0x57: {  	_ =	shalt  }
0x58: {  	_ =	shalt  }
0x59: {  	_ =	shalt  }
0x5a: {  	_ =	shalt  }
0x5b: {  	_ =	shalt  }
0x5c: {  	_ =	shalt  }
0x5d: {  	_ =	shalt  }
0x5e: {  	_ =	shalt  }
0x5f: {  	_ =	shalt  }
0x60: {  	_ =	shalt  }
0x61: {  	_ =	shalt  }
0x62: {  	_ =	shalt  }
0x63: {  	_ =	shalt  }
0x64: {  	_ =	shalt  }
0x65: {  	_ =	shalt  }
0x66: {  	_ =	shalt  }
0x67: {  	_ =	shalt  }
0x68: {  	_ =	shalt  }
0x69: {  	_ =	shalt  }
0x6a: {  	_ =	shalt  }
0x6b: {  	_ =	shalt  }
0x6c: {  	_ =	shalt  }
0x6d: {  	_ =	shalt  }
0x6e: {  	_ =	shalt  }
0x6f: {  	_ =	shalt  }
0x70: {  	_ =	shalt  }
0x71: {  	_ =	shalt  }
0x72: {  	_ =	shalt  }
0x73: {  	_ =	shalt  }
0x74: {  	_ =	shalt  }
0x75: {  	_ =	shalt  }
0x76: {  	_ =	shalt  }
0x77: {  	_ =	shalt  }
0x78: {  	_ =	shalt  }
0x79: {  	_ =	shalt  }
0x7a: {  	_ =	shalt  }
0x7b: {  	_ =	shalt  }
0x7c: {  	_ =	shalt  }
0x7d: {  	_ =	shalt  }
0x7e: {  	_ =	shalt  }
0x7f: {  	_ =	shalt  }
0x80: {  	_ =	shalt  }
0x81: {  	_ =	shalt  }
0x82: {  	_ =	shalt  }
0x83: {  	_ =	shalt  }
0x84: {  	_ =	shalt  }
0x85: {  	_ =	shalt  }
0x86: {  	_ =	shalt  }
0x87: {  	_ =	shalt  }
.Lfunc_end0:
.L_simem_size_0:
called_computation.1_lowered:
.L_overlay_start_0:
0x88: {  	s2 =	sld [smem:$0x3FD9]  }
0x89: {  	s3 =	sld [smem:$0x3FFE];
	_ =	sdelay $0x1  }
0x8a: {  	s1 =	srdreg.scid  }
0x8b: {  	s0 =	sand.u32 $0x1, s1  }
0x8c: {  	s16 =	sshll.u32 s0, $0xA;
	s2 =	sadd.s32 s3, s2  }
0x8d: {  	s2 =	sadd.s32 s2, s16  }
0x8e: {  	[smem:$0x3FB3] =	sst s2  }
0x8f: {  	_ = 	snop  }
0x90: {  	(tm) =	ssettm $0x1  }
0x91: {  	s17 =	sld [smem:$0x3FFB];
	_ =	sdelay $0x3  }
0x92: {  	_ =	strace s17  }
0x93: {  	s2 =	sld [smem:$0x3FFC];
	_ =	sdelay $0x3  }
0x94: {  	_ =	strace s2  }
0x95: {  	s2 =	sld [smem:$0x3FFD];
	_ =	sdelay $0x3  }
0x96: {  	_ =	strace s2  }
0x97: {  	_ =	strace $0x8FFFFFFF  }
0x98: {  	s18 =	sld [smem:$0x3FDB];
	_ =	sdelay $0x1  }
0x99: {  	s19 =	simm.s32 $_scs_section_size  }
0x9a: {  	s4 =	simm.s32 $_size__tile_overlayer_lowered;
	s5 =	simm.s32 $_tile_overlayer_lowered  }
0x9b: {  	s22 =	simm.s32 $0x1BFF;
	s21 =	sshll.u32 s5, $0x1;
	s2 =	sadd.s32 s19, s18  }
0x9c: {  	s6 =	simm.s32 $0x0;
	s20 =	sshll.u32 s4, $0x1;
	s4 =	sadd.s32 s21, s2  }
0x9d: {  	[timem:s6], [sflag:s22] =	dma.local [hbm:s4], s20  }
0x9e: {  	_ =	swait.ge [sflag:s22], s20  }
0x9f: {  	s3 =	ssub.s32 $0x0, s20;
	[sflag:s22] =	ssyncset.done $0x0  }
0xa0: {  	[sflag:s22] =	ssyncadd.s32 s3;
	_ =	sdelay $0x1  }
0xa1: {  	s23 =	simm.s32 $0x1B8B  }
0xa2: {  	_ =	swait.ge [sflag:s23], $0x1  }
0xa3: {  	[sflag:s23] =	ssyncset.done $0x0  }
0xa4: {  	s25 =	simm.s32 $0x1B8E;
	s24 =	sld [smem:$0x3FFE];
	[sflag:s23] =	ssyncadd.s32 $0xFFFFFFFF  }
0xa5: {  	s26 =	simm.s32 $execute0_lowered;
	[smem:$0x3FD2] =	sst s25  }
0xa6: {  	s4 =	sshll.u32 s26, $0x1;
	_ =	strace $0x80000049;
	[dreg:$0x1] =	wrdreg $0xFFFFFFFF  }
0xa7: {  	s28 =	simm.s32 $_size_execute0_lowered;
	s2 =	sadd.s32 s2, s4;
	[dreg:$0x0] =	wrdreg $0x0  }
0xa8: {  	s4 =	sshll.u32 s28, $0x1;
	[dreg:$0x2] =	wrdreg s2  }
0xa9: {  	[dreg:$0x3] =	wrdreg s4  }
0xaa: {  	[dreg:$0x4] =	wrdreg $0xC0  }
0xab: {  	_ =	task [dreg:s6], $0x5FFFF  }
0xac: {  	[dreg:$0x1] =	wrdreg $0xFFFFFFFF  }
0xad: {  	[dreg:$0x0] =	wrdreg $0x60  }
0xae: {  	[dreg:$0x2] =	wrdreg s24  }
0xaf: {  	[dreg:$0x3] =	wrdreg $0x9  }
0xb0: {  	_ =	task.clear_ibuf [dreg:s6], $0x4FFFF;
	_ =	strace $0x90000049  }
0xb1: {  	s29 =	simm.s32 $0x9;
	_ =	strace $0x8000004B  }
0xb2: {  	_ =	swait.ge [sflag:s29], $0x1  }
0xb3: {  	[sflag:s29] =	ssyncadd.s32 $0xFFFFFFFF  }
0xb4: {  	_ =	strace $0x9000004B  }
0xb5: {  	_ =	sfence  }
0xb6: {  	s30 =	sld [smem:$0x0];
	_ =	sdelay $0x2  }
0xb7: {  	s31 =	sshll.u32 s1, $0xD;
	s1 =	sshrl.u32 s1, $0x2  }
0xb8: {  	s3 =	sand.u32 $0x4000, s31;
	s1 =	sadd.s32 s1, s30  }
0xb9: {  	s0 =	sor.u32 s3, s0;
	s1 =	sshll.u32 s1, $0x11  }
0xba: {  	s0 =	sor.u32 s1, s0  }
0xbb: {  	s0 =	sadd.s32 $0x8F2B, s0  }
0xbc: {  	[sflag:s0] =	ssyncadd.remote.s32 $0x1  }
0xbd: {  	_ =	sfence.sel $0xFFFF  }
0xbe: {  	[dreg:$0x0] =	wrdreg $0xFFFFFFFF;
	(pc) =	sbr.abs _section_cstart, $3  }
0xbf: {  	[dreg:$0x1] =	wrdreg $0xFFFFFFFF  }
0xc0: {  	_ =	task.clear_ibuf [dreg:s6], $0x2FFFF;
	_ =	strace $0x9FFFFFFF  }
0xc1: {  	(tm) =	ssettm $0x7FFFFFFF  }
tec
execute0_lowered:
.L_overlay_start_1:
0x0: {  	(tag) =	ssettag $0x1  }
0x1: {  	s0 =	rddreg [dreg:$0x0];
	s2 =	simm.s32 $0x0;
	s4 =	srdreg.scid  }
0x2: {  	s1 =	stileid.u32;
	s15 =	simm.s32 $0x7;
	s16 =	simm.s32 $0xFA0  }
0x3: {  	s17 =	simm.s32 $0x1F40;
	s18 =	simm.s32 $0x2EE0;
	s19 =	simm.s32 $0x10  }
0x4: {  	s20 =	simm.s32 $0x4660;
	s22 =	simm.s32 $0x8200;
	s23 =	simm.s32 $0xAA20  }
0x5: {  	s24 =	simm.s32 $0xD240;
	s25 =	simm.s32 $0xFA60;
	s26 =	simm.s32 $0x0  }
0x6: {  	[smem:$0x7FF] =	sst s2;
	s7 =	sand.u32 $0x1, s4;
	s6 =	sshll.u32 s1, $0x1  }
0x7: {  	s3 =	sadd.s32 $0x9E00, s0;
	s4 =	sadd.s32 $0x4E00, s0;
	s9 =	sor.u32 s7, s6  }
0x8: {  	s5 =	sadd.s32 $0x13E00, s0;
	s8 =	sadd.s32 $0x24DE00, s0;
	s10 =	smul.u32 $0x500, s9  }
.Ltmp0:
0x9: {  	_ =	strace $0x8000004A;
	s11 =	ssub.s32 $0x2, s7;
	(pc) =	sbr.rel .LBB2_1-.Ltmp0, $4  }
0xa: {  	s6 =	sadd.s32 $0xEE00, s0;
	s12 =	sshrl.u32 s11, $0x1;
	s21 =	smul.u32 $0xFFFFFEC0, s9  }
0xb: {  	s7 =	sadd.s32 $0x18E00, s0;
	s13 =	ssub.s32 s11, s12;
	s0 =	sadd.s32 s10, s0  }
0xc: {  	v1 =	vimm.s32 $0x0;
	v2 =	vimm.f32 $0.0e+00;
	s13 =	smax.u32 s13, $0x1;
	v0 =	vmov s21;
	s21 =	simm.s32 $0x5E00;
	s9 =	sadd.s32 $0x40E00, s0  }
0xd: {  	v3 =	vimm.f32 $+Inf;
	v4 =	vimm.f32 $-Inf;
	v5 =	vimm.s32 $0x140;
	s10 =	sadd.s32 $0x4AE00, s0;
	s11 =	sadd.s32 $0x54E00, s0;
	s12 =	sadd.s32 $0x5EE00, s0  }
.LBB2_12:
0xe: {  	[hbm4b:s9+s2] =	stream.linear.scatter [tilespmem:s22], [sflag:$0x7], $0x2800, $0x38;
	[tilespmem:$0x12280] =	vst v63  }
0xf: {  	_ =	swait.ge [sflag:s15], $0x2800  }
0x10: {  	[sflag:s15] =	ssyncset.done $0x0  }
0x11: {  	[sflag:s15] =	ssyncadd.s32 $0xFFFFD800  }
0x12: {  	[hbm4b:s10+s2] =	stream.linear.scatter [tilespmem:s23], [sflag:$0x7], $0x2800, $0x38;
	[tilespmem:$0x12280] =	vst v63  }
0x13: {  	_ =	swait.ge [sflag:s15], $0x2800  }
0x14: {  	[sflag:s15] =	ssyncset.done $0x0  }
0x15: {  	[sflag:s15] =	ssyncadd.s32 $0xFFFFD800  }
0x16: {  	[hbm4b:s11+s2] =	stream.linear.scatter [tilespmem:s24], [sflag:$0x7], $0x2800, $0x38;
	[tilespmem:$0x12280] =	vst v63  }
0x17: {  	s26 =	sadd.s32 $0x1, s26;
	_ =	swait.ge [sflag:s15], $0x2800  }
0x18: {  	p0 =	sne.s32 s26, s13;
	[sflag:s15] =	ssyncset.done $0x0  }
.Ltmp1:
0x19: {  	[sflag:s15] =	ssyncadd.s32 $0xFFFFD800;
	(pc) =	sbr.rel @!p0 .LBB2_13-.Ltmp1, $4  }
0x1a: {  	[hbm4b:s12+s2] =	stream.linear.scatter [tilespmem:s25], [sflag:$0x7], $0x2800, $0x38;
	[tilespmem:$0x12280] =	vst v63  }
0x1b: {  	_ =	swait.ge [sflag:s15], $0x2800  }
0x1c: {  	[sflag:s15] =	ssyncset.done $0x0  }
0x1d: {  	[sflag:s15] =	ssyncadd.s32 $0xFFFFD800  }
.LBB2_1:
0x1e: {  	s0 =	simm.s32 $0x7E00  }
0x1f: {  	[tilespmem:s0], [sflag:$0x7] =	stream.linear.gather [hbm4b:s8+s2], $0x400, $0x38;
	[tilespmem:$0x12280] =	vst v63  }
0x20: {  	_ =	swait.ge [sflag:s15], $0x400  }
0x21: {  	[sflag:s15] =	ssyncset.done $0x0  }
0x22: {  	s28 =	simm.s32 $0x0;
	s0 =	simm.s32 $0x40;
	[sflag:s15] =	ssyncadd.s32 $0xFFFFFC00  }
.LBB2_2:
0x23: {  	p0 =	sne.s32 s0, $0x1F40;
	[tilespmem:s28+$0x4660] =	vst v1;
	s28 =	smov.u32 s0;
	s0 =	sadd.s32 $0x40, s0  }
.Ltmp2:
0x24: {  	(pc) =	sbr.rel @p0 .LBB2_2-.Ltmp2, $2  }
0x25: {  	_ =	sdelay $0x2  }
0x26: {  	s28 =	sshra.s32 s28, $0x2  }
0x27: {  	[tilespmem:s28+$0x4660] =	vst v1;
	s28 =	simm.s32 $0x0  }
0x28: {  	[tilespmem:s28], [sflag:$0x1] =	stream.linear.gather [hbm4b:s3+s28], $0x7D0, $0x38;
	[tilespmem:$0x12280] =	vst v63  }
0x29: {  	_ = 	snop  }
0x2a: {  	[tilespmem:s16], [sflag:$0x1] =	stream.linear.gather [hbm4b:s4+s28], $0x7D0, $0x38;
	[tilespmem:$0x12280] =	vst v63  }
0x2b: {  	_ = 	snop  }
0x2c: {  	[tilespmem:s17], [sflag:$0x1] =	stream.linear.gather [hbm4b:s5+s28], $0x7D0, $0x38;
	[tilespmem:$0x12280] =	vst v63  }
0x2d: {  	s0 =	simm.s32 $0x0;
	s29 =	simm.s32 $0x80  }
0x2e: {  	[tilespmem:s18], [sflag:$0x1] =	stream.linear.gather [hbm4b:s6+s28], $0x7D0, $0x38;
	[tilespmem:$0x12280] =	vst v63  }
.LBB2_4:
0x2f: {  	p0 =	seq.s32 s29, $0x9F80;
	[tilespmem:s0+$0xFA70] =	vst v4  }
0x30: {  	[tilespmem:s0+$0x8200] =	vst v2  }
0x31: {  	[tilespmem:s0+$0xAA20] =	vst v2  }
.Ltmp3:
0x32: {  	[tilespmem:s0+$0xD240] =	vst v3;
	(pc) =	sbr.rel @!p0 .LBB2_4-.Ltmp3, $4  }
0x33: {  	[tilespmem:s0+$0xFA60] =	vst v4  }
0x34: {  	[tilespmem:s0+$0x8210] =	vst v2  }
0x35: {  	[tilespmem:s0+$0xAA30] =	vst v2  }
0x36: {  	[tilespmem:s0+$0xD250] =	vst v3;
	s0 =	sshra.s32 s29, $0x2;
	s29 =	sadd.s32 $0x80, s29  }
0x37: {  	[tilespmem:s0+$0xFA70] =	vst v4  }
0x38: {  	[tilespmem:s0+$0x8200] =	vst v2  }
0x39: {  	[tilespmem:s0+$0xAA20] =	vst v2  }
.Ltmp4:
0x3a: {  	[tilespmem:s0+$0xD240] =	vst v3;
	(pc) =	sbr.rel .LBB2_7-.Ltmp4, $4  }
0x3b: {  	[tilespmem:s0+$0xFA60] =	vst v4  }
0x3c: {  	[tilespmem:s0+$0x8210] =	vst v2  }
0x3d: {  	[tilespmem:s0+$0xAA30] =	vst v2  }
0x3e: {  	[tilespmem:s0+$0xD250] =	vst v3  }
.LBB2_6:
0x3f: {  	p0 =	sgt.u32 s28, $0x4F  }
.Ltmp5:
0x40: {  	_ = 	snop;
	(pc) =	sbr.rel @p0 .LBB2_12-.Ltmp5, $1  }
0x41: {  	_ =	sdelay $0x3  }
.LBB2_7:
0x42: {  	s0 =	sand.u32 $0x1, s28  }
0x43: {  	p0 =	seq.s32 s0, $0x1  }
0x44: {  	s30 =	simm.s32 @p0 $0x2  }
0x45: {  	_ =	swait.ge @p0 [sflag:s30], $0x7D0  }
0x46: {  	[sflag:s30] =	ssyncset.done @p0 $0x0  }
0x47: {  	[sflag:s30] =	ssyncadd.s32 @p0 $0xFFFFF830  }
0x48: {  	_ =	swait.ge @p0 [sflag:s30], $0x7D0  }
0x49: {  	[sflag:s30] =	ssyncset.done @p0 $0x0  }
0x4a: {  	[sflag:s30] =	ssyncadd.s32 @p0 $0xFFFFF830  }
0x4b: {  	p1 =	seq.s32 @p0 s28, $0x4F;
	_ =	swait.ge @p0 [sflag:s30], $0x7D0  }
0x4c: {  	p2 =	por p1, !p0;
	[sflag:s30] =	ssyncset.done @p0 $0x0  }
0x4d: {  	s29 =	sadd.s32 @!p2 $0x1, s28;
	[sflag:s30] =	ssyncadd.s32 @p0 $0xFFFFF830  }
0x4e: {  	s31 =	smul.u32 @!p2 $0xFA, s29;
	_ =	swait.ge @p0 [sflag:s30], $0x7D0  }
0x4f: {  	[sflag:s30] =	ssyncset.done @p0 $0x0  }
0x50: {  	s1 =	simm.s32 @!p2 $0x0;
	[sflag:s30] =	ssyncadd.s32 @p0 $0xFFFFF830;
	s30 =	sadd.s32 @!p2 s3, s31  }
0x51: {  	[tilespmem:s1], [sflag:$0x1] =	stream.linear.gather @!p2 [hbm4b:s30+s1], $0x7D0, $0x38;
	[tilespmem:$0x12280] =	vst v63  }
0x52: {  	s14 =	simm.s32 @!p2 $0xFA0;
	s30 =	sadd.s32 @!p2 s4, s31  }
0x53: {  	[tilespmem:s14], [sflag:$0x1] =	stream.linear.gather @!p2 [hbm4b:s30+s1], $0x7D0, $0x38;
	[tilespmem:$0x12280] =	vst v63  }
0x54: {  	s14 =	sadd.s32 @!p2 s5, s31;
	s30 =	simm.s32 @!p2 $0x1F40  }
0x55: {  	[tilespmem:s30], [sflag:$0x1] =	stream.linear.gather @!p2 [hbm4b:s14+s1], $0x7D0, $0x38;
	[tilespmem:$0x12280] =	vst v63  }
0x56: {  	s14 =	sadd.s32 @!p2 s6, s31;
	s30 =	simm.s32 @!p2 $0x2EE0  }
0x57: {  	[tilespmem:s30], [sflag:$0x1] =	stream.linear.gather @!p2 [hbm4b:s14+s1], $0x7D0, $0x38;
	[tilespmem:$0x12280] =	vst v63  }
0x58: {  	s1 =	simm.s32 @!p0 $0x1  }
0x59: {  	_ =	swait.ge @!p0 [sflag:s1], $0x7D0  }
0x5a: {  	[sflag:s1] =	ssyncset.done @!p0 $0x0  }
0x5b: {  	[sflag:s1] =	ssyncadd.s32 @!p0 $0xFFFFF830  }
0x5c: {  	_ =	swait.ge @!p0 [sflag:s1], $0x7D0  }
0x5d: {  	[sflag:s1] =	ssyncset.done @!p0 $0x0  }
0x5e: {  	[sflag:s1] =	ssyncadd.s32 @!p0 $0xFFFFF830  }
0x5f: {  	_ =	swait.ge @!p0 [sflag:s1], $0x7D0  }
0x60: {  	[sflag:s1] =	ssyncset.done @!p0 $0x0  }
0x61: {  	s28 =	sor.u32 @!p0 $0x1, s28;
	[sflag:s1] =	ssyncadd.s32 @!p0 $0xFFFFF830  }
0x62: {  	s14 =	smul.u32 @!p0 $0xFA, s28;
	_ =	swait.ge @!p0 [sflag:s1], $0x7D0  }
0x63: {  	s0 =	smul.u32 $0x1F40, s0;
	s31 =	simm.s32 @!p0 $0x7D0;
	[sflag:s1] =	ssyncset.done @!p0 $0x0  }
0x64: {  	s30 =	simm.s32 @!p0 $0x0;
	[sflag:s1] =	ssyncadd.s32 @!p0 $0xFFFFF830;
	s1 =	sadd.s32 @!p0 s3, s14  }
0x65: {  	[tilespmem:s31], [sflag:$0x2] =	stream.linear.gather @!p0 [hbm4b:s1+s30], $0x7D0, $0x38;
	[tilespmem:$0x12280] =	vst v63  }
0x66: {  	s0 =	sshrl.u32 s0, $0x2;
	s1 =	sadd.s32 @!p0 s4, s14;
	s31 =	simm.s32 @!p0 $0x1770  }
0x67: {  	[tilespmem:s31], [sflag:$0x2] =	stream.linear.gather @!p0 [hbm4b:s1+s30], $0x7D0, $0x38;
	[tilespmem:$0x12280] =	vst v63  }
0x68: {  	v6 =	vmov s0;
	s1 =	sadd.s32 @!p0 s5, s14;
	s31 =	simm.s32 @!p0 $0x2710  }
0x69: {  	[tilespmem:s31], [sflag:$0x2] =	stream.linear.gather @!p0 [hbm4b:s1+s30], $0x7D0, $0x38;
	[tilespmem:$0x12280] =	vst v63  }
0x6a: {  	s1 =	sadd.s32 @!p0 s6, s14;
	s14 =	simm.s32 @!p0 $0x36B0  }
0x6b: {  	[tilespmem:s14], [sflag:$0x2] =	stream.linear.gather @!p0 [hbm4b:s1+s30], $0x7D0, $0x38;
	[tilespmem:$0x12280] =	vst v63  }
0x6c: {  	s1 =	simm.s32 $0x0  }
0x6d: {  	v7 =	vld.idx.msk [tilespmem:v6+s1+$0x0 ss:$0x1], $0xffff;
	_ =	sdelay $0x3  }
0x6e: {  	s14 =	sadd.s32 $0xFA0, s0  }
0x6f: {  	v8 =	vadd.s32 v0, v7;
	v7 =	vmov s14  }
0x70: {  	vm0 =	vlt.u32 v8, $0x140  }
0x71: {  	v9 =	vmpcnt.ones.xlane vm0  }
0x72: {  	s30 =	simm.s32 $0x0  }
0x73: {  	[tilespmem:s30+$0x3E80] =	vst.msk vm0, v8;
	(v2sf) =	vpush v9, $0x0  }
0x74: {  	s14 =	sadd.s32 $0x1F40, s0;
	v9 =	vld.idx.msk [tilespmem:v7+s1+$0x0 ss:$0x1], $0xffff  }
0x75: {  	v8 =	vmov s14;
	_ =	sdelay $0x3  }
0x76: {  	[tilespmem:s30+$0x4660] =	vst.msk vm0, v9  }
0x77: {  	s0 =	sadd.s32 $0x2EE0, s0;
	v10 =	vld.idx.msk [tilespmem:v8+s1+$0x0 ss:$0x1], $0xffff  }
0x78: {  	v9 =	vmov s0;
	_ =	sdelay $0x3  }
0x79: {  	[tilespmem:s30+$0x4E40] =	vst.msk vm0, v10  }
0x7a: {  	p1 =	por !p1, !p0;
	v10 =	vld.idx.msk [tilespmem:v9+s1+$0x0 ss:$0x1], $0xffff  }
0x7b: {  	s29 =	simm.s32 @!p1 $0x50  }
0x7c: {  	s28 =	smov.u32 @p0 s29;
	s14 =	spop (v2sf)  }
0x7d: {  	s31 =	simm.s32 $0x40;
	s0 =	simm.s32 $0x80;
	s29 =	sadd.s32 $0x0, s14  }
.LBB2_8:
0x7e: {  	p0 =	sne.s32 s0, $0x1F00;
	s1 =	sshra.s32 s31, $0x2  }
0x7f: {  	s31 =	smov.u32 s0;
	s0 =	sadd.s32 $0x40, s0;
	[tilespmem:s30+$0x5620] =	vst.msk vm0, v10;
	s30 =	smov.u32 s29  }
0x80: {  	v10 =	vld.idx.msk [tilespmem:v6+s1+$0x0 ss:$0x1], $0xffff;
	_ =	sdelay $0x5  }
0x81: {  	v10 =	vadd.s32 v0, v10  }
0x82: {  	vm0 =	vlt.u32 v10, $0x140  }
0x83: {  	[tilespmem:s29+$0x3E80] =	vst.msk vm0, v10;
	v10 =	vmpcnt.ones.xlane vm0  }
0x84: {  	v11 =	vld.idx.msk [tilespmem:v7+s1+$0x0 ss:$0x1], $0xffff  }
0x85: {  	(v2sf) =	vpush v10, $0x0;
	_ =	sdelay $0x4  }
0x86: {  	[tilespmem:s29+$0x4660] =	vst.msk vm0, v11  }
0x87: {  	v10 =	vld.idx.msk [tilespmem:v8+s1+$0x0 ss:$0x1], $0xffff;
	_ =	sdelay $0x5  }
.Ltmp6:
0x88: {  	[tilespmem:s29+$0x4E40] =	vst.msk vm0, v10;
	(pc) =	sbr.rel @p0 .LBB2_8-.Ltmp6, $3  }
0x89: {  	v10 =	vld.idx.msk [tilespmem:v9+s1+$0x0 ss:$0x1], $0xffff;
	_ =	sdelay $0x1  }
0x8a: {  	s1 =	spop (v2sf)  }
0x8b: {  	s29 =	sadd.s32 s29, s1  }
0x8c: {  	_ =	sdelay $0x2  }
0x8d: {  	s0 =	sshra.s32 s31, $0x2;
	[tilespmem:s30+$0x5620] =	vst.msk vm0, v10  }
0x8e: {  	v6 =	vld.idx.msk [tilespmem:v6+s0+$0x0 ss:$0x1], $0xffff;
	_ =	sdelay $0x4  }
0x8f: {  	v6 =	vadd.s32 v0, v6  }
0x90: {  	vm15 =	vlt.u32 v6, $0x140  }
0x91: {  	v63 =	vmpcnt.ones.xlane vm15;
	_ =	sdelay $0x1  }
0x92: {  	(v2sf) =	vpush v63, $0x0;
	_ =	sdelay $0x4  }
0x93: {  	[tilespmem:s29+$0x3E80] =	vst.msk vm15, v6  }
0x94: {  	v6 =	vld.idx.msk [tilespmem:v7+s0+$0x0 ss:$0x1], $0xffff;
	_ =	sdelay $0x4  }
0x95: {  	[tilespmem:s29+$0x4660] =	vst.msk vm15, v6  }
0x96: {  	v6 =	vld.idx.msk [tilespmem:v8+s0+$0x0 ss:$0x1], $0xffff;
	_ =	sdelay $0x2  }
0x97: {  	s1 =	spop (v2sf)  }
0x98: {  	s30 =	sadd.s32 s29, s1  }
0x99: {  	[tilespmem:s29+$0x4E40] =	vst.msk vm15, v6;
	s1 =	sadd.s32 $0xF, s30  }
0x9a: {  	v6 =	vld.idx.msk [tilespmem:v9+s0+$0x0 ss:$0x1], $0xffff;
	s14 =	sand.u32 $0xF, s1  }
0x9b: {  	s31 =	sshra.s32 s1, $0x1F;
	p1 =	slt.s32 s1, $0x1;
	p0 =	sne.s32 s14, $0x0  }
0x9c: {  	s14 =	sshrl.u32 s31, $0x1C;
	p0 =	por !p1, !p0  }
0x9d: {  	s1 =	sadd.s32 s14, s1;
	s14 =	simm.s32 $0x1;
	p0 =	por !p0, !p0  }
0x9e: {  	s1 =	sshra.s32 s1, $0x4;
	s14 =	simm.s32 @!p0 $0x0  }
0x9f: {  	[tilespmem:s29+$0x5620] =	vst.msk vm15, v6;
	s29 =	ssub.s32 s1, s14  }
0xa0: {  	p0 =	slt.s32 s29, $0x1  }
.Ltmp7:
0xa1: {  	_ = 	snop;
	(pc) =	sbr.rel @p0 .LBB2_6-.Ltmp7, $4  }
0xa2: {  	[tilespmem:s30+$0x3E80] =	vst v5  }
0xa3: {  	[tilespmem:s30+$0x4660] =	vst v1  }
0xa4: {  	[tilespmem:s30+$0x4E40] =	vst v2  }
0xa5: {  	[tilespmem:s30+$0x5620] =	vst v2  }
0xa6: {  	[tilespmem:s21], [sflag:$0x3] =	stream.indirect.gather [hbm4b:s7+s19], $0x80, s20, s19, $0xb8;
	[tilespmem:$0x12280] =	vst v63  }
0xa7: {  	p0 =	seq.s32 s29, $0x1  }
0xa8: {  	s0 =	simm.s32 @!p0 $0x10  }
0xa9: {  	s1 =	simm.s32 @!p0 $0x4670;
	s14 =	simm.s32 @!p0 $0x6600;
	p1 =	slt.u32 @!p0 s29, $0x3  }
0xaa: {  	[tilespmem:s14], [sflag:$0x4] =	stream.indirect.gather @!p0 [hbm4b:s7+s0], $0x80, s1, s0, $0xb8;
	[tilespmem:$0x12280] =	vst v63  }
0xab: {  	p0 =	por p1, p0  }
0xac: {  	s0 =	simm.s32 @!p0 $0x10;
	s1 =	simm.s32 @!p0 $0x4680;
	s14 =	simm.s32 @!p0 $0x6E00  }
0xad: {  	[tilespmem:s14], [sflag:$0x5] =	stream.indirect.gather @!p0 [hbm4b:s7+s0], $0x80, s1, s0, $0xb8;
	[tilespmem:$0x12280] =	vst v63  }
0xae: {  	s30 =	simm.s32 $0x4690;
	s0 =	simm.s32 $0x0  }
.LBB2_11:
0xaf: {  	s1 =	sand.u32 $0x3, s0  }
0xb0: {  	p0 =	sgt.s32 s1, $0x1  }
0xb1: {  	p1 =	seq.s32 @p0 s1, $0x2  }
0xb2: {  	p2 =	seq.s32 @!p0 s1, $0x0;
	p1 =	por !p1, !p0  }
0xb3: {  	s31 =	simm.s32 $0x3;
	p2 =	por !p2, p0;
	s1 =	simm.s32 @!p1 $0x5  }
0xb4: {  	s31 =	simm.s32 @p2 $0x4;
	s1 =	simm.s32 @p1 $0x6  }
0xb5: {  	s31 =	smov.u32 @p0 s1;
	s1 =	sadd.s32 $0x3, s0  }
0xb6: {  	p0 =	sge.s32 s1, s29  }
0xb7: {  	s1 =	sand.u32 @!p0 $0x3, s1  }
0xb8: {  	p1 =	sgt.s32 @!p0 s1, $0x1  }
0xb9: {  	p2 =	por !p1, p0  }
0xba: {  	_ =	swait.ge [sflag:s31], $0x800;
	p2 =	seq.s32 @!p2 s1, $0x2  }
0xbb: {  	[sflag:s31] =	ssyncset.done $0x0;
	p3 =	por @!p0 !p2, !p1  }
0xbc: {  	[sflag:s31] =	ssyncadd.s32 $0xFFFFF800;
	p2 =	por @!p0 p2, !p1;
	p3 =	por p3, p0  }
0xbd: {  	p2 =	por p2, p0;
	s14 =	simm.s32 @!p3 $0x10;
	s31 =	simm.s32 @!p3 $0x6E00  }
0xbe: {  	[tilespmem:s31], [sflag:$0x5] =	stream.indirect.gather @!p3 [hbm4b:s7+s14], $0x80, s30, s14, $0xb8;
	[tilespmem:$0x12280] =	vst v63  }
0xbf: {  	s14 =	simm.s32 @!p2 $0x10;
	s31 =	simm.s32 @!p2 $0x7600  }
0xc0: {  	[tilespmem:s31], [sflag:$0x6] =	stream.indirect.gather @!p2 [hbm4b:s7+s14], $0x80, s30, s14, $0xb8;
	[tilespmem:$0x12280] =	vst v63  }
0xc1: {  	p2 =	por p1, p0  }
0xc2: {  	p2 =	seq.s32 @!p2 s1, $0x0  }
0xc3: {  	p3 =	por @!p0 !p2, p1  }
0xc4: {  	p1 =	por @!p0 p2, p1;
	p3 =	por p3, p0  }
0xc5: {  	p0 =	por p1, p0;
	s1 =	simm.s32 @!p3 $0x10;
	s14 =	simm.s32 @!p3 $0x5E00  }
0xc6: {  	[tilespmem:s14], [sflag:$0x3] =	stream.indirect.gather @!p3 [hbm4b:s7+s1], $0x80, s30, s1, $0xb8;
	[tilespmem:$0x12280] =	vst v63  }
0xc7: {  	s0 =	sadd.s32 $0x1, s0;
	s1 =	simm.s32 @!p0 $0x10;
	s14 =	simm.s32 @!p0 $0x6600  }
0xc8: {  	[tilespmem:s14], [sflag:$0x4] =	stream.indirect.gather @!p0 [hbm4b:s7+s1], $0x80, s30, s1, $0xb8;
	[tilespmem:$0x12280] =	vst v63  }
0xc9: {  	p0 =	seq.s32 s29, s0  }
.Ltmp8:
0xca: {  	_ = 	snop;
	(pc) =	sbr.rel @!p0 .LBB2_11-.Ltmp8, $2  }
0xcb: {  	_ =	sdelay $0x2  }
0xcc: {  	s30 =	sadd.s32 $0x10, s30  }
.Ltmp9:
0xcd: {  	_ = 	snop;
	(pc) =	sbr.rel .LBB2_6-.Ltmp9, $1  }
0xce: {  	_ =	sdelay $0x3  }
.LBB2_13:
0xcf: {  	_ =	sfence.sel $0x180000  }
0xd0: {  	[bflag:$0x0] =	sbarrier.arrive $0xFFFF  }
0xd1: {  	_ =	strace $0x9000004A  }
0xd2: {  	s0 =	stileid.u32;
	[bflag:$0x2] =	sbarrier.arrive $0xFFFF  }
0xd3: {  	p0 =	sne.s32 s0, $0x0;
	s0 =	rddreg [dreg:$0x1]  }
0xd4: {  	s0 =	sadd.s32 @!p0 $0x100000, s0  }
0xd5: {  	[sflag:s0] =	ssyncadd.tile.s32 @!p0 $0x1;
	_ =	shalt  }
.Lfunc_end2:
_tile_overlayer_lowered:
.L_overlay_start_2:
0xd6: {  	(tag) =	ssettag $0x2  }
0xd7: {  	s0 =	rddreg [dreg:$0x0];
	s2 =	stileid.u32  }
0xd8: {  	s1 =	rddreg [dreg:$0x1];
	p0 =	sne.s32 s2, $0x0  }
0xd9: {  	s3 =	rddreg [dreg:$0x2];
	[bflag:$0x3] =	sbarrier.arrive $0xFFFF;
	s2 =	simm.s32 @!p0 $0x1C07  }
0xda: {  	[timem:s3], [sflag:s2] =	dma.local @!p0 [hbm:s0], s1  }
0xdb: {  	s0 =	simm.s32 @!p0 $0x7  }
0xdc: {  	_ =	swait.ge @!p0 [sflag:s0], s1  }
0xdd: {  	s1 =	ssub.s32 @!p0 $0x0, s1;
	[sflag:s0] =	ssyncset.done @!p0 $0x0  }
0xde: {  	[sflag:s0] =	ssyncadd.s32 @!p0 s1  }
0xdf: {  	[bflag:$0x3] =	sbarrier.arrive $0xFFFF  }
0xe0: {  	_ =	shalt  }

</sc_bundles>
